<compile_context>
chip_gen: v7x
topology: tpu7x:2x2x1
jax: 0.10.2.dev20260603
libtpu: 0.0.44.dev20260713+nightly
codegen_flags: <defaults>
</compile_context>

<pallas_src>
import functools

import jax
import jax.numpy as jnp
from jax import lax
from jax.experimental import pallas as pl
from jax.experimental.pallas import tpu as pltpu
from jax.experimental.pallas import tpu_sc as plsc

D = 768
E = 8
N = 8192
EPAD = 128
BLK = 512
NP = N + E * BLK
NPB = NP // BLK
NC, NS = 2, 16
NW = NC * NS
CPT = N // NW
SUB = 64
NSUB = CPT // SUB


_R, _C = 64, 128
_BT = 512
_NB = N // _BT


def _bdot(a, b):
    return jax.lax.dot_general(
        a.astype(jnp.bfloat16), b.astype(jnp.bfloat16),
        (((1,), (0,)), ((), ())), preferred_element_type=jnp.float32)


def _router_body(x_ref, wrt_ref, gate_ref, eid_ref):
    logits = jax.lax.dot_general(
        x_ref[...].astype(jnp.bfloat16), wrt_ref[...].astype(jnp.bfloat16),
        (((1,), (0,)), ((), ())),
        preferred_element_type=jnp.float32)
    lane = jax.lax.broadcasted_iota(jnp.int32, logits.shape, 1)
    logits = jnp.where(lane < E, logits, -1e30)
    m = jnp.max(logits, axis=1, keepdims=True)
    p = jnp.exp(logits - m)
    s = jnp.sum(p, axis=1, keepdims=True)
    gate_ref[...] = jnp.max(p, axis=1, keepdims=True) / s
    is_max = logits == m
    eid_ref[...] = jnp.min(jnp.where(is_max, lane, EPAD), axis=1, keepdims=True)


def _router(x, wrt_pad):
    return pl.pallas_call(
        _router_body,
        grid=(_NB,),
        in_specs=[
            pl.BlockSpec((_BT, D), lambda i: (i, 0)),
            pl.BlockSpec((D, EPAD), lambda i: (0, 0)),
        ],
        out_specs=[
            pl.BlockSpec((_BT, 1), lambda i: (i, 0)),
            pl.BlockSpec((_BT, 1), lambda i: (i, 0)),
        ],
        out_shape=[
            jax.ShapeDtypeStruct((N, 1), jnp.float32),
            jax.ShapeDtypeStruct((N, 1), jnp.int32),
        ],
    )(x, wrt_pad)


def _meta_body(eid_ref, t128_ref, l64_ref, dest_ref, bexp_ref):
    eid = eid_ref[...]
    t128 = t128_ref[...]
    l64 = l64_ref[...]
    dest_f = jnp.zeros((_R, _C), jnp.float32)
    off = jnp.int32(0)
    off_ends = []
    for e in range(E):
        mask = (eid == e).astype(jnp.float32)
        incl = _bdot(mask, t128)
        chunkpre = _bdot(l64, incl)
        rank = chunkpre[:, _C - 1:_C] + incl - mask
        dest_f = dest_f + mask * (off.astype(jnp.float32) + rank)
        cnt = (jnp.sum(mask) + 0.5).astype(jnp.int32)
        nblk = (cnt + BLK - 1) // BLK
        off = off + nblk * BLK
        off_ends.append(off)
    dest_ref[...] = (dest_f + 0.5).astype(jnp.int32)
    bidx = jax.lax.broadcasted_iota(jnp.int32, (NPB, 1), 0)
    bstart = bidx * BLK
    bexp = jnp.zeros((NPB, 1), jnp.int32)
    for e in range(E):
        bexp = bexp + (bstart >= off_ends[e]).astype(jnp.int32)
    bexp = jnp.minimum(bexp, E - 1)
    used = bstart < off_ends[E - 1]
    col0 = jnp.where(used, bexp, bexp[0:1, 0:1])
    col1 = jnp.where(used, bidx, 0)
    bexp_ref[...] = jnp.concatenate([col0, col1], axis=1)


def _meta(eid64, t128, l64):
    return pl.pallas_call(
        _meta_body,
        in_specs=[
            pl.BlockSpec((_R, _C), lambda: (0, 0)),
            pl.BlockSpec((_C, _C), lambda: (0, 0)),
            pl.BlockSpec((_R, _R), lambda: (0, 0)),
        ],
        out_specs=[
            pl.BlockSpec((_R, _C), lambda: (0, 0)),
            pl.BlockSpec((NPB, 2), lambda: (0, 0)),
        ],
        out_shape=[
            jax.ShapeDtypeStruct((_R, _C), jnp.int32),
            jax.ShapeDtypeStruct((NPB, 2), jnp.int32),
        ],
    )(eid64, t128, l64)



SUBC = 64
NSUBC = CPT // SUBC


def _dispatch_body(x_hbm, dest_hbm, xs_hbm, r0, r1, i0, i1, s0, s1):
    wid = lax.axis_index("s") * NC + lax.axis_index("c")
    base = wid * CPT
    rows, idx, sem = [r0, r1], [i0, i1], [s0, s1]
    pend = [None, None]
    for s in range(NSUBC):
        b = s & 1
        if pend[b] is not None:
            pend[b].wait()
        off = base + s * SUBC
        pltpu.sync_copy(dest_hbm.at[pl.ds(off, SUBC)], idx[b])
        pltpu.sync_copy(x_hbm.at[pl.ds(off, SUBC)], rows[b])
        pend[b] = pltpu.async_copy(rows[b], xs_hbm.at[idx[b]], sem[b])
    pend[0].wait()
    pend[1].wait()


@functools.cache
def _dispatch():
    return pl.kernel(
        _dispatch_body,
        mesh=plsc.VectorSubcoreMesh(core_axis_name="c", subcore_axis_name="s"),
        out_type=jax.ShapeDtypeStruct((NP, D), jnp.float32),
        scratch_types=[
            pltpu.VMEM((SUBC, D), jnp.float32),
            pltpu.VMEM((SUBC, D), jnp.float32),
            pltpu.VMEM((SUBC,), jnp.int32),
            pltpu.VMEM((SUBC,), jnp.int32),
            pltpu.SemaphoreType.DMA,
            pltpu.SemaphoreType.DMA,
        ],
    )



def _ffn_body(bexp_ref, xs_ref, w_ref, b_ref, ys_ref):
    acc = jax.lax.dot_general(
        xs_ref[...].astype(jnp.bfloat16), w_ref[0].astype(jnp.bfloat16),
        (((1,), (1,)), ((), ())),
        preferred_element_type=jnp.float32)
    ys_ref[...] = acc + b_ref[0]


def _ffn(bexp, xs, we, be_r):
    grid_spec = pltpu.PrefetchScalarGridSpec(
        num_scalar_prefetch=1,
        grid=(NPB,),
        in_specs=[
            pl.BlockSpec((BLK, D), lambda i, bexp: (bexp[i, 1], 0)),
            pl.BlockSpec((1, D, D), lambda i, bexp: (bexp[i, 0], 0, 0)),
            pl.BlockSpec((1, 1, D), lambda i, bexp: (bexp[i, 0], 0, 0)),
        ],
        out_specs=pl.BlockSpec((BLK, D), lambda i, bexp: (bexp[i, 1], 0)),
    )
    return pl.pallas_call(
        _ffn_body,
        grid_spec=grid_spec,
        out_shape=jax.ShapeDtypeStruct((NP, D), jnp.float32),
    )(bexp, xs, we, be_r)



def _scale_rows(rows_ref, gate_ref):
    def _row(r, _):
        gsplat = plsc.load_gather(gate_ref, [jnp.full((16,), r, jnp.int32)])
        for c in range(D // 16):
            sl = pl.ds(c * 16, 16)
            rows_ref[r, sl] = rows_ref[r, sl] * gsplat
        return 0

    lax.fori_loop(0, SUB, _row, 0)


def _combine_body(ys_hbm, dest_hbm, gate_hbm, out_hbm,
                  r0, r1, i0, i1, g0, g1, sg0, sg1, so0, so1):
    wid = lax.axis_index("s") * NC + lax.axis_index("c")
    base = wid * CPT
    rows, idx, gv = [r0, r1], [i0, i1], [g0, g1]
    sg, so = [sg0, sg1], [so0, so1]
    gpend, opend = [None, None], [None, None]
    for s in (0, 1):
        off = base + s * SUB
        pltpu.sync_copy(dest_hbm.at[pl.ds(off, SUB)], idx[s])
        pltpu.sync_copy(gate_hbm.at[pl.ds(off, SUB)], gv[s])
        gpend[s] = pltpu.async_copy(ys_hbm.at[idx[s]], rows[s], sg[s])
    for s in range(NSUB):
        b = s & 1
        gpend[b].wait()
        _scale_rows(rows[b], gv[b])
        opend[b] = pltpu.async_copy(
            rows[b], out_hbm.at[pl.ds(base + s * SUB, SUB)], so[b])
        if s + 2 < NSUB:
            opend[b].wait()
            off2 = base + (s + 2) * SUB
            pltpu.sync_copy(dest_hbm.at[pl.ds(off2, SUB)], idx[b])
            pltpu.sync_copy(gate_hbm.at[pl.ds(off2, SUB)], gv[b])
            gpend[b] = pltpu.async_copy(ys_hbm.at[idx[b]], rows[b], sg[b])
    opend[0].wait()
    opend[1].wait()


@functools.cache
def _combine():
    return pl.kernel(
        _combine_body,
        mesh=plsc.VectorSubcoreMesh(core_axis_name="c", subcore_axis_name="s"),
        compiler_params=pltpu.CompilerParams(needs_layout_passes=False),
        out_type=jax.ShapeDtypeStruct((N, D), jnp.float32),
        scratch_types=[
            pltpu.VMEM((SUB, D), jnp.float32),
            pltpu.VMEM((SUB, D), jnp.float32),
            pltpu.VMEM((SUB,), jnp.int32),
            pltpu.VMEM((SUB,), jnp.int32),
            pltpu.VMEM((SUB,), jnp.float32),
            pltpu.VMEM((SUB,), jnp.float32),
            pltpu.SemaphoreType.DMA,
            pltpu.SemaphoreType.DMA,
            pltpu.SemaphoreType.DMA,
            pltpu.SemaphoreType.DMA,
        ],
    )



@jax.jit
def kernel(x, Wr, We, be):
    wrt_pad = jnp.zeros((D, EPAD), jnp.float32).at[:, :E].set(Wr.T)
    be_r = be.reshape(E, 1, D)
    t128 = (jax.lax.broadcasted_iota(jnp.int32, (_C, _C), 0)
            <= jax.lax.broadcasted_iota(jnp.int32, (_C, _C), 1)).astype(jnp.bfloat16)
    l64 = (jax.lax.broadcasted_iota(jnp.int32, (_R, _R), 0)
           > jax.lax.broadcasted_iota(jnp.int32, (_R, _R), 1)).astype(jnp.bfloat16)
    gate, eid = _router(x, wrt_pad)
    dest64, bexp = _meta(eid.reshape(_R, _C), t128, l64)
    dest = dest64.reshape(N)
    xs = _dispatch()(x, dest)
    ys = _ffn(bexp, xs, We, be_r)
    out = _combine()(ys, dest, gate.reshape(N))
    return out

# --- scband reference (transcript-rebuilt; emitter-appended) ---
"""Pipeline reference for scband-toy-mo-e-65721589563787 (READ-ONLY COPY).

The authoritative reference and input builder live on the scoring server;
editing this copy changes nothing except your own understanding.
"""

import jax, jax.numpy as jnp
import numpy as np

D = 768
N_EXPERTS = 8
TOP_K = 1
N_TOKENS = 8192


def setup_inputs(seed: int = 0) -> dict:
    key = jax.random.key(seed)
    k_x, k_wr, k_we, k_be = jax.random.split(key, 4)
    x = jax.random.normal(k_x, (N_TOKENS, D), dtype=jnp.float32)
    # router: nn.Linear(d, n_experts, bias=False) -> weight [E, d]
    Wr = jax.random.normal(k_wr, (N_EXPERTS, D), dtype=jnp.float32) * (1.0 / np.sqrt(D))
    # experts: nn.Linear(d, d) -> weight [E, d, d], bias [E, d]
    We = jax.random.normal(k_we, (N_EXPERTS, D, D), dtype=jnp.float32) * (1.0 / np.sqrt(D))
    be = jax.random.normal(k_be, (N_EXPERTS, D), dtype=jnp.float32) * 0.01
    return {"x": x, "Wr": Wr, "We": We, "be": be}


def reference(x, Wr, We, be):
    # gate = softmax(router(x))
    gate = jax.nn.softmax(x @ Wr.T, axis=-1)  # [N, E]
    topv, topi = jax.lax.top_k(gate, TOP_K)    # [N, K]
    out = jnp.zeros_like(x)
    for k in range(TOP_K):
        idx = topi[:, k]                        # [N]
        w = topv[:, k][:, None]                 # [N, 1]
        for e in range(N_EXPERTS):
            mask = (idx == e)[:, None]          # [N, 1]
            expert_out = x @ We[e].T + be[e]    # [N, D]
            out = out + jnp.where(mask, w * expert_out, 0.0)
    return out

if __name__ == "__main__":
    import jax
    _d = setup_inputs()
    print(jax.jit(kernel)(*tuple(_d.values())))

</pallas_src>

<mosaic_0001>
#map = affine_map<(d0, d1) -> (0, 0)>
#map1 = affine_map<(d0, d1) -> (0)>
module attributes {stable_mosaic.version = 14 : i64} {
  func.func @_dispatch_body(%arg0: i32, %arg1: i32, %arg2: memref<8192x768xf32, #tpu.memory_space<hbm>>, %arg3: memref<8192xi32, #tpu.memory_space<hbm>>, %arg4: memref<12288x768xf32, #tpu.memory_space<hbm>>, %arg5: memref<64x768xf32, #tpu.memory_space<vmem>>, %arg6: memref<64x768xf32, #tpu.memory_space<vmem>>, %arg7: memref<64xi32, #tpu.memory_space<vmem>>, %arg8: memref<64xi32, #tpu.memory_space<vmem>>, %arg9: memref<!tpu.dma_semaphore, #tpu.memory_space<semaphore_mem>>, %arg10: memref<!tpu.dma_semaphore, #tpu.memory_space<semaphore_mem>>) attributes {dimension_semantics = [#tpu.dimension_semantics<core_parallel>, #tpu.dimension_semantics<subcore_parallel>], iteration_bounds = array<i64: 2, 16>, scalar_prefetch = 0 : i64, scratch_operands = 6 : i64, tpu.core_type = #tpu.core_type<sc_vector_subcore>, window_params = [{transform_indices = #map}, {transform_indices = #map1}, {transform_indices = #map}]} {
    %mul3A = arith.constant 2 : i32
    %mul3A_0 = arith.muli %arg1, %mul3A : i32
    %add3A = arith.addi %mul3A_0, %arg0 : i32
    %mul3A_1 = arith.constant 256 : i32
    %mul3A_2 = arith.muli %add3A, %mul3A_1 : i32
    %add3A_3 = arith.constant 0 : i32
    %add3A_4 = arith.addi %mul3A_2, %add3A_3 : i32
    "tpu.region"() ({
      %run_scoped3A = tpu.sem_alloc : memref<!tpu.dma_semaphore, #tpu.memory_space<semaphore_mem>>
      %dma_start3A_33 = tpu.memref_slice %arg3[%add3A_4] : memref<8192xi32, #tpu.memory_space<hbm>> -> memref<64xi32, #tpu.memory_space<hbm>>
      %dma_start3A_34 = tpu.memref_slice %arg3[%add3A_4] : memref<8192xi32, #tpu.memory_space<hbm>> -> memref<64xi32, #tpu.memory_space<hbm>>
      tpu.enqueue_dma source(%dma_start3A_34 : memref<64xi32, #tpu.memory_space<hbm>>) target(%arg7 : memref<64xi32, #tpu.memory_space<vmem>>) target_semaphore(%run_scoped3A : memref<!tpu.dma_semaphore, #tpu.memory_space<semaphore_mem>>)
      %dma_wait3A_35 = tpu.memref_slice %arg3[%add3A_4] : memref<8192xi32, #tpu.memory_space<hbm>> -> memref<64xi32, #tpu.memory_space<hbm>>
      %dma_wait3A_36 = tpu.memref_slice %arg3[%add3A_4] : memref<8192xi32, #tpu.memory_space<hbm>> -> memref<64xi32, #tpu.memory_space<hbm>>
      tpu.wait_dma2 semaphore(%run_scoped3A : memref<!tpu.dma_semaphore, #tpu.memory_space<semaphore_mem>>) src(%dma_wait3A_36 : memref<64xi32, #tpu.memory_space<hbm>>) dst(%arg7 : memref<64xi32, #tpu.memory_space<vmem>>)
      tpu.yield
    }) : () -> ()
    "tpu.region"() ({
      %run_scoped3A = tpu.sem_alloc : memref<!tpu.dma_semaphore, #tpu.memory_space<semaphore_mem>>
      %dma_start3A_33 = arith.constant 0 : i32
      %dma_start3A_34 = tpu.memref_slice %arg2[%add3A_4, %dma_start3A_33] : memref<8192x768xf32, #tpu.memory_space<hbm>> -> memref<64x768xf32, #tpu.memory_space<hbm>>
      %dma_start3A_35 = arith.constant 0 : i32
      %dma_start3A_36 = tpu.memref_slice %arg2[%add3A_4, %dma_start3A_35] : memref<8192x768xf32, #tpu.memory_space<hbm>> -> memref<64x768xf32, #tpu.memory_space<hbm>>
      tpu.enqueue_dma source(%dma_start3A_36 : memref<64x768xf32, #tpu.memory_space<hbm>>) target(%arg5 : memref<64x768xf32, #tpu.memory_space<vmem>>) target_semaphore(%run_scoped3A : memref<!tpu.dma_semaphore, #tpu.memory_space<semaphore_mem>>)
      %dma_wait3A_37 = arith.constant 0 : i32
      %dma_wait3A_38 = tpu.memref_slice %arg2[%add3A_4, %dma_wait3A_37] : memref<8192x768xf32, #tpu.memory_space<hbm>> -> memref<64x768xf32, #tpu.memory_space<hbm>>
      %dma_wait3A_39 = arith.constant 0 : i32
      %dma_wait3A_40 = tpu.memref_slice %arg2[%add3A_4, %dma_wait3A_39] : memref<8192x768xf32, #tpu.memory_space<hbm>> -> memref<64x768xf32, #tpu.memory_space<hbm>>
      tpu.wait_dma2 semaphore(%run_scoped3A : memref<!tpu.dma_semaphore, #tpu.memory_space<semaphore_mem>>) src(%dma_wait3A_40 : memref<64x768xf32, #tpu.memory_space<hbm>>) dst(%arg5 : memref<64x768xf32, #tpu.memory_space<vmem>>)
      tpu.yield
    }) : () -> ()
    %dma_start3A = arith.constant 0 : i32
    %dma_start3A_5 = arith.constant 0 : i32
    %dma_start3A_6 = tpu.memref_slice %arg4[%dma_start3A, %dma_start3A_5] : memref<12288x768xf32, #tpu.memory_space<hbm>> -> memref<12288x768xf32, #tpu.memory_space<hbm>>
    tpu.enqueue_indirect_dma source(%arg5 : memref<64x768xf32, #tpu.memory_space<vmem>>) target(%dma_start3A_6 : memref<12288x768xf32, #tpu.memory_space<hbm>>) offsets(%arg7 : memref<64xi32, #tpu.memory_space<vmem>>) semaphore(%arg9 : memref<!tpu.dma_semaphore, #tpu.memory_space<semaphore_mem>>)
    %add3A_7 = arith.constant 64 : i32
    %add3A_8 = arith.addi %mul3A_2, %add3A_7 : i32
    "tpu.region"() ({
      %run_scoped3A = tpu.sem_alloc : memref<!tpu.dma_semaphore, #tpu.memory_space<semaphore_mem>>
      %dma_start3A_33 = tpu.memref_slice %arg3[%add3A_8] : memref<8192xi32, #tpu.memory_space<hbm>> -> memref<64xi32, #tpu.memory_space<hbm>>
      %dma_start3A_34 = tpu.memref_slice %arg3[%add3A_8] : memref<8192xi32, #tpu.memory_space<hbm>> -> memref<64xi32, #tpu.memory_space<hbm>>
      tpu.enqueue_dma source(%dma_start3A_34 : memref<64xi32, #tpu.memory_space<hbm>>) target(%arg8 : memref<64xi32, #tpu.memory_space<vmem>>) target_semaphore(%run_scoped3A : memref<!tpu.dma_semaphore, #tpu.memory_space<semaphore_mem>>)
      %dma_wait3A_35 = tpu.memref_slice %arg3[%add3A_8] : memref<8192xi32, #tpu.memory_space<hbm>> -> memref<64xi32, #tpu.memory_space<hbm>>
      %dma_wait3A_36 = tpu.memref_slice %arg3[%add3A_8] : memref<8192xi32, #tpu.memory_space<hbm>> -> memref<64xi32, #tpu.memory_space<hbm>>
      tpu.wait_dma2 semaphore(%run_scoped3A : memref<!tpu.dma_semaphore, #tpu.memory_space<semaphore_mem>>) src(%dma_wait3A_36 : memref<64xi32, #tpu.memory_space<hbm>>) dst(%arg8 : memref<64xi32, #tpu.memory_space<vmem>>)
      tpu.yield
    }) : () -> ()
    "tpu.region"() ({
      %run_scoped3A = tpu.sem_alloc : memref<!tpu.dma_semaphore, #tpu.memory_space<semaphore_mem>>
      %dma_start3A_33 = arith.constant 0 : i32
      %dma_start3A_34 = tpu.memref_slice %arg2[%add3A_8, %dma_start3A_33] : memref<8192x768xf32, #tpu.memory_space<hbm>> -> memref<64x768xf32, #tpu.memory_space<hbm>>
      %dma_start3A_35 = arith.constant 0 : i32
      %dma_start3A_36 = tpu.memref_slice %arg2[%add3A_8, %dma_start3A_35] : memref<8192x768xf32, #tpu.memory_space<hbm>> -> memref<64x768xf32, #tpu.memory_space<hbm>>
      tpu.enqueue_dma source(%dma_start3A_36 : memref<64x768xf32, #tpu.memory_space<hbm>>) target(%arg6 : memref<64x768xf32, #tpu.memory_space<vmem>>) target_semaphore(%run_scoped3A : memref<!tpu.dma_semaphore, #tpu.memory_space<semaphore_mem>>)
      %dma_wait3A_37 = arith.constant 0 : i32
      %dma_wait3A_38 = tpu.memref_slice %arg2[%add3A_8, %dma_wait3A_37] : memref<8192x768xf32, #tpu.memory_space<hbm>> -> memref<64x768xf32, #tpu.memory_space<hbm>>
      %dma_wait3A_39 = arith.constant 0 : i32
      %dma_wait3A_40 = tpu.memref_slice %arg2[%add3A_8, %dma_wait3A_39] : memref<8192x768xf32, #tpu.memory_space<hbm>> -> memref<64x768xf32, #tpu.memory_space<hbm>>
      tpu.wait_dma2 semaphore(%run_scoped3A : memref<!tpu.dma_semaphore, #tpu.memory_space<semaphore_mem>>) src(%dma_wait3A_40 : memref<64x768xf32, #tpu.memory_space<hbm>>) dst(%arg6 : memref<64x768xf32, #tpu.memory_space<vmem>>)
      tpu.yield
    }) : () -> ()
    %dma_start3A_9 = arith.constant 0 : i32
    %dma_start3A_10 = arith.constant 0 : i32
    %dma_start3A_11 = tpu.memref_slice %arg4[%dma_start3A_9, %dma_start3A_10] : memref<12288x768xf32, #tpu.memory_space<hbm>> -> memref<12288x768xf32, #tpu.memory_space<hbm>>
    tpu.enqueue_indirect_dma source(%arg6 : memref<64x768xf32, #tpu.memory_space<vmem>>) target(%dma_start3A_11 : memref<12288x768xf32, #tpu.memory_space<hbm>>) offsets(%arg8 : memref<64xi32, #tpu.memory_space<vmem>>) semaphore(%arg10 : memref<!tpu.dma_semaphore, #tpu.memory_space<semaphore_mem>>)
    %dma_wait3A = arith.constant 0 : i32
    %dma_wait3A_12 = arith.constant 0 : i32
    %dma_wait3A_13 = tpu.memref_slice %arg4[%dma_wait3A, %dma_wait3A_12] : memref<12288x768xf32, #tpu.memory_space<hbm>> -> memref<12288x768xf32, #tpu.memory_space<hbm>>
    tpu.wait_indirect_dma semaphore(%arg9 : memref<!tpu.dma_semaphore, #tpu.memory_space<semaphore_mem>>) src(%arg5 : memref<64x768xf32, #tpu.memory_space<vmem>>) dst(%dma_wait3A_13 : memref<12288x768xf32, #tpu.memory_space<hbm>>)
    %add3A_14 = arith.constant 128 : i32
    %add3A_15 = arith.addi %mul3A_2, %add3A_14 : i32
    "tpu.region"() ({
      %run_scoped3A = tpu.sem_alloc : memref<!tpu.dma_semaphore, #tpu.memory_space<semaphore_mem>>
      %dma_start3A_33 = tpu.memref_slice %arg3[%add3A_15] : memref<8192xi32, #tpu.memory_space<hbm>> -> memref<64xi32, #tpu.memory_space<hbm>>
      %dma_start3A_34 = tpu.memref_slice %arg3[%add3A_15] : memref<8192xi32, #tpu.memory_space<hbm>> -> memref<64xi32, #tpu.memory_space<hbm>>
      tpu.enqueue_dma source(%dma_start3A_34 : memref<64xi32, #tpu.memory_space<hbm>>) target(%arg7 : memref<64xi32, #tpu.memory_space<vmem>>) target_semaphore(%run_scoped3A : memref<!tpu.dma_semaphore, #tpu.memory_space<semaphore_mem>>)
      %dma_wait3A_35 = tpu.memref_slice %arg3[%add3A_15] : memref<8192xi32, #tpu.memory_space<hbm>> -> memref<64xi32, #tpu.memory_space<hbm>>
      %dma_wait3A_36 = tpu.memref_slice %arg3[%add3A_15] : memref<8192xi32, #tpu.memory_space<hbm>> -> memref<64xi32, #tpu.memory_space<hbm>>
      tpu.wait_dma2 semaphore(%run_scoped3A : memref<!tpu.dma_semaphore, #tpu.memory_space<semaphore_mem>>) src(%dma_wait3A_36 : memref<64xi32, #tpu.memory_space<hbm>>) dst(%arg7 : memref<64xi32, #tpu.memory_space<vmem>>)
      tpu.yield
    }) : () -> ()
    "tpu.region"() ({
      %run_scoped3A = tpu.sem_alloc : memref<!tpu.dma_semaphore, #tpu.memory_space<semaphore_mem>>
      %dma_start3A_33 = arith.constant 0 : i32
      %dma_start3A_34 = tpu.memref_slice %arg2[%add3A_15, %dma_start3A_33] : memref<8192x768xf32, #tpu.memory_space<hbm>> -> memref<64x768xf32, #tpu.memory_space<hbm>>
      %dma_start3A_35 = arith.constant 0 : i32
      %dma_start3A_36 = tpu.memref_slice %arg2[%add3A_15, %dma_start3A_35] : memref<8192x768xf32, #tpu.memory_space<hbm>> -> memref<64x768xf32, #tpu.memory_space<hbm>>
      tpu.enqueue_dma source(%dma_start3A_36 : memref<64x768xf32, #tpu.memory_space<hbm>>) target(%arg5 : memref<64x768xf32, #tpu.memory_space<vmem>>) target_semaphore(%run_scoped3A : memref<!tpu.dma_semaphore, #tpu.memory_space<semaphore_mem>>)
      %dma_wait3A_37 = arith.constant 0 : i32
      %dma_wait3A_38 = tpu.memref_slice %arg2[%add3A_15, %dma_wait3A_37] : memref<8192x768xf32, #tpu.memory_space<hbm>> -> memref<64x768xf32, #tpu.memory_space<hbm>>
      %dma_wait3A_39 = arith.constant 0 : i32
      %dma_wait3A_40 = tpu.memref_slice %arg2[%add3A_15, %dma_wait3A_39] : memref<8192x768xf32, #tpu.memory_space<hbm>> -> memref<64x768xf32, #tpu.memory_space<hbm>>
      tpu.wait_dma2 semaphore(%run_scoped3A : memref<!tpu.dma_semaphore, #tpu.memory_space<semaphore_mem>>) src(%dma_wait3A_40 : memref<64x768xf32, #tpu.memory_space<hbm>>) dst(%arg5 : memref<64x768xf32, #tpu.memory_space<vmem>>)
      tpu.yield
    }) : () -> ()
    %dma_start3A_16 = arith.constant 0 : i32
    %dma_start3A_17 = arith.constant 0 : i32
    %dma_start3A_18 = tpu.memref_slice %arg4[%dma_start3A_16, %dma_start3A_17] : memref<12288x768xf32, #tpu.memory_space<hbm>> -> memref<12288x768xf32, #tpu.memory_space<hbm>>
    tpu.enqueue_indirect_dma source(%arg5 : memref<64x768xf32, #tpu.memory_space<vmem>>) target(%dma_start3A_18 : memref<12288x768xf32, #tpu.memory_space<hbm>>) offsets(%arg7 : memref<64xi32, #tpu.memory_space<vmem>>) semaphore(%arg9 : memref<!tpu.dma_semaphore, #tpu.memory_space<semaphore_mem>>)
    %dma_wait3A_19 = arith.constant 0 : i32
    %dma_wait3A_20 = arith.constant 0 : i32
    %dma_wait3A_21 = tpu.memref_slice %arg4[%dma_wait3A_19, %dma_wait3A_20] : memref<12288x768xf32, #tpu.memory_space<hbm>> -> memref<12288x768xf32, #tpu.memory_space<hbm>>
    tpu.wait_indirect_dma semaphore(%arg10 : memref<!tpu.dma_semaphore, #tpu.memory_space<semaphore_mem>>) src(%arg6 : memref<64x768xf32, #tpu.memory_space<vmem>>) dst(%dma_wait3A_21 : memref<12288x768xf32, #tpu.memory_space<hbm>>)
    %add3A_22 = arith.constant 192 : i32
    %add3A_23 = arith.addi %mul3A_2, %add3A_22 : i32
    "tpu.region"() ({
      %run_scoped3A = tpu.sem_alloc : memref<!tpu.dma_semaphore, #tpu.memory_space<semaphore_mem>>
      %dma_start3A_33 = tpu.memref_slice %arg3[%add3A_23] : memref<8192xi32, #tpu.memory_space<hbm>> -> memref<64xi32, #tpu.memory_space<hbm>>
      %dma_start3A_34 = tpu.memref_slice %arg3[%add3A_23] : memref<8192xi32, #tpu.memory_space<hbm>> -> memref<64xi32, #tpu.memory_space<hbm>>
      tpu.enqueue_dma source(%dma_start3A_34 : memref<64xi32, #tpu.memory_space<hbm>>) target(%arg8 : memref<64xi32, #tpu.memory_space<vmem>>) target_semaphore(%run_scoped3A : memref<!tpu.dma_semaphore, #tpu.memory_space<semaphore_mem>>)
      %dma_wait3A_35 = tpu.memref_slice %arg3[%add3A_23] : memref<8192xi32, #tpu.memory_space<hbm>> -> memref<64xi32, #tpu.memory_space<hbm>>
      %dma_wait3A_36 = tpu.memref_slice %arg3[%add3A_23] : memref<8192xi32, #tpu.memory_space<hbm>> -> memref<64xi32, #tpu.memory_space<hbm>>
      tpu.wait_dma2 semaphore(%run_scoped3A : memref<!tpu.dma_semaphore, #tpu.memory_space<semaphore_mem>>) src(%dma_wait3A_36 : memref<64xi32, #tpu.memory_space<hbm>>) dst(%arg8 : memref<64xi32, #tpu.memory_space<vmem>>)
      tpu.yield
    }) : () -> ()
    "tpu.region"() ({
      %run_scoped3A = tpu.sem_alloc : memref<!tpu.dma_semaphore, #tpu.memory_space<semaphore_mem>>
      %dma_start3A_33 = arith.constant 0 : i32
      %dma_start3A_34 = tpu.memref_slice %arg2[%add3A_23, %dma_start3A_33] : memref<8192x768xf32, #tpu.memory_space<hbm>> -> memref<64x768xf32, #tpu.memory_space<hbm>>
      %dma_start3A_35 = arith.constant 0 : i32
      %dma_start3A_36 = tpu.memref_slice %arg2[%add3A_23, %dma_start3A_35] : memref<8192x768xf32, #tpu.memory_space<hbm>> -> memref<64x768xf32, #tpu.memory_space<hbm>>
      tpu.enqueue_dma source(%dma_start3A_36 : memref<64x768xf32, #tpu.memory_space<hbm>>) target(%arg6 : memref<64x768xf32, #tpu.memory_space<vmem>>) target_semaphore(%run_scoped3A : memref<!tpu.dma_semaphore, #tpu.memory_space<semaphore_mem>>)
      %dma_wait3A_37 = arith.constant 0 : i32
      %dma_wait3A_38 = tpu.memref_slice %arg2[%add3A_23, %dma_wait3A_37] : memref<8192x768xf32, #tpu.memory_space<hbm>> -> memref<64x768xf32, #tpu.memory_space<hbm>>
      %dma_wait3A_39 = arith.constant 0 : i32
      %dma_wait3A_40 = tpu.memref_slice %arg2[%add3A_23, %dma_wait3A_39] : memref<8192x768xf32, #tpu.memory_space<hbm>> -> memref<64x768xf32, #tpu.memory_space<hbm>>
      tpu.wait_dma2 semaphore(%run_scoped3A : memref<!tpu.dma_semaphore, #tpu.memory_space<semaphore_mem>>) src(%dma_wait3A_40 : memref<64x768xf32, #tpu.memory_space<hbm>>) dst(%arg6 : memref<64x768xf32, #tpu.memory_space<vmem>>)
      tpu.yield
    }) : () -> ()
    %dma_start3A_24 = arith.constant 0 : i32
    %dma_start3A_25 = arith.constant 0 : i32
    %dma_start3A_26 = tpu.memref_slice %arg4[%dma_start3A_24, %dma_start3A_25] : memref<12288x768xf32, #tpu.memory_space<hbm>> -> memref<12288x768xf32, #tpu.memory_space<hbm>>
    tpu.enqueue_indirect_dma source(%arg6 : memref<64x768xf32, #tpu.memory_space<vmem>>) target(%dma_start3A_26 : memref<12288x768xf32, #tpu.memory_space<hbm>>) offsets(%arg8 : memref<64xi32, #tpu.memory_space<vmem>>) semaphore(%arg10 : memref<!tpu.dma_semaphore, #tpu.memory_space<semaphore_mem>>)
    %dma_wait3A_27 = arith.constant 0 : i32
    %dma_wait3A_28 = arith.constant 0 : i32
    %dma_wait3A_29 = tpu.memref_slice %arg4[%dma_wait3A_27, %dma_wait3A_28] : memref<12288x768xf32, #tpu.memory_space<hbm>> -> memref<12288x768xf32, #tpu.memory_space<hbm>>
    tpu.wait_indirect_dma semaphore(%arg9 : memref<!tpu.dma_semaphore, #tpu.memory_space<semaphore_mem>>) src(%arg5 : memref<64x768xf32, #tpu.memory_space<vmem>>) dst(%dma_wait3A_29 : memref<12288x768xf32, #tpu.memory_space<hbm>>)
    %dma_wait3A_30 = arith.constant 0 : i32
    %dma_wait3A_31 = arith.constant 0 : i32
    %dma_wait3A_32 = tpu.memref_slice %arg4[%dma_wait3A_30, %dma_wait3A_31] : memref<12288x768xf32, #tpu.memory_space<hbm>> -> memref<12288x768xf32, #tpu.memory_space<hbm>>
    tpu.wait_indirect_dma semaphore(%arg10 : memref<!tpu.dma_semaphore, #tpu.memory_space<semaphore_mem>>) src(%arg6 : memref<64x768xf32, #tpu.memory_space<vmem>>) dst(%dma_wait3A_32 : memref<12288x768xf32, #tpu.memory_space<hbm>>)
    return
  }
}

#map = affine_map<(d0, d1) -> (0, 0)>
#map1 = affine_map<(d0, d1) -> (0)>
module attributes {stable_mosaic.version = 14 : i64} {
  func.func @_combine_body(%arg0: i32, %arg1: i32, %arg2: memref<12288x768xf32, #tpu.memory_space<hbm>>, %arg3: memref<8192xi32, #tpu.memory_space<hbm>>, %arg4: memref<8192xf32, #tpu.memory_space<hbm>>, %arg5: memref<8192x768xf32, #tpu.memory_space<hbm>>, %arg6: memref<64x768xf32, #tpu.memory_space<vmem>>, %arg7: memref<64x768xf32, #tpu.memory_space<vmem>>, %arg8: memref<64xi32, #tpu.memory_space<vmem>>, %arg9: memref<64xi32, #tpu.memory_space<vmem>>, %arg10: memref<64xf32, #tpu.memory_space<vmem>>, %arg11: memref<64xf32, #tpu.memory_space<vmem>>, %arg12: memref<!tpu.dma_semaphore, #tpu.memory_space<semaphore_mem>>, %arg13: memref<!tpu.dma_semaphore, #tpu.memory_space<semaphore_mem>>, %arg14: memref<!tpu.dma_semaphore, #tpu.memory_space<semaphore_mem>>, %arg15: memref<!tpu.dma_semaphore, #tpu.memory_space<semaphore_mem>>) attributes {dimension_semantics = [#tpu.dimension_semantics<core_parallel>, #tpu.dimension_semantics<subcore_parallel>], iteration_bounds = array<i64: 2, 16>, scalar_prefetch = 0 : i64, scratch_operands = 10 : i64, tpu.core_type = #tpu.core_type<sc_vector_subcore>, window_params = [{transform_indices = #map}, {transform_indices = #map1}, {transform_indices = #map1}, {transform_indices = #map}]} {
    %mul3A = arith.constant 2 : i32
    %mul3A_0 = arith.muli %arg1, %mul3A : i32
    %add3A = arith.addi %mul3A_0, %arg0 : i32
    %mul3A_1 = arith.constant 256 : i32
    %mul3A_2 = arith.muli %add3A, %mul3A_1 : i32
    %add3A_3 = arith.constant 0 : i32
    %add3A_4 = arith.addi %mul3A_2, %add3A_3 : i32
    "tpu.region"() ({
      %run_scoped3A = tpu.sem_alloc : memref<!tpu.dma_semaphore, #tpu.memory_space<semaphore_mem>>
      %dma_start3A_100 = tpu.memref_slice %arg3[%add3A_4] : memref<8192xi32, #tpu.memory_space<hbm>> -> memref<64xi32, #tpu.memory_space<hbm>>
      %dma_start3A_101 = tpu.memref_slice %arg3[%add3A_4] : memref<8192xi32, #tpu.memory_space<hbm>> -> memref<64xi32, #tpu.memory_space<hbm>>
      tpu.enqueue_dma source(%dma_start3A_101 : memref<64xi32, #tpu.memory_space<hbm>>) target(%arg8 : memref<64xi32, #tpu.memory_space<vmem>>) target_semaphore(%run_scoped3A : memref<!tpu.dma_semaphore, #tpu.memory_space<semaphore_mem>>)
      %dma_wait3A_102 = tpu.memref_slice %arg3[%add3A_4] : memref<8192xi32, #tpu.memory_space<hbm>> -> memref<64xi32, #tpu.memory_space<hbm>>
      %dma_wait3A_103 = tpu.memref_slice %arg3[%add3A_4] : memref<8192xi32, #tpu.memory_space<hbm>> -> memref<64xi32, #tpu.memory_space<hbm>>
      tpu.wait_dma2 semaphore(%run_scoped3A : memref<!tpu.dma_semaphore, #tpu.memory_space<semaphore_mem>>) src(%dma_wait3A_103 : memref<64xi32, #tpu.memory_space<hbm>>) dst(%arg8 : memref<64xi32, #tpu.memory_space<vmem>>)
      tpu.yield
    }) : () -> ()
    "tpu.region"() ({
      %run_scoped3A = tpu.sem_alloc : memref<!tpu.dma_semaphore, #tpu.memory_space<semaphore_mem>>
      %dma_start3A_100 = tpu.memref_slice %arg4[%add3A_4] : memref<8192xf32, #tpu.memory_space<hbm>> -> memref<64xf32, #tpu.memory_space<hbm>>
      %dma_start3A_101 = tpu.memref_slice %arg4[%add3A_4] : memref<8192xf32, #tpu.memory_space<hbm>> -> memref<64xf32, #tpu.memory_space<hbm>>
      tpu.enqueue_dma source(%dma_start3A_101 : memref<64xf32, #tpu.memory_space<hbm>>) target(%arg10 : memref<64xf32, #tpu.memory_space<vmem>>) target_semaphore(%run_scoped3A : memref<!tpu.dma_semaphore, #tpu.memory_space<semaphore_mem>>)
      %dma_wait3A_102 = tpu.memref_slice %arg4[%add3A_4] : memref<8192xf32, #tpu.memory_space<hbm>> -> memref<64xf32, #tpu.memory_space<hbm>>
      %dma_wait3A_103 = tpu.memref_slice %arg4[%add3A_4] : memref<8192xf32, #tpu.memory_space<hbm>> -> memref<64xf32, #tpu.memory_space<hbm>>
      tpu.wait_dma2 semaphore(%run_scoped3A : memref<!tpu.dma_semaphore, #tpu.memory_space<semaphore_mem>>) src(%dma_wait3A_103 : memref<64xf32, #tpu.memory_space<hbm>>) dst(%arg10 : memref<64xf32, #tpu.memory_space<vmem>>)
      tpu.yield
    }) : () -> ()
    %dma_start3A = arith.constant 0 : i32
    %dma_start3A_5 = arith.constant 0 : i32
    %dma_start3A_6 = tpu.memref_slice %arg2[%dma_start3A, %dma_start3A_5] : memref<12288x768xf32, #tpu.memory_space<hbm>> -> memref<12288x768xf32, #tpu.memory_space<hbm>>
    tpu.enqueue_indirect_dma source(%dma_start3A_6 : memref<12288x768xf32, #tpu.memory_space<hbm>>) target(%arg6 : memref<64x768xf32, #tpu.memory_space<vmem>>) offsets(%arg8 : memref<64xi32, #tpu.memory_space<vmem>>) semaphore(%arg12 : memref<!tpu.dma_semaphore, #tpu.memory_space<semaphore_mem>>)
    %add3A_7 = arith.constant 64 : i32
    %add3A_8 = arith.addi %mul3A_2, %add3A_7 : i32
    "tpu.region"() ({
      %run_scoped3A = tpu.sem_alloc : memref<!tpu.dma_semaphore, #tpu.memory_space<semaphore_mem>>
      %dma_start3A_100 = tpu.memref_slice %arg3[%add3A_8] : memref<8192xi32, #tpu.memory_space<hbm>> -> memref<64xi32, #tpu.memory_space<hbm>>
      %dma_start3A_101 = tpu.memref_slice %arg3[%add3A_8] : memref<8192xi32, #tpu.memory_space<hbm>> -> memref<64xi32, #tpu.memory_space<hbm>>
      tpu.enqueue_dma source(%dma_start3A_101 : memref<64xi32, #tpu.memory_space<hbm>>) target(%arg9 : memref<64xi32, #tpu.memory_space<vmem>>) target_semaphore(%run_scoped3A : memref<!tpu.dma_semaphore, #tpu.memory_space<semaphore_mem>>)
      %dma_wait3A_102 = tpu.memref_slice %arg3[%add3A_8] : memref<8192xi32, #tpu.memory_space<hbm>> -> memref<64xi32, #tpu.memory_space<hbm>>
      %dma_wait3A_103 = tpu.memref_slice %arg3[%add3A_8] : memref<8192xi32, #tpu.memory_space<hbm>> -> memref<64xi32, #tpu.memory_space<hbm>>
      tpu.wait_dma2 semaphore(%run_scoped3A : memref<!tpu.dma_semaphore, #tpu.memory_space<semaphore_mem>>) src(%dma_wait3A_103 : memref<64xi32, #tpu.memory_space<hbm>>) dst(%arg9 : memref<64xi32, #tpu.memory_space<vmem>>)
      tpu.yield
    }) : () -> ()
    "tpu.region"() ({
      %run_scoped3A = tpu.sem_alloc : memref<!tpu.dma_semaphore, #tpu.memory_space<semaphore_mem>>
      %dma_start3A_100 = tpu.memref_slice %arg4[%add3A_8] : memref<8192xf32, #tpu.memory_space<hbm>> -> memref<64xf32, #tpu.memory_space<hbm>>
      %dma_start3A_101 = tpu.memref_slice %arg4[%add3A_8] : memref<8192xf32, #tpu.memory_space<hbm>> -> memref<64xf32, #tpu.memory_space<hbm>>
      tpu.enqueue_dma source(%dma_start3A_101 : memref<64xf32, #tpu.memory_space<hbm>>) target(%arg11 : memref<64xf32, #tpu.memory_space<vmem>>) target_semaphore(%run_scoped3A : memref<!tpu.dma_semaphore, #tpu.memory_space<semaphore_mem>>)
      %dma_wait3A_102 = tpu.memref_slice %arg4[%add3A_8] : memref<8192xf32, #tpu.memory_space<hbm>> -> memref<64xf32, #tpu.memory_space<hbm>>
      %dma_wait3A_103 = tpu.memref_slice %arg4[%add3A_8] : memref<8192xf32, #tpu.memory_space<hbm>> -> memref<64xf32, #tpu.memory_space<hbm>>
      tpu.wait_dma2 semaphore(%run_scoped3A : memref<!tpu.dma_semaphore, #tpu.memory_space<semaphore_mem>>) src(%dma_wait3A_103 : memref<64xf32, #tpu.memory_space<hbm>>) dst(%arg11 : memref<64xf32, #tpu.memory_space<vmem>>)
      tpu.yield
    }) : () -> ()
    %dma_start3A_9 = arith.constant 0 : i32
    %dma_start3A_10 = arith.constant 0 : i32
    %dma_start3A_11 = tpu.memref_slice %arg2[%dma_start3A_9, %dma_start3A_10] : memref<12288x768xf32, #tpu.memory_space<hbm>> -> memref<12288x768xf32, #tpu.memory_space<hbm>>
    tpu.enqueue_indirect_dma source(%dma_start3A_11 : memref<12288x768xf32, #tpu.memory_space<hbm>>) target(%arg7 : memref<64x768xf32, #tpu.memory_space<vmem>>) offsets(%arg9 : memref<64xi32, #tpu.memory_space<vmem>>) semaphore(%arg13 : memref<!tpu.dma_semaphore, #tpu.memory_space<semaphore_mem>>)
    %dma_wait3A = arith.constant 0 : i32
    %dma_wait3A_12 = arith.constant 0 : i32
    %dma_wait3A_13 = tpu.memref_slice %arg2[%dma_wait3A, %dma_wait3A_12] : memref<12288x768xf32, #tpu.memory_space<hbm>> -> memref<12288x768xf32, #tpu.memory_space<hbm>>
    tpu.wait_indirect_dma semaphore(%arg12 : memref<!tpu.dma_semaphore, #tpu.memory_space<semaphore_mem>>) src(%dma_wait3A_13 : memref<12288x768xf32, #tpu.memory_space<hbm>>) dst(%arg6 : memref<64x768xf32, #tpu.memory_space<vmem>>)
    %scan3A = arith.constant 0 : i32
    %scan3A_14 = arith.constant 0 : i32
    %scan3A_15 = arith.constant 64 : i32
    %scan3A_16 = arith.addi %scan3A_14, %scan3A_15 : i32
    %scan3A_17 = arith.constant 1 : i32
    %scan3A_18 = scf.for %scan3A_100 = %scan3A_14 to %scan3A_16 step %scan3A_17 iter_args(%scan3A_101 = %scan3A) -> (i32)  : i32 {
      %broadcast_in_dim3A = vector.broadcast %scan3A_100 : i32 to vector<16xi32>
      %gather3A = tpu.vector_load_idx %arg10[%broadcast_in_dim3A] : memref<64xf32, #tpu.memory_space<vmem>>[vector<16xi32>], vector<16xf32>,
      %get3A = arith.index_cast %scan3A_100 : i32 to index
      %get3A_102 = arith.constant 0 : index
      %get3A_103 = tpu.vector_load %arg6[%get3A, %get3A_102] {strides = array<i32>} : memref<64x768xf32, #tpu.memory_space<vmem>>, vector<16xf32>,
      %mul3A_104 = arith.mulf %get3A_103, %gather3A : vector<16xf32>
      %swap3A = arith.index_cast %scan3A_100 : i32 to index
      %swap3A_105 = arith.constant 0 : index
      %swap3A_106 = tpu.vector_load %arg6[%swap3A, %swap3A_105] {strides = array<i32>} : memref<64x768xf32, #tpu.memory_space<vmem>>, vector<16xf32>,
      tpu.vector_store %arg6[%swap3A, %swap3A_105], %mul3A_104 {strides = array<i32>} : memref<64x768xf32, #tpu.memory_space<vmem>>, vector<16xf32>,
      %get3A_107 = arith.index_cast %scan3A_100 : i32 to index
      %get3A_108 = arith.constant 16 : index
      %get3A_109 = tpu.vector_load %arg6[%get3A_107, %get3A_108] {strides = array<i32>} : memref<64x768xf32, #tpu.memory_space<vmem>>, vector<16xf32>,
      %mul3A_110 = arith.mulf %get3A_109, %gather3A : vector<16xf32>
      %swap3A_111 = arith.index_cast %scan3A_100 : i32 to index
      %swap3A_112 = arith.constant 16 : index
      %swap3A_113 = tpu.vector_load %arg6[%swap3A_111, %swap3A_112] {strides = array<i32>} : memref<64x768xf32, #tpu.memory_space<vmem>>, vector<16xf32>,
      tpu.vector_store %arg6[%swap3A_111, %swap3A_112], %mul3A_110 {strides = array<i32>} : memref<64x768xf32, #tpu.memory_space<vmem>>, vector<16xf32>,
      %get3A_114 = arith.index_cast %scan3A_100 : i32 to index
      %get3A_115 = arith.constant 32 : index
      %get3A_116 = tpu.vector_load %arg6[%get3A_114, %get3A_115] {strides = array<i32>} : memref<64x768xf32, #tpu.memory_space<vmem>>, vector<16xf32>,
      %mul3A_117 = arith.mulf %get3A_116, %gather3A : vector<16xf32>
      %swap3A_118 = arith.index_cast %scan3A_100 : i32 to index
      %swap3A_119 = arith.constant 32 : index
      %swap3A_120 = tpu.vector_load %arg6[%swap3A_118, %swap3A_119] {strides = array<i32>} : memref<64x768xf32, #tpu.memory_space<vmem>>, vector<16xf32>,
      tpu.vector_store %arg6[%swap3A_118, %swap3A_119], %mul3A_117 {strides = array<i32>} : memref<64x768xf32, #tpu.memory_space<vmem>>, vector<16xf32>,
      %get3A_121 = arith.index_cast %scan3A_100 : i32 to index
      %get3A_122 = arith.constant 48 : index
      %get3A_123 = tpu.vector_load %arg6[%get3A_121, %get3A_122] {strides = array<i32>} : memref<64x768xf32, #tpu.memory_space<vmem>>, vector<16xf32>,
      %mul3A_124 = arith.mulf %get3A_123, %gather3A : vector<16xf32>
      %swap3A_125 = arith.index_cast %scan3A_100 : i32 to index
      %swap3A_126 = arith.constant 48 : index
      %swap3A_127 = tpu.vector_load %arg6[%swap3A_125, %swap3A_126] {strides = array<i32>} : memref<64x768xf32, #tpu.memory_space<vmem>>, vector<16xf32>,
      tpu.vector_store %arg6[%swap3A_125, %swap3A_126], %mul3A_124 {strides = array<i32>} : memref<64x768xf32, #tpu.memory_space<vmem>>, vector<16xf32>,
      %get3A_128 = arith.index_cast %scan3A_100 : i32 to index
      %get3A_129 = arith.constant 64 : index
      %get3A_130 = tpu.vector_load %arg6[%get3A_128, %get3A_129] {strides = array<i32>} : memref<64x768xf32, #tpu.memory_space<vmem>>, vector<16xf32>,
      %mul3A_131 = arith.mulf %get3A_130, %gather3A : vector<16xf32>
      %swap3A_132 = arith.index_cast %scan3A_100 : i32 to index
      %swap3A_133 = arith.constant 64 : index
      %swap3A_134 = tpu.vector_load %arg6[%swap3A_132, %swap3A_133] {strides = array<i32>} : memref<64x768xf32, #tpu.memory_space<vmem>>, vector<16xf32>,
      tpu.vector_store %arg6[%swap3A_132, %swap3A_133], %mul3A_131 {strides = array<i32>} : memref<64x768xf32, #tpu.memory_space<vmem>>, vector<16xf32>,
      %get3A_135 = arith.index_cast %scan3A_100 : i32 to index
      %get3A_136 = arith.constant 80 : index
      %get3A_137 = tpu.vector_load %arg6[%get3A_135, %get3A_136] {strides = array<i32>} : memref<64x768xf32, #tpu.memory_space<vmem>>, vector<16xf32>,
      %mul3A_138 = arith.mulf %get3A_137, %gather3A : vector<16xf32>
      %swap3A_139 = arith.index_cast %scan3A_100 : i32 to index
      %swap3A_140 = arith.constant 80 : index
      %swap3A_141 = tpu.vector_load %arg6[%swap3A_139, %swap3A_140] {strides = array<i32>} : memref<64x768xf32, #tpu.memory_space<vmem>>, vector<16xf32>,
      tpu.vector_store %arg6[%swap3A_139, %swap3A_140], %mul3A_138 {strides = array<i32>} : memref<64x768xf32, #tpu.memory_space<vmem>>, vector<16xf32>,
      %get3A_142 = arith.index_cast %scan3A_100 : i32 to index
      %get3A_143 = arith.constant 96 : index
      %get3A_144 = tpu.vector_load %arg6[%get3A_142, %get3A_143] {strides = array<i32>} : memref<64x768xf32, #tpu.memory_space<vmem>>, vector<16xf32>,
      %mul3A_145 = arith.mulf %get3A_144, %gather3A : vector<16xf32>
      %swap3A_146 = arith.index_cast %scan3A_100 : i32 to index
      %swap3A_147 = arith.constant 96 : index
      %swap3A_148 = tpu.vector_load %arg6[%swap3A_146, %swap3A_147] {strides = array<i32>} : memref<64x768xf32, #tpu.memory_space<vmem>>, vector<16xf32>,
      tpu.vector_store %arg6[%swap3A_146, %swap3A_147], %mul3A_145 {strides = array<i32>} : memref<64x768xf32, #tpu.memory_space<vmem>>, vector<16xf32>,
      %get3A_149 = arith.index_cast %scan3A_100 : i32 to index
      %get3A_150 = arith.constant 112 : index
      %get3A_151 = tpu.vector_load %arg6[%get3A_149, %get3A_150] {strides = array<i32>} : memref<64x768xf32, #tpu.memory_space<vmem>>, vector<16xf32>,
      %mul3A_152 = arith.mulf %get3A_151, %gather3A : vector<16xf32>
      %swap3A_153 = arith.index_cast %scan3A_100 : i32 to index
      %swap3A_154 = arith.constant 112 : index
      %swap3A_155 = tpu.vector_load %arg6[%swap3A_153, %swap3A_154] {strides = array<i32>} : memref<64x768xf32, #tpu.memory_space<vmem>>, vector<16xf32>,
      tpu.vector_store %arg6[%swap3A_153, %swap3A_154], %mul3A_152 {strides = array<i32>} : memref<64x768xf32, #tpu.memory_space<vmem>>, vector<16xf32>,
      %get3A_156 = arith.index_cast %scan3A_100 : i32 to index
      %get3A_157 = arith.constant 128 : index
      %get3A_158 = tpu.vector_load %arg6[%get3A_156, %get3A_157] {strides = array<i32>} : memref<64x768xf32, #tpu.memory_space<vmem>>, vector<16xf32>,
      %mul3A_159 = arith.mulf %get3A_158, %gather3A : vector<16xf32>
      %swap3A_160 = arith.index_cast %scan3A_100 : i32 to index
      %swap3A_161 = arith.constant 128 : index
      %swap3A_162 = tpu.vector_load %arg6[%swap3A_160, %swap3A_161] {strides = array<i32>} : memref<64x768xf32, #tpu.memory_space<vmem>>, vector<16xf32>,
      tpu.vector_store %arg6[%swap3A_160, %swap3A_161], %mul3A_159 {strides = array<i32>} : memref<64x768xf32, #tpu.memory_space<vmem>>, vector<16xf32>,
      %get3A_163 = arith.index_cast %scan3A_100 : i32 to index
      %get3A_164 = arith.constant 144 : index
      %get3A_165 = tpu.vector_load %arg6[%get3A_163, %get3A_164] {strides = array<i32>} : memref<64x768xf32, #tpu.memory_space<vmem>>, vector<16xf32>,
      %mul3A_166 = arith.mulf %get3A_165, %gather3A : vector<16xf32>
      %swap3A_167 = arith.index_cast %scan3A_100 : i32 to index
      %swap3A_168 = arith.constant 144 : index
      %swap3A_169 = tpu.vector_load %arg6[%swap3A_167, %swap3A_168] {strides = array<i32>} : memref<64x768xf32, #tpu.memory_space<vmem>>, vector<16xf32>,
      tpu.vector_store %arg6[%swap3A_167, %swap3A_168], %mul3A_166 {strides = array<i32>} : memref<64x768xf32, #tpu.memory_space<vmem>>, vector<16xf32>,
      %get3A_170 = arith.index_cast %scan3A_100 : i32 to index
      %get3A_171 = arith.constant 160 : index
      %get3A_172 = tpu.vector_load %arg6[%get3A_170, %get3A_171] {strides = array<i32>} : memref<64x768xf32, #tpu.memory_space<vmem>>, vector<16xf32>,
      %mul3A_173 = arith.mulf %get3A_172, %gather3A : vector<16xf32>
      %swap3A_174 = arith.index_cast %scan3A_100 : i32 to index
      %swap3A_175 = arith.constant 160 : index
      %swap3A_176 = tpu.vector_load %arg6[%swap3A_174, %swap3A_175] {strides = array<i32>} : memref<64x768xf32, #tpu.memory_space<vmem>>, vector<16xf32>,
      tpu.vector_store %arg6[%swap3A_174, %swap3A_175], %mul3A_173 {strides = array<i32>} : memref<64x768xf32, #tpu.memory_space<vmem>>, vector<16xf32>,
      %get3A_177 = arith.index_cast %scan3A_100 : i32 to index
      %get3A_178 = arith.constant 176 : index
      %get3A_179 = tpu.vector_load %arg6[%get3A_177, %get3A_178] {strides = array<i32>} : memref<64x768xf32, #tpu.memory_space<vmem>>, vector<16xf32>,
      %mul3A_180 = arith.mulf %get3A_179, %gather3A : vector<16xf32>
      %swap3A_181 = arith.index_cast %scan3A_100 : i32 to index
      %swap3A_182 = arith.constant 176 : index
      %swap3A_183 = tpu.vector_load %arg6[%swap3A_181, %swap3A_182] {strides = array<i32>} : memref<64x768xf32, #tpu.memory_space<vmem>>, vector<16xf32>,
      tpu.vector_store %arg6[%swap3A_181, %swap3A_182], %mul3A_180 {strides = array<i32>} : memref<64x768xf32, #tpu.memory_space<vmem>>, vector<16xf32>,
      %get3A_184 = arith.index_cast %scan3A_100 : i32 to index
      %get3A_185 = arith.constant 192 : index
      %get3A_186 = tpu.vector_load %arg6[%get3A_184, %get3A_185] {strides = array<i32>} : memref<64x768xf32, #tpu.memory_space<vmem>>, vector<16xf32>,
      %mul3A_187 = arith.mulf %get3A_186, %gather3A : vector<16xf32>
      %swap3A_188 = arith.index_cast %scan3A_100 : i32 to index
      %swap3A_189 = arith.constant 192 : index
      %swap3A_190 = tpu.vector_load %arg6[%swap3A_188, %swap3A_189] {strides = array<i32>} : memref<64x768xf32, #tpu.memory_space<vmem>>, vector<16xf32>,
      tpu.vector_store %arg6[%swap3A_188, %swap3A_189], %mul3A_187 {strides = array<i32>} : memref<64x768xf32, #tpu.memory_space<vmem>>, vector<16xf32>,
      %get3A_191 = arith.index_cast %scan3A_100 : i32 to index
      %get3A_192 = arith.constant 208 : index
      %get3A_193 = tpu.vector_load %arg6[%get3A_191, %get3A_192] {strides = array<i32>} : memref<64x768xf32, #tpu.memory_space<vmem>>, vector<16xf32>,
      %mul3A_194 = arith.mulf %get3A_193, %gather3A : vector<16xf32>
      %swap3A_195 = arith.index_cast %scan3A_100 : i32 to index
      %swap3A_196 = arith.constant 208 : index
      %swap3A_197 = tpu.vector_load %arg6[%swap3A_195, %swap3A_196] {strides = array<i32>} : memref<64x768xf32, #tpu.memory_space<vmem>>, vector<16xf32>,
      tpu.vector_store %arg6[%swap3A_195, %swap3A_196], %mul3A_194 {strides = array<i32>} : memref<64x768xf32, #tpu.memory_space<vmem>>, vector<16xf32>,
      %get3A_198 = arith.index_cast %scan3A_100 : i32 to index
      %get3A_199 = arith.constant 224 : index
      %get3A_200 = tpu.vector_load %arg6[%get3A_198, %get3A_199] {strides = array<i32>} : memref<64x768xf32, #tpu.memory_space<vmem>>, vector<16xf32>,
      %mul3A_201 = arith.mulf %get3A_200, %gather3A : vector<16xf32>
      %swap3A_202 = arith.index_cast %scan3A_100 : i32 to index
      %swap3A_203 = arith.constant 224 : index
      %swap3A_204 = tpu.vector_load %arg6[%swap3A_202, %swap3A_203] {strides = array<i32>} : memref<64x768xf32, #tpu.memory_space<vmem>>, vector<16xf32>,
      tpu.vector_store %arg6[%swap3A_202, %swap3A_203], %mul3A_201 {strides = array<i32>} : memref<64x768xf32, #tpu.memory_space<vmem>>, vector<16xf32>,
      %get3A_205 = arith.index_cast %scan3A_100 : i32 to index
      %get3A_206 = arith.constant 240 : index
      %get3A_207 = tpu.vector_load %arg6[%get3A_205, %get3A_206] {strides = array<i32>} : memref<64x768xf32, #tpu.memory_space<vmem>>, vector<16xf32>,
      %mul3A_208 = arith.mulf %get3A_207, %gather3A : vector<16xf32>
      %swap3A_209 = arith.index_cast %scan3A_100 : i32 to index
      %swap3A_210 = arith.constant 240 : index
      %swap3A_211 = tpu.vector_load %arg6[%swap3A_209, %swap3A_210] {strides = array<i32>} : memref<64x768xf32, #tpu.memory_space<vmem>>, vector<16xf32>,
      tpu.vector_store %arg6[%swap3A_209, %swap3A_210], %mul3A_208 {strides = array<i32>} : memref<64x768xf32, #tpu.memory_space<vmem>>, vector<16xf32>,
      %get3A_212 = arith.index_cast %scan3A_100 : i32 to index
      %get3A_213 = arith.constant 256 : index
      %get3A_214 = tpu.vector_load %arg6[%get3A_212, %get3A_213] {strides = array<i32>} : memref<64x768xf32, #tpu.memory_space<vmem>>, vector<16xf32>,
      %mul3A_215 = arith.mulf %get3A_214, %gather3A : vector<16xf32>
      %swap3A_216 = arith.index_cast %scan3A_100 : i32 to index
      %swap3A_217 = arith.constant 256 : index
      %swap3A_218 = tpu.vector_load %arg6[%swap3A_216, %swap3A_217] {strides = array<i32>} : memref<64x768xf32, #tpu.memory_space<vmem>>, vector<16xf32>,
      tpu.vector_store %arg6[%swap3A_216, %swap3A_217], %mul3A_215 {strides = array<i32>} : memref<64x768xf32, #tpu.memory_space<vmem>>, vector<16xf32>,
      %get3A_219 = arith.index_cast %scan3A_100 : i32 to index
      %get3A_220 = arith.constant 272 : index
      %get3A_221 = tpu.vector_load %arg6[%get3A_219, %get3A_220] {strides = array<i32>} : memref<64x768xf32, #tpu.memory_space<vmem>>, vector<16xf32>,
      %mul3A_222 = arith.mulf %get3A_221, %gather3A : vector<16xf32>
      %swap3A_223 = arith.index_cast %scan3A_100 : i32 to index
      %swap3A_224 = arith.constant 272 : index
      %swap3A_225 = tpu.vector_load %arg6[%swap3A_223, %swap3A_224] {strides = array<i32>} : memref<64x768xf32, #tpu.memory_space<vmem>>, vector<16xf32>,
      tpu.vector_store %arg6[%swap3A_223, %swap3A_224], %mul3A_222 {strides = array<i32>} : memref<64x768xf32, #tpu.memory_space<vmem>>, vector<16xf32>,
      %get3A_226 = arith.index_cast %scan3A_100 : i32 to index
      %get3A_227 = arith.constant 288 : index
      %get3A_228 = tpu.vector_load %arg6[%get3A_226, %get3A_227] {strides = array<i32>} : memref<64x768xf32, #tpu.memory_space<vmem>>, vector<16xf32>,
      %mul3A_229 = arith.mulf %get3A_228, %gather3A : vector<16xf32>
      %swap3A_230 = arith.index_cast %scan3A_100 : i32 to index
      %swap3A_231 = arith.constant 288 : index
      %swap3A_232 = tpu.vector_load %arg6[%swap3A_230, %swap3A_231] {strides = array<i32>} : memref<64x768xf32, #tpu.memory_space<vmem>>, vector<16xf32>,
      tpu.vector_store %arg6[%swap3A_230, %swap3A_231], %mul3A_229 {strides = array<i32>} : memref<64x768xf32, #tpu.memory_space<vmem>>, vector<16xf32>,
      %get3A_233 = arith.index_cast %scan3A_100 : i32 to index
      %get3A_234 = arith.constant 304 : index
      %get3A_235 = tpu.vector_load %arg6[%get3A_233, %get3A_234] {strides = array<i32>} : memref<64x768xf32, #tpu.memory_space<vmem>>, vector<16xf32>,
      %mul3A_236 = arith.mulf %get3A_235, %gather3A : vector<16xf32>
      %swap3A_237 = arith.index_cast %scan3A_100 : i32 to index
      %swap3A_238 = arith.constant 304 : index
      %swap3A_239 = tpu.vector_load %arg6[%swap3A_237, %swap3A_238] {strides = array<i32>} : memref<64x768xf32, #tpu.memory_space<vmem>>, vector<16xf32>,
      tpu.vector_store %arg6[%swap3A_237, %swap3A_238], %mul3A_236 {strides = array<i32>} : memref<64x768xf32, #tpu.memory_space<vmem>>, vector<16xf32>,
      %get3A_240 = arith.index_cast %scan3A_100 : i32 to index
      %get3A_241 = arith.constant 320 : index
      %get3A_242 = tpu.vector_load %arg6[%get3A_240, %get3A_241] {strides = array<i32>} : memref<64x768xf32, #tpu.memory_space<vmem>>, vector<16xf32>,
      %mul3A_243 = arith.mulf %get3A_242, %gather3A : vector<16xf32>
      %swap3A_244 = arith.index_cast %scan3A_100 : i32 to index
      %swap3A_245 = arith.constant 320 : index
      %swap3A_246 = tpu.vector_load %arg6[%swap3A_244, %swap3A_245] {strides = array<i32>} : memref<64x768xf32, #tpu.memory_space<vmem>>, vector<16xf32>,
      tpu.vector_store %arg6[%swap3A_244, %swap3A_245], %mul3A_243 {strides = array<i32>} : memref<64x768xf32, #tpu.memory_space<vmem>>, vector<16xf32>,
      %get3A_247 = arith.index_cast %scan3A_100 : i32 to index
      %get3A_248 = arith.constant 336 : index
      %get3A_249 = tpu.vector_load %arg6[%get3A_247, %get3A_248] {strides = array<i32>} : memref<64x768xf32, #tpu.memory_space<vmem>>, vector<16xf32>,
      %mul3A_250 = arith.mulf %get3A_249, %gather3A : vector<16xf32>
      %swap3A_251 = arith.index_cast %scan3A_100 : i32 to index
      %swap3A_252 = arith.constant 336 : index
      %swap3A_253 = tpu.vector_load %arg6[%swap3A_251, %swap3A_252] {strides = array<i32>} : memref<64x768xf32, #tpu.memory_space<vmem>>, vector<16xf32>,
      tpu.vector_store %arg6[%swap3A_251, %swap3A_252], %mul3A_250 {strides = array<i32>} : memref<64x768xf32, #tpu.memory_space<vmem>>, vector<16xf32>,
      %get3A_254 = arith.index_cast %scan3A_100 : i32 to index
      %get3A_255 = arith.constant 352 : index
      %get3A_256 = tpu.vector_load %arg6[%get3A_254, %get3A_255] {strides = array<i32>} : memref<64x768xf32, #tpu.memory_space<vmem>>, vector<16xf32>,
      %mul3A_257 = arith.mulf %get3A_256, %gather3A : vector<16xf32>
      %swap3A_258 = arith.index_cast %scan3A_100 : i32 to index
      %swap3A_259 = arith.constant 352 : index
      %swap3A_260 = tpu.vector_load %arg6[%swap3A_258, %swap3A_259] {strides = array<i32>} : memref<64x768xf32, #tpu.memory_space<vmem>>, vector<16xf32>,
      tpu.vector_store %arg6[%swap3A_258, %swap3A_259], %mul3A_257 {strides = array<i32>} : memref<64x768xf32, #tpu.memory_space<vmem>>, vector<16xf32>,
      %get3A_261 = arith.index_cast %scan3A_100 : i32 to index
      %get3A_262 = arith.constant 368 : index
      %get3A_263 = tpu.vector_load %arg6[%get3A_261, %get3A_262] {strides = array<i32>} : memref<64x768xf32, #tpu.memory_space<vmem>>, vector<16xf32>,
      %mul3A_264 = arith.mulf %get3A_263, %gather3A : vector<16xf32>
      %swap3A_265 = arith.index_cast %scan3A_100 : i32 to index
      %swap3A_266 = arith.constant 368 : index
      %swap3A_267 = tpu.vector_load %arg6[%swap3A_265, %swap3A_266] {strides = array<i32>} : memref<64x768xf32, #tpu.memory_space<vmem>>, vector<16xf32>,
      tpu.vector_store %arg6[%swap3A_265, %swap3A_266], %mul3A_264 {strides = array<i32>} : memref<64x768xf32, #tpu.memory_space<vmem>>, vector<16xf32>,
      %get3A_268 = arith.index_cast %scan3A_100 : i32 to index
      %get3A_269 = arith.constant 384 : index
      %get3A_270 = tpu.vector_load %arg6[%get3A_268, %get3A_269] {strides = array<i32>} : memref<64x768xf32, #tpu.memory_space<vmem>>, vector<16xf32>,
      %mul3A_271 = arith.mulf %get3A_270, %gather3A : vector<16xf32>
      %swap3A_272 = arith.index_cast %scan3A_100 : i32 to index
      %swap3A_273 = arith.constant 384 : index
      %swap3A_274 = tpu.vector_load %arg6[%swap3A_272, %swap3A_273] {strides = array<i32>} : memref<64x768xf32, #tpu.memory_space<vmem>>, vector<16xf32>,
      tpu.vector_store %arg6[%swap3A_272, %swap3A_273], %mul3A_271 {strides = array<i32>} : memref<64x768xf32, #tpu.memory_space<vmem>>, vector<16xf32>,
      %get3A_275 = arith.index_cast %scan3A_100 : i32 to index
      %get3A_276 = arith.constant 400 : index
      %get3A_277 = tpu.vector_load %arg6[%get3A_275, %get3A_276] {strides = array<i32>} : memref<64x768xf32, #tpu.memory_space<vmem>>, vector<16xf32>,
      %mul3A_278 = arith.mulf %get3A_277, %gather3A : vector<16xf32>
      %swap3A_279 = arith.index_cast %scan3A_100 : i32 to index
      %swap3A_280 = arith.constant 400 : index
      %swap3A_281 = tpu.vector_load %arg6[%swap3A_279, %swap3A_280] {strides = array<i32>} : memref<64x768xf32, #tpu.memory_space<vmem>>, vector<16xf32>,
      tpu.vector_store %arg6[%swap3A_279, %swap3A_280], %mul3A_278 {strides = array<i32>} : memref<64x768xf32, #tpu.memory_space<vmem>>, vector<16xf32>,
      %get3A_282 = arith.index_cast %scan3A_100 : i32 to index
      %get3A_283 = arith.constant 416 : index
      %get3A_284 = tpu.vector_load %arg6[%get3A_282, %get3A_283] {strides = array<i32>} : memref<64x768xf32, #tpu.memory_space<vmem>>, vector<16xf32>,
      %mul3A_285 = arith.mulf %get3A_284, %gather3A : vector<16xf32>
      %swap3A_286 = arith.index_cast %scan3A_100 : i32 to index
      %swap3A_287 = arith.constant 416 : index
      %swap3A_288 = tpu.vector_load %arg6[%swap3A_286, %swap3A_287] {strides = array<i32>} : memref<64x768xf32, #tpu.memory_space<vmem>>, vector<16xf32>,
      tpu.vector_store %arg6[%swap3A_286, %swap3A_287], %mul3A_285 {strides = array<i32>} : memref<64x768xf32, #tpu.memory_space<vmem>>, vector<16xf32>,
      %get3A_289 = arith.index_cast %scan3A_100 : i32 to index
      %get3A_290 = arith.constant 432 : index
      %get3A_291 = tpu.vector_load %arg6[%get3A_289, %get3A_290] {strides = array<i32>} : memref<64x768xf32, #tpu.memory_space<vmem>>, vector<16xf32>,
      %mul3A_292 = arith.mulf %get3A_291, %gather3A : vector<16xf32>
      %swap3A_293 = arith.index_cast %scan3A_100 : i32 to index
      %swap3A_294 = arith.constant 432 : index
      %swap3A_295 = tpu.vector_load %arg6[%swap3A_293, %swap3A_294] {strides = array<i32>} : memref<64x768xf32, #tpu.memory_space<vmem>>, vector<16xf32>,
      tpu.vector_store %arg6[%swap3A_293, %swap3A_294], %mul3A_292 {strides = array<i32>} : memref<64x768xf32, #tpu.memory_space<vmem>>, vector<16xf32>,
      %get3A_296 = arith.index_cast %scan3A_100 : i32 to index
      %get3A_297 = arith.constant 448 : index
      %get3A_298 = tpu.vector_load %arg6[%get3A_296, %get3A_297] {strides = array<i32>} : memref<64x768xf32, #tpu.memory_space<vmem>>, vector<16xf32>,
      %mul3A_299 = arith.mulf %get3A_298, %gather3A : vector<16xf32>
      %swap3A_300 = arith.index_cast %scan3A_100 : i32 to index
      %swap3A_301 = arith.constant 448 : index
      %swap3A_302 = tpu.vector_load %arg6[%swap3A_300, %swap3A_301] {strides = array<i32>} : memref<64x768xf32, #tpu.memory_space<vmem>>, vector<16xf32>,
      tpu.vector_store %arg6[%swap3A_300, %swap3A_301], %mul3A_299 {strides = array<i32>} : memref<64x768xf32, #tpu.memory_space<vmem>>, vector<16xf32>,
      %get3A_303 = arith.index_cast %scan3A_100 : i32 to index
      %get3A_304 = arith.constant 464 : index
      %get3A_305 = tpu.vector_load %arg6[%get3A_303, %get3A_304] {strides = array<i32>} : memref<64x768xf32, #tpu.memory_space<vmem>>, vector<16xf32>,
      %mul3A_306 = arith.mulf %get3A_305, %gather3A : vector<16xf32>
      %swap3A_307 = arith.index_cast %scan3A_100 : i32 to index
      %swap3A_308 = arith.constant 464 : index
      %swap3A_309 = tpu.vector_load %arg6[%swap3A_307, %swap3A_308] {strides = array<i32>} : memref<64x768xf32, #tpu.memory_space<vmem>>, vector<16xf32>,
      tpu.vector_store %arg6[%swap3A_307, %swap3A_308], %mul3A_306 {strides = array<i32>} : memref<64x768xf32, #tpu.memory_space<vmem>>, vector<16xf32>,
      %get3A_310 = arith.index_cast %scan3A_100 : i32 to index
      %get3A_311 = arith.constant 480 : index
      %get3A_312 = tpu.vector_load %arg6[%get3A_310, %get3A_311] {strides = array<i32>} : memref<64x768xf32, #tpu.memory_space<vmem>>, vector<16xf32>,
      %mul3A_313 = arith.mulf %get3A_312, %gather3A : vector<16xf32>
      %swap3A_314 = arith.index_cast %scan3A_100 : i32 to index
      %swap3A_315 = arith.constant 480 : index
      %swap3A_316 = tpu.vector_load %arg6[%swap3A_314, %swap3A_315] {strides = array<i32>} : memref<64x768xf32, #tpu.memory_space<vmem>>, vector<16xf32>,
      tpu.vector_store %arg6[%swap3A_314, %swap3A_315], %mul3A_313 {strides = array<i32>} : memref<64x768xf32, #tpu.memory_space<vmem>>, vector<16xf32>,
      %get3A_317 = arith.index_cast %scan3A_100 : i32 to index
      %get3A_318 = arith.constant 496 : index
      %get3A_319 = tpu.vector_load %arg6[%get3A_317, %get3A_318] {strides = array<i32>} : memref<64x768xf32, #tpu.memory_space<vmem>>, vector<16xf32>,
      %mul3A_320 = arith.mulf %get3A_319, %gather3A : vector<16xf32>
      %swap3A_321 = arith.index_cast %scan3A_100 : i32 to index
      %swap3A_322 = arith.constant 496 : index
      %swap3A_323 = tpu.vector_load %arg6[%swap3A_321, %swap3A_322] {strides = array<i32>} : memref<64x768xf32, #tpu.memory_space<vmem>>, vector<16xf32>,
      tpu.vector_store %arg6[%swap3A_321, %swap3A_322], %mul3A_320 {strides = array<i32>} : memref<64x768xf32, #tpu.memory_space<vmem>>, vector<16xf32>,
      %get3A_324 = arith.index_cast %scan3A_100 : i32 to index
      %get3A_325 = arith.constant 512 : index
      %get3A_326 = tpu.vector_load %arg6[%get3A_324, %get3A_325] {strides = array<i32>} : memref<64x768xf32, #tpu.memory_space<vmem>>, vector<16xf32>,
      %mul3A_327 = arith.mulf %get3A_326, %gather3A : vector<16xf32>
      %swap3A_328 = arith.index_cast %scan3A_100 : i32 to index
      %swap3A_329 = arith.constant 512 : index
      %swap3A_330 = tpu.vector_load %arg6[%swap3A_328, %swap3A_329] {strides = array<i32>} : memref<64x768xf32, #tpu.memory_space<vmem>>, vector<16xf32>,
      tpu.vector_store %arg6[%swap3A_328, %swap3A_329], %mul3A_327 {strides = array<i32>} : memref<64x768xf32, #tpu.memory_space<vmem>>, vector<16xf32>,
      %get3A_331 = arith.index_cast %scan3A_100 : i32 to index
      %get3A_332 = arith.constant 528 : index
      %get3A_333 = tpu.vector_load %arg6[%get3A_331, %get3A_332] {strides = array<i32>} : memref<64x768xf32, #tpu.memory_space<vmem>>, vector<16xf32>,
      %mul3A_334 = arith.mulf %get3A_333, %gather3A : vector<16xf32>
      %swap3A_335 = arith.index_cast %scan3A_100 : i32 to index
      %swap3A_336 = arith.constant 528 : index
      %swap3A_337 = tpu.vector_load %arg6[%swap3A_335, %swap3A_336] {strides = array<i32>} : memref<64x768xf32, #tpu.memory_space<vmem>>, vector<16xf32>,
      tpu.vector_store %arg6[%swap3A_335, %swap3A_336], %mul3A_334 {strides = array<i32>} : memref<64x768xf32, #tpu.memory_space<vmem>>, vector<16xf32>,
      %get3A_338 = arith.index_cast %scan3A_100 : i32 to index
      %get3A_339 = arith.constant 544 : index
      %get3A_340 = tpu.vector_load %arg6[%get3A_338, %get3A_339] {strides = array<i32>} : memref<64x768xf32, #tpu.memory_space<vmem>>, vector<16xf32>,
      %mul3A_341 = arith.mulf %get3A_340, %gather3A : vector<16xf32>
      %swap3A_342 = arith.index_cast %scan3A_100 : i32 to index
      %swap3A_343 = arith.constant 544 : index
      %swap3A_344 = tpu.vector_load %arg6[%swap3A_342, %swap3A_343] {strides = array<i32>} : memref<64x768xf32, #tpu.memory_space<vmem>>, vector<16xf32>,
      tpu.vector_store %arg6[%swap3A_342, %swap3A_343], %mul3A_341 {strides = array<i32>} : memref<64x768xf32, #tpu.memory_space<vmem>>, vector<16xf32>,
      %get3A_345 = arith.index_cast %scan3A_100 : i32 to index
      %get3A_346 = arith.constant 560 : index
      %get3A_347 = tpu.vector_load %arg6[%get3A_345, %get3A_346] {strides = array<i32>} : memref<64x768xf32, #tpu.memory_space<vmem>>, vector<16xf32>,
      %mul3A_348 = arith.mulf %get3A_347, %gather3A : vector<16xf32>
      %swap3A_349 = arith.index_cast %scan3A_100 : i32 to index
      %swap3A_350 = arith.constant 560 : index
      %swap3A_351 = tpu.vector_load %arg6[%swap3A_349, %swap3A_350] {strides = array<i32>} : memref<64x768xf32, #tpu.memory_space<vmem>>, vector<16xf32>,
      tpu.vector_store %arg6[%swap3A_349, %swap3A_350], %mul3A_348 {strides = array<i32>} : memref<64x768xf32, #tpu.memory_space<vmem>>, vector<16xf32>,
      %get3A_352 = arith.index_cast %scan3A_100 : i32 to index
      %get3A_353 = arith.constant 576 : index
      %get3A_354 = tpu.vector_load %arg6[%get3A_352, %get3A_353] {strides = array<i32>} : memref<64x768xf32, #tpu.memory_space<vmem>>, vector<16xf32>,
      %mul3A_355 = arith.mulf %get3A_354, %gather3A : vector<16xf32>
      %swap3A_356 = arith.index_cast %scan3A_100 : i32 to index
      %swap3A_357 = arith.constant 576 : index
      %swap3A_358 = tpu.vector_load %arg6[%swap3A_356, %swap3A_357] {strides = array<i32>} : memref<64x768xf32, #tpu.memory_space<vmem>>, vector<16xf32>,
      tpu.vector_store %arg6[%swap3A_356, %swap3A_357], %mul3A_355 {strides = array<i32>} : memref<64x768xf32, #tpu.memory_space<vmem>>, vector<16xf32>,
      %get3A_359 = arith.index_cast %scan3A_100 : i32 to index
      %get3A_360 = arith.constant 592 : index
      %get3A_361 = tpu.vector_load %arg6[%get3A_359, %get3A_360] {strides = array<i32>} : memref<64x768xf32, #tpu.memory_space<vmem>>, vector<16xf32>,
      %mul3A_362 = arith.mulf %get3A_361, %gather3A : vector<16xf32>
      %swap3A_363 = arith.index_cast %scan3A_100 : i32 to index
      %swap3A_364 = arith.constant 592 : index
      %swap3A_365 = tpu.vector_load %arg6[%swap3A_363, %swap3A_364] {strides = array<i32>} : memref<64x768xf32, #tpu.memory_space<vmem>>, vector<16xf32>,
      tpu.vector_store %arg6[%swap3A_363, %swap3A_364], %mul3A_362 {strides = array<i32>} : memref<64x768xf32, #tpu.memory_space<vmem>>, vector<16xf32>,
      %get3A_366 = arith.index_cast %scan3A_100 : i32 to index
      %get3A_367 = arith.constant 608 : index
      %get3A_368 = tpu.vector_load %arg6[%get3A_366, %get3A_367] {strides = array<i32>} : memref<64x768xf32, #tpu.memory_space<vmem>>, vector<16xf32>,
      %mul3A_369 = arith.mulf %get3A_368, %gather3A : vector<16xf32>
      %swap3A_370 = arith.index_cast %scan3A_100 : i32 to index
      %swap3A_371 = arith.constant 608 : index
      %swap3A_372 = tpu.vector_load %arg6[%swap3A_370, %swap3A_371] {strides = array<i32>} : memref<64x768xf32, #tpu.memory_space<vmem>>, vector<16xf32>,
      tpu.vector_store %arg6[%swap3A_370, %swap3A_371], %mul3A_369 {strides = array<i32>} : memref<64x768xf32, #tpu.memory_space<vmem>>, vector<16xf32>,
      %get3A_373 = arith.index_cast %scan3A_100 : i32 to index
      %get3A_374 = arith.constant 624 : index
      %get3A_375 = tpu.vector_load %arg6[%get3A_373, %get3A_374] {strides = array<i32>} : memref<64x768xf32, #tpu.memory_space<vmem>>, vector<16xf32>,
      %mul3A_376 = arith.mulf %get3A_375, %gather3A : vector<16xf32>
      %swap3A_377 = arith.index_cast %scan3A_100 : i32 to index
      %swap3A_378 = arith.constant 624 : index
      %swap3A_379 = tpu.vector_load %arg6[%swap3A_377, %swap3A_378] {strides = array<i32>} : memref<64x768xf32, #tpu.memory_space<vmem>>, vector<16xf32>,
      tpu.vector_store %arg6[%swap3A_377, %swap3A_378], %mul3A_376 {strides = array<i32>} : memref<64x768xf32, #tpu.memory_space<vmem>>, vector<16xf32>,
      %get3A_380 = arith.index_cast %scan3A_100 : i32 to index
      %get3A_381 = arith.constant 640 : index
      %get3A_382 = tpu.vector_load %arg6[%get3A_380, %get3A_381] {strides = array<i32>} : memref<64x768xf32, #tpu.memory_space<vmem>>, vector<16xf32>,
      %mul3A_383 = arith.mulf %get3A_382, %gather3A : vector<16xf32>
      %swap3A_384 = arith.index_cast %scan3A_100 : i32 to index
      %swap3A_385 = arith.constant 640 : index
      %swap3A_386 = tpu.vector_load %arg6[%swap3A_384, %swap3A_385] {strides = array<i32>} : memref<64x768xf32, #tpu.memory_space<vmem>>, vector<16xf32>,
      tpu.vector_store %arg6[%swap3A_384, %swap3A_385], %mul3A_383 {strides = array<i32>} : memref<64x768xf32, #tpu.memory_space<vmem>>, vector<16xf32>,
      %get3A_387 = arith.index_cast %scan3A_100 : i32 to index
      %get3A_388 = arith.constant 656 : index
      %get3A_389 = tpu.vector_load %arg6[%get3A_387, %get3A_388] {strides = array<i32>} : memref<64x768xf32, #tpu.memory_space<vmem>>, vector<16xf32>,
      %mul3A_390 = arith.mulf %get3A_389, %gather3A : vector<16xf32>
      %swap3A_391 = arith.index_cast %scan3A_100 : i32 to index
      %swap3A_392 = arith.constant 656 : index
      %swap3A_393 = tpu.vector_load %arg6[%swap3A_391, %swap3A_392] {strides = array<i32>} : memref<64x768xf32, #tpu.memory_space<vmem>>, vector<16xf32>,
      tpu.vector_store %arg6[%swap3A_391, %swap3A_392], %mul3A_390 {strides = array<i32>} : memref<64x768xf32, #tpu.memory_space<vmem>>, vector<16xf32>,
      %get3A_394 = arith.index_cast %scan3A_100 : i32 to index
      %get3A_395 = arith.constant 672 : index
      %get3A_396 = tpu.vector_load %arg6[%get3A_394, %get3A_395] {strides = array<i32>} : memref<64x768xf32, #tpu.memory_space<vmem>>, vector<16xf32>,
      %mul3A_397 = arith.mulf %get3A_396, %gather3A : vector<16xf32>
      %swap3A_398 = arith.index_cast %scan3A_100 : i32 to index
      %swap3A_399 = arith.constant 672 : index
      %swap3A_400 = tpu.vector_load %arg6[%swap3A_398, %swap3A_399] {strides = array<i32>} : memref<64x768xf32, #tpu.memory_space<vmem>>, vector<16xf32>,
      tpu.vector_store %arg6[%swap3A_398, %swap3A_399], %mul3A_397 {strides = array<i32>} : memref<64x768xf32, #tpu.memory_space<vmem>>, vector<16xf32>,
      %get3A_401 = arith.index_cast %scan3A_100 : i32 to index
      %get3A_402 = arith.constant 688 : index
      %get3A_403 = tpu.vector_load %arg6[%get3A_401, %get3A_402] {strides = array<i32>} : memref<64x768xf32, #tpu.memory_space<vmem>>, vector<16xf32>,
      %mul3A_404 = arith.mulf %get3A_403, %gather3A : vector<16xf32>
      %swap3A_405 = arith.index_cast %scan3A_100 : i32 to index
      %swap3A_406 = arith.constant 688 : index
      %swap3A_407 = tpu.vector_load %arg6[%swap3A_405, %swap3A_406] {strides = array<i32>} : memref<64x768xf32, #tpu.memory_space<vmem>>, vector<16xf32>,
      tpu.vector_store %arg6[%swap3A_405, %swap3A_406], %mul3A_404 {strides = array<i32>} : memref<64x768xf32, #tpu.memory_space<vmem>>, vector<16xf32>,
      %get3A_408 = arith.index_cast %scan3A_100 : i32 to index
      %get3A_409 = arith.constant 704 : index
      %get3A_410 = tpu.vector_load %arg6[%get3A_408, %get3A_409] {strides = array<i32>} : memref<64x768xf32, #tpu.memory_space<vmem>>, vector<16xf32>,
      %mul3A_411 = arith.mulf %get3A_410, %gather3A : vector<16xf32>
      %swap3A_412 = arith.index_cast %scan3A_100 : i32 to index
      %swap3A_413 = arith.constant 704 : index
      %swap3A_414 = tpu.vector_load %arg6[%swap3A_412, %swap3A_413] {strides = array<i32>} : memref<64x768xf32, #tpu.memory_space<vmem>>, vector<16xf32>,
      tpu.vector_store %arg6[%swap3A_412, %swap3A_413], %mul3A_411 {strides = array<i32>} : memref<64x768xf32, #tpu.memory_space<vmem>>, vector<16xf32>,
      %get3A_415 = arith.index_cast %scan3A_100 : i32 to index
      %get3A_416 = arith.constant 720 : index
      %get3A_417 = tpu.vector_load %arg6[%get3A_415, %get3A_416] {strides = array<i32>} : memref<64x768xf32, #tpu.memory_space<vmem>>, vector<16xf32>,
      %mul3A_418 = arith.mulf %get3A_417, %gather3A : vector<16xf32>
      %swap3A_419 = arith.index_cast %scan3A_100 : i32 to index
      %swap3A_420 = arith.constant 720 : index
      %swap3A_421 = tpu.vector_load %arg6[%swap3A_419, %swap3A_420] {strides = array<i32>} : memref<64x768xf32, #tpu.memory_space<vmem>>, vector<16xf32>,
      tpu.vector_store %arg6[%swap3A_419, %swap3A_420], %mul3A_418 {strides = array<i32>} : memref<64x768xf32, #tpu.memory_space<vmem>>, vector<16xf32>,
      %get3A_422 = arith.index_cast %scan3A_100 : i32 to index
      %get3A_423 = arith.constant 736 : index
      %get3A_424 = tpu.vector_load %arg6[%get3A_422, %get3A_423] {strides = array<i32>} : memref<64x768xf32, #tpu.memory_space<vmem>>, vector<16xf32>,
      %mul3A_425 = arith.mulf %get3A_424, %gather3A : vector<16xf32>
      %swap3A_426 = arith.index_cast %scan3A_100 : i32 to index
      %swap3A_427 = arith.constant 736 : index
      %swap3A_428 = tpu.vector_load %arg6[%swap3A_426, %swap3A_427] {strides = array<i32>} : memref<64x768xf32, #tpu.memory_space<vmem>>, vector<16xf32>,
      tpu.vector_store %arg6[%swap3A_426, %swap3A_427], %mul3A_425 {strides = array<i32>} : memref<64x768xf32, #tpu.memory_space<vmem>>, vector<16xf32>,
      %get3A_429 = arith.index_cast %scan3A_100 : i32 to index
      %get3A_430 = arith.constant 752 : index
      %get3A_431 = tpu.vector_load %arg6[%get3A_429, %get3A_430] {strides = array<i32>} : memref<64x768xf32, #tpu.memory_space<vmem>>, vector<16xf32>,
      %mul3A_432 = arith.mulf %get3A_431, %gather3A : vector<16xf32>
      %swap3A_433 = arith.index_cast %scan3A_100 : i32 to index
      %swap3A_434 = arith.constant 752 : index
      %swap3A_435 = tpu.vector_load %arg6[%swap3A_433, %swap3A_434] {strides = array<i32>} : memref<64x768xf32, #tpu.memory_space<vmem>>, vector<16xf32>,
      tpu.vector_store %arg6[%swap3A_433, %swap3A_434], %mul3A_432 {strides = array<i32>} : memref<64x768xf32, #tpu.memory_space<vmem>>, vector<16xf32>,
      %scan3A_436 = arith.constant 0 : i32
      scf.yield %scan3A_436 : i32
    }
    %scan3A_19 = arith.constant 64 : i32
    %add3A_20 = arith.constant 0 : i32
    %add3A_21 = arith.addi %mul3A_2, %add3A_20 : i32
    %dma_start3A_22 = arith.constant 0 : i32
    %dma_start3A_23 = tpu.memref_slice %arg5[%add3A_21, %dma_start3A_22] : memref<8192x768xf32, #tpu.memory_space<hbm>> -> memref<64x768xf32, #tpu.memory_space<hbm>>
    %dma_start3A_24 = arith.constant 0 : i32
    %dma_start3A_25 = tpu.memref_slice %arg5[%add3A_21, %dma_start3A_24] : memref<8192x768xf32, #tpu.memory_space<hbm>> -> memref<64x768xf32, #tpu.memory_space<hbm>>
    tpu.enqueue_dma source(%arg6 : memref<64x768xf32, #tpu.memory_space<vmem>>) target(%dma_start3A_25 : memref<64x768xf32, #tpu.memory_space<hbm>>) target_semaphore(%arg14 : memref<!tpu.dma_semaphore, #tpu.memory_space<semaphore_mem>>)
    %dma_wait3A_26 = arith.constant 0 : i32
    %dma_wait3A_27 = tpu.memref_slice %arg5[%add3A_21, %dma_wait3A_26] : memref<8192x768xf32, #tpu.memory_space<hbm>> -> memref<64x768xf32, #tpu.memory_space<hbm>>
    %dma_wait3A_28 = arith.constant 0 : i32
    %dma_wait3A_29 = tpu.memref_slice %arg5[%add3A_21, %dma_wait3A_28] : memref<8192x768xf32, #tpu.memory_space<hbm>> -> memref<64x768xf32, #tpu.memory_space<hbm>>
    tpu.wait_dma2 semaphore(%arg14 : memref<!tpu.dma_semaphore, #tpu.memory_space<semaphore_mem>>) src(%arg6 : memref<64x768xf32, #tpu.memory_space<vmem>>) dst(%dma_wait3A_29 : memref<64x768xf32, #tpu.memory_space<hbm>>)
    %add3A_30 = arith.constant 128 : i32
    %add3A_31 = arith.addi %mul3A_2, %add3A_30 : i32
    "tpu.region"() ({
      %run_scoped3A = tpu.sem_alloc : memref<!tpu.dma_semaphore, #tpu.memory_space<semaphore_mem>>
      %dma_start3A_100 = tpu.memref_slice %arg3[%add3A_31] : memref<8192xi32, #tpu.memory_space<hbm>> -> memref<64xi32, #tpu.memory_space<hbm>>
      %dma_start3A_101 = tpu.memref_slice %arg3[%add3A_31] : memref<8192xi32, #tpu.memory_space<hbm>> -> memref<64xi32, #tpu.memory_space<hbm>>
      tpu.enqueue_dma source(%dma_start3A_101 : memref<64xi32, #tpu.memory_space<hbm>>) target(%arg8 : memref<64xi32, #tpu.memory_space<vmem>>) target_semaphore(%run_scoped3A : memref<!tpu.dma_semaphore, #tpu.memory_space<semaphore_mem>>)
      %dma_wait3A_102 = tpu.memref_slice %arg3[%add3A_31] : memref<8192xi32, #tpu.memory_space<hbm>> -> memref<64xi32, #tpu.memory_space<hbm>>
      %dma_wait3A_103 = tpu.memref_slice %arg3[%add3A_31] : memref<8192xi32, #tpu.memory_space<hbm>> -> memref<64xi32, #tpu.memory_space<hbm>>
      tpu.wait_dma2 semaphore(%run_scoped3A : memref<!tpu.dma_semaphore, #tpu.memory_space<semaphore_mem>>) src(%dma_wait3A_103 : memref<64xi32, #tpu.memory_space<hbm>>) dst(%arg8 : memref<64xi32, #tpu.memory_space<vmem>>)
      tpu.yield
    }) : () -> ()
    "tpu.region"() ({
      %run_scoped3A = tpu.sem_alloc : memref<!tpu.dma_semaphore, #tpu.memory_space<semaphore_mem>>
      %dma_start3A_100 = tpu.memref_slice %arg4[%add3A_31] : memref<8192xf32, #tpu.memory_space<hbm>> -> memref<64xf32, #tpu.memory_space<hbm>>
      %dma_start3A_101 = tpu.memref_slice %arg4[%add3A_31] : memref<8192xf32, #tpu.memory_space<hbm>> -> memref<64xf32, #tpu.memory_space<hbm>>
      tpu.enqueue_dma source(%dma_start3A_101 : memref<64xf32, #tpu.memory_space<hbm>>) target(%arg10 : memref<64xf32, #tpu.memory_space<vmem>>) target_semaphore(%run_scoped3A : memref<!tpu.dma_semaphore, #tpu.memory_space<semaphore_mem>>)
      %dma_wait3A_102 = tpu.memref_slice %arg4[%add3A_31] : memref<8192xf32, #tpu.memory_space<hbm>> -> memref<64xf32, #tpu.memory_space<hbm>>
      %dma_wait3A_103 = tpu.memref_slice %arg4[%add3A_31] : memref<8192xf32, #tpu.memory_space<hbm>> -> memref<64xf32, #tpu.memory_space<hbm>>
      tpu.wait_dma2 semaphore(%run_scoped3A : memref<!tpu.dma_semaphore, #tpu.memory_space<semaphore_mem>>) src(%dma_wait3A_103 : memref<64xf32, #tpu.memory_space<hbm>>) dst(%arg10 : memref<64xf32, #tpu.memory_space<vmem>>)
      tpu.yield
    }) : () -> ()
    %dma_start3A_32 = arith.constant 0 : i32
    %dma_start3A_33 = arith.constant 0 : i32
    %dma_start3A_34 = tpu.memref_slice %arg2[%dma_start3A_32, %dma_start3A_33] : memref<12288x768xf32, #tpu.memory_space<hbm>> -> memref<12288x768xf32, #tpu.memory_space<hbm>>
    tpu.enqueue_indirect_dma source(%dma_start3A_34 : memref<12288x768xf32, #tpu.memory_space<hbm>>) target(%arg6 : memref<64x768xf32, #tpu.memory_space<vmem>>) offsets(%arg8 : memref<64xi32, #tpu.memory_space<vmem>>) semaphore(%arg12 : memref<!tpu.dma_semaphore, #tpu.memory_space<semaphore_mem>>)
    %dma_wait3A_35 = arith.constant 0 : i32
    %dma_wait3A_36 = arith.constant 0 : i32
    %dma_wait3A_37 = tpu.memref_slice %arg2[%dma_wait3A_35, %dma_wait3A_36] : memref<12288x768xf32, #tpu.memory_space<hbm>> -> memref<12288x768xf32, #tpu.memory_space<hbm>>
    tpu.wait_indirect_dma semaphore(%arg13 : memref<!tpu.dma_semaphore, #tpu.memory_space<semaphore_mem>>) src(%dma_wait3A_37 : memref<12288x768xf32, #tpu.memory_space<hbm>>) dst(%arg7 : memref<64x768xf32, #tpu.memory_space<vmem>>)
    %scan3A_38 = arith.constant 0 : i32
    %scan3A_39 = arith.constant 0 : i32
    %scan3A_40 = arith.constant 64 : i32
    %scan3A_41 = arith.addi %scan3A_39, %scan3A_40 : i32
    %scan3A_42 = arith.constant 1 : i32
    %scan3A_43 = scf.for %scan3A_100 = %scan3A_39 to %scan3A_41 step %scan3A_42 iter_args(%scan3A_101 = %scan3A_38) -> (i32)  : i32 {
      %broadcast_in_dim3A = vector.broadcast %scan3A_100 : i32 to vector<16xi32>
      %gather3A = tpu.vector_load_idx %arg11[%broadcast_in_dim3A] : memref<64xf32, #tpu.memory_space<vmem>>[vector<16xi32>], vector<16xf32>,
      %get3A = arith.index_cast %scan3A_100 : i32 to index
      %get3A_102 = arith.constant 0 : index
      %get3A_103 = tpu.vector_load %arg7[%get3A, %get3A_102] {strides = array<i32>} : memref<64x768xf32, #tpu.memory_space<vmem>>, vector<16xf32>,
      %mul3A_104 = arith.mulf %get3A_103, %gather3A : vector<16xf32>
      %swap3A = arith.index_cast %scan3A_100 : i32 to index
      %swap3A_105 = arith.constant 0 : index
      %swap3A_106 = tpu.vector_load %arg7[%swap3A, %swap3A_105] {strides = array<i32>} : memref<64x768xf32, #tpu.memory_space<vmem>>, vector<16xf32>,
      tpu.vector_store %arg7[%swap3A, %swap3A_105], %mul3A_104 {strides = array<i32>} : memref<64x768xf32, #tpu.memory_space<vmem>>, vector<16xf32>,
      %get3A_107 = arith.index_cast %scan3A_100 : i32 to index
      %get3A_108 = arith.constant 16 : index
      %get3A_109 = tpu.vector_load %arg7[%get3A_107, %get3A_108] {strides = array<i32>} : memref<64x768xf32, #tpu.memory_space<vmem>>, vector<16xf32>,
      %mul3A_110 = arith.mulf %get3A_109, %gather3A : vector<16xf32>
      %swap3A_111 = arith.index_cast %scan3A_100 : i32 to index
      %swap3A_112 = arith.constant 16 : index
      %swap3A_113 = tpu.vector_load %arg7[%swap3A_111, %swap3A_112] {strides = array<i32>} : memref<64x768xf32, #tpu.memory_space<vmem>>, vector<16xf32>,
      tpu.vector_store %arg7[%swap3A_111, %swap3A_112], %mul3A_110 {strides = array<i32>} : memref<64x768xf32, #tpu.memory_space<vmem>>, vector<16xf32>,
      %get3A_114 = arith.index_cast %scan3A_100 : i32 to index
      %get3A_115 = arith.constant 32 : index
      %get3A_116 = tpu.vector_load %arg7[%get3A_114, %get3A_115] {strides = array<i32>} : memref<64x768xf32, #tpu.memory_space<vmem>>, vector<16xf32>,
      %mul3A_117 = arith.mulf %get3A_116, %gather3A : vector<16xf32>
      %swap3A_118 = arith.index_cast %scan3A_100 : i32 to index
      %swap3A_119 = arith.constant 32 : index
      %swap3A_120 = tpu.vector_load %arg7[%swap3A_118, %swap3A_119] {strides = array<i32>} : memref<64x768xf32, #tpu.memory_space<vmem>>, vector<16xf32>,
      tpu.vector_store %arg7[%swap3A_118, %swap3A_119], %mul3A_117 {strides = array<i32>} : memref<64x768xf32, #tpu.memory_space<vmem>>, vector<16xf32>,
      %get3A_121 = arith.index_cast %scan3A_100 : i32 to index
      %get3A_122 = arith.constant 48 : index
      %get3A_123 = tpu.vector_load %arg7[%get3A_121, %get3A_122] {strides = array<i32>} : memref<64x768xf32, #tpu.memory_space<vmem>>, vector<16xf32>,
      %mul3A_124 = arith.mulf %get3A_123, %gather3A : vector<16xf32>
      %swap3A_125 = arith.index_cast %scan3A_100 : i32 to index
      %swap3A_126 = arith.constant 48 : index
      %swap3A_127 = tpu.vector_load %arg7[%swap3A_125, %swap3A_126] {strides = array<i32>} : memref<64x768xf32, #tpu.memory_space<vmem>>, vector<16xf32>,
      tpu.vector_store %arg7[%swap3A_125, %swap3A_126], %mul3A_124 {strides = array<i32>} : memref<64x768xf32, #tpu.memory_space<vmem>>, vector<16xf32>,
      %get3A_128 = arith.index_cast %scan3A_100 : i32 to index
      %get3A_129 = arith.constant 64 : index
      %get3A_130 = tpu.vector_load %arg7[%get3A_128, %get3A_129] {strides = array<i32>} : memref<64x768xf32, #tpu.memory_space<vmem>>, vector<16xf32>,
      %mul3A_131 = arith.mulf %get3A_130, %gather3A : vector<16xf32>
      %swap3A_132 = arith.index_cast %scan3A_100 : i32 to index
      %swap3A_133 = arith.constant 64 : index
      %swap3A_134 = tpu.vector_load %arg7[%swap3A_132, %swap3A_133] {strides = array<i32>} : memref<64x768xf32, #tpu.memory_space<vmem>>, vector<16xf32>,
      tpu.vector_store %arg7[%swap3A_132, %swap3A_133], %mul3A_131 {strides = array<i32>} : memref<64x768xf32, #tpu.memory_space<vmem>>, vector<16xf32>,
      %get3A_135 = arith.index_cast %scan3A_100 : i32 to index
      %get3A_136 = arith.constant 80 : index
      %get3A_137 = tpu.vector_load %arg7[%get3A_135, %get3A_136] {strides = array<i32>} : memref<64x768xf32, #tpu.memory_space<vmem>>, vector<16xf32>,
      %mul3A_138 = arith.mulf %get3A_137, %gather3A : vector<16xf32>
      %swap3A_139 = arith.index_cast %scan3A_100 : i32 to index
      %swap3A_140 = arith.constant 80 : index
      %swap3A_141 = tpu.vector_load %arg7[%swap3A_139, %swap3A_140] {strides = array<i32>} : memref<64x768xf32, #tpu.memory_space<vmem>>, vector<16xf32>,
      tpu.vector_store %arg7[%swap3A_139, %swap3A_140], %mul3A_138 {strides = array<i32>} : memref<64x768xf32, #tpu.memory_space<vmem>>, vector<16xf32>,
      %get3A_142 = arith.index_cast %scan3A_100 : i32 to index
      %get3A_143 = arith.constant 96 : index
      %get3A_144 = tpu.vector_load %arg7[%get3A_142, %get3A_143] {strides = array<i32>} : memref<64x768xf32, #tpu.memory_space<vmem>>, vector<16xf32>,
      %mul3A_145 = arith.mulf %get3A_144, %gather3A : vector<16xf32>
      %swap3A_146 = arith.index_cast %scan3A_100 : i32 to index
      %swap3A_147 = arith.constant 96 : index
      %swap3A_148 = tpu.vector_load %arg7[%swap3A_146, %swap3A_147] {strides = array<i32>} : memref<64x768xf32, #tpu.memory_space<vmem>>, vector<16xf32>,
      tpu.vector_store %arg7[%swap3A_146, %swap3A_147], %mul3A_145 {strides = array<i32>} : memref<64x768xf32, #tpu.memory_space<vmem>>, vector<16xf32>,
      %get3A_149 = arith.index_cast %scan3A_100 : i32 to index
      %get3A_150 = arith.constant 112 : index
      %get3A_151 = tpu.vector_load %arg7[%get3A_149, %get3A_150] {strides = array<i32>} : memref<64x768xf32, #tpu.memory_space<vmem>>, vector<16xf32>,
      %mul3A_152 = arith.mulf %get3A_151, %gather3A : vector<16xf32>
      %swap3A_153 = arith.index_cast %scan3A_100 : i32 to index
      %swap3A_154 = arith.constant 112 : index
      %swap3A_155 = tpu.vector_load %arg7[%swap3A_153, %swap3A_154] {strides = array<i32>} : memref<64x768xf32, #tpu.memory_space<vmem>>, vector<16xf32>,
      tpu.vector_store %arg7[%swap3A_153, %swap3A_154], %mul3A_152 {strides = array<i32>} : memref<64x768xf32, #tpu.memory_space<vmem>>, vector<16xf32>,
      %get3A_156 = arith.index_cast %scan3A_100 : i32 to index
      %get3A_157 = arith.constant 128 : index
      %get3A_158 = tpu.vector_load %arg7[%get3A_156, %get3A_157] {strides = array<i32>} : memref<64x768xf32, #tpu.memory_space<vmem>>, vector<16xf32>,
      %mul3A_159 = arith.mulf %get3A_158, %gather3A : vector<16xf32>
      %swap3A_160 = arith.index_cast %scan3A_100 : i32 to index
      %swap3A_161 = arith.constant 128 : index
      %swap3A_162 = tpu.vector_load %arg7[%swap3A_160, %swap3A_161] {strides = array<i32>} : memref<64x768xf32, #tpu.memory_space<vmem>>, vector<16xf32>,
      tpu.vector_store %arg7[%swap3A_160, %swap3A_161], %mul3A_159 {strides = array<i32>} : memref<64x768xf32, #tpu.memory_space<vmem>>, vector<16xf32>,
      %get3A_163 = arith.index_cast %scan3A_100 : i32 to index
      %get3A_164 = arith.constant 144 : index
      %get3A_165 = tpu.vector_load %arg7[%get3A_163, %get3A_164] {strides = array<i32>} : memref<64x768xf32, #tpu.memory_space<vmem>>, vector<16xf32>,
      %mul3A_166 = arith.mulf %get3A_165, %gather3A : vector<16xf32>
      %swap3A_167 = arith.index_cast %scan3A_100 : i32 to index
      %swap3A_168 = arith.constant 144 : index
      %swap3A_169 = tpu.vector_load %arg7[%swap3A_167, %swap3A_168] {strides = array<i32>} : memref<64x768xf32, #tpu.memory_space<vmem>>, vector<16xf32>,
      tpu.vector_store %arg7[%swap3A_167, %swap3A_168], %mul3A_166 {strides = array<i32>} : memref<64x768xf32, #tpu.memory_space<vmem>>, vector<16xf32>,
      %get3A_170 = arith.index_cast %scan3A_100 : i32 to index
      %get3A_171 = arith.constant 160 : index
      %get3A_172 = tpu.vector_load %arg7[%get3A_170, %get3A_171] {strides = array<i32>} : memref<64x768xf32, #tpu.memory_space<vmem>>, vector<16xf32>,
      %mul3A_173 = arith.mulf %get3A_172, %gather3A : vector<16xf32>
      %swap3A_174 = arith.index_cast %scan3A_100 : i32 to index
      %swap3A_175 = arith.constant 160 : index
      %swap3A_176 = tpu.vector_load %arg7[%swap3A_174, %swap3A_175] {strides = array<i32>} : memref<64x768xf32, #tpu.memory_space<vmem>>, vector<16xf32>,
      tpu.vector_store %arg7[%swap3A_174, %swap3A_175], %mul3A_173 {strides = array<i32>} : memref<64x768xf32, #tpu.memory_space<vmem>>, vector<16xf32>,
      %get3A_177 = arith.index_cast %scan3A_100 : i32 to index
      %get3A_178 = arith.constant 176 : index
      %get3A_179 = tpu.vector_load %arg7[%get3A_177, %get3A_178] {strides = array<i32>} : memref<64x768xf32, #tpu.memory_space<vmem>>, vector<16xf32>,
      %mul3A_180 = arith.mulf %get3A_179, %gather3A : vector<16xf32>
      %swap3A_181 = arith.index_cast %scan3A_100 : i32 to index
      %swap3A_182 = arith.constant 176 : index
      %swap3A_183 = tpu.vector_load %arg7[%swap3A_181, %swap3A_182] {strides = array<i32>} : memref<64x768xf32, #tpu.memory_space<vmem>>, vector<16xf32>,
      tpu.vector_store %arg7[%swap3A_181, %swap3A_182], %mul3A_180 {strides = array<i32>} : memref<64x768xf32, #tpu.memory_space<vmem>>, vector<16xf32>,
      %get3A_184 = arith.index_cast %scan3A_100 : i32 to index
      %get3A_185 = arith.constant 192 : index
      %get3A_186 = tpu.vector_load %arg7[%get3A_184, %get3A_185] {strides = array<i32>} : memref<64x768xf32, #tpu.memory_space<vmem>>, vector<16xf32>,
      %mul3A_187 = arith.mulf %get3A_186, %gather3A : vector<16xf32>
      %swap3A_188 = arith.index_cast %scan3A_100 : i32 to index
      %swap3A_189 = arith.constant 192 : index
      %swap3A_190 = tpu.vector_load %arg7[%swap3A_188, %swap3A_189] {strides = array<i32>} : memref<64x768xf32, #tpu.memory_space<vmem>>, vector<16xf32>,
      tpu.vector_store %arg7[%swap3A_188, %swap3A_189], %mul3A_187 {strides = array<i32>} : memref<64x768xf32, #tpu.memory_space<vmem>>, vector<16xf32>,
      %get3A_191 = arith.index_cast %scan3A_100 : i32 to index
      %get3A_192 = arith.constant 208 : index
      %get3A_193 = tpu.vector_load %arg7[%get3A_191, %get3A_192] {strides = array<i32>} : memref<64x768xf32, #tpu.memory_space<vmem>>, vector<16xf32>,
      %mul3A_194 = arith.mulf %get3A_193, %gather3A : vector<16xf32>
      %swap3A_195 = arith.index_cast %scan3A_100 : i32 to index
      %swap3A_196 = arith.constant 208 : index
      %swap3A_197 = tpu.vector_load %arg7[%swap3A_195, %swap3A_196] {strides = array<i32>} : memref<64x768xf32, #tpu.memory_space<vmem>>, vector<16xf32>,
      tpu.vector_store %arg7[%swap3A_195, %swap3A_196], %mul3A_194 {strides = array<i32>} : memref<64x768xf32, #tpu.memory_space<vmem>>, vector<16xf32>,
      %get3A_198 = arith.index_cast %scan3A_100 : i32 to index
      %get3A_199 = arith.constant 224 : index
      %get3A_200 = tpu.vector_load %arg7[%get3A_198, %get3A_199] {strides = array<i32>} : memref<64x768xf32, #tpu.memory_space<vmem>>, vector<16xf32>,
      %mul3A_201 = arith.mulf %get3A_200, %gather3A : vector<16xf32>
      %swap3A_202 = arith.index_cast %scan3A_100 : i32 to index
      %swap3A_203 = arith.constant 224 : index
      %swap3A_204 = tpu.vector_load %arg7[%swap3A_202, %swap3A_203] {strides = array<i32>} : memref<64x768xf32, #tpu.memory_space<vmem>>, vector<16xf32>,
      tpu.vector_store %arg7[%swap3A_202, %swap3A_203], %mul3A_201 {strides = array<i32>} : memref<64x768xf32, #tpu.memory_space<vmem>>, vector<16xf32>,
      %get3A_205 = arith.index_cast %scan3A_100 : i32 to index
      %get3A_206 = arith.constant 240 : index
      %get3A_207 = tpu.vector_load %arg7[%get3A_205, %get3A_206] {strides = array<i32>} : memref<64x768xf32, #tpu.memory_space<vmem>>, vector<16xf32>,
      %mul3A_208 = arith.mulf %get3A_207, %gather3A : vector<16xf32>
      %swap3A_209 = arith.index_cast %scan3A_100 : i32 to index
      %swap3A_210 = arith.constant 240 : index
      %swap3A_211 = tpu.vector_load %arg7[%swap3A_209, %swap3A_210] {strides = array<i32>} : memref<64x768xf32, #tpu.memory_space<vmem>>, vector<16xf32>,
      tpu.vector_store %arg7[%swap3A_209, %swap3A_210], %mul3A_208 {strides = array<i32>} : memref<64x768xf32, #tpu.memory_space<vmem>>, vector<16xf32>,
      %get3A_212 = arith.index_cast %scan3A_100 : i32 to index
      %get3A_213 = arith.constant 256 : index
      %get3A_214 = tpu.vector_load %arg7[%get3A_212, %get3A_213] {strides = array<i32>} : memref<64x768xf32, #tpu.memory_space<vmem>>, vector<16xf32>,
      %mul3A_215 = arith.mulf %get3A_214, %gather3A : vector<16xf32>
      %swap3A_216 = arith.index_cast %scan3A_100 : i32 to index
      %swap3A_217 = arith.constant 256 : index
      %swap3A_218 = tpu.vector_load %arg7[%swap3A_216, %swap3A_217] {strides = array<i32>} : memref<64x768xf32, #tpu.memory_space<vmem>>, vector<16xf32>,
      tpu.vector_store %arg7[%swap3A_216, %swap3A_217], %mul3A_215 {strides = array<i32>} : memref<64x768xf32, #tpu.memory_space<vmem>>, vector<16xf32>,
      %get3A_219 = arith.index_cast %scan3A_100 : i32 to index
      %get3A_220 = arith.constant 272 : index
      %get3A_221 = tpu.vector_load %arg7[%get3A_219, %get3A_220] {strides = array<i32>} : memref<64x768xf32, #tpu.memory_space<vmem>>, vector<16xf32>,
      %mul3A_222 = arith.mulf %get3A_221, %gather3A : vector<16xf32>
      %swap3A_223 = arith.index_cast %scan3A_100 : i32 to index
      %swap3A_224 = arith.constant 272 : index
      %swap3A_225 = tpu.vector_load %arg7[%swap3A_223, %swap3A_224] {strides = array<i32>} : memref<64x768xf32, #tpu.memory_space<vmem>>, vector<16xf32>,
      tpu.vector_store %arg7[%swap3A_223, %swap3A_224], %mul3A_222 {strides = array<i32>} : memref<64x768xf32, #tpu.memory_space<vmem>>, vector<16xf32>,
      %get3A_226 = arith.index_cast %scan3A_100 : i32 to index
      %get3A_227 = arith.constant 288 : index
      %get3A_228 = tpu.vector_load %arg7[%get3A_226, %get3A_227] {strides = array<i32>} : memref<64x768xf32, #tpu.memory_space<vmem>>, vector<16xf32>,
      %mul3A_229 = arith.mulf %get3A_228, %gather3A : vector<16xf32>
      %swap3A_230 = arith.index_cast %scan3A_100 : i32 to index
      %swap3A_231 = arith.constant 288 : index
      %swap3A_232 = tpu.vector_load %arg7[%swap3A_230, %swap3A_231] {strides = array<i32>} : memref<64x768xf32, #tpu.memory_space<vmem>>, vector<16xf32>,
      tpu.vector_store %arg7[%swap3A_230, %swap3A_231], %mul3A_229 {strides = array<i32>} : memref<64x768xf32, #tpu.memory_space<vmem>>, vector<16xf32>,
      %get3A_233 = arith.index_cast %scan3A_100 : i32 to index
      %get3A_234 = arith.constant 304 : index
      %get3A_235 = tpu.vector_load %arg7[%get3A_233, %get3A_234] {strides = array<i32>} : memref<64x768xf32, #tpu.memory_space<vmem>>, vector<16xf32>,
      %mul3A_236 = arith.mulf %get3A_235, %gather3A : vector<16xf32>
      %swap3A_237 = arith.index_cast %scan3A_100 : i32 to index
      %swap3A_238 = arith.constant 304 : index
      %swap3A_239 = tpu.vector_load %arg7[%swap3A_237, %swap3A_238] {strides = array<i32>} : memref<64x768xf32, #tpu.memory_space<vmem>>, vector<16xf32>,
      tpu.vector_store %arg7[%swap3A_237, %swap3A_238], %mul3A_236 {strides = array<i32>} : memref<64x768xf32, #tpu.memory_space<vmem>>, vector<16xf32>,
      %get3A_240 = arith.index_cast %scan3A_100 : i32 to index
      %get3A_241 = arith.constant 320 : index
      %get3A_242 = tpu.vector_load %arg7[%get3A_240, %get3A_241] {strides = array<i32>} : memref<64x768xf32, #tpu.memory_space<vmem>>, vector<16xf32>,
      %mul3A_243 = arith.mulf %get3A_242, %gather3A : vector<16xf32>
      %swap3A_244 = arith.index_cast %scan3A_100 : i32 to index
      %swap3A_245 = arith.constant 320 : index
      %swap3A_246 = tpu.vector_load %arg7[%swap3A_244, %swap3A_245] {strides = array<i32>} : memref<64x768xf32, #tpu.memory_space<vmem>>, vector<16xf32>,
      tpu.vector_store %arg7[%swap3A_244, %swap3A_245], %mul3A_243 {strides = array<i32>} : memref<64x768xf32, #tpu.memory_space<vmem>>, vector<16xf32>,
      %get3A_247 = arith.index_cast %scan3A_100 : i32 to index
      %get3A_248 = arith.constant 336 : index
      %get3A_249 = tpu.vector_load %arg7[%get3A_247, %get3A_248] {strides = array<i32>} : memref<64x768xf32, #tpu.memory_space<vmem>>, vector<16xf32>,
      %mul3A_250 = arith.mulf %get3A_249, %gather3A : vector<16xf32>
      %swap3A_251 = arith.index_cast %scan3A_100 : i32 to index
      %swap3A_252 = arith.constant 336 : index
      %swap3A_253 = tpu.vector_load %arg7[%swap3A_251, %swap3A_252] {strides = array<i32>} : memref<64x768xf32, #tpu.memory_space<vmem>>, vector<16xf32>,
      tpu.vector_store %arg7[%swap3A_251, %swap3A_252], %mul3A_250 {strides = array<i32>} : memref<64x768xf32, #tpu.memory_space<vmem>>, vector<16xf32>,
      %get3A_254 = arith.index_cast %scan3A_100 : i32 to index
      %get3A_255 = arith.constant 352 : index
      %get3A_256 = tpu.vector_load %arg7[%get3A_254, %get3A_255] {strides = array<i32>} : memref<64x768xf32, #tpu.memory_space<vmem>>, vector<16xf32>,
      %mul3A_257 = arith.mulf %get3A_256, %gather3A : vector<16xf32>
      %swap3A_258 = arith.index_cast %scan3A_100 : i32 to index
      %swap3A_259 = arith.constant 352 : index
      %swap3A_260 = tpu.vector_load %arg7[%swap3A_258, %swap3A_259] {strides = array<i32>} : memref<64x768xf32, #tpu.memory_space<vmem>>, vector<16xf32>,
      tpu.vector_store %arg7[%swap3A_258, %swap3A_259], %mul3A_257 {strides = array<i32>} : memref<64x768xf32, #tpu.memory_space<vmem>>, vector<16xf32>,
      %get3A_261 = arith.index_cast %scan3A_100 : i32 to index
      %get3A_262 = arith.constant 368 : index
      %get3A_263 = tpu.vector_load %arg7[%get3A_261, %get3A_262] {strides = array<i32>} : memref<64x768xf32, #tpu.memory_space<vmem>>, vector<16xf32>,
      %mul3A_264 = arith.mulf %get3A_263, %gather3A : vector<16xf32>
      %swap3A_265 = arith.index_cast %scan3A_100 : i32 to index
      %swap3A_266 = arith.constant 368 : index
      %swap3A_267 = tpu.vector_load %arg7[%swap3A_265, %swap3A_266] {strides = array<i32>} : memref<64x768xf32, #tpu.memory_space<vmem>>, vector<16xf32>,
      tpu.vector_store %arg7[%swap3A_265, %swap3A_266], %mul3A_264 {strides = array<i32>} : memref<64x768xf32, #tpu.memory_space<vmem>>, vector<16xf32>,
      %get3A_268 = arith.index_cast %scan3A_100 : i32 to index
      %get3A_269 = arith.constant 384 : index
      %get3A_270 = tpu.vector_load %arg7[%get3A_268, %get3A_269] {strides = array<i32>} : memref<64x768xf32, #tpu.memory_space<vmem>>, vector<16xf32>,
      %mul3A_271 = arith.mulf %get3A_270, %gather3A : vector<16xf32>
      %swap3A_272 = arith.index_cast %scan3A_100 : i32 to index
      %swap3A_273 = arith.constant 384 : index
      %swap3A_274 = tpu.vector_load %arg7[%swap3A_272, %swap3A_273] {strides = array<i32>} : memref<64x768xf32, #tpu.memory_space<vmem>>, vector<16xf32>,
      tpu.vector_store %arg7[%swap3A_272, %swap3A_273], %mul3A_271 {strides = array<i32>} : memref<64x768xf32, #tpu.memory_space<vmem>>, vector<16xf32>,
      %get3A_275 = arith.index_cast %scan3A_100 : i32 to index
      %get3A_276 = arith.constant 400 : index
      %get3A_277 = tpu.vector_load %arg7[%get3A_275, %get3A_276] {strides = array<i32>} : memref<64x768xf32, #tpu.memory_space<vmem>>, vector<16xf32>,
      %mul3A_278 = arith.mulf %get3A_277, %gather3A : vector<16xf32>
      %swap3A_279 = arith.index_cast %scan3A_100 : i32 to index
      %swap3A_280 = arith.constant 400 : index
      %swap3A_281 = tpu.vector_load %arg7[%swap3A_279, %swap3A_280] {strides = array<i32>} : memref<64x768xf32, #tpu.memory_space<vmem>>, vector<16xf32>,
      tpu.vector_store %arg7[%swap3A_279, %swap3A_280], %mul3A_278 {strides = array<i32>} : memref<64x768xf32, #tpu.memory_space<vmem>>, vector<16xf32>,
      %get3A_282 = arith.index_cast %scan3A_100 : i32 to index
      %get3A_283 = arith.constant 416 : index
      %get3A_284 = tpu.vector_load %arg7[%get3A_282, %get3A_283] {strides = array<i32>} : memref<64x768xf32, #tpu.memory_space<vmem>>, vector<16xf32>,
      %mul3A_285 = arith.mulf %get3A_284, %gather3A : vector<16xf32>
      %swap3A_286 = arith.index_cast %scan3A_100 : i32 to index
      %swap3A_287 = arith.constant 416 : index
      %swap3A_288 = tpu.vector_load %arg7[%swap3A_286, %swap3A_287] {strides = array<i32>} : memref<64x768xf32, #tpu.memory_space<vmem>>, vector<16xf32>,
      tpu.vector_store %arg7[%swap3A_286, %swap3A_287], %mul3A_285 {strides = array<i32>} : memref<64x768xf32, #tpu.memory_space<vmem>>, vector<16xf32>,
      %get3A_289 = arith.index_cast %scan3A_100 : i32 to index
      %get3A_290 = arith.constant 432 : index
      %get3A_291 = tpu.vector_load %arg7[%get3A_289, %get3A_290] {strides = array<i32>} : memref<64x768xf32, #tpu.memory_space<vmem>>, vector<16xf32>,
      %mul3A_292 = arith.mulf %get3A_291, %gather3A : vector<16xf32>
      %swap3A_293 = arith.index_cast %scan3A_100 : i32 to index
      %swap3A_294 = arith.constant 432 : index
      %swap3A_295 = tpu.vector_load %arg7[%swap3A_293, %swap3A_294] {strides = array<i32>} : memref<64x768xf32, #tpu.memory_space<vmem>>, vector<16xf32>,
      tpu.vector_store %arg7[%swap3A_293, %swap3A_294], %mul3A_292 {strides = array<i32>} : memref<64x768xf32, #tpu.memory_space<vmem>>, vector<16xf32>,
      %get3A_296 = arith.index_cast %scan3A_100 : i32 to index
      %get3A_297 = arith.constant 448 : index
      %get3A_298 = tpu.vector_load %arg7[%get3A_296, %get3A_297] {strides = array<i32>} : memref<64x768xf32, #tpu.memory_space<vmem>>, vector<16xf32>,
      %mul3A_299 = arith.mulf %get3A_298, %gather3A : vector<16xf32>
      %swap3A_300 = arith.index_cast %scan3A_100 : i32 to index
      %swap3A_301 = arith.constant 448 : index
      %swap3A_302 = tpu.vector_load %arg7[%swap3A_300, %swap3A_301] {strides = array<i32>} : memref<64x768xf32, #tpu.memory_space<vmem>>, vector<16xf32>,
      tpu.vector_store %arg7[%swap3A_300, %swap3A_301], %mul3A_299 {strides = array<i32>} : memref<64x768xf32, #tpu.memory_space<vmem>>, vector<16xf32>,
      %get3A_303 = arith.index_cast %scan3A_100 : i32 to index
      %get3A_304 = arith.constant 464 : index
      %get3A_305 = tpu.vector_load %arg7[%get3A_303, %get3A_304] {strides = array<i32>} : memref<64x768xf32, #tpu.memory_space<vmem>>, vector<16xf32>,
      %mul3A_306 = arith.mulf %get3A_305, %gather3A : vector<16xf32>
      %swap3A_307 = arith.index_cast %scan3A_100 : i32 to index
      %swap3A_308 = arith.constant 464 : index
      %swap3A_309 = tpu.vector_load %arg7[%swap3A_307, %swap3A_308] {strides = array<i32>} : memref<64x768xf32, #tpu.memory_space<vmem>>, vector<16xf32>,
      tpu.vector_store %arg7[%swap3A_307, %swap3A_308], %mul3A_306 {strides = array<i32>} : memref<64x768xf32, #tpu.memory_space<vmem>>, vector<16xf32>,
      %get3A_310 = arith.index_cast %scan3A_100 : i32 to index
      %get3A_311 = arith.constant 480 : index
      %get3A_312 = tpu.vector_load %arg7[%get3A_310, %get3A_311] {strides = array<i32>} : memref<64x768xf32, #tpu.memory_space<vmem>>, vector<16xf32>,
      %mul3A_313 = arith.mulf %get3A_312, %gather3A : vector<16xf32>
      %swap3A_314 = arith.index_cast %scan3A_100 : i32 to index
      %swap3A_315 = arith.constant 480 : index
      %swap3A_316 = tpu.vector_load %arg7[%swap3A_314, %swap3A_315] {strides = array<i32>} : memref<64x768xf32, #tpu.memory_space<vmem>>, vector<16xf32>,
      tpu.vector_store %arg7[%swap3A_314, %swap3A_315], %mul3A_313 {strides = array<i32>} : memref<64x768xf32, #tpu.memory_space<vmem>>, vector<16xf32>,
      %get3A_317 = arith.index_cast %scan3A_100 : i32 to index
      %get3A_318 = arith.constant 496 : index
      %get3A_319 = tpu.vector_load %arg7[%get3A_317, %get3A_318] {strides = array<i32>} : memref<64x768xf32, #tpu.memory_space<vmem>>, vector<16xf32>,
      %mul3A_320 = arith.mulf %get3A_319, %gather3A : vector<16xf32>
      %swap3A_321 = arith.index_cast %scan3A_100 : i32 to index
      %swap3A_322 = arith.constant 496 : index
      %swap3A_323 = tpu.vector_load %arg7[%swap3A_321, %swap3A_322] {strides = array<i32>} : memref<64x768xf32, #tpu.memory_space<vmem>>, vector<16xf32>,
      tpu.vector_store %arg7[%swap3A_321, %swap3A_322], %mul3A_320 {strides = array<i32>} : memref<64x768xf32, #tpu.memory_space<vmem>>, vector<16xf32>,
      %get3A_324 = arith.index_cast %scan3A_100 : i32 to index
      %get3A_325 = arith.constant 512 : index
      %get3A_326 = tpu.vector_load %arg7[%get3A_324, %get3A_325] {strides = array<i32>} : memref<64x768xf32, #tpu.memory_space<vmem>>, vector<16xf32>,
      %mul3A_327 = arith.mulf %get3A_326, %gather3A : vector<16xf32>
      %swap3A_328 = arith.index_cast %scan3A_100 : i32 to index
      %swap3A_329 = arith.constant 512 : index
      %swap3A_330 = tpu.vector_load %arg7[%swap3A_328, %swap3A_329] {strides = array<i32>} : memref<64x768xf32, #tpu.memory_space<vmem>>, vector<16xf32>,
      tpu.vector_store %arg7[%swap3A_328, %swap3A_329], %mul3A_327 {strides = array<i32>} : memref<64x768xf32, #tpu.memory_space<vmem>>, vector<16xf32>,
      %get3A_331 = arith.index_cast %scan3A_100 : i32 to index
      %get3A_332 = arith.constant 528 : index
      %get3A_333 = tpu.vector_load %arg7[%get3A_331, %get3A_332] {strides = array<i32>} : memref<64x768xf32, #tpu.memory_space<vmem>>, vector<16xf32>,
      %mul3A_334 = arith.mulf %get3A_333, %gather3A : vector<16xf32>
      %swap3A_335 = arith.index_cast %scan3A_100 : i32 to index
      %swap3A_336 = arith.constant 528 : index
      %swap3A_337 = tpu.vector_load %arg7[%swap3A_335, %swap3A_336] {strides = array<i32>} : memref<64x768xf32, #tpu.memory_space<vmem>>, vector<16xf32>,
      tpu.vector_store %arg7[%swap3A_335, %swap3A_336], %mul3A_334 {strides = array<i32>} : memref<64x768xf32, #tpu.memory_space<vmem>>, vector<16xf32>,
      %get3A_338 = arith.index_cast %scan3A_100 : i32 to index
      %get3A_339 = arith.constant 544 : index
      %get3A_340 = tpu.vector_load %arg7[%get3A_338, %get3A_339] {strides = array<i32>} : memref<64x768xf32, #tpu.memory_space<vmem>>, vector<16xf32>,
      %mul3A_341 = arith.mulf %get3A_340, %gather3A : vector<16xf32>
      %swap3A_342 = arith.index_cast %scan3A_100 : i32 to index
      %swap3A_343 = arith.constant 544 : index
      %swap3A_344 = tpu.vector_load %arg7[%swap3A_342, %swap3A_343] {strides = array<i32>} : memref<64x768xf32, #tpu.memory_space<vmem>>, vector<16xf32>,
      tpu.vector_store %arg7[%swap3A_342, %swap3A_343], %mul3A_341 {strides = array<i32>} : memref<64x768xf32, #tpu.memory_space<vmem>>, vector<16xf32>,
      %get3A_345 = arith.index_cast %scan3A_100 : i32 to index
      %get3A_346 = arith.constant 560 : index
      %get3A_347 = tpu.vector_load %arg7[%get3A_345, %get3A_346] {strides = array<i32>} : memref<64x768xf32, #tpu.memory_space<vmem>>, vector<16xf32>,
      %mul3A_348 = arith.mulf %get3A_347, %gather3A : vector<16xf32>
      %swap3A_349 = arith.index_cast %scan3A_100 : i32 to index
      %swap3A_350 = arith.constant 560 : index
      %swap3A_351 = tpu.vector_load %arg7[%swap3A_349, %swap3A_350] {strides = array<i32>} : memref<64x768xf32, #tpu.memory_space<vmem>>, vector<16xf32>,
      tpu.vector_store %arg7[%swap3A_349, %swap3A_350], %mul3A_348 {strides = array<i32>} : memref<64x768xf32, #tpu.memory_space<vmem>>, vector<16xf32>,
      %get3A_352 = arith.index_cast %scan3A_100 : i32 to index
      %get3A_353 = arith.constant 576 : index
      %get3A_354 = tpu.vector_load %arg7[%get3A_352, %get3A_353] {strides = array<i32>} : memref<64x768xf32, #tpu.memory_space<vmem>>, vector<16xf32>,
      %mul3A_355 = arith.mulf %get3A_354, %gather3A : vector<16xf32>
      %swap3A_356 = arith.index_cast %scan3A_100 : i32 to index
      %swap3A_357 = arith.constant 576 : index
      %swap3A_358 = tpu.vector_load %arg7[%swap3A_356, %swap3A_357] {strides = array<i32>} : memref<64x768xf32, #tpu.memory_space<vmem>>, vector<16xf32>,
      tpu.vector_store %arg7[%swap3A_356, %swap3A_357], %mul3A_355 {strides = array<i32>} : memref<64x768xf32, #tpu.memory_space<vmem>>, vector<16xf32>,
      %get3A_359 = arith.index_cast %scan3A_100 : i32 to index
      %get3A_360 = arith.constant 592 : index
      %get3A_361 = tpu.vector_load %arg7[%get3A_359, %get3A_360] {strides = array<i32>} : memref<64x768xf32, #tpu.memory_space<vmem>>, vector<16xf32>,
      %mul3A_362 = arith.mulf %get3A_361, %gather3A : vector<16xf32>
      %swap3A_363 = arith.index_cast %scan3A_100 : i32 to index
      %swap3A_364 = arith.constant 592 : index
      %swap3A_365 = tpu.vector_load %arg7[%swap3A_363, %swap3A_364] {strides = array<i32>} : memref<64x768xf32, #tpu.memory_space<vmem>>, vector<16xf32>,
      tpu.vector_store %arg7[%swap3A_363, %swap3A_364], %mul3A_362 {strides = array<i32>} : memref<64x768xf32, #tpu.memory_space<vmem>>, vector<16xf32>,
      %get3A_366 = arith.index_cast %scan3A_100 : i32 to index
      %get3A_367 = arith.constant 608 : index
      %get3A_368 = tpu.vector_load %arg7[%get3A_366, %get3A_367] {strides = array<i32>} : memref<64x768xf32, #tpu.memory_space<vmem>>, vector<16xf32>,
      %mul3A_369 = arith.mulf %get3A_368, %gather3A : vector<16xf32>
      %swap3A_370 = arith.index_cast %scan3A_100 : i32 to index
      %swap3A_371 = arith.constant 608 : index
      %swap3A_372 = tpu.vector_load %arg7[%swap3A_370, %swap3A_371] {strides = array<i32>} : memref<64x768xf32, #tpu.memory_space<vmem>>, vector<16xf32>,
      tpu.vector_store %arg7[%swap3A_370, %swap3A_371], %mul3A_369 {strides = array<i32>} : memref<64x768xf32, #tpu.memory_space<vmem>>, vector<16xf32>,
      %get3A_373 = arith.index_cast %scan3A_100 : i32 to index
      %get3A_374 = arith.constant 624 : index
      %get3A_375 = tpu.vector_load %arg7[%get3A_373, %get3A_374] {strides = array<i32>} : memref<64x768xf32, #tpu.memory_space<vmem>>, vector<16xf32>,
      %mul3A_376 = arith.mulf %get3A_375, %gather3A : vector<16xf32>
      %swap3A_377 = arith.index_cast %scan3A_100 : i32 to index
      %swap3A_378 = arith.constant 624 : index
      %swap3A_379 = tpu.vector_load %arg7[%swap3A_377, %swap3A_378] {strides = array<i32>} : memref<64x768xf32, #tpu.memory_space<vmem>>, vector<16xf32>,
      tpu.vector_store %arg7[%swap3A_377, %swap3A_378], %mul3A_376 {strides = array<i32>} : memref<64x768xf32, #tpu.memory_space<vmem>>, vector<16xf32>,
      %get3A_380 = arith.index_cast %scan3A_100 : i32 to index
      %get3A_381 = arith.constant 640 : index
      %get3A_382 = tpu.vector_load %arg7[%get3A_380, %get3A_381] {strides = array<i32>} : memref<64x768xf32, #tpu.memory_space<vmem>>, vector<16xf32>,
      %mul3A_383 = arith.mulf %get3A_382, %gather3A : vector<16xf32>
      %swap3A_384 = arith.index_cast %scan3A_100 : i32 to index
      %swap3A_385 = arith.constant 640 : index
      %swap3A_386 = tpu.vector_load %arg7[%swap3A_384, %swap3A_385] {strides = array<i32>} : memref<64x768xf32, #tpu.memory_space<vmem>>, vector<16xf32>,
      tpu.vector_store %arg7[%swap3A_384, %swap3A_385], %mul3A_383 {strides = array<i32>} : memref<64x768xf32, #tpu.memory_space<vmem>>, vector<16xf32>,
      %get3A_387 = arith.index_cast %scan3A_100 : i32 to index
      %get3A_388 = arith.constant 656 : index
      %get3A_389 = tpu.vector_load %arg7[%get3A_387, %get3A_388] {strides = array<i32>} : memref<64x768xf32, #tpu.memory_space<vmem>>, vector<16xf32>,
      %mul3A_390 = arith.mulf %get3A_389, %gather3A : vector<16xf32>
      %swap3A_391 = arith.index_cast %scan3A_100 : i32 to index
      %swap3A_392 = arith.constant 656 : index
      %swap3A_393 = tpu.vector_load %arg7[%swap3A_391, %swap3A_392] {strides = array<i32>} : memref<64x768xf32, #tpu.memory_space<vmem>>, vector<16xf32>,
      tpu.vector_store %arg7[%swap3A_391, %swap3A_392], %mul3A_390 {strides = array<i32>} : memref<64x768xf32, #tpu.memory_space<vmem>>, vector<16xf32>,
      %get3A_394 = arith.index_cast %scan3A_100 : i32 to index
      %get3A_395 = arith.constant 672 : index
      %get3A_396 = tpu.vector_load %arg7[%get3A_394, %get3A_395] {strides = array<i32>} : memref<64x768xf32, #tpu.memory_space<vmem>>, vector<16xf32>,
      %mul3A_397 = arith.mulf %get3A_396, %gather3A : vector<16xf32>
      %swap3A_398 = arith.index_cast %scan3A_100 : i32 to index
      %swap3A_399 = arith.constant 672 : index
      %swap3A_400 = tpu.vector_load %arg7[%swap3A_398, %swap3A_399] {strides = array<i32>} : memref<64x768xf32, #tpu.memory_space<vmem>>, vector<16xf32>,
      tpu.vector_store %arg7[%swap3A_398, %swap3A_399], %mul3A_397 {strides = array<i32>} : memref<64x768xf32, #tpu.memory_space<vmem>>, vector<16xf32>,
      %get3A_401 = arith.index_cast %scan3A_100 : i32 to index
      %get3A_402 = arith.constant 688 : index
      %get3A_403 = tpu.vector_load %arg7[%get3A_401, %get3A_402] {strides = array<i32>} : memref<64x768xf32, #tpu.memory_space<vmem>>, vector<16xf32>,
      %mul3A_404 = arith.mulf %get3A_403, %gather3A : vector<16xf32>
      %swap3A_405 = arith.index_cast %scan3A_100 : i32 to index
      %swap3A_406 = arith.constant 688 : index
      %swap3A_407 = tpu.vector_load %arg7[%swap3A_405, %swap3A_406] {strides = array<i32>} : memref<64x768xf32, #tpu.memory_space<vmem>>, vector<16xf32>,
      tpu.vector_store %arg7[%swap3A_405, %swap3A_406], %mul3A_404 {strides = array<i32>} : memref<64x768xf32, #tpu.memory_space<vmem>>, vector<16xf32>,
      %get3A_408 = arith.index_cast %scan3A_100 : i32 to index
      %get3A_409 = arith.constant 704 : index
      %get3A_410 = tpu.vector_load %arg7[%get3A_408, %get3A_409] {strides = array<i32>} : memref<64x768xf32, #tpu.memory_space<vmem>>, vector<16xf32>,
      %mul3A_411 = arith.mulf %get3A_410, %gather3A : vector<16xf32>
      %swap3A_412 = arith.index_cast %scan3A_100 : i32 to index
      %swap3A_413 = arith.constant 704 : index
      %swap3A_414 = tpu.vector_load %arg7[%swap3A_412, %swap3A_413] {strides = array<i32>} : memref<64x768xf32, #tpu.memory_space<vmem>>, vector<16xf32>,
      tpu.vector_store %arg7[%swap3A_412, %swap3A_413], %mul3A_411 {strides = array<i32>} : memref<64x768xf32, #tpu.memory_space<vmem>>, vector<16xf32>,
      %get3A_415 = arith.index_cast %scan3A_100 : i32 to index
      %get3A_416 = arith.constant 720 : index
      %get3A_417 = tpu.vector_load %arg7[%get3A_415, %get3A_416] {strides = array<i32>} : memref<64x768xf32, #tpu.memory_space<vmem>>, vector<16xf32>,
      %mul3A_418 = arith.mulf %get3A_417, %gather3A : vector<16xf32>
      %swap3A_419 = arith.index_cast %scan3A_100 : i32 to index
      %swap3A_420 = arith.constant 720 : index
      %swap3A_421 = tpu.vector_load %arg7[%swap3A_419, %swap3A_420] {strides = array<i32>} : memref<64x768xf32, #tpu.memory_space<vmem>>, vector<16xf32>,
      tpu.vector_store %arg7[%swap3A_419, %swap3A_420], %mul3A_418 {strides = array<i32>} : memref<64x768xf32, #tpu.memory_space<vmem>>, vector<16xf32>,
      %get3A_422 = arith.index_cast %scan3A_100 : i32 to index
      %get3A_423 = arith.constant 736 : index
      %get3A_424 = tpu.vector_load %arg7[%get3A_422, %get3A_423] {strides = array<i32>} : memref<64x768xf32, #tpu.memory_space<vmem>>, vector<16xf32>,
      %mul3A_425 = arith.mulf %get3A_424, %gather3A : vector<16xf32>
      %swap3A_426 = arith.index_cast %scan3A_100 : i32 to index
      %swap3A_427 = arith.constant 736 : index
      %swap3A_428 = tpu.vector_load %arg7[%swap3A_426, %swap3A_427] {strides = array<i32>} : memref<64x768xf32, #tpu.memory_space<vmem>>, vector<16xf32>,
      tpu.vector_store %arg7[%swap3A_426, %swap3A_427], %mul3A_425 {strides = array<i32>} : memref<64x768xf32, #tpu.memory_space<vmem>>, vector<16xf32>,
      %get3A_429 = arith.index_cast %scan3A_100 : i32 to index
      %get3A_430 = arith.constant 752 : index
      %get3A_431 = tpu.vector_load %arg7[%get3A_429, %get3A_430] {strides = array<i32>} : memref<64x768xf32, #tpu.memory_space<vmem>>, vector<16xf32>,
      %mul3A_432 = arith.mulf %get3A_431, %gather3A : vector<16xf32>
      %swap3A_433 = arith.index_cast %scan3A_100 : i32 to index
      %swap3A_434 = arith.constant 752 : index
      %swap3A_435 = tpu.vector_load %arg7[%swap3A_433, %swap3A_434] {strides = array<i32>} : memref<64x768xf32, #tpu.memory_space<vmem>>, vector<16xf32>,
      tpu.vector_store %arg7[%swap3A_433, %swap3A_434], %mul3A_432 {strides = array<i32>} : memref<64x768xf32, #tpu.memory_space<vmem>>, vector<16xf32>,
      %scan3A_436 = arith.constant 0 : i32
      scf.yield %scan3A_436 : i32
    }
    %scan3A_44 = arith.constant 64 : i32
    %add3A_45 = arith.constant 64 : i32
    %add3A_46 = arith.addi %mul3A_2, %add3A_45 : i32
    %dma_start3A_47 = arith.constant 0 : i32
    %dma_start3A_48 = tpu.memref_slice %arg5[%add3A_46, %dma_start3A_47] : memref<8192x768xf32, #tpu.memory_space<hbm>> -> memref<64x768xf32, #tpu.memory_space<hbm>>
    %dma_start3A_49 = arith.constant 0 : i32
    %dma_start3A_50 = tpu.memref_slice %arg5[%add3A_46, %dma_start3A_49] : memref<8192x768xf32, #tpu.memory_space<hbm>> -> memref<64x768xf32, #tpu.memory_space<hbm>>
    tpu.enqueue_dma source(%arg7 : memref<64x768xf32, #tpu.memory_space<vmem>>) target(%dma_start3A_50 : memref<64x768xf32, #tpu.memory_space<hbm>>) target_semaphore(%arg15 : memref<!tpu.dma_semaphore, #tpu.memory_space<semaphore_mem>>)
    %dma_wait3A_51 = arith.constant 0 : i32
    %dma_wait3A_52 = tpu.memref_slice %arg5[%add3A_46, %dma_wait3A_51] : memref<8192x768xf32, #tpu.memory_space<hbm>> -> memref<64x768xf32, #tpu.memory_space<hbm>>
    %dma_wait3A_53 = arith.constant 0 : i32
    %dma_wait3A_54 = tpu.memref_slice %arg5[%add3A_46, %dma_wait3A_53] : memref<8192x768xf32, #tpu.memory_space<hbm>> -> memref<64x768xf32, #tpu.memory_space<hbm>>
    tpu.wait_dma2 semaphore(%arg15 : memref<!tpu.dma_semaphore, #tpu.memory_space<semaphore_mem>>) src(%arg7 : memref<64x768xf32, #tpu.memory_space<vmem>>) dst(%dma_wait3A_54 : memref<64x768xf32, #tpu.memory_space<hbm>>)
    %add3A_55 = arith.constant 192 : i32
    %add3A_56 = arith.addi %mul3A_2, %add3A_55 : i32
    "tpu.region"() ({
      %run_scoped3A = tpu.sem_alloc : memref<!tpu.dma_semaphore, #tpu.memory_space<semaphore_mem>>
      %dma_start3A_100 = tpu.memref_slice %arg3[%add3A_56] : memref<8192xi32, #tpu.memory_space<hbm>> -> memref<64xi32, #tpu.memory_space<hbm>>
      %dma_start3A_101 = tpu.memref_slice %arg3[%add3A_56] : memref<8192xi32, #tpu.memory_space<hbm>> -> memref<64xi32, #tpu.memory_space<hbm>>
      tpu.enqueue_dma source(%dma_start3A_101 : memref<64xi32, #tpu.memory_space<hbm>>) target(%arg9 : memref<64xi32, #tpu.memory_space<vmem>>) target_semaphore(%run_scoped3A : memref<!tpu.dma_semaphore, #tpu.memory_space<semaphore_mem>>)
      %dma_wait3A_102 = tpu.memref_slice %arg3[%add3A_56] : memref<8192xi32, #tpu.memory_space<hbm>> -> memref<64xi32, #tpu.memory_space<hbm>>
      %dma_wait3A_103 = tpu.memref_slice %arg3[%add3A_56] : memref<8192xi32, #tpu.memory_space<hbm>> -> memref<64xi32, #tpu.memory_space<hbm>>
      tpu.wait_dma2 semaphore(%run_scoped3A : memref<!tpu.dma_semaphore, #tpu.memory_space<semaphore_mem>>) src(%dma_wait3A_103 : memref<64xi32, #tpu.memory_space<hbm>>) dst(%arg9 : memref<64xi32, #tpu.memory_space<vmem>>)
      tpu.yield
    }) : () -> ()
    "tpu.region"() ({
      %run_scoped3A = tpu.sem_alloc : memref<!tpu.dma_semaphore, #tpu.memory_space<semaphore_mem>>
      %dma_start3A_100 = tpu.memref_slice %arg4[%add3A_56] : memref<8192xf32, #tpu.memory_space<hbm>> -> memref<64xf32, #tpu.memory_space<hbm>>
      %dma_start3A_101 = tpu.memref_slice %arg4[%add3A_56] : memref<8192xf32, #tpu.memory_space<hbm>> -> memref<64xf32, #tpu.memory_space<hbm>>
      tpu.enqueue_dma source(%dma_start3A_101 : memref<64xf32, #tpu.memory_space<hbm>>) target(%arg11 : memref<64xf32, #tpu.memory_space<vmem>>) target_semaphore(%run_scoped3A : memref<!tpu.dma_semaphore, #tpu.memory_space<semaphore_mem>>)
      %dma_wait3A_102 = tpu.memref_slice %arg4[%add3A_56] : memref<8192xf32, #tpu.memory_space<hbm>> -> memref<64xf32, #tpu.memory_space<hbm>>
      %dma_wait3A_103 = tpu.memref_slice %arg4[%add3A_56] : memref<8192xf32, #tpu.memory_space<hbm>> -> memref<64xf32, #tpu.memory_space<hbm>>
      tpu.wait_dma2 semaphore(%run_scoped3A : memref<!tpu.dma_semaphore, #tpu.memory_space<semaphore_mem>>) src(%dma_wait3A_103 : memref<64xf32, #tpu.memory_space<hbm>>) dst(%arg11 : memref<64xf32, #tpu.memory_space<vmem>>)
      tpu.yield
    }) : () -> ()
    %dma_start3A_57 = arith.constant 0 : i32
    %dma_start3A_58 = arith.constant 0 : i32
    %dma_start3A_59 = tpu.memref_slice %arg2[%dma_start3A_57, %dma_start3A_58] : memref<12288x768xf32, #tpu.memory_space<hbm>> -> memref<12288x768xf32, #tpu.memory_space<hbm>>
    tpu.enqueue_indirect_dma source(%dma_start3A_59 : memref<12288x768xf32, #tpu.memory_space<hbm>>) target(%arg7 : memref<64x768xf32, #tpu.memory_space<vmem>>) offsets(%arg9 : memref<64xi32, #tpu.memory_space<vmem>>) semaphore(%arg13 : memref<!tpu.dma_semaphore, #tpu.memory_space<semaphore_mem>>)
    %dma_wait3A_60 = arith.constant 0 : i32
    %dma_wait3A_61 = arith.constant 0 : i32
    %dma_wait3A_62 = tpu.memref_slice %arg2[%dma_wait3A_60, %dma_wait3A_61] : memref<12288x768xf32, #tpu.memory_space<hbm>> -> memref<12288x768xf32, #tpu.memory_space<hbm>>
    tpu.wait_indirect_dma semaphore(%arg12 : memref<!tpu.dma_semaphore, #tpu.memory_space<semaphore_mem>>) src(%dma_wait3A_62 : memref<12288x768xf32, #tpu.memory_space<hbm>>) dst(%arg6 : memref<64x768xf32, #tpu.memory_space<vmem>>)
    %scan3A_63 = arith.constant 0 : i32
    %scan3A_64 = arith.constant 0 : i32
    %scan3A_65 = arith.constant 64 : i32
    %scan3A_66 = arith.addi %scan3A_64, %scan3A_65 : i32
    %scan3A_67 = arith.constant 1 : i32
    %scan3A_68 = scf.for %scan3A_100 = %scan3A_64 to %scan3A_66 step %scan3A_67 iter_args(%scan3A_101 = %scan3A_63) -> (i32)  : i32 {
      %broadcast_in_dim3A = vector.broadcast %scan3A_100 : i32 to vector<16xi32>
      %gather3A = tpu.vector_load_idx %arg10[%broadcast_in_dim3A] : memref<64xf32, #tpu.memory_space<vmem>>[vector<16xi32>], vector<16xf32>,
      %get3A = arith.index_cast %scan3A_100 : i32 to index
      %get3A_102 = arith.constant 0 : index
      %get3A_103 = tpu.vector_load %arg6[%get3A, %get3A_102] {strides = array<i32>} : memref<64x768xf32, #tpu.memory_space<vmem>>, vector<16xf32>,
      %mul3A_104 = arith.mulf %get3A_103, %gather3A : vector<16xf32>
      %swap3A = arith.index_cast %scan3A_100 : i32 to index
      %swap3A_105 = arith.constant 0 : index
      %swap3A_106 = tpu.vector_load %arg6[%swap3A, %swap3A_105] {strides = array<i32>} : memref<64x768xf32, #tpu.memory_space<vmem>>, vector<16xf32>,
      tpu.vector_store %arg6[%swap3A, %swap3A_105], %mul3A_104 {strides = array<i32>} : memref<64x768xf32, #tpu.memory_space<vmem>>, vector<16xf32>,
      %get3A_107 = arith.index_cast %scan3A_100 : i32 to index
      %get3A_108 = arith.constant 16 : index
      %get3A_109 = tpu.vector_load %arg6[%get3A_107, %get3A_108] {strides = array<i32>} : memref<64x768xf32, #tpu.memory_space<vmem>>, vector<16xf32>,
      %mul3A_110 = arith.mulf %get3A_109, %gather3A : vector<16xf32>
      %swap3A_111 = arith.index_cast %scan3A_100 : i32 to index
      %swap3A_112 = arith.constant 16 : index
      %swap3A_113 = tpu.vector_load %arg6[%swap3A_111, %swap3A_112] {strides = array<i32>} : memref<64x768xf32, #tpu.memory_space<vmem>>, vector<16xf32>,
      tpu.vector_store %arg6[%swap3A_111, %swap3A_112], %mul3A_110 {strides = array<i32>} : memref<64x768xf32, #tpu.memory_space<vmem>>, vector<16xf32>,
      %get3A_114 = arith.index_cast %scan3A_100 : i32 to index
      %get3A_115 = arith.constant 32 : index
      %get3A_116 = tpu.vector_load %arg6[%get3A_114, %get3A_115] {strides = array<i32>} : memref<64x768xf32, #tpu.memory_space<vmem>>, vector<16xf32>,
      %mul3A_117 = arith.mulf %get3A_116, %gather3A : vector<16xf32>
      %swap3A_118 = arith.index_cast %scan3A_100 : i32 to index
      %swap3A_119 = arith.constant 32 : index
      %swap3A_120 = tpu.vector_load %arg6[%swap3A_118, %swap3A_119] {strides = array<i32>} : memref<64x768xf32, #tpu.memory_space<vmem>>, vector<16xf32>,
      tpu.vector_store %arg6[%swap3A_118, %swap3A_119], %mul3A_117 {strides = array<i32>} : memref<64x768xf32, #tpu.memory_space<vmem>>, vector<16xf32>,
      %get3A_121 = arith.index_cast %scan3A_100 : i32 to index
      %get3A_122 = arith.constant 48 : index
      %get3A_123 = tpu.vector_load %arg6[%get3A_121, %get3A_122] {strides = array<i32>} : memref<64x768xf32, #tpu.memory_space<vmem>>, vector<16xf32>,
      %mul3A_124 = arith.mulf %get3A_123, %gather3A : vector<16xf32>
      %swap3A_125 = arith.index_cast %scan3A_100 : i32 to index
      %swap3A_126 = arith.constant 48 : index
      %swap3A_127 = tpu.vector_load %arg6[%swap3A_125, %swap3A_126] {strides = array<i32>} : memref<64x768xf32, #tpu.memory_space<vmem>>, vector<16xf32>,
      tpu.vector_store %arg6[%swap3A_125, %swap3A_126], %mul3A_124 {strides = array<i32>} : memref<64x768xf32, #tpu.memory_space<vmem>>, vector<16xf32>,
      %get3A_128 = arith.index_cast %scan3A_100 : i32 to index
      %get3A_129 = arith.constant 64 : index
      %get3A_130 = tpu.vector_load %arg6[%get3A_128, %get3A_129] {strides = array<i32>} : memref<64x768xf32, #tpu.memory_space<vmem>>, vector<16xf32>,
      %mul3A_131 = arith.mulf %get3A_130, %gather3A : vector<16xf32>
      %swap3A_132 = arith.index_cast %scan3A_100 : i32 to index
      %swap3A_133 = arith.constant 64 : index
      %swap3A_134 = tpu.vector_load %arg6[%swap3A_132, %swap3A_133] {strides = array<i32>} : memref<64x768xf32, #tpu.memory_space<vmem>>, vector<16xf32>,
      tpu.vector_store %arg6[%swap3A_132, %swap3A_133], %mul3A_131 {strides = array<i32>} : memref<64x768xf32, #tpu.memory_space<vmem>>, vector<16xf32>,
      %get3A_135 = arith.index_cast %scan3A_100 : i32 to index
      %get3A_136 = arith.constant 80 : index
      %get3A_137 = tpu.vector_load %arg6[%get3A_135, %get3A_136] {strides = array<i32>} : memref<64x768xf32, #tpu.memory_space<vmem>>, vector<16xf32>,
      %mul3A_138 = arith.mulf %get3A_137, %gather3A : vector<16xf32>
      %swap3A_139 = arith.index_cast %scan3A_100 : i32 to index
      %swap3A_140 = arith.constant 80 : index
      %swap3A_141 = tpu.vector_load %arg6[%swap3A_139, %swap3A_140] {strides = array<i32>} : memref<64x768xf32, #tpu.memory_space<vmem>>, vector<16xf32>,
      tpu.vector_store %arg6[%swap3A_139, %swap3A_140], %mul3A_138 {strides = array<i32>} : memref<64x768xf32, #tpu.memory_space<vmem>>, vector<16xf32>,
      %get3A_142 = arith.index_cast %scan3A_100 : i32 to index
      %get3A_143 = arith.constant 96 : index
      %get3A_144 = tpu.vector_load %arg6[%get3A_142, %get3A_143] {strides = array<i32>} : memref<64x768xf32, #tpu.memory_space<vmem>>, vector<16xf32>,
      %mul3A_145 = arith.mulf %get3A_144, %gather3A : vector<16xf32>
      %swap3A_146 = arith.index_cast %scan3A_100 : i32 to index
      %swap3A_147 = arith.constant 96 : index
      %swap3A_148 = tpu.vector_load %arg6[%swap3A_146, %swap3A_147] {strides = array<i32>} : memref<64x768xf32, #tpu.memory_space<vmem>>, vector<16xf32>,
      tpu.vector_store %arg6[%swap3A_146, %swap3A_147], %mul3A_145 {strides = array<i32>} : memref<64x768xf32, #tpu.memory_space<vmem>>, vector<16xf32>,
      %get3A_149 = arith.index_cast %scan3A_100 : i32 to index
      %get3A_150 = arith.constant 112 : index
      %get3A_151 = tpu.vector_load %arg6[%get3A_149, %get3A_150] {strides = array<i32>} : memref<64x768xf32, #tpu.memory_space<vmem>>, vector<16xf32>,
      %mul3A_152 = arith.mulf %get3A_151, %gather3A : vector<16xf32>
      %swap3A_153 = arith.index_cast %scan3A_100 : i32 to index
      %swap3A_154 = arith.constant 112 : index
      %swap3A_155 = tpu.vector_load %arg6[%swap3A_153, %swap3A_154] {strides = array<i32>} : memref<64x768xf32, #tpu.memory_space<vmem>>, vector<16xf32>,
      tpu.vector_store %arg6[%swap3A_153, %swap3A_154], %mul3A_152 {strides = array<i32>} : memref<64x768xf32, #tpu.memory_space<vmem>>, vector<16xf32>,
      %get3A_156 = arith.index_cast %scan3A_100 : i32 to index
      %get3A_157 = arith.constant 128 : index
      %get3A_158 = tpu.vector_load %arg6[%get3A_156, %get3A_157] {strides = array<i32>} : memref<64x768xf32, #tpu.memory_space<vmem>>, vector<16xf32>,
      %mul3A_159 = arith.mulf %get3A_158, %gather3A : vector<16xf32>
      %swap3A_160 = arith.index_cast %scan3A_100 : i32 to index
      %swap3A_161 = arith.constant 128 : index
      %swap3A_162 = tpu.vector_load %arg6[%swap3A_160, %swap3A_161] {strides = array<i32>} : memref<64x768xf32, #tpu.memory_space<vmem>>, vector<16xf32>,
      tpu.vector_store %arg6[%swap3A_160, %swap3A_161], %mul3A_159 {strides = array<i32>} : memref<64x768xf32, #tpu.memory_space<vmem>>, vector<16xf32>,
      %get3A_163 = arith.index_cast %scan3A_100 : i32 to index
      %get3A_164 = arith.constant 144 : index
      %get3A_165 = tpu.vector_load %arg6[%get3A_163, %get3A_164] {strides = array<i32>} : memref<64x768xf32, #tpu.memory_space<vmem>>, vector<16xf32>,
      %mul3A_166 = arith.mulf %get3A_165, %gather3A : vector<16xf32>
      %swap3A_167 = arith.index_cast %scan3A_100 : i32 to index
      %swap3A_168 = arith.constant 144 : index
      %swap3A_169 = tpu.vector_load %arg6[%swap3A_167, %swap3A_168] {strides = array<i32>} : memref<64x768xf32, #tpu.memory_space<vmem>>, vector<16xf32>,
      tpu.vector_store %arg6[%swap3A_167, %swap3A_168], %mul3A_166 {strides = array<i32>} : memref<64x768xf32, #tpu.memory_space<vmem>>, vector<16xf32>,
      %get3A_170 = arith.index_cast %scan3A_100 : i32 to index
      %get3A_171 = arith.constant 160 : index
      %get3A_172 = tpu.vector_load %arg6[%get3A_170, %get3A_171] {strides = array<i32>} : memref<64x768xf32, #tpu.memory_space<vmem>>, vector<16xf32>,
      %mul3A_173 = arith.mulf %get3A_172, %gather3A : vector<16xf32>
      %swap3A_174 = arith.index_cast %scan3A_100 : i32 to index
      %swap3A_175 = arith.constant 160 : index
      %swap3A_176 = tpu.vector_load %arg6[%swap3A_174, %swap3A_175] {strides = array<i32>} : memref<64x768xf32, #tpu.memory_space<vmem>>, vector<16xf32>,
      tpu.vector_store %arg6[%swap3A_174, %swap3A_175], %mul3A_173 {strides = array<i32>} : memref<64x768xf32, #tpu.memory_space<vmem>>, vector<16xf32>,
      %get3A_177 = arith.index_cast %scan3A_100 : i32 to index
      %get3A_178 = arith.constant 176 : index
      %get3A_179 = tpu.vector_load %arg6[%get3A_177, %get3A_178] {strides = array<i32>} : memref<64x768xf32, #tpu.memory_space<vmem>>, vector<16xf32>,
      %mul3A_180 = arith.mulf %get3A_179, %gather3A : vector<16xf32>
      %swap3A_181 = arith.index_cast %scan3A_100 : i32 to index
      %swap3A_182 = arith.constant 176 : index
      %swap3A_183 = tpu.vector_load %arg6[%swap3A_181, %swap3A_182] {strides = array<i32>} : memref<64x768xf32, #tpu.memory_space<vmem>>, vector<16xf32>,
      tpu.vector_store %arg6[%swap3A_181, %swap3A_182], %mul3A_180 {strides = array<i32>} : memref<64x768xf32, #tpu.memory_space<vmem>>, vector<16xf32>,
      %get3A_184 = arith.index_cast %scan3A_100 : i32 to index
      %get3A_185 = arith.constant 192 : index
      %get3A_186 = tpu.vector_load %arg6[%get3A_184, %get3A_185] {strides = array<i32>} : memref<64x768xf32, #tpu.memory_space<vmem>>, vector<16xf32>,
      %mul3A_187 = arith.mulf %get3A_186, %gather3A : vector<16xf32>
      %swap3A_188 = arith.index_cast %scan3A_100 : i32 to index
      %swap3A_189 = arith.constant 192 : index
      %swap3A_190 = tpu.vector_load %arg6[%swap3A_188, %swap3A_189] {strides = array<i32>} : memref<64x768xf32, #tpu.memory_space<vmem>>, vector<16xf32>,
      tpu.vector_store %arg6[%swap3A_188, %swap3A_189], %mul3A_187 {strides = array<i32>} : memref<64x768xf32, #tpu.memory_space<vmem>>, vector<16xf32>,
      %get3A_191 = arith.index_cast %scan3A_100 : i32 to index
      %get3A_192 = arith.constant 208 : index
      %get3A_193 = tpu.vector_load %arg6[%get3A_191, %get3A_192] {strides = array<i32>} : memref<64x768xf32, #tpu.memory_space<vmem>>, vector<16xf32>,
      %mul3A_194 = arith.mulf %get3A_193, %gather3A : vector<16xf32>
      %swap3A_195 = arith.index_cast %scan3A_100 : i32 to index
      %swap3A_196 = arith.constant 208 : index
      %swap3A_197 = tpu.vector_load %arg6[%swap3A_195, %swap3A_196] {strides = array<i32>} : memref<64x768xf32, #tpu.memory_space<vmem>>, vector<16xf32>,
      tpu.vector_store %arg6[%swap3A_195, %swap3A_196], %mul3A_194 {strides = array<i32>} : memref<64x768xf32, #tpu.memory_space<vmem>>, vector<16xf32>,
      %get3A_198 = arith.index_cast %scan3A_100 : i32 to index
      %get3A_199 = arith.constant 224 : index
      %get3A_200 = tpu.vector_load %arg6[%get3A_198, %get3A_199] {strides = array<i32>} : memref<64x768xf32, #tpu.memory_space<vmem>>, vector<16xf32>,
      %mul3A_201 = arith.mulf %get3A_200, %gather3A : vector<16xf32>
      %swap3A_202 = arith.index_cast %scan3A_100 : i32 to index
      %swap3A_203 = arith.constant 224 : index
      %swap3A_204 = tpu.vector_load %arg6[%swap3A_202, %swap3A_203] {strides = array<i32>} : memref<64x768xf32, #tpu.memory_space<vmem>>, vector<16xf32>,
      tpu.vector_store %arg6[%swap3A_202, %swap3A_203], %mul3A_201 {strides = array<i32>} : memref<64x768xf32, #tpu.memory_space<vmem>>, vector<16xf32>,
      %get3A_205 = arith.index_cast %scan3A_100 : i32 to index
      %get3A_206 = arith.constant 240 : index
      %get3A_207 = tpu.vector_load %arg6[%get3A_205, %get3A_206] {strides = array<i32>} : memref<64x768xf32, #tpu.memory_space<vmem>>, vector<16xf32>,
      %mul3A_208 = arith.mulf %get3A_207, %gather3A : vector<16xf32>
      %swap3A_209 = arith.index_cast %scan3A_100 : i32 to index
      %swap3A_210 = arith.constant 240 : index
      %swap3A_211 = tpu.vector_load %arg6[%swap3A_209, %swap3A_210] {strides = array<i32>} : memref<64x768xf32, #tpu.memory_space<vmem>>, vector<16xf32>,
      tpu.vector_store %arg6[%swap3A_209, %swap3A_210], %mul3A_208 {strides = array<i32>} : memref<64x768xf32, #tpu.memory_space<vmem>>, vector<16xf32>,
      %get3A_212 = arith.index_cast %scan3A_100 : i32 to index
      %get3A_213 = arith.constant 256 : index
      %get3A_214 = tpu.vector_load %arg6[%get3A_212, %get3A_213] {strides = array<i32>} : memref<64x768xf32, #tpu.memory_space<vmem>>, vector<16xf32>,
      %mul3A_215 = arith.mulf %get3A_214, %gather3A : vector<16xf32>
      %swap3A_216 = arith.index_cast %scan3A_100 : i32 to index
      %swap3A_217 = arith.constant 256 : index
      %swap3A_218 = tpu.vector_load %arg6[%swap3A_216, %swap3A_217] {strides = array<i32>} : memref<64x768xf32, #tpu.memory_space<vmem>>, vector<16xf32>,
      tpu.vector_store %arg6[%swap3A_216, %swap3A_217], %mul3A_215 {strides = array<i32>} : memref<64x768xf32, #tpu.memory_space<vmem>>, vector<16xf32>,
      %get3A_219 = arith.index_cast %scan3A_100 : i32 to index
      %get3A_220 = arith.constant 272 : index
      %get3A_221 = tpu.vector_load %arg6[%get3A_219, %get3A_220] {strides = array<i32>} : memref<64x768xf32, #tpu.memory_space<vmem>>, vector<16xf32>,
      %mul3A_222 = arith.mulf %get3A_221, %gather3A : vector<16xf32>
      %swap3A_223 = arith.index_cast %scan3A_100 : i32 to index
      %swap3A_224 = arith.constant 272 : index
      %swap3A_225 = tpu.vector_load %arg6[%swap3A_223, %swap3A_224] {strides = array<i32>} : memref<64x768xf32, #tpu.memory_space<vmem>>, vector<16xf32>,
      tpu.vector_store %arg6[%swap3A_223, %swap3A_224], %mul3A_222 {strides = array<i32>} : memref<64x768xf32, #tpu.memory_space<vmem>>, vector<16xf32>,
      %get3A_226 = arith.index_cast %scan3A_100 : i32 to index
      %get3A_227 = arith.constant 288 : index
      %get3A_228 = tpu.vector_load %arg6[%get3A_226, %get3A_227] {strides = array<i32>} : memref<64x768xf32, #tpu.memory_space<vmem>>, vector<16xf32>,
      %mul3A_229 = arith.mulf %get3A_228, %gather3A : vector<16xf32>
      %swap3A_230 = arith.index_cast %scan3A_100 : i32 to index
      %swap3A_231 = arith.constant 288 : index
      %swap3A_232 = tpu.vector_load %arg6[%swap3A_230, %swap3A_231] {strides = array<i32>} : memref<64x768xf32, #tpu.memory_space<vmem>>, vector<16xf32>,
      tpu.vector_store %arg6[%swap3A_230, %swap3A_231], %mul3A_229 {strides = array<i32>} : memref<64x768xf32, #tpu.memory_space<vmem>>, vector<16xf32>,
      %get3A_233 = arith.index_cast %scan3A_100 : i32 to index
      %get3A_234 = arith.constant 304 : index
      %get3A_235 = tpu.vector_load %arg6[%get3A_233, %get3A_234] {strides = array<i32>} : memref<64x768xf32, #tpu.memory_space<vmem>>, vector<16xf32>,
      %mul3A_236 = arith.mulf %get3A_235, %gather3A : vector<16xf32>
      %swap3A_237 = arith.index_cast %scan3A_100 : i32 to index
      %swap3A_238 = arith.constant 304 : index
      %swap3A_239 = tpu.vector_load %arg6[%swap3A_237, %swap3A_238] {strides = array<i32>} : memref<64x768xf32, #tpu.memory_space<vmem>>, vector<16xf32>,
      tpu.vector_store %arg6[%swap3A_237, %swap3A_238], %mul3A_236 {strides = array<i32>} : memref<64x768xf32, #tpu.memory_space<vmem>>, vector<16xf32>,
      %get3A_240 = arith.index_cast %scan3A_100 : i32 to index
      %get3A_241 = arith.constant 320 : index
      %get3A_242 = tpu.vector_load %arg6[%get3A_240, %get3A_241] {strides = array<i32>} : memref<64x768xf32, #tpu.memory_space<vmem>>, vector<16xf32>,
      %mul3A_243 = arith.mulf %get3A_242, %gather3A : vector<16xf32>
      %swap3A_244 = arith.index_cast %scan3A_100 : i32 to index
      %swap3A_245 = arith.constant 320 : index
      %swap3A_246 = tpu.vector_load %arg6[%swap3A_244, %swap3A_245] {strides = array<i32>} : memref<64x768xf32, #tpu.memory_space<vmem>>, vector<16xf32>,
      tpu.vector_store %arg6[%swap3A_244, %swap3A_245], %mul3A_243 {strides = array<i32>} : memref<64x768xf32, #tpu.memory_space<vmem>>, vector<16xf32>,
      %get3A_247 = arith.index_cast %scan3A_100 : i32 to index
      %get3A_248 = arith.constant 336 : index
      %get3A_249 = tpu.vector_load %arg6[%get3A_247, %get3A_248] {strides = array<i32>} : memref<64x768xf32, #tpu.memory_space<vmem>>, vector<16xf32>,
      %mul3A_250 = arith.mulf %get3A_249, %gather3A : vector<16xf32>
      %swap3A_251 = arith.index_cast %scan3A_100 : i32 to index
      %swap3A_252 = arith.constant 336 : index
      %swap3A_253 = tpu.vector_load %arg6[%swap3A_251, %swap3A_252] {strides = array<i32>} : memref<64x768xf32, #tpu.memory_space<vmem>>, vector<16xf32>,
      tpu.vector_store %arg6[%swap3A_251, %swap3A_252], %mul3A_250 {strides = array<i32>} : memref<64x768xf32, #tpu.memory_space<vmem>>, vector<16xf32>,
      %get3A_254 = arith.index_cast %scan3A_100 : i32 to index
      %get3A_255 = arith.constant 352 : index
      %get3A_256 = tpu.vector_load %arg6[%get3A_254, %get3A_255] {strides = array<i32>} : memref<64x768xf32, #tpu.memory_space<vmem>>, vector<16xf32>,
      %mul3A_257 = arith.mulf %get3A_256, %gather3A : vector<16xf32>
      %swap3A_258 = arith.index_cast %scan3A_100 : i32 to index
      %swap3A_259 = arith.constant 352 : index
      %swap3A_260 = tpu.vector_load %arg6[%swap3A_258, %swap3A_259] {strides = array<i32>} : memref<64x768xf32, #tpu.memory_space<vmem>>, vector<16xf32>,
      tpu.vector_store %arg6[%swap3A_258, %swap3A_259], %mul3A_257 {strides = array<i32>} : memref<64x768xf32, #tpu.memory_space<vmem>>, vector<16xf32>,
      %get3A_261 = arith.index_cast %scan3A_100 : i32 to index
      %get3A_262 = arith.constant 368 : index
      %get3A_263 = tpu.vector_load %arg6[%get3A_261, %get3A_262] {strides = array<i32>} : memref<64x768xf32, #tpu.memory_space<vmem>>, vector<16xf32>,
      %mul3A_264 = arith.mulf %get3A_263, %gather3A : vector<16xf32>
      %swap3A_265 = arith.index_cast %scan3A_100 : i32 to index
      %swap3A_266 = arith.constant 368 : index
      %swap3A_267 = tpu.vector_load %arg6[%swap3A_265, %swap3A_266] {strides = array<i32>} : memref<64x768xf32, #tpu.memory_space<vmem>>, vector<16xf32>,
      tpu.vector_store %arg6[%swap3A_265, %swap3A_266], %mul3A_264 {strides = array<i32>} : memref<64x768xf32, #tpu.memory_space<vmem>>, vector<16xf32>,
      %get3A_268 = arith.index_cast %scan3A_100 : i32 to index
      %get3A_269 = arith.constant 384 : index
      %get3A_270 = tpu.vector_load %arg6[%get3A_268, %get3A_269] {strides = array<i32>} : memref<64x768xf32, #tpu.memory_space<vmem>>, vector<16xf32>,
      %mul3A_271 = arith.mulf %get3A_270, %gather3A : vector<16xf32>
      %swap3A_272 = arith.index_cast %scan3A_100 : i32 to index
      %swap3A_273 = arith.constant 384 : index
      %swap3A_274 = tpu.vector_load %arg6[%swap3A_272, %swap3A_273] {strides = array<i32>} : memref<64x768xf32, #tpu.memory_space<vmem>>, vector<16xf32>,
      tpu.vector_store %arg6[%swap3A_272, %swap3A_273], %mul3A_271 {strides = array<i32>} : memref<64x768xf32, #tpu.memory_space<vmem>>, vector<16xf32>,
      %get3A_275 = arith.index_cast %scan3A_100 : i32 to index
      %get3A_276 = arith.constant 400 : index
      %get3A_277 = tpu.vector_load %arg6[%get3A_275, %get3A_276] {strides = array<i32>} : memref<64x768xf32, #tpu.memory_space<vmem>>, vector<16xf32>,
      %mul3A_278 = arith.mulf %get3A_277, %gather3A : vector<16xf32>
      %swap3A_279 = arith.index_cast %scan3A_100 : i32 to index
      %swap3A_280 = arith.constant 400 : index
      %swap3A_281 = tpu.vector_load %arg6[%swap3A_279, %swap3A_280] {strides = array<i32>} : memref<64x768xf32, #tpu.memory_space<vmem>>, vector<16xf32>,
      tpu.vector_store %arg6[%swap3A_279, %swap3A_280], %mul3A_278 {strides = array<i32>} : memref<64x768xf32, #tpu.memory_space<vmem>>, vector<16xf32>,
      %get3A_282 = arith.index_cast %scan3A_100 : i32 to index
      %get3A_283 = arith.constant 416 : index
      %get3A_284 = tpu.vector_load %arg6[%get3A_282, %get3A_283] {strides = array<i32>} : memref<64x768xf32, #tpu.memory_space<vmem>>, vector<16xf32>,
      %mul3A_285 = arith.mulf %get3A_284, %gather3A : vector<16xf32>
      %swap3A_286 = arith.index_cast %scan3A_100 : i32 to index
      %swap3A_287 = arith.constant 416 : index
      %swap3A_288 = tpu.vector_load %arg6[%swap3A_286, %swap3A_287] {strides = array<i32>} : memref<64x768xf32, #tpu.memory_space<vmem>>, vector<16xf32>,
      tpu.vector_store %arg6[%swap3A_286, %swap3A_287], %mul3A_285 {strides = array<i32>} : memref<64x768xf32, #tpu.memory_space<vmem>>, vector<16xf32>,
      %get3A_289 = arith.index_cast %scan3A_100 : i32 to index
      %get3A_290 = arith.constant 432 : index
      %get3A_291 = tpu.vector_load %arg6[%get3A_289, %get3A_290] {strides = array<i32>} : memref<64x768xf32, #tpu.memory_space<vmem>>, vector<16xf32>,
      %mul3A_292 = arith.mulf %get3A_291, %gather3A : vector<16xf32>
      %swap3A_293 = arith.index_cast %scan3A_100 : i32 to index
      %swap3A_294 = arith.constant 432 : index
      %swap3A_295 = tpu.vector_load %arg6[%swap3A_293, %swap3A_294] {strides = array<i32>} : memref<64x768xf32, #tpu.memory_space<vmem>>, vector<16xf32>,
      tpu.vector_store %arg6[%swap3A_293, %swap3A_294], %mul3A_292 {strides = array<i32>} : memref<64x768xf32, #tpu.memory_space<vmem>>, vector<16xf32>,
      %get3A_296 = arith.index_cast %scan3A_100 : i32 to index
      %get3A_297 = arith.constant 448 : index
      %get3A_298 = tpu.vector_load %arg6[%get3A_296, %get3A_297] {strides = array<i32>} : memref<64x768xf32, #tpu.memory_space<vmem>>, vector<16xf32>,
      %mul3A_299 = arith.mulf %get3A_298, %gather3A : vector<16xf32>
      %swap3A_300 = arith.index_cast %scan3A_100 : i32 to index
      %swap3A_301 = arith.constant 448 : index
      %swap3A_302 = tpu.vector_load %arg6[%swap3A_300, %swap3A_301] {strides = array<i32>} : memref<64x768xf32, #tpu.memory_space<vmem>>, vector<16xf32>,
      tpu.vector_store %arg6[%swap3A_300, %swap3A_301], %mul3A_299 {strides = array<i32>} : memref<64x768xf32, #tpu.memory_space<vmem>>, vector<16xf32>,
      %get3A_303 = arith.index_cast %scan3A_100 : i32 to index
      %get3A_304 = arith.constant 464 : index
      %get3A_305 = tpu.vector_load %arg6[%get3A_303, %get3A_304] {strides = array<i32>} : memref<64x768xf32, #tpu.memory_space<vmem>>, vector<16xf32>,
      %mul3A_306 = arith.mulf %get3A_305, %gather3A : vector<16xf32>
      %swap3A_307 = arith.index_cast %scan3A_100 : i32 to index
      %swap3A_308 = arith.constant 464 : index
      %swap3A_309 = tpu.vector_load %arg6[%swap3A_307, %swap3A_308] {strides = array<i32>} : memref<64x768xf32, #tpu.memory_space<vmem>>, vector<16xf32>,
      tpu.vector_store %arg6[%swap3A_307, %swap3A_308], %mul3A_306 {strides = array<i32>} : memref<64x768xf32, #tpu.memory_space<vmem>>, vector<16xf32>,
      %get3A_310 = arith.index_cast %scan3A_100 : i32 to index
      %get3A_311 = arith.constant 480 : index
      %get3A_312 = tpu.vector_load %arg6[%get3A_310, %get3A_311] {strides = array<i32>} : memref<64x768xf32, #tpu.memory_space<vmem>>, vector<16xf32>,
      %mul3A_313 = arith.mulf %get3A_312, %gather3A : vector<16xf32>
      %swap3A_314 = arith.index_cast %scan3A_100 : i32 to index
      %swap3A_315 = arith.constant 480 : index
      %swap3A_316 = tpu.vector_load %arg6[%swap3A_314, %swap3A_315] {strides = array<i32>} : memref<64x768xf32, #tpu.memory_space<vmem>>, vector<16xf32>,
      tpu.vector_store %arg6[%swap3A_314, %swap3A_315], %mul3A_313 {strides = array<i32>} : memref<64x768xf32, #tpu.memory_space<vmem>>, vector<16xf32>,
      %get3A_317 = arith.index_cast %scan3A_100 : i32 to index
      %get3A_318 = arith.constant 496 : index
      %get3A_319 = tpu.vector_load %arg6[%get3A_317, %get3A_318] {strides = array<i32>} : memref<64x768xf32, #tpu.memory_space<vmem>>, vector<16xf32>,
      %mul3A_320 = arith.mulf %get3A_319, %gather3A : vector<16xf32>
      %swap3A_321 = arith.index_cast %scan3A_100 : i32 to index
      %swap3A_322 = arith.constant 496 : index
      %swap3A_323 = tpu.vector_load %arg6[%swap3A_321, %swap3A_322] {strides = array<i32>} : memref<64x768xf32, #tpu.memory_space<vmem>>, vector<16xf32>,
      tpu.vector_store %arg6[%swap3A_321, %swap3A_322], %mul3A_320 {strides = array<i32>} : memref<64x768xf32, #tpu.memory_space<vmem>>, vector<16xf32>,
      %get3A_324 = arith.index_cast %scan3A_100 : i32 to index
      %get3A_325 = arith.constant 512 : index
      %get3A_326 = tpu.vector_load %arg6[%get3A_324, %get3A_325] {strides = array<i32>} : memref<64x768xf32, #tpu.memory_space<vmem>>, vector<16xf32>,
      %mul3A_327 = arith.mulf %get3A_326, %gather3A : vector<16xf32>
      %swap3A_328 = arith.index_cast %scan3A_100 : i32 to index
      %swap3A_329 = arith.constant 512 : index
      %swap3A_330 = tpu.vector_load %arg6[%swap3A_328, %swap3A_329] {strides = array<i32>} : memref<64x768xf32, #tpu.memory_space<vmem>>, vector<16xf32>,
      tpu.vector_store %arg6[%swap3A_328, %swap3A_329], %mul3A_327 {strides = array<i32>} : memref<64x768xf32, #tpu.memory_space<vmem>>, vector<16xf32>,
      %get3A_331 = arith.index_cast %scan3A_100 : i32 to index
      %get3A_332 = arith.constant 528 : index
      %get3A_333 = tpu.vector_load %arg6[%get3A_331, %get3A_332] {strides = array<i32>} : memref<64x768xf32, #tpu.memory_space<vmem>>, vector<16xf32>,
      %mul3A_334 = arith.mulf %get3A_333, %gather3A : vector<16xf32>
      %swap3A_335 = arith.index_cast %scan3A_100 : i32 to index
      %swap3A_336 = arith.constant 528 : index
      %swap3A_337 = tpu.vector_load %arg6[%swap3A_335, %swap3A_336] {strides = array<i32>} : memref<64x768xf32, #tpu.memory_space<vmem>>, vector<16xf32>,
      tpu.vector_store %arg6[%swap3A_335, %swap3A_336], %mul3A_334 {strides = array<i32>} : memref<64x768xf32, #tpu.memory_space<vmem>>, vector<16xf32>,
      %get3A_338 = arith.index_cast %scan3A_100 : i32 to index
      %get3A_339 = arith.constant 544 : index
      %get3A_340 = tpu.vector_load %arg6[%get3A_338, %get3A_339] {strides = array<i32>} : memref<64x768xf32, #tpu.memory_space<vmem>>, vector<16xf32>,
      %mul3A_341 = arith.mulf %get3A_340, %gather3A : vector<16xf32>
      %swap3A_342 = arith.index_cast %scan3A_100 : i32 to index
      %swap3A_343 = arith.constant 544 : index
      %swap3A_344 = tpu.vector_load %arg6[%swap3A_342, %swap3A_343] {strides = array<i32>} : memref<64x768xf32, #tpu.memory_space<vmem>>, vector<16xf32>,
      tpu.vector_store %arg6[%swap3A_342, %swap3A_343], %mul3A_341 {strides = array<i32>} : memref<64x768xf32, #tpu.memory_space<vmem>>, vector<16xf32>,
      %get3A_345 = arith.index_cast %scan3A_100 : i32 to index
      %get3A_346 = arith.constant 560 : index
      %get3A_347 = tpu.vector_load %arg6[%get3A_345, %get3A_346] {strides = array<i32>} : memref<64x768xf32, #tpu.memory_space<vmem>>, vector<16xf32>,
      %mul3A_348 = arith.mulf %get3A_347, %gather3A : vector<16xf32>
      %swap3A_349 = arith.index_cast %scan3A_100 : i32 to index
      %swap3A_350 = arith.constant 560 : index
      %swap3A_351 = tpu.vector_load %arg6[%swap3A_349, %swap3A_350] {strides = array<i32>} : memref<64x768xf32, #tpu.memory_space<vmem>>, vector<16xf32>,
      tpu.vector_store %arg6[%swap3A_349, %swap3A_350], %mul3A_348 {strides = array<i32>} : memref<64x768xf32, #tpu.memory_space<vmem>>, vector<16xf32>,
      %get3A_352 = arith.index_cast %scan3A_100 : i32 to index
      %get3A_353 = arith.constant 576 : index
      %get3A_354 = tpu.vector_load %arg6[%get3A_352, %get3A_353] {strides = array<i32>} : memref<64x768xf32, #tpu.memory_space<vmem>>, vector<16xf32>,
      %mul3A_355 = arith.mulf %get3A_354, %gather3A : vector<16xf32>
      %swap3A_356 = arith.index_cast %scan3A_100 : i32 to index
      %swap3A_357 = arith.constant 576 : index
      %swap3A_358 = tpu.vector_load %arg6[%swap3A_356, %swap3A_357] {strides = array<i32>} : memref<64x768xf32, #tpu.memory_space<vmem>>, vector<16xf32>,
      tpu.vector_store %arg6[%swap3A_356, %swap3A_357], %mul3A_355 {strides = array<i32>} : memref<64x768xf32, #tpu.memory_space<vmem>>, vector<16xf32>,
      %get3A_359 = arith.index_cast %scan3A_100 : i32 to index
      %get3A_360 = arith.constant 592 : index
      %get3A_361 = tpu.vector_load %arg6[%get3A_359, %get3A_360] {strides = array<i32>} : memref<64x768xf32, #tpu.memory_space<vmem>>, vector<16xf32>,
      %mul3A_362 = arith.mulf %get3A_361, %gather3A : vector<16xf32>
      %swap3A_363 = arith.index_cast %scan3A_100 : i32 to index
      %swap3A_364 = arith.constant 592 : index
      %swap3A_365 = tpu.vector_load %arg6[%swap3A_363, %swap3A_364] {strides = array<i32>} : memref<64x768xf32, #tpu.memory_space<vmem>>, vector<16xf32>,
      tpu.vector_store %arg6[%swap3A_363, %swap3A_364], %mul3A_362 {strides = array<i32>} : memref<64x768xf32, #tpu.memory_space<vmem>>, vector<16xf32>,
      %get3A_366 = arith.index_cast %scan3A_100 : i32 to index
      %get3A_367 = arith.constant 608 : index
      %get3A_368 = tpu.vector_load %arg6[%get3A_366, %get3A_367] {strides = array<i32>} : memref<64x768xf32, #tpu.memory_space<vmem>>, vector<16xf32>,
      %mul3A_369 = arith.mulf %get3A_368, %gather3A : vector<16xf32>
      %swap3A_370 = arith.index_cast %scan3A_100 : i32 to index
      %swap3A_371 = arith.constant 608 : index
      %swap3A_372 = tpu.vector_load %arg6[%swap3A_370, %swap3A_371] {strides = array<i32>} : memref<64x768xf32, #tpu.memory_space<vmem>>, vector<16xf32>,
      tpu.vector_store %arg6[%swap3A_370, %swap3A_371], %mul3A_369 {strides = array<i32>} : memref<64x768xf32, #tpu.memory_space<vmem>>, vector<16xf32>,
      %get3A_373 = arith.index_cast %scan3A_100 : i32 to index
      %get3A_374 = arith.constant 624 : index
      %get3A_375 = tpu.vector_load %arg6[%get3A_373, %get3A_374] {strides = array<i32>} : memref<64x768xf32, #tpu.memory_space<vmem>>, vector<16xf32>,
      %mul3A_376 = arith.mulf %get3A_375, %gather3A : vector<16xf32>
      %swap3A_377 = arith.index_cast %scan3A_100 : i32 to index
      %swap3A_378 = arith.constant 624 : index
      %swap3A_379 = tpu.vector_load %arg6[%swap3A_377, %swap3A_378] {strides = array<i32>} : memref<64x768xf32, #tpu.memory_space<vmem>>, vector<16xf32>,
      tpu.vector_store %arg6[%swap3A_377, %swap3A_378], %mul3A_376 {strides = array<i32>} : memref<64x768xf32, #tpu.memory_space<vmem>>, vector<16xf32>,
      %get3A_380 = arith.index_cast %scan3A_100 : i32 to index
      %get3A_381 = arith.constant 640 : index
      %get3A_382 = tpu.vector_load %arg6[%get3A_380, %get3A_381] {strides = array<i32>} : memref<64x768xf32, #tpu.memory_space<vmem>>, vector<16xf32>,
      %mul3A_383 = arith.mulf %get3A_382, %gather3A : vector<16xf32>
      %swap3A_384 = arith.index_cast %scan3A_100 : i32 to index
      %swap3A_385 = arith.constant 640 : index
      %swap3A_386 = tpu.vector_load %arg6[%swap3A_384, %swap3A_385] {strides = array<i32>} : memref<64x768xf32, #tpu.memory_space<vmem>>, vector<16xf32>,
      tpu.vector_store %arg6[%swap3A_384, %swap3A_385], %mul3A_383 {strides = array<i32>} : memref<64x768xf32, #tpu.memory_space<vmem>>, vector<16xf32>,
      %get3A_387 = arith.index_cast %scan3A_100 : i32 to index
      %get3A_388 = arith.constant 656 : index
      %get3A_389 = tpu.vector_load %arg6[%get3A_387, %get3A_388] {strides = array<i32>} : memref<64x768xf32, #tpu.memory_space<vmem>>, vector<16xf32>,
      %mul3A_390 = arith.mulf %get3A_389, %gather3A : vector<16xf32>
      %swap3A_391 = arith.index_cast %scan3A_100 : i32 to index
      %swap3A_392 = arith.constant 656 : index
      %swap3A_393 = tpu.vector_load %arg6[%swap3A_391, %swap3A_392] {strides = array<i32>} : memref<64x768xf32, #tpu.memory_space<vmem>>, vector<16xf32>,
      tpu.vector_store %arg6[%swap3A_391, %swap3A_392], %mul3A_390 {strides = array<i32>} : memref<64x768xf32, #tpu.memory_space<vmem>>, vector<16xf32>,
      %get3A_394 = arith.index_cast %scan3A_100 : i32 to index
      %get3A_395 = arith.constant 672 : index
      %get3A_396 = tpu.vector_load %arg6[%get3A_394, %get3A_395] {strides = array<i32>} : memref<64x768xf32, #tpu.memory_space<vmem>>, vector<16xf32>,
      %mul3A_397 = arith.mulf %get3A_396, %gather3A : vector<16xf32>
      %swap3A_398 = arith.index_cast %scan3A_100 : i32 to index
      %swap3A_399 = arith.constant 672 : index
      %swap3A_400 = tpu.vector_load %arg6[%swap3A_398, %swap3A_399] {strides = array<i32>} : memref<64x768xf32, #tpu.memory_space<vmem>>, vector<16xf32>,
      tpu.vector_store %arg6[%swap3A_398, %swap3A_399], %mul3A_397 {strides = array<i32>} : memref<64x768xf32, #tpu.memory_space<vmem>>, vector<16xf32>,
      %get3A_401 = arith.index_cast %scan3A_100 : i32 to index
      %get3A_402 = arith.constant 688 : index
      %get3A_403 = tpu.vector_load %arg6[%get3A_401, %get3A_402] {strides = array<i32>} : memref<64x768xf32, #tpu.memory_space<vmem>>, vector<16xf32>,
      %mul3A_404 = arith.mulf %get3A_403, %gather3A : vector<16xf32>
      %swap3A_405 = arith.index_cast %scan3A_100 : i32 to index
      %swap3A_406 = arith.constant 688 : index
      %swap3A_407 = tpu.vector_load %arg6[%swap3A_405, %swap3A_406] {strides = array<i32>} : memref<64x768xf32, #tpu.memory_space<vmem>>, vector<16xf32>,
      tpu.vector_store %arg6[%swap3A_405, %swap3A_406], %mul3A_404 {strides = array<i32>} : memref<64x768xf32, #tpu.memory_space<vmem>>, vector<16xf32>,
      %get3A_408 = arith.index_cast %scan3A_100 : i32 to index
      %get3A_409 = arith.constant 704 : index
      %get3A_410 = tpu.vector_load %arg6[%get3A_408, %get3A_409] {strides = array<i32>} : memref<64x768xf32, #tpu.memory_space<vmem>>, vector<16xf32>,
      %mul3A_411 = arith.mulf %get3A_410, %gather3A : vector<16xf32>
      %swap3A_412 = arith.index_cast %scan3A_100 : i32 to index
      %swap3A_413 = arith.constant 704 : index
      %swap3A_414 = tpu.vector_load %arg6[%swap3A_412, %swap3A_413] {strides = array<i32>} : memref<64x768xf32, #tpu.memory_space<vmem>>, vector<16xf32>,
      tpu.vector_store %arg6[%swap3A_412, %swap3A_413], %mul3A_411 {strides = array<i32>} : memref<64x768xf32, #tpu.memory_space<vmem>>, vector<16xf32>,
      %get3A_415 = arith.index_cast %scan3A_100 : i32 to index
      %get3A_416 = arith.constant 720 : index
      %get3A_417 = tpu.vector_load %arg6[%get3A_415, %get3A_416] {strides = array<i32>} : memref<64x768xf32, #tpu.memory_space<vmem>>, vector<16xf32>,
      %mul3A_418 = arith.mulf %get3A_417, %gather3A : vector<16xf32>
      %swap3A_419 = arith.index_cast %scan3A_100 : i32 to index
      %swap3A_420 = arith.constant 720 : index
      %swap3A_421 = tpu.vector_load %arg6[%swap3A_419, %swap3A_420] {strides = array<i32>} : memref<64x768xf32, #tpu.memory_space<vmem>>, vector<16xf32>,
      tpu.vector_store %arg6[%swap3A_419, %swap3A_420], %mul3A_418 {strides = array<i32>} : memref<64x768xf32, #tpu.memory_space<vmem>>, vector<16xf32>,
      %get3A_422 = arith.index_cast %scan3A_100 : i32 to index
      %get3A_423 = arith.constant 736 : index
      %get3A_424 = tpu.vector_load %arg6[%get3A_422, %get3A_423] {strides = array<i32>} : memref<64x768xf32, #tpu.memory_space<vmem>>, vector<16xf32>,
      %mul3A_425 = arith.mulf %get3A_424, %gather3A : vector<16xf32>
      %swap3A_426 = arith.index_cast %scan3A_100 : i32 to index
      %swap3A_427 = arith.constant 736 : index
      %swap3A_428 = tpu.vector_load %arg6[%swap3A_426, %swap3A_427] {strides = array<i32>} : memref<64x768xf32, #tpu.memory_space<vmem>>, vector<16xf32>,
      tpu.vector_store %arg6[%swap3A_426, %swap3A_427], %mul3A_425 {strides = array<i32>} : memref<64x768xf32, #tpu.memory_space<vmem>>, vector<16xf32>,
      %get3A_429 = arith.index_cast %scan3A_100 : i32 to index
      %get3A_430 = arith.constant 752 : index
      %get3A_431 = tpu.vector_load %arg6[%get3A_429, %get3A_430] {strides = array<i32>} : memref<64x768xf32, #tpu.memory_space<vmem>>, vector<16xf32>,
      %mul3A_432 = arith.mulf %get3A_431, %gather3A : vector<16xf32>
      %swap3A_433 = arith.index_cast %scan3A_100 : i32 to index
      %swap3A_434 = arith.constant 752 : index
      %swap3A_435 = tpu.vector_load %arg6[%swap3A_433, %swap3A_434] {strides = array<i32>} : memref<64x768xf32, #tpu.memory_space<vmem>>, vector<16xf32>,
      tpu.vector_store %arg6[%swap3A_433, %swap3A_434], %mul3A_432 {strides = array<i32>} : memref<64x768xf32, #tpu.memory_space<vmem>>, vector<16xf32>,
      %scan3A_436 = arith.constant 0 : i32
      scf.yield %scan3A_436 : i32
    }
    %scan3A_69 = arith.constant 64 : i32
    %add3A_70 = arith.constant 128 : i32
    %add3A_71 = arith.addi %mul3A_2, %add3A_70 : i32
    %dma_start3A_72 = arith.constant 0 : i32
    %dma_start3A_73 = tpu.memref_slice %arg5[%add3A_71, %dma_start3A_72] : memref<8192x768xf32, #tpu.memory_space<hbm>> -> memref<64x768xf32, #tpu.memory_space<hbm>>
    %dma_start3A_74 = arith.constant 0 : i32
    %dma_start3A_75 = tpu.memref_slice %arg5[%add3A_71, %dma_start3A_74] : memref<8192x768xf32, #tpu.memory_space<hbm>> -> memref<64x768xf32, #tpu.memory_space<hbm>>
    tpu.enqueue_dma source(%arg6 : memref<64x768xf32, #tpu.memory_space<vmem>>) target(%dma_start3A_75 : memref<64x768xf32, #tpu.memory_space<hbm>>) target_semaphore(%arg14 : memref<!tpu.dma_semaphore, #tpu.memory_space<semaphore_mem>>)
    %dma_wait3A_76 = arith.constant 0 : i32
    %dma_wait3A_77 = arith.constant 0 : i32
    %dma_wait3A_78 = tpu.memref_slice %arg2[%dma_wait3A_76, %dma_wait3A_77] : memref<12288x768xf32, #tpu.memory_space<hbm>> -> memref<12288x768xf32, #tpu.memory_space<hbm>>
    tpu.wait_indirect_dma semaphore(%arg13 : memref<!tpu.dma_semaphore, #tpu.memory_space<semaphore_mem>>) src(%dma_wait3A_78 : memref<12288x768xf32, #tpu.memory_space<hbm>>) dst(%arg7 : memref<64x768xf32, #tpu.memory_space<vmem>>)
    %scan3A_79 = arith.constant 0 : i32
    %scan3A_80 = arith.constant 0 : i32
    %scan3A_81 = arith.constant 64 : i32
    %scan3A_82 = arith.addi %scan3A_80, %scan3A_81 : i32
    %scan3A_83 = arith.constant 1 : i32
    %scan3A_84 = scf.for %scan3A_100 = %scan3A_80 to %scan3A_82 step %scan3A_83 iter_args(%scan3A_101 = %scan3A_79) -> (i32)  : i32 {
      %broadcast_in_dim3A = vector.broadcast %scan3A_100 : i32 to vector<16xi32>
      %gather3A = tpu.vector_load_idx %arg11[%broadcast_in_dim3A] : memref<64xf32, #tpu.memory_space<vmem>>[vector<16xi32>], vector<16xf32>,
      %get3A = arith.index_cast %scan3A_100 : i32 to index
      %get3A_102 = arith.constant 0 : index
      %get3A_103 = tpu.vector_load %arg7[%get3A, %get3A_102] {strides = array<i32>} : memref<64x768xf32, #tpu.memory_space<vmem>>, vector<16xf32>,
      %mul3A_104 = arith.mulf %get3A_103, %gather3A : vector<16xf32>
      %swap3A = arith.index_cast %scan3A_100 : i32 to index
      %swap3A_105 = arith.constant 0 : index
      %swap3A_106 = tpu.vector_load %arg7[%swap3A, %swap3A_105] {strides = array<i32>} : memref<64x768xf32, #tpu.memory_space<vmem>>, vector<16xf32>,
      tpu.vector_store %arg7[%swap3A, %swap3A_105], %mul3A_104 {strides = array<i32>} : memref<64x768xf32, #tpu.memory_space<vmem>>, vector<16xf32>,
      %get3A_107 = arith.index_cast %scan3A_100 : i32 to index
      %get3A_108 = arith.constant 16 : index
      %get3A_109 = tpu.vector_load %arg7[%get3A_107, %get3A_108] {strides = array<i32>} : memref<64x768xf32, #tpu.memory_space<vmem>>, vector<16xf32>,
      %mul3A_110 = arith.mulf %get3A_109, %gather3A : vector<16xf32>
      %swap3A_111 = arith.index_cast %scan3A_100 : i32 to index
      %swap3A_112 = arith.constant 16 : index
      %swap3A_113 = tpu.vector_load %arg7[%swap3A_111, %swap3A_112] {strides = array<i32>} : memref<64x768xf32, #tpu.memory_space<vmem>>, vector<16xf32>,
      tpu.vector_store %arg7[%swap3A_111, %swap3A_112], %mul3A_110 {strides = array<i32>} : memref<64x768xf32, #tpu.memory_space<vmem>>, vector<16xf32>,
      %get3A_114 = arith.index_cast %scan3A_100 : i32 to index
      %get3A_115 = arith.constant 32 : index
      %get3A_116 = tpu.vector_load %arg7[%get3A_114, %get3A_115] {strides = array<i32>} : memref<64x768xf32, #tpu.memory_space<vmem>>, vector<16xf32>,
      %mul3A_117 = arith.mulf %get3A_116, %gather3A : vector<16xf32>
      %swap3A_118 = arith.index_cast %scan3A_100 : i32 to index
      %swap3A_119 = arith.constant 32 : index
      %swap3A_120 = tpu.vector_load %arg7[%swap3A_118, %swap3A_119] {strides = array<i32>} : memref<64x768xf32, #tpu.memory_space<vmem>>, vector<16xf32>,
      tpu.vector_store %arg7[%swap3A_118, %swap3A_119], %mul3A_117 {strides = array<i32>} : memref<64x768xf32, #tpu.memory_space<vmem>>, vector<16xf32>,
      %get3A_121 = arith.index_cast %scan3A_100 : i32 to index
      %get3A_122 = arith.constant 48 : index
      %get3A_123 = tpu.vector_load %arg7[%get3A_121, %get3A_122] {strides = array<i32>} : memref<64x768xf32, #tpu.memory_space<vmem>>, vector<16xf32>,
      %mul3A_124 = arith.mulf %get3A_123, %gather3A : vector<16xf32>
      %swap3A_125 = arith.index_cast %scan3A_100 : i32 to index
      %swap3A_126 = arith.constant 48 : index
      %swap3A_127 = tpu.vector_load %arg7[%swap3A_125, %swap3A_126] {strides = array<i32>} : memref<64x768xf32, #tpu.memory_space<vmem>>, vector<16xf32>,
      tpu.vector_store %arg7[%swap3A_125, %swap3A_126], %mul3A_124 {strides = array<i32>} : memref<64x768xf32, #tpu.memory_space<vmem>>, vector<16xf32>,
      %get3A_128 = arith.index_cast %scan3A_100 : i32 to index
      %get3A_129 = arith.constant 64 : index
      %get3A_130 = tpu.vector_load %arg7[%get3A_128, %get3A_129] {strides = array<i32>} : memref<64x768xf32, #tpu.memory_space<vmem>>, vector<16xf32>,
      %mul3A_131 = arith.mulf %get3A_130, %gather3A : vector<16xf32>
      %swap3A_132 = arith.index_cast %scan3A_100 : i32 to index
      %swap3A_133 = arith.constant 64 : index
      %swap3A_134 = tpu.vector_load %arg7[%swap3A_132, %swap3A_133] {strides = array<i32>} : memref<64x768xf32, #tpu.memory_space<vmem>>, vector<16xf32>,
      tpu.vector_store %arg7[%swap3A_132, %swap3A_133], %mul3A_131 {strides = array<i32>} : memref<64x768xf32, #tpu.memory_space<vmem>>, vector<16xf32>,
      %get3A_135 = arith.index_cast %scan3A_100 : i32 to index
      %get3A_136 = arith.constant 80 : index
      %get3A_137 = tpu.vector_load %arg7[%get3A_135, %get3A_136] {strides = array<i32>} : memref<64x768xf32, #tpu.memory_space<vmem>>, vector<16xf32>,
      %mul3A_138 = arith.mulf %get3A_137, %gather3A : vector<16xf32>
      %swap3A_139 = arith.index_cast %scan3A_100 : i32 to index
      %swap3A_140 = arith.constant 80 : index
      %swap3A_141 = tpu.vector_load %arg7[%swap3A_139, %swap3A_140] {strides = array<i32>} : memref<64x768xf32, #tpu.memory_space<vmem>>, vector<16xf32>,
      tpu.vector_store %arg7[%swap3A_139, %swap3A_140], %mul3A_138 {strides = array<i32>} : memref<64x768xf32, #tpu.memory_space<vmem>>, vector<16xf32>,
      %get3A_142 = arith.index_cast %scan3A_100 : i32 to index
      %get3A_143 = arith.constant 96 : index
      %get3A_144 = tpu.vector_load %arg7[%get3A_142, %get3A_143] {strides = array<i32>} : memref<64x768xf32, #tpu.memory_space<vmem>>, vector<16xf32>,
      %mul3A_145 = arith.mulf %get3A_144, %gather3A : vector<16xf32>
      %swap3A_146 = arith.index_cast %scan3A_100 : i32 to index
      %swap3A_147 = arith.constant 96 : index
      %swap3A_148 = tpu.vector_load %arg7[%swap3A_146, %swap3A_147] {strides = array<i32>} : memref<64x768xf32, #tpu.memory_space<vmem>>, vector<16xf32>,
      tpu.vector_store %arg7[%swap3A_146, %swap3A_147], %mul3A_145 {strides = array<i32>} : memref<64x768xf32, #tpu.memory_space<vmem>>, vector<16xf32>,
      %get3A_149 = arith.index_cast %scan3A_100 : i32 to index
      %get3A_150 = arith.constant 112 : index
      %get3A_151 = tpu.vector_load %arg7[%get3A_149, %get3A_150] {strides = array<i32>} : memref<64x768xf32, #tpu.memory_space<vmem>>, vector<16xf32>,
      %mul3A_152 = arith.mulf %get3A_151, %gather3A : vector<16xf32>
      %swap3A_153 = arith.index_cast %scan3A_100 : i32 to index
      %swap3A_154 = arith.constant 112 : index
      %swap3A_155 = tpu.vector_load %arg7[%swap3A_153, %swap3A_154] {strides = array<i32>} : memref<64x768xf32, #tpu.memory_space<vmem>>, vector<16xf32>,
      tpu.vector_store %arg7[%swap3A_153, %swap3A_154], %mul3A_152 {strides = array<i32>} : memref<64x768xf32, #tpu.memory_space<vmem>>, vector<16xf32>,
      %get3A_156 = arith.index_cast %scan3A_100 : i32 to index
      %get3A_157 = arith.constant 128 : index
      %get3A_158 = tpu.vector_load %arg7[%get3A_156, %get3A_157] {strides = array<i32>} : memref<64x768xf32, #tpu.memory_space<vmem>>, vector<16xf32>,
      %mul3A_159 = arith.mulf %get3A_158, %gather3A : vector<16xf32>
      %swap3A_160 = arith.index_cast %scan3A_100 : i32 to index
      %swap3A_161 = arith.constant 128 : index
      %swap3A_162 = tpu.vector_load %arg7[%swap3A_160, %swap3A_161] {strides = array<i32>} : memref<64x768xf32, #tpu.memory_space<vmem>>, vector<16xf32>,
      tpu.vector_store %arg7[%swap3A_160, %swap3A_161], %mul3A_159 {strides = array<i32>} : memref<64x768xf32, #tpu.memory_space<vmem>>, vector<16xf32>,
      %get3A_163 = arith.index_cast %scan3A_100 : i32 to index
      %get3A_164 = arith.constant 144 : index
      %get3A_165 = tpu.vector_load %arg7[%get3A_163, %get3A_164] {strides = array<i32>} : memref<64x768xf32, #tpu.memory_space<vmem>>, vector<16xf32>,
      %mul3A_166 = arith.mulf %get3A_165, %gather3A : vector<16xf32>
      %swap3A_167 = arith.index_cast %scan3A_100 : i32 to index
      %swap3A_168 = arith.constant 144 : index
      %swap3A_169 = tpu.vector_load %arg7[%swap3A_167, %swap3A_168] {strides = array<i32>} : memref<64x768xf32, #tpu.memory_space<vmem>>, vector<16xf32>,
      tpu.vector_store %arg7[%swap3A_167, %swap3A_168], %mul3A_166 {strides = array<i32>} : memref<64x768xf32, #tpu.memory_space<vmem>>, vector<16xf32>,
      %get3A_170 = arith.index_cast %scan3A_100 : i32 to index
      %get3A_171 = arith.constant 160 : index
      %get3A_172 = tpu.vector_load %arg7[%get3A_170, %get3A_171] {strides = array<i32>} : memref<64x768xf32, #tpu.memory_space<vmem>>, vector<16xf32>,
      %mul3A_173 = arith.mulf %get3A_172, %gather3A : vector<16xf32>
      %swap3A_174 = arith.index_cast %scan3A_100 : i32 to index
      %swap3A_175 = arith.constant 160 : index
      %swap3A_176 = tpu.vector_load %arg7[%swap3A_174, %swap3A_175] {strides = array<i32>} : memref<64x768xf32, #tpu.memory_space<vmem>>, vector<16xf32>,
      tpu.vector_store %arg7[%swap3A_174, %swap3A_175], %mul3A_173 {strides = array<i32>} : memref<64x768xf32, #tpu.memory_space<vmem>>, vector<16xf32>,
      %get3A_177 = arith.index_cast %scan3A_100 : i32 to index
      %get3A_178 = arith.constant 176 : index
      %get3A_179 = tpu.vector_load %arg7[%get3A_177, %get3A_178] {strides = array<i32>} : memref<64x768xf32, #tpu.memory_space<vmem>>, vector<16xf32>,
      %mul3A_180 = arith.mulf %get3A_179, %gather3A : vector<16xf32>
      %swap3A_181 = arith.index_cast %scan3A_100 : i32 to index
      %swap3A_182 = arith.constant 176 : index
      %swap3A_183 = tpu.vector_load %arg7[%swap3A_181, %swap3A_182] {strides = array<i32>} : memref<64x768xf32, #tpu.memory_space<vmem>>, vector<16xf32>,
      tpu.vector_store %arg7[%swap3A_181, %swap3A_182], %mul3A_180 {strides = array<i32>} : memref<64x768xf32, #tpu.memory_space<vmem>>, vector<16xf32>,
      %get3A_184 = arith.index_cast %scan3A_100 : i32 to index
      %get3A_185 = arith.constant 192 : index
      %get3A_186 = tpu.vector_load %arg7[%get3A_184, %get3A_185] {strides = array<i32>} : memref<64x768xf32, #tpu.memory_space<vmem>>, vector<16xf32>,
      %mul3A_187 = arith.mulf %get3A_186, %gather3A : vector<16xf32>
      %swap3A_188 = arith.index_cast %scan3A_100 : i32 to index
      %swap3A_189 = arith.constant 192 : index
      %swap3A_190 = tpu.vector_load %arg7[%swap3A_188, %swap3A_189] {strides = array<i32>} : memref<64x768xf32, #tpu.memory_space<vmem>>, vector<16xf32>,
      tpu.vector_store %arg7[%swap3A_188, %swap3A_189], %mul3A_187 {strides = array<i32>} : memref<64x768xf32, #tpu.memory_space<vmem>>, vector<16xf32>,
      %get3A_191 = arith.index_cast %scan3A_100 : i32 to index
      %get3A_192 = arith.constant 208 : index
      %get3A_193 = tpu.vector_load %arg7[%get3A_191, %get3A_192] {strides = array<i32>} : memref<64x768xf32, #tpu.memory_space<vmem>>, vector<16xf32>,
      %mul3A_194 = arith.mulf %get3A_193, %gather3A : vector<16xf32>
      %swap3A_195 = arith.index_cast %scan3A_100 : i32 to index
      %swap3A_196 = arith.constant 208 : index
      %swap3A_197 = tpu.vector_load %arg7[%swap3A_195, %swap3A_196] {strides = array<i32>} : memref<64x768xf32, #tpu.memory_space<vmem>>, vector<16xf32>,
      tpu.vector_store %arg7[%swap3A_195, %swap3A_196], %mul3A_194 {strides = array<i32>} : memref<64x768xf32, #tpu.memory_space<vmem>>, vector<16xf32>,
      %get3A_198 = arith.index_cast %scan3A_100 : i32 to index
      %get3A_199 = arith.constant 224 : index
      %get3A_200 = tpu.vector_load %arg7[%get3A_198, %get3A_199] {strides = array<i32>} : memref<64x768xf32, #tpu.memory_space<vmem>>, vector<16xf32>,
      %mul3A_201 = arith.mulf %get3A_200, %gather3A : vector<16xf32>
      %swap3A_202 = arith.index_cast %scan3A_100 : i32 to index
      %swap3A_203 = arith.constant 224 : index
      %swap3A_204 = tpu.vector_load %arg7[%swap3A_202, %swap3A_203] {strides = array<i32>} : memref<64x768xf32, #tpu.memory_space<vmem>>, vector<16xf32>,
      tpu.vector_store %arg7[%swap3A_202, %swap3A_203], %mul3A_201 {strides = array<i32>} : memref<64x768xf32, #tpu.memory_space<vmem>>, vector<16xf32>,
      %get3A_205 = arith.index_cast %scan3A_100 : i32 to index
      %get3A_206 = arith.constant 240 : index
      %get3A_207 = tpu.vector_load %arg7[%get3A_205, %get3A_206] {strides = array<i32>} : memref<64x768xf32, #tpu.memory_space<vmem>>, vector<16xf32>,
      %mul3A_208 = arith.mulf %get3A_207, %gather3A : vector<16xf32>
      %swap3A_209 = arith.index_cast %scan3A_100 : i32 to index
      %swap3A_210 = arith.constant 240 : index
      %swap3A_211 = tpu.vector_load %arg7[%swap3A_209, %swap3A_210] {strides = array<i32>} : memref<64x768xf32, #tpu.memory_space<vmem>>, vector<16xf32>,
      tpu.vector_store %arg7[%swap3A_209, %swap3A_210], %mul3A_208 {strides = array<i32>} : memref<64x768xf32, #tpu.memory_space<vmem>>, vector<16xf32>,
      %get3A_212 = arith.index_cast %scan3A_100 : i32 to index
      %get3A_213 = arith.constant 256 : index
      %get3A_214 = tpu.vector_load %arg7[%get3A_212, %get3A_213] {strides = array<i32>} : memref<64x768xf32, #tpu.memory_space<vmem>>, vector<16xf32>,
      %mul3A_215 = arith.mulf %get3A_214, %gather3A : vector<16xf32>
      %swap3A_216 = arith.index_cast %scan3A_100 : i32 to index
      %swap3A_217 = arith.constant 256 : index
      %swap3A_218 = tpu.vector_load %arg7[%swap3A_216, %swap3A_217] {strides = array<i32>} : memref<64x768xf32, #tpu.memory_space<vmem>>, vector<16xf32>,
      tpu.vector_store %arg7[%swap3A_216, %swap3A_217], %mul3A_215 {strides = array<i32>} : memref<64x768xf32, #tpu.memory_space<vmem>>, vector<16xf32>,
      %get3A_219 = arith.index_cast %scan3A_100 : i32 to index
      %get3A_220 = arith.constant 272 : index
      %get3A_221 = tpu.vector_load %arg7[%get3A_219, %get3A_220] {strides = array<i32>} : memref<64x768xf32, #tpu.memory_space<vmem>>, vector<16xf32>,
      %mul3A_222 = arith.mulf %get3A_221, %gather3A : vector<16xf32>
      %swap3A_223 = arith.index_cast %scan3A_100 : i32 to index
      %swap3A_224 = arith.constant 272 : index
      %swap3A_225 = tpu.vector_load %arg7[%swap3A_223, %swap3A_224] {strides = array<i32>} : memref<64x768xf32, #tpu.memory_space<vmem>>, vector<16xf32>,
      tpu.vector_store %arg7[%swap3A_223, %swap3A_224], %mul3A_222 {strides = array<i32>} : memref<64x768xf32, #tpu.memory_space<vmem>>, vector<16xf32>,
      %get3A_226 = arith.index_cast %scan3A_100 : i32 to index
      %get3A_227 = arith.constant 288 : index
      %get3A_228 = tpu.vector_load %arg7[%get3A_226, %get3A_227] {strides = array<i32>} : memref<64x768xf32, #tpu.memory_space<vmem>>, vector<16xf32>,
      %mul3A_229 = arith.mulf %get3A_228, %gather3A : vector<16xf32>
      %swap3A_230 = arith.index_cast %scan3A_100 : i32 to index
      %swap3A_231 = arith.constant 288 : index
      %swap3A_232 = tpu.vector_load %arg7[%swap3A_230, %swap3A_231] {strides = array<i32>} : memref<64x768xf32, #tpu.memory_space<vmem>>, vector<16xf32>,
      tpu.vector_store %arg7[%swap3A_230, %swap3A_231], %mul3A_229 {strides = array<i32>} : memref<64x768xf32, #tpu.memory_space<vmem>>, vector<16xf32>,
      %get3A_233 = arith.index_cast %scan3A_100 : i32 to index
      %get3A_234 = arith.constant 304 : index
      %get3A_235 = tpu.vector_load %arg7[%get3A_233, %get3A_234] {strides = array<i32>} : memref<64x768xf32, #tpu.memory_space<vmem>>, vector<16xf32>,
      %mul3A_236 = arith.mulf %get3A_235, %gather3A : vector<16xf32>
      %swap3A_237 = arith.index_cast %scan3A_100 : i32 to index
      %swap3A_238 = arith.constant 304 : index
      %swap3A_239 = tpu.vector_load %arg7[%swap3A_237, %swap3A_238] {strides = array<i32>} : memref<64x768xf32, #tpu.memory_space<vmem>>, vector<16xf32>,
      tpu.vector_store %arg7[%swap3A_237, %swap3A_238], %mul3A_236 {strides = array<i32>} : memref<64x768xf32, #tpu.memory_space<vmem>>, vector<16xf32>,
      %get3A_240 = arith.index_cast %scan3A_100 : i32 to index
      %get3A_241 = arith.constant 320 : index
      %get3A_242 = tpu.vector_load %arg7[%get3A_240, %get3A_241] {strides = array<i32>} : memref<64x768xf32, #tpu.memory_space<vmem>>, vector<16xf32>,
      %mul3A_243 = arith.mulf %get3A_242, %gather3A : vector<16xf32>
      %swap3A_244 = arith.index_cast %scan3A_100 : i32 to index
      %swap3A_245 = arith.constant 320 : index
      %swap3A_246 = tpu.vector_load %arg7[%swap3A_244, %swap3A_245] {strides = array<i32>} : memref<64x768xf32, #tpu.memory_space<vmem>>, vector<16xf32>,
      tpu.vector_store %arg7[%swap3A_244, %swap3A_245], %mul3A_243 {strides = array<i32>} : memref<64x768xf32, #tpu.memory_space<vmem>>, vector<16xf32>,
      %get3A_247 = arith.index_cast %scan3A_100 : i32 to index
      %get3A_248 = arith.constant 336 : index
      %get3A_249 = tpu.vector_load %arg7[%get3A_247, %get3A_248] {strides = array<i32>} : memref<64x768xf32, #tpu.memory_space<vmem>>, vector<16xf32>,
      %mul3A_250 = arith.mulf %get3A_249, %gather3A : vector<16xf32>
      %swap3A_251 = arith.index_cast %scan3A_100 : i32 to index
      %swap3A_252 = arith.constant 336 : index
      %swap3A_253 = tpu.vector_load %arg7[%swap3A_251, %swap3A_252] {strides = array<i32>} : memref<64x768xf32, #tpu.memory_space<vmem>>, vector<16xf32>,
      tpu.vector_store %arg7[%swap3A_251, %swap3A_252], %mul3A_250 {strides = array<i32>} : memref<64x768xf32, #tpu.memory_space<vmem>>, vector<16xf32>,
      %get3A_254 = arith.index_cast %scan3A_100 : i32 to index
      %get3A_255 = arith.constant 352 : index
      %get3A_256 = tpu.vector_load %arg7[%get3A_254, %get3A_255] {strides = array<i32>} : memref<64x768xf32, #tpu.memory_space<vmem>>, vector<16xf32>,
      %mul3A_257 = arith.mulf %get3A_256, %gather3A : vector<16xf32>
      %swap3A_258 = arith.index_cast %scan3A_100 : i32 to index
      %swap3A_259 = arith.constant 352 : index
      %swap3A_260 = tpu.vector_load %arg7[%swap3A_258, %swap3A_259] {strides = array<i32>} : memref<64x768xf32, #tpu.memory_space<vmem>>, vector<16xf32>,
      tpu.vector_store %arg7[%swap3A_258, %swap3A_259], %mul3A_257 {strides = array<i32>} : memref<64x768xf32, #tpu.memory_space<vmem>>, vector<16xf32>,
      %get3A_261 = arith.index_cast %scan3A_100 : i32 to index
      %get3A_262 = arith.constant 368 : index
      %get3A_263 = tpu.vector_load %arg7[%get3A_261, %get3A_262] {strides = array<i32>} : memref<64x768xf32, #tpu.memory_space<vmem>>, vector<16xf32>,
      %mul3A_264 = arith.mulf %get3A_263, %gather3A : vector<16xf32>
      %swap3A_265 = arith.index_cast %scan3A_100 : i32 to index
      %swap3A_266 = arith.constant 368 : index
      %swap3A_267 = tpu.vector_load %arg7[%swap3A_265, %swap3A_266] {strides = array<i32>} : memref<64x768xf32, #tpu.memory_space<vmem>>, vector<16xf32>,
      tpu.vector_store %arg7[%swap3A_265, %swap3A_266], %mul3A_264 {strides = array<i32>} : memref<64x768xf32, #tpu.memory_space<vmem>>, vector<16xf32>,
      %get3A_268 = arith.index_cast %scan3A_100 : i32 to index
      %get3A_269 = arith.constant 384 : index
      %get3A_270 = tpu.vector_load %arg7[%get3A_268, %get3A_269] {strides = array<i32>} : memref<64x768xf32, #tpu.memory_space<vmem>>, vector<16xf32>,
      %mul3A_271 = arith.mulf %get3A_270, %gather3A : vector<16xf32>
      %swap3A_272 = arith.index_cast %scan3A_100 : i32 to index
      %swap3A_273 = arith.constant 384 : index
      %swap3A_274 = tpu.vector_load %arg7[%swap3A_272, %swap3A_273] {strides = array<i32>} : memref<64x768xf32, #tpu.memory_space<vmem>>, vector<16xf32>,
      tpu.vector_store %arg7[%swap3A_272, %swap3A_273], %mul3A_271 {strides = array<i32>} : memref<64x768xf32, #tpu.memory_space<vmem>>, vector<16xf32>,
      %get3A_275 = arith.index_cast %scan3A_100 : i32 to index
      %get3A_276 = arith.constant 400 : index
      %get3A_277 = tpu.vector_load %arg7[%get3A_275, %get3A_276] {strides = array<i32>} : memref<64x768xf32, #tpu.memory_space<vmem>>, vector<16xf32>,
      %mul3A_278 = arith.mulf %get3A_277, %gather3A : vector<16xf32>
      %swap3A_279 = arith.index_cast %scan3A_100 : i32 to index
      %swap3A_280 = arith.constant 400 : index
      %swap3A_281 = tpu.vector_load %arg7[%swap3A_279, %swap3A_280] {strides = array<i32>} : memref<64x768xf32, #tpu.memory_space<vmem>>, vector<16xf32>,
      tpu.vector_store %arg7[%swap3A_279, %swap3A_280], %mul3A_278 {strides = array<i32>} : memref<64x768xf32, #tpu.memory_space<vmem>>, vector<16xf32>,
      %get3A_282 = arith.index_cast %scan3A_100 : i32 to index
      %get3A_283 = arith.constant 416 : index
      %get3A_284 = tpu.vector_load %arg7[%get3A_282, %get3A_283] {strides = array<i32>} : memref<64x768xf32, #tpu.memory_space<vmem>>, vector<16xf32>,
      %mul3A_285 = arith.mulf %get3A_284, %gather3A : vector<16xf32>
      %swap3A_286 = arith.index_cast %scan3A_100 : i32 to index
      %swap3A_287 = arith.constant 416 : index
      %swap3A_288 = tpu.vector_load %arg7[%swap3A_286, %swap3A_287] {strides = array<i32>} : memref<64x768xf32, #tpu.memory_space<vmem>>, vector<16xf32>,
      tpu.vector_store %arg7[%swap3A_286, %swap3A_287], %mul3A_285 {strides = array<i32>} : memref<64x768xf32, #tpu.memory_space<vmem>>, vector<16xf32>,
      %get3A_289 = arith.index_cast %scan3A_100 : i32 to index
      %get3A_290 = arith.constant 432 : index
      %get3A_291 = tpu.vector_load %arg7[%get3A_289, %get3A_290] {strides = array<i32>} : memref<64x768xf32, #tpu.memory_space<vmem>>, vector<16xf32>,
      %mul3A_292 = arith.mulf %get3A_291, %gather3A : vector<16xf32>
      %swap3A_293 = arith.index_cast %scan3A_100 : i32 to index
      %swap3A_294 = arith.constant 432 : index
      %swap3A_295 = tpu.vector_load %arg7[%swap3A_293, %swap3A_294] {strides = array<i32>} : memref<64x768xf32, #tpu.memory_space<vmem>>, vector<16xf32>,
      tpu.vector_store %arg7[%swap3A_293, %swap3A_294], %mul3A_292 {strides = array<i32>} : memref<64x768xf32, #tpu.memory_space<vmem>>, vector<16xf32>,
      %get3A_296 = arith.index_cast %scan3A_100 : i32 to index
      %get3A_297 = arith.constant 448 : index
      %get3A_298 = tpu.vector_load %arg7[%get3A_296, %get3A_297] {strides = array<i32>} : memref<64x768xf32, #tpu.memory_space<vmem>>, vector<16xf32>,
      %mul3A_299 = arith.mulf %get3A_298, %gather3A : vector<16xf32>
      %swap3A_300 = arith.index_cast %scan3A_100 : i32 to index
      %swap3A_301 = arith.constant 448 : index
      %swap3A_302 = tpu.vector_load %arg7[%swap3A_300, %swap3A_301] {strides = array<i32>} : memref<64x768xf32, #tpu.memory_space<vmem>>, vector<16xf32>,
      tpu.vector_store %arg7[%swap3A_300, %swap3A_301], %mul3A_299 {strides = array<i32>} : memref<64x768xf32, #tpu.memory_space<vmem>>, vector<16xf32>,
      %get3A_303 = arith.index_cast %scan3A_100 : i32 to index
      %get3A_304 = arith.constant 464 : index
      %get3A_305 = tpu.vector_load %arg7[%get3A_303, %get3A_304] {strides = array<i32>} : memref<64x768xf32, #tpu.memory_space<vmem>>, vector<16xf32>,
      %mul3A_306 = arith.mulf %get3A_305, %gather3A : vector<16xf32>
      %swap3A_307 = arith.index_cast %scan3A_100 : i32 to index
      %swap3A_308 = arith.constant 464 : index
      %swap3A_309 = tpu.vector_load %arg7[%swap3A_307, %swap3A_308] {strides = array<i32>} : memref<64x768xf32, #tpu.memory_space<vmem>>, vector<16xf32>,
      tpu.vector_store %arg7[%swap3A_307, %swap3A_308], %mul3A_306 {strides = array<i32>} : memref<64x768xf32, #tpu.memory_space<vmem>>, vector<16xf32>,
      %get3A_310 = arith.index_cast %scan3A_100 : i32 to index
      %get3A_311 = arith.constant 480 : index
      %get3A_312 = tpu.vector_load %arg7[%get3A_310, %get3A_311] {strides = array<i32>} : memref<64x768xf32, #tpu.memory_space<vmem>>, vector<16xf32>,
      %mul3A_313 = arith.mulf %get3A_312, %gather3A : vector<16xf32>
      %swap3A_314 = arith.index_cast %scan3A_100 : i32 to index
      %swap3A_315 = arith.constant 480 : index
      %swap3A_316 = tpu.vector_load %arg7[%swap3A_314, %swap3A_315] {strides = array<i32>} : memref<64x768xf32, #tpu.memory_space<vmem>>, vector<16xf32>,
      tpu.vector_store %arg7[%swap3A_314, %swap3A_315], %mul3A_313 {strides = array<i32>} : memref<64x768xf32, #tpu.memory_space<vmem>>, vector<16xf32>,
      %get3A_317 = arith.index_cast %scan3A_100 : i32 to index
      %get3A_318 = arith.constant 496 : index
      %get3A_319 = tpu.vector_load %arg7[%get3A_317, %get3A_318] {strides = array<i32>} : memref<64x768xf32, #tpu.memory_space<vmem>>, vector<16xf32>,
      %mul3A_320 = arith.mulf %get3A_319, %gather3A : vector<16xf32>
      %swap3A_321 = arith.index_cast %scan3A_100 : i32 to index
      %swap3A_322 = arith.constant 496 : index
      %swap3A_323 = tpu.vector_load %arg7[%swap3A_321, %swap3A_322] {strides = array<i32>} : memref<64x768xf32, #tpu.memory_space<vmem>>, vector<16xf32>,
      tpu.vector_store %arg7[%swap3A_321, %swap3A_322], %mul3A_320 {strides = array<i32>} : memref<64x768xf32, #tpu.memory_space<vmem>>, vector<16xf32>,
      %get3A_324 = arith.index_cast %scan3A_100 : i32 to index
      %get3A_325 = arith.constant 512 : index
      %get3A_326 = tpu.vector_load %arg7[%get3A_324, %get3A_325] {strides = array<i32>} : memref<64x768xf32, #tpu.memory_space<vmem>>, vector<16xf32>,
      %mul3A_327 = arith.mulf %get3A_326, %gather3A : vector<16xf32>
      %swap3A_328 = arith.index_cast %scan3A_100 : i32 to index
      %swap3A_329 = arith.constant 512 : index
      %swap3A_330 = tpu.vector_load %arg7[%swap3A_328, %swap3A_329] {strides = array<i32>} : memref<64x768xf32, #tpu.memory_space<vmem>>, vector<16xf32>,
      tpu.vector_store %arg7[%swap3A_328, %swap3A_329], %mul3A_327 {strides = array<i32>} : memref<64x768xf32, #tpu.memory_space<vmem>>, vector<16xf32>,
      %get3A_331 = arith.index_cast %scan3A_100 : i32 to index
      %get3A_332 = arith.constant 528 : index
      %get3A_333 = tpu.vector_load %arg7[%get3A_331, %get3A_332] {strides = array<i32>} : memref<64x768xf32, #tpu.memory_space<vmem>>, vector<16xf32>,
      %mul3A_334 = arith.mulf %get3A_333, %gather3A : vector<16xf32>
      %swap3A_335 = arith.index_cast %scan3A_100 : i32 to index
      %swap3A_336 = arith.constant 528 : index
      %swap3A_337 = tpu.vector_load %arg7[%swap3A_335, %swap3A_336] {strides = array<i32>} : memref<64x768xf32, #tpu.memory_space<vmem>>, vector<16xf32>,
      tpu.vector_store %arg7[%swap3A_335, %swap3A_336], %mul3A_334 {strides = array<i32>} : memref<64x768xf32, #tpu.memory_space<vmem>>, vector<16xf32>,
      %get3A_338 = arith.index_cast %scan3A_100 : i32 to index
      %get3A_339 = arith.constant 544 : index
      %get3A_340 = tpu.vector_load %arg7[%get3A_338, %get3A_339] {strides = array<i32>} : memref<64x768xf32, #tpu.memory_space<vmem>>, vector<16xf32>,
      %mul3A_341 = arith.mulf %get3A_340, %gather3A : vector<16xf32>
      %swap3A_342 = arith.index_cast %scan3A_100 : i32 to index
      %swap3A_343 = arith.constant 544 : index
      %swap3A_344 = tpu.vector_load %arg7[%swap3A_342, %swap3A_343] {strides = array<i32>} : memref<64x768xf32, #tpu.memory_space<vmem>>, vector<16xf32>,
      tpu.vector_store %arg7[%swap3A_342, %swap3A_343], %mul3A_341 {strides = array<i32>} : memref<64x768xf32, #tpu.memory_space<vmem>>, vector<16xf32>,
      %get3A_345 = arith.index_cast %scan3A_100 : i32 to index
      %get3A_346 = arith.constant 560 : index
      %get3A_347 = tpu.vector_load %arg7[%get3A_345, %get3A_346] {strides = array<i32>} : memref<64x768xf32, #tpu.memory_space<vmem>>, vector<16xf32>,
      %mul3A_348 = arith.mulf %get3A_347, %gather3A : vector<16xf32>
      %swap3A_349 = arith.index_cast %scan3A_100 : i32 to index
      %swap3A_350 = arith.constant 560 : index
      %swap3A_351 = tpu.vector_load %arg7[%swap3A_349, %swap3A_350] {strides = array<i32>} : memref<64x768xf32, #tpu.memory_space<vmem>>, vector<16xf32>,
      tpu.vector_store %arg7[%swap3A_349, %swap3A_350], %mul3A_348 {strides = array<i32>} : memref<64x768xf32, #tpu.memory_space<vmem>>, vector<16xf32>,
      %get3A_352 = arith.index_cast %scan3A_100 : i32 to index
      %get3A_353 = arith.constant 576 : index
      %get3A_354 = tpu.vector_load %arg7[%get3A_352, %get3A_353] {strides = array<i32>} : memref<64x768xf32, #tpu.memory_space<vmem>>, vector<16xf32>,
      %mul3A_355 = arith.mulf %get3A_354, %gather3A : vector<16xf32>
      %swap3A_356 = arith.index_cast %scan3A_100 : i32 to index
      %swap3A_357 = arith.constant 576 : index
      %swap3A_358 = tpu.vector_load %arg7[%swap3A_356, %swap3A_357] {strides = array<i32>} : memref<64x768xf32, #tpu.memory_space<vmem>>, vector<16xf32>,
      tpu.vector_store %arg7[%swap3A_356, %swap3A_357], %mul3A_355 {strides = array<i32>} : memref<64x768xf32, #tpu.memory_space<vmem>>, vector<16xf32>,
      %get3A_359 = arith.index_cast %scan3A_100 : i32 to index
      %get3A_360 = arith.constant 592 : index
      %get3A_361 = tpu.vector_load %arg7[%get3A_359, %get3A_360] {strides = array<i32>} : memref<64x768xf32, #tpu.memory_space<vmem>>, vector<16xf32>,
      %mul3A_362 = arith.mulf %get3A_361, %gather3A : vector<16xf32>
      %swap3A_363 = arith.index_cast %scan3A_100 : i32 to index
      %swap3A_364 = arith.constant 592 : index
      %swap3A_365 = tpu.vector_load %arg7[%swap3A_363, %swap3A_364] {strides = array<i32>} : memref<64x768xf32, #tpu.memory_space<vmem>>, vector<16xf32>,
      tpu.vector_store %arg7[%swap3A_363, %swap3A_364], %mul3A_362 {strides = array<i32>} : memref<64x768xf32, #tpu.memory_space<vmem>>, vector<16xf32>,
      %get3A_366 = arith.index_cast %scan3A_100 : i32 to index
      %get3A_367 = arith.constant 608 : index
      %get3A_368 = tpu.vector_load %arg7[%get3A_366, %get3A_367] {strides = array<i32>} : memref<64x768xf32, #tpu.memory_space<vmem>>, vector<16xf32>,
      %mul3A_369 = arith.mulf %get3A_368, %gather3A : vector<16xf32>
      %swap3A_370 = arith.index_cast %scan3A_100 : i32 to index
      %swap3A_371 = arith.constant 608 : index
      %swap3A_372 = tpu.vector_load %arg7[%swap3A_370, %swap3A_371] {strides = array<i32>} : memref<64x768xf32, #tpu.memory_space<vmem>>, vector<16xf32>,
      tpu.vector_store %arg7[%swap3A_370, %swap3A_371], %mul3A_369 {strides = array<i32>} : memref<64x768xf32, #tpu.memory_space<vmem>>, vector<16xf32>,
      %get3A_373 = arith.index_cast %scan3A_100 : i32 to index
      %get3A_374 = arith.constant 624 : index
      %get3A_375 = tpu.vector_load %arg7[%get3A_373, %get3A_374] {strides = array<i32>} : memref<64x768xf32, #tpu.memory_space<vmem>>, vector<16xf32>,
      %mul3A_376 = arith.mulf %get3A_375, %gather3A : vector<16xf32>
      %swap3A_377 = arith.index_cast %scan3A_100 : i32 to index
      %swap3A_378 = arith.constant 624 : index
      %swap3A_379 = tpu.vector_load %arg7[%swap3A_377, %swap3A_378] {strides = array<i32>} : memref<64x768xf32, #tpu.memory_space<vmem>>, vector<16xf32>,
      tpu.vector_store %arg7[%swap3A_377, %swap3A_378], %mul3A_376 {strides = array<i32>} : memref<64x768xf32, #tpu.memory_space<vmem>>, vector<16xf32>,
      %get3A_380 = arith.index_cast %scan3A_100 : i32 to index
      %get3A_381 = arith.constant 640 : index
      %get3A_382 = tpu.vector_load %arg7[%get3A_380, %get3A_381] {strides = array<i32>} : memref<64x768xf32, #tpu.memory_space<vmem>>, vector<16xf32>,
      %mul3A_383 = arith.mulf %get3A_382, %gather3A : vector<16xf32>
      %swap3A_384 = arith.index_cast %scan3A_100 : i32 to index
      %swap3A_385 = arith.constant 640 : index
      %swap3A_386 = tpu.vector_load %arg7[%swap3A_384, %swap3A_385] {strides = array<i32>} : memref<64x768xf32, #tpu.memory_space<vmem>>, vector<16xf32>,
      tpu.vector_store %arg7[%swap3A_384, %swap3A_385], %mul3A_383 {strides = array<i32>} : memref<64x768xf32, #tpu.memory_space<vmem>>, vector<16xf32>,
      %get3A_387 = arith.index_cast %scan3A_100 : i32 to index
      %get3A_388 = arith.constant 656 : index
      %get3A_389 = tpu.vector_load %arg7[%get3A_387, %get3A_388] {strides = array<i32>} : memref<64x768xf32, #tpu.memory_space<vmem>>, vector<16xf32>,
      %mul3A_390 = arith.mulf %get3A_389, %gather3A : vector<16xf32>
      %swap3A_391 = arith.index_cast %scan3A_100 : i32 to index
      %swap3A_392 = arith.constant 656 : index
      %swap3A_393 = tpu.vector_load %arg7[%swap3A_391, %swap3A_392] {strides = array<i32>} : memref<64x768xf32, #tpu.memory_space<vmem>>, vector<16xf32>,
      tpu.vector_store %arg7[%swap3A_391, %swap3A_392], %mul3A_390 {strides = array<i32>} : memref<64x768xf32, #tpu.memory_space<vmem>>, vector<16xf32>,
      %get3A_394 = arith.index_cast %scan3A_100 : i32 to index
      %get3A_395 = arith.constant 672 : index
      %get3A_396 = tpu.vector_load %arg7[%get3A_394, %get3A_395] {strides = array<i32>} : memref<64x768xf32, #tpu.memory_space<vmem>>, vector<16xf32>,
      %mul3A_397 = arith.mulf %get3A_396, %gather3A : vector<16xf32>
      %swap3A_398 = arith.index_cast %scan3A_100 : i32 to index
      %swap3A_399 = arith.constant 672 : index
      %swap3A_400 = tpu.vector_load %arg7[%swap3A_398, %swap3A_399] {strides = array<i32>} : memref<64x768xf32, #tpu.memory_space<vmem>>, vector<16xf32>,
      tpu.vector_store %arg7[%swap3A_398, %swap3A_399], %mul3A_397 {strides = array<i32>} : memref<64x768xf32, #tpu.memory_space<vmem>>, vector<16xf32>,
      %get3A_401 = arith.index_cast %scan3A_100 : i32 to index
      %get3A_402 = arith.constant 688 : index
      %get3A_403 = tpu.vector_load %arg7[%get3A_401, %get3A_402] {strides = array<i32>} : memref<64x768xf32, #tpu.memory_space<vmem>>, vector<16xf32>,
      %mul3A_404 = arith.mulf %get3A_403, %gather3A : vector<16xf32>
      %swap3A_405 = arith.index_cast %scan3A_100 : i32 to index
      %swap3A_406 = arith.constant 688 : index
      %swap3A_407 = tpu.vector_load %arg7[%swap3A_405, %swap3A_406] {strides = array<i32>} : memref<64x768xf32, #tpu.memory_space<vmem>>, vector<16xf32>,
      tpu.vector_store %arg7[%swap3A_405, %swap3A_406], %mul3A_404 {strides = array<i32>} : memref<64x768xf32, #tpu.memory_space<vmem>>, vector<16xf32>,
      %get3A_408 = arith.index_cast %scan3A_100 : i32 to index
      %get3A_409 = arith.constant 704 : index
      %get3A_410 = tpu.vector_load %arg7[%get3A_408, %get3A_409] {strides = array<i32>} : memref<64x768xf32, #tpu.memory_space<vmem>>, vector<16xf32>,
      %mul3A_411 = arith.mulf %get3A_410, %gather3A : vector<16xf32>
      %swap3A_412 = arith.index_cast %scan3A_100 : i32 to index
      %swap3A_413 = arith.constant 704 : index
      %swap3A_414 = tpu.vector_load %arg7[%swap3A_412, %swap3A_413] {strides = array<i32>} : memref<64x768xf32, #tpu.memory_space<vmem>>, vector<16xf32>,
      tpu.vector_store %arg7[%swap3A_412, %swap3A_413], %mul3A_411 {strides = array<i32>} : memref<64x768xf32, #tpu.memory_space<vmem>>, vector<16xf32>,
      %get3A_415 = arith.index_cast %scan3A_100 : i32 to index
      %get3A_416 = arith.constant 720 : index
      %get3A_417 = tpu.vector_load %arg7[%get3A_415, %get3A_416] {strides = array<i32>} : memref<64x768xf32, #tpu.memory_space<vmem>>, vector<16xf32>,
      %mul3A_418 = arith.mulf %get3A_417, %gather3A : vector<16xf32>
      %swap3A_419 = arith.index_cast %scan3A_100 : i32 to index
      %swap3A_420 = arith.constant 720 : index
      %swap3A_421 = tpu.vector_load %arg7[%swap3A_419, %swap3A_420] {strides = array<i32>} : memref<64x768xf32, #tpu.memory_space<vmem>>, vector<16xf32>,
      tpu.vector_store %arg7[%swap3A_419, %swap3A_420], %mul3A_418 {strides = array<i32>} : memref<64x768xf32, #tpu.memory_space<vmem>>, vector<16xf32>,
      %get3A_422 = arith.index_cast %scan3A_100 : i32 to index
      %get3A_423 = arith.constant 736 : index
      %get3A_424 = tpu.vector_load %arg7[%get3A_422, %get3A_423] {strides = array<i32>} : memref<64x768xf32, #tpu.memory_space<vmem>>, vector<16xf32>,
      %mul3A_425 = arith.mulf %get3A_424, %gather3A : vector<16xf32>
      %swap3A_426 = arith.index_cast %scan3A_100 : i32 to index
      %swap3A_427 = arith.constant 736 : index
      %swap3A_428 = tpu.vector_load %arg7[%swap3A_426, %swap3A_427] {strides = array<i32>} : memref<64x768xf32, #tpu.memory_space<vmem>>, vector<16xf32>,
      tpu.vector_store %arg7[%swap3A_426, %swap3A_427], %mul3A_425 {strides = array<i32>} : memref<64x768xf32, #tpu.memory_space<vmem>>, vector<16xf32>,
      %get3A_429 = arith.index_cast %scan3A_100 : i32 to index
      %get3A_430 = arith.constant 752 : index
      %get3A_431 = tpu.vector_load %arg7[%get3A_429, %get3A_430] {strides = array<i32>} : memref<64x768xf32, #tpu.memory_space<vmem>>, vector<16xf32>,
      %mul3A_432 = arith.mulf %get3A_431, %gather3A : vector<16xf32>
      %swap3A_433 = arith.index_cast %scan3A_100 : i32 to index
      %swap3A_434 = arith.constant 752 : index
      %swap3A_435 = tpu.vector_load %arg7[%swap3A_433, %swap3A_434] {strides = array<i32>} : memref<64x768xf32, #tpu.memory_space<vmem>>, vector<16xf32>,
      tpu.vector_store %arg7[%swap3A_433, %swap3A_434], %mul3A_432 {strides = array<i32>} : memref<64x768xf32, #tpu.memory_space<vmem>>, vector<16xf32>,
      %scan3A_436 = arith.constant 0 : i32
      scf.yield %scan3A_436 : i32
    }
    %scan3A_85 = arith.constant 64 : i32
    %add3A_86 = arith.constant 192 : i32
    %add3A_87 = arith.addi %mul3A_2, %add3A_86 : i32
    %dma_start3A_88 = arith.constant 0 : i32
    %dma_start3A_89 = tpu.memref_slice %arg5[%add3A_87, %dma_start3A_88] : memref<8192x768xf32, #tpu.memory_space<hbm>> -> memref<64x768xf32, #tpu.memory_space<hbm>>
    %dma_start3A_90 = arith.constant 0 : i32
    %dma_start3A_91 = tpu.memref_slice %arg5[%add3A_87, %dma_start3A_90] : memref<8192x768xf32, #tpu.memory_space<hbm>> -> memref<64x768xf32, #tpu.memory_space<hbm>>
    tpu.enqueue_dma source(%arg7 : memref<64x768xf32, #tpu.memory_space<vmem>>) target(%dma_start3A_91 : memref<64x768xf32, #tpu.memory_space<hbm>>) target_semaphore(%arg15 : memref<!tpu.dma_semaphore, #tpu.memory_space<semaphore_mem>>)
    %dma_wait3A_92 = arith.constant 0 : i32
    %dma_wait3A_93 = tpu.memref_slice %arg5[%add3A_71, %dma_wait3A_92] : memref<8192x768xf32, #tpu.memory_space<hbm>> -> memref<64x768xf32, #tpu.memory_space<hbm>>
    %dma_wait3A_94 = arith.constant 0 : i32
    %dma_wait3A_95 = tpu.memref_slice %arg5[%add3A_71, %dma_wait3A_94] : memref<8192x768xf32, #tpu.memory_space<hbm>> -> memref<64x768xf32, #tpu.memory_space<hbm>>
    tpu.wait_dma2 semaphore(%arg14 : memref<!tpu.dma_semaphore, #tpu.memory_space<semaphore_mem>>) src(%arg6 : memref<64x768xf32, #tpu.memory_space<vmem>>) dst(%dma_wait3A_95 : memref<64x768xf32, #tpu.memory_space<hbm>>)
    %dma_wait3A_96 = arith.constant 0 : i32
    %dma_wait3A_97 = tpu.memref_slice %arg5[%add3A_87, %dma_wait3A_96] : memref<8192x768xf32, #tpu.memory_space<hbm>> -> memref<64x768xf32, #tpu.memory_space<hbm>>
    %dma_wait3A_98 = arith.constant 0 : i32
    %dma_wait3A_99 = tpu.memref_slice %arg5[%add3A_87, %dma_wait3A_98] : memref<8192x768xf32, #tpu.memory_space<hbm>> -> memref<64x768xf32, #tpu.memory_space<hbm>>
    tpu.wait_dma2 semaphore(%arg15 : memref<!tpu.dma_semaphore, #tpu.memory_space<semaphore_mem>>) src(%arg7 : memref<64x768xf32, #tpu.memory_space<vmem>>) dst(%dma_wait3A_99 : memref<64x768xf32, #tpu.memory_space<hbm>>)
    return
  }
}

module attributes {stable_mosaic.version = 14 : i64} {
  func.func @_meta_body(%arg0: memref<64x128xi32, #tpu.memory_space<vmem>>, %arg1: memref<128x128xbf16, #tpu.memory_space<vmem>>, %arg2: memref<64x64xbf16, #tpu.memory_space<vmem>>, %arg3: memref<64x128xi32, #tpu.memory_space<vmem>>, %arg4: memref<24x2xi32, #tpu.memory_space<vmem>>) attributes {dimension_semantics = [], scalar_prefetch = 0 : i64, scratch_operands = 0 : i64, tpu.core_type = #tpu.core_type<tc>} {
    %get3A = arith.constant 0 : index
    %get3A_0 = arith.constant 0 : index
    %get3A_1 = vector.load %arg0[%get3A, %get3A_0] : memref<64x128xi32, #tpu.memory_space<vmem>>, vector<64x128xi32>
    %get3A_2 = arith.constant 0 : index
    %get3A_3 = arith.constant 0 : index
    %get3A_4 = vector.load %arg1[%get3A_2, %get3A_3] : memref<128x128xbf16, #tpu.memory_space<vmem>>, vector<128x128xbf16>
    %get3A_5 = arith.constant 0 : index
    %get3A_6 = arith.constant 0 : index
    %get3A_7 = vector.load %arg2[%get3A_5, %get3A_6] : memref<64x64xbf16, #tpu.memory_space<vmem>>, vector<64x64xbf16>
    %broadcast_in_dim3A = arith.constant 0.000000e+00 : f32
    %broadcast_in_dim3A_8 = vector.broadcast %broadcast_in_dim3A : f32 to vector<64x128xf32>
    %eq3A = arith.constant 0 : i32
    %eq3A_9 = vector.broadcast %eq3A : i32 to vector<64x128xi32>
    %eq3A_10 = arith.cmpi eq, %get3A_1, %eq3A_9 : vector<64x128xi32>
    %convert_element_type3A = arith.extui %eq3A_10 : vector<64x128xi1> to vector<64x128xi32>
    %convert_element_type3A_11 = arith.sitofp %convert_element_type3A : vector<64x128xi32> to vector<64x128xf32>
    %convert_element_type3A_12 = arith.truncf %convert_element_type3A_11 : vector<64x128xf32> to vector<64x128xbf16>
    %dot_general3A = arith.constant dense<0.000000e+00> : vector<64x128xf32>
    %dot_general3A_13 = tpu.matmul %convert_element_type3A_12, %get3A_4, %dot_general3A {dimension_numbers = #tpu.dot_dimension_numbers<[1], [0], [0], [1], [0, 0, 1, 1], [], []>, transpose_lhs_hint = false} : vector<64x128xbf16>, vector<128x128xbf16>, vector<64x128xf32> -> vector<64x128xf32>
    %convert_element_type3A_14 = arith.truncf %dot_general3A_13 : vector<64x128xf32> to vector<64x128xbf16>
    %dot_general3A_15 = arith.constant dense<0.000000e+00> : vector<64x128xf32>
    %dot_general3A_16 = tpu.matmul %get3A_7, %convert_element_type3A_14, %dot_general3A_15 {dimension_numbers = #tpu.dot_dimension_numbers<[1], [0], [0], [1], [0, 0, 1, 1], [], []>, transpose_lhs_hint = false} : vector<64x64xbf16>, vector<64x128xbf16>, vector<64x128xf32> -> vector<64x128xf32>
    %slice3A = vector.extract_strided_slice %dot_general3A_16 {offsets = [0, 127], sizes = [64, 1], strides = [1, 1]} : vector<64x128xf32> to vector<64x1xf32>
    %add3A = vector.broadcast %slice3A : vector<64x1xf32> to vector<64x128xf32>
    %add3A_17 = arith.addf %add3A, %dot_general3A_13 : vector<64x128xf32>
    %sub3A = arith.subf %add3A_17, %convert_element_type3A_11 : vector<64x128xf32>
    %add3A_18 = arith.constant 0.000000e+00 : f32
    %add3A_19 = vector.broadcast %add3A_18 : f32 to vector<64x128xf32>
    %add3A_20 = arith.addf %add3A_19, %sub3A : vector<64x128xf32>
    %mul3A = arith.mulf %convert_element_type3A_11, %add3A_20 : vector<64x128xf32>
    %add3A_21 = arith.addf %broadcast_in_dim3A_8, %mul3A : vector<64x128xf32>
    %reduce_sum3A = vector.shape_cast %convert_element_type3A_11 : vector<64x128xf32> to vector<1x64x128xf32>
    %reduce_sum3A_22 = arith.constant dense<0.000000e+00> : vector<1xf32>
    %reduce_sum3A_23 = vector.multi_reduction <add>, %reduce_sum3A, %reduce_sum3A_22 [1, 2] : vector<1x64x128xf32> to vector<1xf32>
    %reduce_sum3A_24 = vector.shape_cast %reduce_sum3A_23 : vector<1xf32> to vector<1x1x1xf32>
    %reduce_sum3A_25 = vector.extract %reduce_sum3A_24[0, 0, 0] : f32 from vector<1x1x1xf32>
    %add3A_26 = arith.constant 5.000000e-01 : f32
    %add3A_27 = arith.addf %reduce_sum3A_25, %add3A_26 : f32
    %convert_element_type3A_28 = arith.fptosi %add3A_27 : f32 to i32
    %add3A_29 = arith.constant 512 : i32
    %add3A_30 = arith.addi %convert_element_type3A_28, %add3A_29 : i32
    %sub3A_31 = arith.constant 1 : i32
    %sub3A_32 = arith.subi %add3A_30, %sub3A_31 : i32
    %jit3A = arith.constant 512 : i32
    %div3A = arith.divsi %sub3A_32, %jit3A : i32
    %sign3A = arith.constant 0 : i32
    %sign3A_33 = arith.cmpi sgt, %sub3A_32, %sign3A : i32
    %sign3A_34 = arith.extui %sign3A_33 : i1 to i32
    %sign3A_35 = arith.constant 0 : i32
    %sign3A_36 = arith.cmpi slt, %sub3A_32, %sign3A_35 : i32
    %sign3A_37 = arith.extui %sign3A_36 : i1 to i32
    %sign3A_38 = arith.subi %sign3A_34, %sign3A_37 : i32
    %sign3A_39 = arith.constant 0 : i32
    %sign3A_40 = arith.cmpi sgt, %jit3A, %sign3A_39 : i32
    %sign3A_41 = arith.extui %sign3A_40 : i1 to i32
    %sign3A_42 = arith.constant 0 : i32
    %sign3A_43 = arith.cmpi slt, %jit3A, %sign3A_42 : i32
    %sign3A_44 = arith.extui %sign3A_43 : i1 to i32
    %sign3A_45 = arith.subi %sign3A_41, %sign3A_44 : i32
    %ne3A = arith.cmpi ne, %sign3A_38, %sign3A_45 : i32
    %rem3A = arith.remsi %sub3A_32, %jit3A : i32
    %ne3A_46 = arith.constant 0 : i32
    %ne3A_47 = arith.cmpi ne, %rem3A, %ne3A_46 : i32
    %and3A = arith.andi %ne3A, %ne3A_47 : i1
    %sub3A_48 = arith.constant 1 : i32
    %sub3A_49 = arith.subi %div3A, %sub3A_48 : i32
    %select_n3A = arith.select %and3A, %sub3A_49, %div3A : i32
    %mul3A_50 = arith.constant 512 : i32
    %mul3A_51 = arith.muli %select_n3A, %mul3A_50 : i32
    %add3A_52 = arith.constant 0 : i32
    %add3A_53 = arith.addi %add3A_52, %mul3A_51 : i32
    %eq3A_54 = arith.constant 1 : i32
    %eq3A_55 = vector.broadcast %eq3A_54 : i32 to vector<64x128xi32>
    %eq3A_56 = arith.cmpi eq, %get3A_1, %eq3A_55 : vector<64x128xi32>
    %convert_element_type3A_57 = arith.extui %eq3A_56 : vector<64x128xi1> to vector<64x128xi32>
    %convert_element_type3A_58 = arith.sitofp %convert_element_type3A_57 : vector<64x128xi32> to vector<64x128xf32>
    %convert_element_type3A_59 = arith.truncf %convert_element_type3A_58 : vector<64x128xf32> to vector<64x128xbf16>
    %dot_general3A_60 = arith.constant dense<0.000000e+00> : vector<64x128xf32>
    %dot_general3A_61 = tpu.matmul %convert_element_type3A_59, %get3A_4, %dot_general3A_60 {dimension_numbers = #tpu.dot_dimension_numbers<[1], [0], [0], [1], [0, 0, 1, 1], [], []>, transpose_lhs_hint = false} : vector<64x128xbf16>, vector<128x128xbf16>, vector<64x128xf32> -> vector<64x128xf32>
    %convert_element_type3A_62 = arith.truncf %dot_general3A_61 : vector<64x128xf32> to vector<64x128xbf16>
    %dot_general3A_63 = arith.constant dense<0.000000e+00> : vector<64x128xf32>
    %dot_general3A_64 = tpu.matmul %get3A_7, %convert_element_type3A_62, %dot_general3A_63 {dimension_numbers = #tpu.dot_dimension_numbers<[1], [0], [0], [1], [0, 0, 1, 1], [], []>, transpose_lhs_hint = false} : vector<64x64xbf16>, vector<64x128xbf16>, vector<64x128xf32> -> vector<64x128xf32>
    %slice3A_65 = vector.extract_strided_slice %dot_general3A_64 {offsets = [0, 127], sizes = [64, 1], strides = [1, 1]} : vector<64x128xf32> to vector<64x1xf32>
    %add3A_66 = vector.broadcast %slice3A_65 : vector<64x1xf32> to vector<64x128xf32>
    %add3A_67 = arith.addf %add3A_66, %dot_general3A_61 : vector<64x128xf32>
    %sub3A_68 = arith.subf %add3A_67, %convert_element_type3A_58 : vector<64x128xf32>
    %convert_element_type3A_69 = arith.sitofp %add3A_53 : i32 to f32
    %add3A_70 = vector.broadcast %convert_element_type3A_69 : f32 to vector<64x128xf32>
    %add3A_71 = arith.addf %add3A_70, %sub3A_68 : vector<64x128xf32>
    %mul3A_72 = arith.mulf %convert_element_type3A_58, %add3A_71 : vector<64x128xf32>
    %add3A_73 = arith.addf %add3A_21, %mul3A_72 : vector<64x128xf32>
    %reduce_sum3A_74 = vector.shape_cast %convert_element_type3A_58 : vector<64x128xf32> to vector<1x64x128xf32>
    %reduce_sum3A_75 = arith.constant dense<0.000000e+00> : vector<1xf32>
    %reduce_sum3A_76 = vector.multi_reduction <add>, %reduce_sum3A_74, %reduce_sum3A_75 [1, 2] : vector<1x64x128xf32> to vector<1xf32>
    %reduce_sum3A_77 = vector.shape_cast %reduce_sum3A_76 : vector<1xf32> to vector<1x1x1xf32>
    %reduce_sum3A_78 = vector.extract %reduce_sum3A_77[0, 0, 0] : f32 from vector<1x1x1xf32>
    %add3A_79 = arith.constant 5.000000e-01 : f32
    %add3A_80 = arith.addf %reduce_sum3A_78, %add3A_79 : f32
    %convert_element_type3A_81 = arith.fptosi %add3A_80 : f32 to i32
    %add3A_82 = arith.constant 512 : i32
    %add3A_83 = arith.addi %convert_element_type3A_81, %add3A_82 : i32
    %sub3A_84 = arith.constant 1 : i32
    %sub3A_85 = arith.subi %add3A_83, %sub3A_84 : i32
    %jit3A_86 = arith.constant 512 : i32
    %div3A_87 = arith.divsi %sub3A_85, %jit3A_86 : i32
    %sign3A_88 = arith.constant 0 : i32
    %sign3A_89 = arith.cmpi sgt, %sub3A_85, %sign3A_88 : i32
    %sign3A_90 = arith.extui %sign3A_89 : i1 to i32
    %sign3A_91 = arith.constant 0 : i32
    %sign3A_92 = arith.cmpi slt, %sub3A_85, %sign3A_91 : i32
    %sign3A_93 = arith.extui %sign3A_92 : i1 to i32
    %sign3A_94 = arith.subi %sign3A_90, %sign3A_93 : i32
    %sign3A_95 = arith.constant 0 : i32
    %sign3A_96 = arith.cmpi sgt, %jit3A_86, %sign3A_95 : i32
    %sign3A_97 = arith.extui %sign3A_96 : i1 to i32
    %sign3A_98 = arith.constant 0 : i32
    %sign3A_99 = arith.cmpi slt, %jit3A_86, %sign3A_98 : i32
    %sign3A_100 = arith.extui %sign3A_99 : i1 to i32
    %sign3A_101 = arith.subi %sign3A_97, %sign3A_100 : i32
    %ne3A_102 = arith.cmpi ne, %sign3A_94, %sign3A_101 : i32
    %rem3A_103 = arith.remsi %sub3A_85, %jit3A_86 : i32
    %ne3A_104 = arith.constant 0 : i32
    %ne3A_105 = arith.cmpi ne, %rem3A_103, %ne3A_104 : i32
    %and3A_106 = arith.andi %ne3A_102, %ne3A_105 : i1
    %sub3A_107 = arith.constant 1 : i32
    %sub3A_108 = arith.subi %div3A_87, %sub3A_107 : i32
    %select_n3A_109 = arith.select %and3A_106, %sub3A_108, %div3A_87 : i32
    %mul3A_110 = arith.constant 512 : i32
    %mul3A_111 = arith.muli %select_n3A_109, %mul3A_110 : i32
    %add3A_112 = arith.addi %add3A_53, %mul3A_111 : i32
    %eq3A_113 = arith.constant 2 : i32
    %eq3A_114 = vector.broadcast %eq3A_113 : i32 to vector<64x128xi32>
    %eq3A_115 = arith.cmpi eq, %get3A_1, %eq3A_114 : vector<64x128xi32>
    %convert_element_type3A_116 = arith.extui %eq3A_115 : vector<64x128xi1> to vector<64x128xi32>
    %convert_element_type3A_117 = arith.sitofp %convert_element_type3A_116 : vector<64x128xi32> to vector<64x128xf32>
    %convert_element_type3A_118 = arith.truncf %convert_element_type3A_117 : vector<64x128xf32> to vector<64x128xbf16>
    %dot_general3A_119 = arith.constant dense<0.000000e+00> : vector<64x128xf32>
    %dot_general3A_120 = tpu.matmul %convert_element_type3A_118, %get3A_4, %dot_general3A_119 {dimension_numbers = #tpu.dot_dimension_numbers<[1], [0], [0], [1], [0, 0, 1, 1], [], []>, transpose_lhs_hint = false} : vector<64x128xbf16>, vector<128x128xbf16>, vector<64x128xf32> -> vector<64x128xf32>
    %convert_element_type3A_121 = arith.truncf %dot_general3A_120 : vector<64x128xf32> to vector<64x128xbf16>
    %dot_general3A_122 = arith.constant dense<0.000000e+00> : vector<64x128xf32>
    %dot_general3A_123 = tpu.matmul %get3A_7, %convert_element_type3A_121, %dot_general3A_122 {dimension_numbers = #tpu.dot_dimension_numbers<[1], [0], [0], [1], [0, 0, 1, 1], [], []>, transpose_lhs_hint = false} : vector<64x64xbf16>, vector<64x128xbf16>, vector<64x128xf32> -> vector<64x128xf32>
    %slice3A_124 = vector.extract_strided_slice %dot_general3A_123 {offsets = [0, 127], sizes = [64, 1], strides = [1, 1]} : vector<64x128xf32> to vector<64x1xf32>
    %add3A_125 = vector.broadcast %slice3A_124 : vector<64x1xf32> to vector<64x128xf32>
    %add3A_126 = arith.addf %add3A_125, %dot_general3A_120 : vector<64x128xf32>
    %sub3A_127 = arith.subf %add3A_126, %convert_element_type3A_117 : vector<64x128xf32>
    %convert_element_type3A_128 = arith.sitofp %add3A_112 : i32 to f32
    %add3A_129 = vector.broadcast %convert_element_type3A_128 : f32 to vector<64x128xf32>
    %add3A_130 = arith.addf %add3A_129, %sub3A_127 : vector<64x128xf32>
    %mul3A_131 = arith.mulf %convert_element_type3A_117, %add3A_130 : vector<64x128xf32>
    %add3A_132 = arith.addf %add3A_73, %mul3A_131 : vector<64x128xf32>
    %reduce_sum3A_133 = vector.shape_cast %convert_element_type3A_117 : vector<64x128xf32> to vector<1x64x128xf32>
    %reduce_sum3A_134 = arith.constant dense<0.000000e+00> : vector<1xf32>
    %reduce_sum3A_135 = vector.multi_reduction <add>, %reduce_sum3A_133, %reduce_sum3A_134 [1, 2] : vector<1x64x128xf32> to vector<1xf32>
    %reduce_sum3A_136 = vector.shape_cast %reduce_sum3A_135 : vector<1xf32> to vector<1x1x1xf32>
    %reduce_sum3A_137 = vector.extract %reduce_sum3A_136[0, 0, 0] : f32 from vector<1x1x1xf32>
    %add3A_138 = arith.constant 5.000000e-01 : f32
    %add3A_139 = arith.addf %reduce_sum3A_137, %add3A_138 : f32
    %convert_element_type3A_140 = arith.fptosi %add3A_139 : f32 to i32
    %add3A_141 = arith.constant 512 : i32
    %add3A_142 = arith.addi %convert_element_type3A_140, %add3A_141 : i32
    %sub3A_143 = arith.constant 1 : i32
    %sub3A_144 = arith.subi %add3A_142, %sub3A_143 : i32
    %jit3A_145 = arith.constant 512 : i32
    %div3A_146 = arith.divsi %sub3A_144, %jit3A_145 : i32
    %sign3A_147 = arith.constant 0 : i32
    %sign3A_148 = arith.cmpi sgt, %sub3A_144, %sign3A_147 : i32
    %sign3A_149 = arith.extui %sign3A_148 : i1 to i32
    %sign3A_150 = arith.constant 0 : i32
    %sign3A_151 = arith.cmpi slt, %sub3A_144, %sign3A_150 : i32
    %sign3A_152 = arith.extui %sign3A_151 : i1 to i32
    %sign3A_153 = arith.subi %sign3A_149, %sign3A_152 : i32
    %sign3A_154 = arith.constant 0 : i32
    %sign3A_155 = arith.cmpi sgt, %jit3A_145, %sign3A_154 : i32
    %sign3A_156 = arith.extui %sign3A_155 : i1 to i32
    %sign3A_157 = arith.constant 0 : i32
    %sign3A_158 = arith.cmpi slt, %jit3A_145, %sign3A_157 : i32
    %sign3A_159 = arith.extui %sign3A_158 : i1 to i32
    %sign3A_160 = arith.subi %sign3A_156, %sign3A_159 : i32
    %ne3A_161 = arith.cmpi ne, %sign3A_153, %sign3A_160 : i32
    %rem3A_162 = arith.remsi %sub3A_144, %jit3A_145 : i32
    %ne3A_163 = arith.constant 0 : i32
    %ne3A_164 = arith.cmpi ne, %rem3A_162, %ne3A_163 : i32
    %and3A_165 = arith.andi %ne3A_161, %ne3A_164 : i1
    %sub3A_166 = arith.constant 1 : i32
    %sub3A_167 = arith.subi %div3A_146, %sub3A_166 : i32
    %select_n3A_168 = arith.select %and3A_165, %sub3A_167, %div3A_146 : i32
    %mul3A_169 = arith.constant 512 : i32
    %mul3A_170 = arith.muli %select_n3A_168, %mul3A_169 : i32
    %add3A_171 = arith.addi %add3A_112, %mul3A_170 : i32
    %eq3A_172 = arith.constant 3 : i32
    %eq3A_173 = vector.broadcast %eq3A_172 : i32 to vector<64x128xi32>
    %eq3A_174 = arith.cmpi eq, %get3A_1, %eq3A_173 : vector<64x128xi32>
    %convert_element_type3A_175 = arith.extui %eq3A_174 : vector<64x128xi1> to vector<64x128xi32>
    %convert_element_type3A_176 = arith.sitofp %convert_element_type3A_175 : vector<64x128xi32> to vector<64x128xf32>
    %convert_element_type3A_177 = arith.truncf %convert_element_type3A_176 : vector<64x128xf32> to vector<64x128xbf16>
    %dot_general3A_178 = arith.constant dense<0.000000e+00> : vector<64x128xf32>
    %dot_general3A_179 = tpu.matmul %convert_element_type3A_177, %get3A_4, %dot_general3A_178 {dimension_numbers = #tpu.dot_dimension_numbers<[1], [0], [0], [1], [0, 0, 1, 1], [], []>, transpose_lhs_hint = false} : vector<64x128xbf16>, vector<128x128xbf16>, vector<64x128xf32> -> vector<64x128xf32>
    %convert_element_type3A_180 = arith.truncf %dot_general3A_179 : vector<64x128xf32> to vector<64x128xbf16>
    %dot_general3A_181 = arith.constant dense<0.000000e+00> : vector<64x128xf32>
    %dot_general3A_182 = tpu.matmul %get3A_7, %convert_element_type3A_180, %dot_general3A_181 {dimension_numbers = #tpu.dot_dimension_numbers<[1], [0], [0], [1], [0, 0, 1, 1], [], []>, transpose_lhs_hint = false} : vector<64x64xbf16>, vector<64x128xbf16>, vector<64x128xf32> -> vector<64x128xf32>
    %slice3A_183 = vector.extract_strided_slice %dot_general3A_182 {offsets = [0, 127], sizes = [64, 1], strides = [1, 1]} : vector<64x128xf32> to vector<64x1xf32>
    %add3A_184 = vector.broadcast %slice3A_183 : vector<64x1xf32> to vector<64x128xf32>
    %add3A_185 = arith.addf %add3A_184, %dot_general3A_179 : vector<64x128xf32>
    %sub3A_186 = arith.subf %add3A_185, %convert_element_type3A_176 : vector<64x128xf32>
    %convert_element_type3A_187 = arith.sitofp %add3A_171 : i32 to f32
    %add3A_188 = vector.broadcast %convert_element_type3A_187 : f32 to vector<64x128xf32>
    %add3A_189 = arith.addf %add3A_188, %sub3A_186 : vector<64x128xf32>
    %mul3A_190 = arith.mulf %convert_element_type3A_176, %add3A_189 : vector<64x128xf32>
    %add3A_191 = arith.addf %add3A_132, %mul3A_190 : vector<64x128xf32>
    %reduce_sum3A_192 = vector.shape_cast %convert_element_type3A_176 : vector<64x128xf32> to vector<1x64x128xf32>
    %reduce_sum3A_193 = arith.constant dense<0.000000e+00> : vector<1xf32>
    %reduce_sum3A_194 = vector.multi_reduction <add>, %reduce_sum3A_192, %reduce_sum3A_193 [1, 2] : vector<1x64x128xf32> to vector<1xf32>
    %reduce_sum3A_195 = vector.shape_cast %reduce_sum3A_194 : vector<1xf32> to vector<1x1x1xf32>
    %reduce_sum3A_196 = vector.extract %reduce_sum3A_195[0, 0, 0] : f32 from vector<1x1x1xf32>
    %add3A_197 = arith.constant 5.000000e-01 : f32
    %add3A_198 = arith.addf %reduce_sum3A_196, %add3A_197 : f32
    %convert_element_type3A_199 = arith.fptosi %add3A_198 : f32 to i32
    %add3A_200 = arith.constant 512 : i32
    %add3A_201 = arith.addi %convert_element_type3A_199, %add3A_200 : i32
    %sub3A_202 = arith.constant 1 : i32
    %sub3A_203 = arith.subi %add3A_201, %sub3A_202 : i32
    %jit3A_204 = arith.constant 512 : i32
    %div3A_205 = arith.divsi %sub3A_203, %jit3A_204 : i32
    %sign3A_206 = arith.constant 0 : i32
    %sign3A_207 = arith.cmpi sgt, %sub3A_203, %sign3A_206 : i32
    %sign3A_208 = arith.extui %sign3A_207 : i1 to i32
    %sign3A_209 = arith.constant 0 : i32
    %sign3A_210 = arith.cmpi slt, %sub3A_203, %sign3A_209 : i32
    %sign3A_211 = arith.extui %sign3A_210 : i1 to i32
    %sign3A_212 = arith.subi %sign3A_208, %sign3A_211 : i32
    %sign3A_213 = arith.constant 0 : i32
    %sign3A_214 = arith.cmpi sgt, %jit3A_204, %sign3A_213 : i32
    %sign3A_215 = arith.extui %sign3A_214 : i1 to i32
    %sign3A_216 = arith.constant 0 : i32
    %sign3A_217 = arith.cmpi slt, %jit3A_204, %sign3A_216 : i32
    %sign3A_218 = arith.extui %sign3A_217 : i1 to i32
    %sign3A_219 = arith.subi %sign3A_215, %sign3A_218 : i32
    %ne3A_220 = arith.cmpi ne, %sign3A_212, %sign3A_219 : i32
    %rem3A_221 = arith.remsi %sub3A_203, %jit3A_204 : i32
    %ne3A_222 = arith.constant 0 : i32
    %ne3A_223 = arith.cmpi ne, %rem3A_221, %ne3A_222 : i32
    %and3A_224 = arith.andi %ne3A_220, %ne3A_223 : i1
    %sub3A_225 = arith.constant 1 : i32
    %sub3A_226 = arith.subi %div3A_205, %sub3A_225 : i32
    %select_n3A_227 = arith.select %and3A_224, %sub3A_226, %div3A_205 : i32
    %mul3A_228 = arith.constant 512 : i32
    %mul3A_229 = arith.muli %select_n3A_227, %mul3A_228 : i32
    %add3A_230 = arith.addi %add3A_171, %mul3A_229 : i32
    %eq3A_231 = arith.constant 4 : i32
    %eq3A_232 = vector.broadcast %eq3A_231 : i32 to vector<64x128xi32>
    %eq3A_233 = arith.cmpi eq, %get3A_1, %eq3A_232 : vector<64x128xi32>
    %convert_element_type3A_234 = arith.extui %eq3A_233 : vector<64x128xi1> to vector<64x128xi32>
    %convert_element_type3A_235 = arith.sitofp %convert_element_type3A_234 : vector<64x128xi32> to vector<64x128xf32>
    %convert_element_type3A_236 = arith.truncf %convert_element_type3A_235 : vector<64x128xf32> to vector<64x128xbf16>
    %dot_general3A_237 = arith.constant dense<0.000000e+00> : vector<64x128xf32>
    %dot_general3A_238 = tpu.matmul %convert_element_type3A_236, %get3A_4, %dot_general3A_237 {dimension_numbers = #tpu.dot_dimension_numbers<[1], [0], [0], [1], [0, 0, 1, 1], [], []>, transpose_lhs_hint = false} : vector<64x128xbf16>, vector<128x128xbf16>, vector<64x128xf32> -> vector<64x128xf32>
    %convert_element_type3A_239 = arith.truncf %dot_general3A_238 : vector<64x128xf32> to vector<64x128xbf16>
    %dot_general3A_240 = arith.constant dense<0.000000e+00> : vector<64x128xf32>
    %dot_general3A_241 = tpu.matmul %get3A_7, %convert_element_type3A_239, %dot_general3A_240 {dimension_numbers = #tpu.dot_dimension_numbers<[1], [0], [0], [1], [0, 0, 1, 1], [], []>, transpose_lhs_hint = false} : vector<64x64xbf16>, vector<64x128xbf16>, vector<64x128xf32> -> vector<64x128xf32>
    %slice3A_242 = vector.extract_strided_slice %dot_general3A_241 {offsets = [0, 127], sizes = [64, 1], strides = [1, 1]} : vector<64x128xf32> to vector<64x1xf32>
    %add3A_243 = vector.broadcast %slice3A_242 : vector<64x1xf32> to vector<64x128xf32>
    %add3A_244 = arith.addf %add3A_243, %dot_general3A_238 : vector<64x128xf32>
    %sub3A_245 = arith.subf %add3A_244, %convert_element_type3A_235 : vector<64x128xf32>
    %convert_element_type3A_246 = arith.sitofp %add3A_230 : i32 to f32
    %add3A_247 = vector.broadcast %convert_element_type3A_246 : f32 to vector<64x128xf32>
    %add3A_248 = arith.addf %add3A_247, %sub3A_245 : vector<64x128xf32>
    %mul3A_249 = arith.mulf %convert_element_type3A_235, %add3A_248 : vector<64x128xf32>
    %add3A_250 = arith.addf %add3A_191, %mul3A_249 : vector<64x128xf32>
    %reduce_sum3A_251 = vector.shape_cast %convert_element_type3A_235 : vector<64x128xf32> to vector<1x64x128xf32>
    %reduce_sum3A_252 = arith.constant dense<0.000000e+00> : vector<1xf32>
    %reduce_sum3A_253 = vector.multi_reduction <add>, %reduce_sum3A_251, %reduce_sum3A_252 [1, 2] : vector<1x64x128xf32> to vector<1xf32>
    %reduce_sum3A_254 = vector.shape_cast %reduce_sum3A_253 : vector<1xf32> to vector<1x1x1xf32>
    %reduce_sum3A_255 = vector.extract %reduce_sum3A_254[0, 0, 0] : f32 from vector<1x1x1xf32>
    %add3A_256 = arith.constant 5.000000e-01 : f32
    %add3A_257 = arith.addf %reduce_sum3A_255, %add3A_256 : f32
    %convert_element_type3A_258 = arith.fptosi %add3A_257 : f32 to i32
    %add3A_259 = arith.constant 512 : i32
    %add3A_260 = arith.addi %convert_element_type3A_258, %add3A_259 : i32
    %sub3A_261 = arith.constant 1 : i32
    %sub3A_262 = arith.subi %add3A_260, %sub3A_261 : i32
    %jit3A_263 = arith.constant 512 : i32
    %div3A_264 = arith.divsi %sub3A_262, %jit3A_263 : i32
    %sign3A_265 = arith.constant 0 : i32
    %sign3A_266 = arith.cmpi sgt, %sub3A_262, %sign3A_265 : i32
    %sign3A_267 = arith.extui %sign3A_266 : i1 to i32
    %sign3A_268 = arith.constant 0 : i32
    %sign3A_269 = arith.cmpi slt, %sub3A_262, %sign3A_268 : i32
    %sign3A_270 = arith.extui %sign3A_269 : i1 to i32
    %sign3A_271 = arith.subi %sign3A_267, %sign3A_270 : i32
    %sign3A_272 = arith.constant 0 : i32
    %sign3A_273 = arith.cmpi sgt, %jit3A_263, %sign3A_272 : i32
    %sign3A_274 = arith.extui %sign3A_273 : i1 to i32
    %sign3A_275 = arith.constant 0 : i32
    %sign3A_276 = arith.cmpi slt, %jit3A_263, %sign3A_275 : i32
    %sign3A_277 = arith.extui %sign3A_276 : i1 to i32
    %sign3A_278 = arith.subi %sign3A_274, %sign3A_277 : i32
    %ne3A_279 = arith.cmpi ne, %sign3A_271, %sign3A_278 : i32
    %rem3A_280 = arith.remsi %sub3A_262, %jit3A_263 : i32
    %ne3A_281 = arith.constant 0 : i32
    %ne3A_282 = arith.cmpi ne, %rem3A_280, %ne3A_281 : i32
    %and3A_283 = arith.andi %ne3A_279, %ne3A_282 : i1
    %sub3A_284 = arith.constant 1 : i32
    %sub3A_285 = arith.subi %div3A_264, %sub3A_284 : i32
    %select_n3A_286 = arith.select %and3A_283, %sub3A_285, %div3A_264 : i32
    %mul3A_287 = arith.constant 512 : i32
    %mul3A_288 = arith.muli %select_n3A_286, %mul3A_287 : i32
    %add3A_289 = arith.addi %add3A_230, %mul3A_288 : i32
    %eq3A_290 = arith.constant 5 : i32
    %eq3A_291 = vector.broadcast %eq3A_290 : i32 to vector<64x128xi32>
    %eq3A_292 = arith.cmpi eq, %get3A_1, %eq3A_291 : vector<64x128xi32>
    %convert_element_type3A_293 = arith.extui %eq3A_292 : vector<64x128xi1> to vector<64x128xi32>
    %convert_element_type3A_294 = arith.sitofp %convert_element_type3A_293 : vector<64x128xi32> to vector<64x128xf32>
    %convert_element_type3A_295 = arith.truncf %convert_element_type3A_294 : vector<64x128xf32> to vector<64x128xbf16>
    %dot_general3A_296 = arith.constant dense<0.000000e+00> : vector<64x128xf32>
    %dot_general3A_297 = tpu.matmul %convert_element_type3A_295, %get3A_4, %dot_general3A_296 {dimension_numbers = #tpu.dot_dimension_numbers<[1], [0], [0], [1], [0, 0, 1, 1], [], []>, transpose_lhs_hint = false} : vector<64x128xbf16>, vector<128x128xbf16>, vector<64x128xf32> -> vector<64x128xf32>
    %convert_element_type3A_298 = arith.truncf %dot_general3A_297 : vector<64x128xf32> to vector<64x128xbf16>
    %dot_general3A_299 = arith.constant dense<0.000000e+00> : vector<64x128xf32>
    %dot_general3A_300 = tpu.matmul %get3A_7, %convert_element_type3A_298, %dot_general3A_299 {dimension_numbers = #tpu.dot_dimension_numbers<[1], [0], [0], [1], [0, 0, 1, 1], [], []>, transpose_lhs_hint = false} : vector<64x64xbf16>, vector<64x128xbf16>, vector<64x128xf32> -> vector<64x128xf32>
    %slice3A_301 = vector.extract_strided_slice %dot_general3A_300 {offsets = [0, 127], sizes = [64, 1], strides = [1, 1]} : vector<64x128xf32> to vector<64x1xf32>
    %add3A_302 = vector.broadcast %slice3A_301 : vector<64x1xf32> to vector<64x128xf32>
    %add3A_303 = arith.addf %add3A_302, %dot_general3A_297 : vector<64x128xf32>
    %sub3A_304 = arith.subf %add3A_303, %convert_element_type3A_294 : vector<64x128xf32>
    %convert_element_type3A_305 = arith.sitofp %add3A_289 : i32 to f32
    %add3A_306 = vector.broadcast %convert_element_type3A_305 : f32 to vector<64x128xf32>
    %add3A_307 = arith.addf %add3A_306, %sub3A_304 : vector<64x128xf32>
    %mul3A_308 = arith.mulf %convert_element_type3A_294, %add3A_307 : vector<64x128xf32>
    %add3A_309 = arith.addf %add3A_250, %mul3A_308 : vector<64x128xf32>
    %reduce_sum3A_310 = vector.shape_cast %convert_element_type3A_294 : vector<64x128xf32> to vector<1x64x128xf32>
    %reduce_sum3A_311 = arith.constant dense<0.000000e+00> : vector<1xf32>
    %reduce_sum3A_312 = vector.multi_reduction <add>, %reduce_sum3A_310, %reduce_sum3A_311 [1, 2] : vector<1x64x128xf32> to vector<1xf32>
    %reduce_sum3A_313 = vector.shape_cast %reduce_sum3A_312 : vector<1xf32> to vector<1x1x1xf32>
    %reduce_sum3A_314 = vector.extract %reduce_sum3A_313[0, 0, 0] : f32 from vector<1x1x1xf32>
    %add3A_315 = arith.constant 5.000000e-01 : f32
    %add3A_316 = arith.addf %reduce_sum3A_314, %add3A_315 : f32
    %convert_element_type3A_317 = arith.fptosi %add3A_316 : f32 to i32
    %add3A_318 = arith.constant 512 : i32
    %add3A_319 = arith.addi %convert_element_type3A_317, %add3A_318 : i32
    %sub3A_320 = arith.constant 1 : i32
    %sub3A_321 = arith.subi %add3A_319, %sub3A_320 : i32
    %jit3A_322 = arith.constant 512 : i32
    %div3A_323 = arith.divsi %sub3A_321, %jit3A_322 : i32
    %sign3A_324 = arith.constant 0 : i32
    %sign3A_325 = arith.cmpi sgt, %sub3A_321, %sign3A_324 : i32
    %sign3A_326 = arith.extui %sign3A_325 : i1 to i32
    %sign3A_327 = arith.constant 0 : i32
    %sign3A_328 = arith.cmpi slt, %sub3A_321, %sign3A_327 : i32
    %sign3A_329 = arith.extui %sign3A_328 : i1 to i32
    %sign3A_330 = arith.subi %sign3A_326, %sign3A_329 : i32
    %sign3A_331 = arith.constant 0 : i32
    %sign3A_332 = arith.cmpi sgt, %jit3A_322, %sign3A_331 : i32
    %sign3A_333 = arith.extui %sign3A_332 : i1 to i32
    %sign3A_334 = arith.constant 0 : i32
    %sign3A_335 = arith.cmpi slt, %jit3A_322, %sign3A_334 : i32
    %sign3A_336 = arith.extui %sign3A_335 : i1 to i32
    %sign3A_337 = arith.subi %sign3A_333, %sign3A_336 : i32
    %ne3A_338 = arith.cmpi ne, %sign3A_330, %sign3A_337 : i32
    %rem3A_339 = arith.remsi %sub3A_321, %jit3A_322 : i32
    %ne3A_340 = arith.constant 0 : i32
    %ne3A_341 = arith.cmpi ne, %rem3A_339, %ne3A_340 : i32
    %and3A_342 = arith.andi %ne3A_338, %ne3A_341 : i1
    %sub3A_343 = arith.constant 1 : i32
    %sub3A_344 = arith.subi %div3A_323, %sub3A_343 : i32
    %select_n3A_345 = arith.select %and3A_342, %sub3A_344, %div3A_323 : i32
    %mul3A_346 = arith.constant 512 : i32
    %mul3A_347 = arith.muli %select_n3A_345, %mul3A_346 : i32
    %add3A_348 = arith.addi %add3A_289, %mul3A_347 : i32
    %eq3A_349 = arith.constant 6 : i32
    %eq3A_350 = vector.broadcast %eq3A_349 : i32 to vector<64x128xi32>
    %eq3A_351 = arith.cmpi eq, %get3A_1, %eq3A_350 : vector<64x128xi32>
    %convert_element_type3A_352 = arith.extui %eq3A_351 : vector<64x128xi1> to vector<64x128xi32>
    %convert_element_type3A_353 = arith.sitofp %convert_element_type3A_352 : vector<64x128xi32> to vector<64x128xf32>
    %convert_element_type3A_354 = arith.truncf %convert_element_type3A_353 : vector<64x128xf32> to vector<64x128xbf16>
    %dot_general3A_355 = arith.constant dense<0.000000e+00> : vector<64x128xf32>
    %dot_general3A_356 = tpu.matmul %convert_element_type3A_354, %get3A_4, %dot_general3A_355 {dimension_numbers = #tpu.dot_dimension_numbers<[1], [0], [0], [1], [0, 0, 1, 1], [], []>, transpose_lhs_hint = false} : vector<64x128xbf16>, vector<128x128xbf16>, vector<64x128xf32> -> vector<64x128xf32>
    %convert_element_type3A_357 = arith.truncf %dot_general3A_356 : vector<64x128xf32> to vector<64x128xbf16>
    %dot_general3A_358 = arith.constant dense<0.000000e+00> : vector<64x128xf32>
    %dot_general3A_359 = tpu.matmul %get3A_7, %convert_element_type3A_357, %dot_general3A_358 {dimension_numbers = #tpu.dot_dimension_numbers<[1], [0], [0], [1], [0, 0, 1, 1], [], []>, transpose_lhs_hint = false} : vector<64x64xbf16>, vector<64x128xbf16>, vector<64x128xf32> -> vector<64x128xf32>
    %slice3A_360 = vector.extract_strided_slice %dot_general3A_359 {offsets = [0, 127], sizes = [64, 1], strides = [1, 1]} : vector<64x128xf32> to vector<64x1xf32>
    %add3A_361 = vector.broadcast %slice3A_360 : vector<64x1xf32> to vector<64x128xf32>
    %add3A_362 = arith.addf %add3A_361, %dot_general3A_356 : vector<64x128xf32>
    %sub3A_363 = arith.subf %add3A_362, %convert_element_type3A_353 : vector<64x128xf32>
    %convert_element_type3A_364 = arith.sitofp %add3A_348 : i32 to f32
    %add3A_365 = vector.broadcast %convert_element_type3A_364 : f32 to vector<64x128xf32>
    %add3A_366 = arith.addf %add3A_365, %sub3A_363 : vector<64x128xf32>
    %mul3A_367 = arith.mulf %convert_element_type3A_353, %add3A_366 : vector<64x128xf32>
    %add3A_368 = arith.addf %add3A_309, %mul3A_367 : vector<64x128xf32>
    %reduce_sum3A_369 = vector.shape_cast %convert_element_type3A_353 : vector<64x128xf32> to vector<1x64x128xf32>
    %reduce_sum3A_370 = arith.constant dense<0.000000e+00> : vector<1xf32>
    %reduce_sum3A_371 = vector.multi_reduction <add>, %reduce_sum3A_369, %reduce_sum3A_370 [1, 2] : vector<1x64x128xf32> to vector<1xf32>
    %reduce_sum3A_372 = vector.shape_cast %reduce_sum3A_371 : vector<1xf32> to vector<1x1x1xf32>
    %reduce_sum3A_373 = vector.extract %reduce_sum3A_372[0, 0, 0] : f32 from vector<1x1x1xf32>
    %add3A_374 = arith.constant 5.000000e-01 : f32
    %add3A_375 = arith.addf %reduce_sum3A_373, %add3A_374 : f32
    %convert_element_type3A_376 = arith.fptosi %add3A_375 : f32 to i32
    %add3A_377 = arith.constant 512 : i32
    %add3A_378 = arith.addi %convert_element_type3A_376, %add3A_377 : i32
    %sub3A_379 = arith.constant 1 : i32
    %sub3A_380 = arith.subi %add3A_378, %sub3A_379 : i32
    %jit3A_381 = arith.constant 512 : i32
    %div3A_382 = arith.divsi %sub3A_380, %jit3A_381 : i32
    %sign3A_383 = arith.constant 0 : i32
    %sign3A_384 = arith.cmpi sgt, %sub3A_380, %sign3A_383 : i32
    %sign3A_385 = arith.extui %sign3A_384 : i1 to i32
    %sign3A_386 = arith.constant 0 : i32
    %sign3A_387 = arith.cmpi slt, %sub3A_380, %sign3A_386 : i32
    %sign3A_388 = arith.extui %sign3A_387 : i1 to i32
    %sign3A_389 = arith.subi %sign3A_385, %sign3A_388 : i32
    %sign3A_390 = arith.constant 0 : i32
    %sign3A_391 = arith.cmpi sgt, %jit3A_381, %sign3A_390 : i32
    %sign3A_392 = arith.extui %sign3A_391 : i1 to i32
    %sign3A_393 = arith.constant 0 : i32
    %sign3A_394 = arith.cmpi slt, %jit3A_381, %sign3A_393 : i32
    %sign3A_395 = arith.extui %sign3A_394 : i1 to i32
    %sign3A_396 = arith.subi %sign3A_392, %sign3A_395 : i32
    %ne3A_397 = arith.cmpi ne, %sign3A_389, %sign3A_396 : i32
    %rem3A_398 = arith.remsi %sub3A_380, %jit3A_381 : i32
    %ne3A_399 = arith.constant 0 : i32
    %ne3A_400 = arith.cmpi ne, %rem3A_398, %ne3A_399 : i32
    %and3A_401 = arith.andi %ne3A_397, %ne3A_400 : i1
    %sub3A_402 = arith.constant 1 : i32
    %sub3A_403 = arith.subi %div3A_382, %sub3A_402 : i32
    %select_n3A_404 = arith.select %and3A_401, %sub3A_403, %div3A_382 : i32
    %mul3A_405 = arith.constant 512 : i32
    %mul3A_406 = arith.muli %select_n3A_404, %mul3A_405 : i32
    %add3A_407 = arith.addi %add3A_348, %mul3A_406 : i32
    %eq3A_408 = arith.constant 7 : i32
    %eq3A_409 = vector.broadcast %eq3A_408 : i32 to vector<64x128xi32>
    %eq3A_410 = arith.cmpi eq, %get3A_1, %eq3A_409 : vector<64x128xi32>
    %convert_element_type3A_411 = arith.extui %eq3A_410 : vector<64x128xi1> to vector<64x128xi32>
    %convert_element_type3A_412 = arith.sitofp %convert_element_type3A_411 : vector<64x128xi32> to vector<64x128xf32>
    %convert_element_type3A_413 = arith.truncf %convert_element_type3A_412 : vector<64x128xf32> to vector<64x128xbf16>
    %dot_general3A_414 = arith.constant dense<0.000000e+00> : vector<64x128xf32>
    %dot_general3A_415 = tpu.matmul %convert_element_type3A_413, %get3A_4, %dot_general3A_414 {dimension_numbers = #tpu.dot_dimension_numbers<[1], [0], [0], [1], [0, 0, 1, 1], [], []>, transpose_lhs_hint = false} : vector<64x128xbf16>, vector<128x128xbf16>, vector<64x128xf32> -> vector<64x128xf32>
    %convert_element_type3A_416 = arith.truncf %dot_general3A_415 : vector<64x128xf32> to vector<64x128xbf16>
    %dot_general3A_417 = arith.constant dense<0.000000e+00> : vector<64x128xf32>
    %dot_general3A_418 = tpu.matmul %get3A_7, %convert_element_type3A_416, %dot_general3A_417 {dimension_numbers = #tpu.dot_dimension_numbers<[1], [0], [0], [1], [0, 0, 1, 1], [], []>, transpose_lhs_hint = false} : vector<64x64xbf16>, vector<64x128xbf16>, vector<64x128xf32> -> vector<64x128xf32>
    %slice3A_419 = vector.extract_strided_slice %dot_general3A_418 {offsets = [0, 127], sizes = [64, 1], strides = [1, 1]} : vector<64x128xf32> to vector<64x1xf32>
    %add3A_420 = vector.broadcast %slice3A_419 : vector<64x1xf32> to vector<64x128xf32>
    %add3A_421 = arith.addf %add3A_420, %dot_general3A_415 : vector<64x128xf32>
    %sub3A_422 = arith.subf %add3A_421, %convert_element_type3A_412 : vector<64x128xf32>
    %convert_element_type3A_423 = arith.sitofp %add3A_407 : i32 to f32
    %add3A_424 = vector.broadcast %convert_element_type3A_423 : f32 to vector<64x128xf32>
    %add3A_425 = arith.addf %add3A_424, %sub3A_422 : vector<64x128xf32>
    %mul3A_426 = arith.mulf %convert_element_type3A_412, %add3A_425 : vector<64x128xf32>
    %add3A_427 = arith.addf %add3A_368, %mul3A_426 : vector<64x128xf32>
    %reduce_sum3A_428 = vector.shape_cast %convert_element_type3A_412 : vector<64x128xf32> to vector<1x64x128xf32>
    %reduce_sum3A_429 = arith.constant dense<0.000000e+00> : vector<1xf32>
    %reduce_sum3A_430 = vector.multi_reduction <add>, %reduce_sum3A_428, %reduce_sum3A_429 [1, 2] : vector<1x64x128xf32> to vector<1xf32>
    %reduce_sum3A_431 = vector.shape_cast %reduce_sum3A_430 : vector<1xf32> to vector<1x1x1xf32>
    %reduce_sum3A_432 = vector.extract %reduce_sum3A_431[0, 0, 0] : f32 from vector<1x1x1xf32>
    %add3A_433 = arith.constant 5.000000e-01 : f32
    %add3A_434 = arith.addf %reduce_sum3A_432, %add3A_433 : f32
    %convert_element_type3A_435 = arith.fptosi %add3A_434 : f32 to i32
    %add3A_436 = arith.constant 512 : i32
    %add3A_437 = arith.addi %convert_element_type3A_435, %add3A_436 : i32
    %sub3A_438 = arith.constant 1 : i32
    %sub3A_439 = arith.subi %add3A_437, %sub3A_438 : i32
    %jit3A_440 = arith.constant 512 : i32
    %div3A_441 = arith.divsi %sub3A_439, %jit3A_440 : i32
    %sign3A_442 = arith.constant 0 : i32
    %sign3A_443 = arith.cmpi sgt, %sub3A_439, %sign3A_442 : i32
    %sign3A_444 = arith.extui %sign3A_443 : i1 to i32
    %sign3A_445 = arith.constant 0 : i32
    %sign3A_446 = arith.cmpi slt, %sub3A_439, %sign3A_445 : i32
    %sign3A_447 = arith.extui %sign3A_446 : i1 to i32
    %sign3A_448 = arith.subi %sign3A_444, %sign3A_447 : i32
    %sign3A_449 = arith.constant 0 : i32
    %sign3A_450 = arith.cmpi sgt, %jit3A_440, %sign3A_449 : i32
    %sign3A_451 = arith.extui %sign3A_450 : i1 to i32
    %sign3A_452 = arith.constant 0 : i32
    %sign3A_453 = arith.cmpi slt, %jit3A_440, %sign3A_452 : i32
    %sign3A_454 = arith.extui %sign3A_453 : i1 to i32
    %sign3A_455 = arith.subi %sign3A_451, %sign3A_454 : i32
    %ne3A_456 = arith.cmpi ne, %sign3A_448, %sign3A_455 : i32
    %rem3A_457 = arith.remsi %sub3A_439, %jit3A_440 : i32
    %ne3A_458 = arith.constant 0 : i32
    %ne3A_459 = arith.cmpi ne, %rem3A_457, %ne3A_458 : i32
    %and3A_460 = arith.andi %ne3A_456, %ne3A_459 : i1
    %sub3A_461 = arith.constant 1 : i32
    %sub3A_462 = arith.subi %div3A_441, %sub3A_461 : i32
    %select_n3A_463 = arith.select %and3A_460, %sub3A_462, %div3A_441 : i32
    %mul3A_464 = arith.constant 512 : i32
    %mul3A_465 = arith.muli %select_n3A_463, %mul3A_464 : i32
    %add3A_466 = arith.addi %add3A_407, %mul3A_465 : i32
    %add3A_467 = arith.constant 5.000000e-01 : f32
    %add3A_468 = vector.broadcast %add3A_467 : f32 to vector<64x128xf32>
    %add3A_469 = arith.addf %add3A_427, %add3A_468 : vector<64x128xf32>
    %convert_element_type3A_470 = arith.fptosi %add3A_469 : vector<64x128xf32> to vector<64x128xi32>
    %swap3A = arith.constant 0 : index
    %swap3A_471 = arith.constant 0 : index
    %swap3A_472 = vector.load %arg3[%swap3A, %swap3A_471] : memref<64x128xi32, #tpu.memory_space<vmem>>, vector<64x128xi32>
    tpu.vector_store %arg3[%swap3A, %swap3A_471], %convert_element_type3A_470 {strides = array<i32>} : memref<64x128xi32, #tpu.memory_space<vmem>>, vector<64x128xi32>,
    %iota3A = tpu.iota {dimensions = array<i32: 0>} : vector<24x1xi32>
    %mul3A_473 = arith.constant 512 : i32
    %mul3A_474 = vector.broadcast %mul3A_473 : i32 to vector<24x1xi32>
    %mul3A_475 = arith.muli %iota3A, %mul3A_474 : vector<24x1xi32>
    %broadcast_in_dim3A_476 = arith.constant 0 : i32
    %broadcast_in_dim3A_477 = vector.broadcast %broadcast_in_dim3A_476 : i32 to vector<24x1xi32>
    %ge3A = vector.broadcast %add3A_53 : i32 to vector<24x1xi32>
    %ge3A_478 = arith.cmpi sge, %mul3A_475, %ge3A : vector<24x1xi32>
    %convert_element_type3A_479 = arith.extui %ge3A_478 : vector<24x1xi1> to vector<24x1xi32>
    %add3A_480 = arith.addi %broadcast_in_dim3A_477, %convert_element_type3A_479 : vector<24x1xi32>
    %ge3A_481 = vector.broadcast %add3A_112 : i32 to vector<24x1xi32>
    %ge3A_482 = arith.cmpi sge, %mul3A_475, %ge3A_481 : vector<24x1xi32>
    %convert_element_type3A_483 = arith.extui %ge3A_482 : vector<24x1xi1> to vector<24x1xi32>
    %add3A_484 = arith.addi %add3A_480, %convert_element_type3A_483 : vector<24x1xi32>
    %ge3A_485 = vector.broadcast %add3A_171 : i32 to vector<24x1xi32>
    %ge3A_486 = arith.cmpi sge, %mul3A_475, %ge3A_485 : vector<24x1xi32>
    %convert_element_type3A_487 = arith.extui %ge3A_486 : vector<24x1xi1> to vector<24x1xi32>
    %add3A_488 = arith.addi %add3A_484, %convert_element_type3A_487 : vector<24x1xi32>
    %ge3A_489 = vector.broadcast %add3A_230 : i32 to vector<24x1xi32>
    %ge3A_490 = arith.cmpi sge, %mul3A_475, %ge3A_489 : vector<24x1xi32>
    %convert_element_type3A_491 = arith.extui %ge3A_490 : vector<24x1xi1> to vector<24x1xi32>
    %add3A_492 = arith.addi %add3A_488, %convert_element_type3A_491 : vector<24x1xi32>
    %ge3A_493 = vector.broadcast %add3A_289 : i32 to vector<24x1xi32>
    %ge3A_494 = arith.cmpi sge, %mul3A_475, %ge3A_493 : vector<24x1xi32>
    %convert_element_type3A_495 = arith.extui %ge3A_494 : vector<24x1xi1> to vector<24x1xi32>
    %add3A_496 = arith.addi %add3A_492, %convert_element_type3A_495 : vector<24x1xi32>
    %ge3A_497 = vector.broadcast %add3A_348 : i32 to vector<24x1xi32>
    %ge3A_498 = arith.cmpi sge, %mul3A_475, %ge3A_497 : vector<24x1xi32>
    %convert_element_type3A_499 = arith.extui %ge3A_498 : vector<24x1xi1> to vector<24x1xi32>
    %add3A_500 = arith.addi %add3A_496, %convert_element_type3A_499 : vector<24x1xi32>
    %ge3A_501 = vector.broadcast %add3A_407 : i32 to vector<24x1xi32>
    %ge3A_502 = arith.cmpi sge, %mul3A_475, %ge3A_501 : vector<24x1xi32>
    %convert_element_type3A_503 = arith.extui %ge3A_502 : vector<24x1xi1> to vector<24x1xi32>
    %add3A_504 = arith.addi %add3A_500, %convert_element_type3A_503 : vector<24x1xi32>
    %ge3A_505 = vector.broadcast %add3A_466 : i32 to vector<24x1xi32>
    %ge3A_506 = arith.cmpi sge, %mul3A_475, %ge3A_505 : vector<24x1xi32>
    %convert_element_type3A_507 = arith.extui %ge3A_506 : vector<24x1xi1> to vector<24x1xi32>
    %add3A_508 = arith.addi %add3A_504, %convert_element_type3A_507 : vector<24x1xi32>
    %min3A = arith.constant 7 : i32
    %min3A_509 = vector.broadcast %min3A : i32 to vector<24x1xi32>
    %min3A_510 = arith.minsi %add3A_508, %min3A_509 : vector<24x1xi32>
    %lt3A = vector.broadcast %add3A_466 : i32 to vector<24x1xi32>
    %lt3A_511 = arith.cmpi slt, %mul3A_475, %lt3A : vector<24x1xi32>
    %slice3A_512 = vector.extract_strided_slice %min3A_510 {offsets = [0, 0], sizes = [1, 1], strides = [1, 1]} : vector<24x1xi32> to vector<1x1xi32>
    %broadcast_in_dim3A_513 = vector.shape_cast %slice3A_512 : vector<1x1xi32> to vector<1x1xi32>
    %broadcast_in_dim3A_514 = vector.broadcast %broadcast_in_dim3A_513 : vector<1x1xi32> to vector<24x1xi32>
    %select_n3A_515 = arith.select %lt3A_511, %min3A_510, %broadcast_in_dim3A_514 : vector<24x1xi1>, vector<24x1xi32>
    %jit3A_516 = arith.constant 0 : i32
    %broadcast_in_dim3A_517 = vector.broadcast %jit3A_516 : i32 to vector<24x1xi32>
    %select_n3A_518 = arith.select %lt3A_511, %iota3A, %broadcast_in_dim3A_517 : vector<24x1xi1>, vector<24x1xi32>
    %concatenate3A = tpu.concatenate %select_n3A_515, %select_n3A_518 in 1 : vector<24x1xi32>, vector<24x1xi32> -> vector<24x2xi32>
    %swap3A_519 = arith.constant 0 : index
    %swap3A_520 = arith.constant 0 : index
    %swap3A_521 = vector.load %arg4[%swap3A_519, %swap3A_520] : memref<24x2xi32, #tpu.memory_space<vmem>>, vector<24x2xi32>
    tpu.vector_store %arg4[%swap3A_519, %swap3A_520], %concatenate3A {strides = array<i32>} : memref<24x2xi32, #tpu.memory_space<vmem>>, vector<24x2xi32>,
    return
  }
}

module attributes {stable_mosaic.version = 14 : i64} {
  func.func @_router_body(%arg0: i32, %arg1: memref<512x768xf32, #tpu.memory_space<vmem>>, %arg2: memref<768x128xf32, #tpu.memory_space<vmem>>, %arg3: memref<512x1xf32, #tpu.memory_space<vmem>>, %arg4: memref<512x1xi32, #tpu.memory_space<vmem>>) attributes {dimension_semantics = [#tpu.dimension_semantics<arbitrary>], iteration_bounds = array<i64: 16>, scalar_prefetch = 0 : i64, scratch_operands = 0 : i64, tpu.core_type = #tpu.core_type<tc>, window_params = [{transform_indices = @transform_0, window_bounds = array<i64: 512, 768>}, {pipeline_mode = #tpu.pipeline_mode<synchronous>, transform_indices = @transform_1, window_bounds = array<i64: 768, 128>}, {transform_indices = @transform_2, window_bounds = array<i64: 512, 1>}, {transform_indices = @transform_3, window_bounds = array<i64: 512, 1>}]} {
    %get3A = arith.constant 0 : index
    %get3A_0 = arith.constant 0 : index
    %get3A_1 = vector.load %arg1[%get3A, %get3A_0] : memref<512x768xf32, #tpu.memory_space<vmem>>, vector<512x768xf32>
    %convert_element_type3A = arith.truncf %get3A_1 : vector<512x768xf32> to vector<512x768xbf16>
    %get3A_2 = arith.constant 0 : index
    %get3A_3 = arith.constant 0 : index
    %get3A_4 = vector.load %arg2[%get3A_2, %get3A_3] : memref<768x128xf32, #tpu.memory_space<vmem>>, vector<768x128xf32>
    %convert_element_type3A_5 = arith.truncf %get3A_4 : vector<768x128xf32> to vector<768x128xbf16>
    %dot_general3A = arith.constant dense<0.000000e+00> : vector<512x128xf32>
    %dot_general3A_6 = tpu.matmul %convert_element_type3A, %convert_element_type3A_5, %dot_general3A {dimension_numbers = #tpu.dot_dimension_numbers<[1], [0], [0], [1], [0, 0, 1, 1], [], []>, transpose_lhs_hint = false} : vector<512x768xbf16>, vector<768x128xbf16>, vector<512x128xf32> -> vector<512x128xf32>
    %iota3A = tpu.iota {dimensions = array<i32: 1>} : vector<512x128xi32>
    %lt3A = arith.constant 8 : i32
    %lt3A_7 = vector.broadcast %lt3A : i32 to vector<512x128xi32>
    %lt3A_8 = arith.cmpi slt, %iota3A, %lt3A_7 : vector<512x128xi32>
    %jit3A = arith.constant -1.000000e+30 : f32
    %broadcast_in_dim3A = vector.broadcast %jit3A : f32 to vector<512x128xf32>
    %select_n3A = arith.select %lt3A_8, %dot_general3A_6, %broadcast_in_dim3A : vector<512x128xi1>, vector<512x128xf32>
    %reduce_max3A = arith.constant dense<0xFF800000> : vector<512xf32>
    %reduce_max3A_9 = vector.multi_reduction <maximumf>, %select_n3A, %reduce_max3A [1] : vector<512x128xf32> to vector<512xf32>
    %broadcast_in_dim3A_10 = vector.shape_cast %reduce_max3A_9 : vector<512xf32> to vector<512x1xf32>
    %sub3A = vector.broadcast %broadcast_in_dim3A_10 : vector<512x1xf32> to vector<512x128xf32>
    %sub3A_11 = arith.subf %select_n3A, %sub3A : vector<512x128xf32>
    %exp3A = math.exp %sub3A_11 : vector<512x128xf32>
    %reduce_sum3A = arith.constant dense<0.000000e+00> : vector<512xf32>
    %reduce_sum3A_12 = vector.multi_reduction <add>, %exp3A, %reduce_sum3A [1] : vector<512x128xf32> to vector<512xf32>
    %broadcast_in_dim3A_13 = vector.shape_cast %reduce_sum3A_12 : vector<512xf32> to vector<512x1xf32>
    %reduce_max3A_14 = arith.constant dense<0xFF800000> : vector<512xf32>
    %reduce_max3A_15 = vector.multi_reduction <maximumf>, %exp3A, %reduce_max3A_14 [1] : vector<512x128xf32> to vector<512xf32>
    %broadcast_in_dim3A_16 = vector.shape_cast %reduce_max3A_15 : vector<512xf32> to vector<512x1xf32>
    %div3A = arith.divf %broadcast_in_dim3A_16, %broadcast_in_dim3A_13 : vector<512x1xf32>
    %swap3A = arith.constant 0 : index
    %swap3A_17 = arith.constant 0 : index
    %swap3A_18 = vector.load %arg3[%swap3A, %swap3A_17] : memref<512x1xf32, #tpu.memory_space<vmem>>, vector<512x1xf32>
    tpu.vector_store %arg3[%swap3A, %swap3A_17], %div3A {strides = array<i32>} : memref<512x1xf32, #tpu.memory_space<vmem>>, vector<512x1xf32>,
    %eq3A = vector.broadcast %broadcast_in_dim3A_10 : vector<512x1xf32> to vector<512x128xf32>
    %eq3A_19 = arith.cmpf oeq, %select_n3A, %eq3A : vector<512x128xf32>
    %jit3A_20 = arith.constant 128 : i32
    %broadcast_in_dim3A_21 = vector.broadcast %jit3A_20 : i32 to vector<512x128xi32>
    %select_n3A_22 = arith.select %eq3A_19, %iota3A, %broadcast_in_dim3A_21 : vector<512x128xi1>, vector<512x128xi32>
    %reduce_min3A = arith.constant dense<2147483647> : vector<512xi32>
    %reduce_min3A_23 = vector.multi_reduction <minsi>, %select_n3A_22, %reduce_min3A [1] : vector<512x128xi32> to vector<512xi32>
    %broadcast_in_dim3A_24 = vector.shape_cast %reduce_min3A_23 : vector<512xi32> to vector<512x1xi32>
    %swap3A_25 = arith.constant 0 : index
    %swap3A_26 = arith.constant 0 : index
    %swap3A_27 = vector.load %arg4[%swap3A_25, %swap3A_26] : memref<512x1xi32, #tpu.memory_space<vmem>>, vector<512x1xi32>
    tpu.vector_store %arg4[%swap3A_25, %swap3A_26], %broadcast_in_dim3A_24 {strides = array<i32>} : memref<512x1xi32, #tpu.memory_space<vmem>>, vector<512x1xi32>,
    return
  }
  func.func @transform_0(%arg0: i32) -> (i32, i32) {
    %c0_i32 = arith.constant 0 : i32
    %c0_i32_0 = arith.constant 0 : i32
    return %arg0, %c0_i32 : i32, i32
  }
  func.func @transform_1(%arg0: i32) -> (i32, i32) {
    %c0_i32 = arith.constant 0 : i32
    %c0_i32_0 = arith.constant 0 : i32
    %c0_i32_1 = arith.constant 0 : i32
    return %c0_i32, %c0_i32_0 : i32, i32
  }
  func.func @transform_2(%arg0: i32) -> (i32, i32) {
    %c0_i32 = arith.constant 0 : i32
    %c0_i32_0 = arith.constant 0 : i32
    return %arg0, %c0_i32 : i32, i32
  }
  func.func @transform_3(%arg0: i32) -> (i32, i32) {
    %c0_i32 = arith.constant 0 : i32
    %c0_i32_0 = arith.constant 0 : i32
    return %arg0, %c0_i32 : i32, i32
  }
}

module attributes {stable_mosaic.version = 14 : i64} {
  func.func @_ffn_body(%arg0: i32, %arg1: memref<24x2xi32, #tpu.memory_space<smem>>, %arg2: memref<512x768xf32, #tpu.memory_space<vmem>>, %arg3: memref<1x768x768xf32, #tpu.memory_space<vmem>>, %arg4: memref<1x1x768xf32, #tpu.memory_space<vmem>>, %arg5: memref<512x768xf32, #tpu.memory_space<vmem>>) attributes {dimension_semantics = [#tpu.dimension_semantics<arbitrary>], iteration_bounds = array<i64: 24>, scalar_prefetch = 1 : i64, scratch_operands = 0 : i64, tpu.core_type = #tpu.core_type<tc>, window_params = [{transform_indices = @transform_0, window_bounds = array<i64: 512, 768>}, {transform_indices = @transform_1, window_bounds = array<i64: 1, 768, 768>}, {transform_indices = @transform_2, window_bounds = array<i64: 1, 1, 768>}, {transform_indices = @transform_3, window_bounds = array<i64: 512, 768>}]} {
    %get3A = arith.constant 0 : index
    %get3A_0 = arith.constant 0 : index
    %get3A_1 = vector.load %arg2[%get3A, %get3A_0] : memref<512x768xf32, #tpu.memory_space<vmem>>, vector<512x768xf32>
    %convert_element_type3A = arith.truncf %get3A_1 : vector<512x768xf32> to vector<512x768xbf16>
    %get3A_2 = arith.constant 0 : index
    %get3A_3 = arith.constant 0 : index
    %get3A_4 = arith.constant 0 : index
    %get3A_5 = vector.load %arg3[%get3A_2, %get3A_3, %get3A_4] : memref<1x768x768xf32, #tpu.memory_space<vmem>>, vector<1x768x768xf32>
    %get3A_6 = vector.shape_cast %get3A_5 : vector<1x768x768xf32> to vector<768x768xf32>
    %convert_element_type3A_7 = arith.truncf %get3A_6 : vector<768x768xf32> to vector<768x768xbf16>
    %dot_general3A = arith.constant dense<0.000000e+00> : vector<512x768xf32>
    %dot_general3A_8 = tpu.matmul %convert_element_type3A, %convert_element_type3A_7, %dot_general3A {dimension_numbers = #tpu.dot_dimension_numbers<[1], [1], [0], [0], [0, 0, 1, 0], [], []>, transpose_lhs_hint = false} : vector<512x768xbf16>, vector<768x768xbf16>, vector<512x768xf32> -> vector<512x768xf32>
    %get3A_9 = arith.constant 0 : index
    %get3A_10 = arith.constant 0 : index
    %get3A_11 = arith.constant 0 : index
    %get3A_12 = vector.load %arg4[%get3A_9, %get3A_10, %get3A_11] : memref<1x1x768xf32, #tpu.memory_space<vmem>>, vector<1x1x768xf32>
    %get3A_13 = vector.shape_cast %get3A_12 : vector<1x1x768xf32> to vector<1x768xf32>
    %add3A = vector.broadcast %get3A_13 : vector<1x768xf32> to vector<512x768xf32>
    %add3A_14 = arith.addf %dot_general3A_8, %add3A : vector<512x768xf32>
    %swap3A = arith.constant 0 : index
    %swap3A_15 = arith.constant 0 : index
    %swap3A_16 = vector.load %arg5[%swap3A, %swap3A_15] : memref<512x768xf32, #tpu.memory_space<vmem>>, vector<512x768xf32>
    tpu.vector_store %arg5[%swap3A, %swap3A_15], %add3A_14 {strides = array<i32>} : memref<512x768xf32, #tpu.memory_space<vmem>>, vector<512x768xf32>,
    return
  }
  func.func @transform_0(%arg0: i32, %arg1: memref<24x2xi32, #tpu.memory_space<smem>>) -> (i32, i32) {
    %get3A = arith.index_cast %arg0 : i32 to index
    %get3A_0 = arith.constant 1 : index
    %get3A_1 = memref.load %arg1[%get3A, %get3A_0] : memref<24x2xi32, #tpu.memory_space<smem>>
    %c0_i32 = arith.constant 0 : i32
    %c0_i32_2 = arith.constant 0 : i32
    return %get3A_1, %c0_i32 : i32, i32
  }
  func.func @transform_1(%arg0: i32, %arg1: memref<24x2xi32, #tpu.memory_space<smem>>) -> (i32, i32, i32) {
    %get3A = arith.index_cast %arg0 : i32 to index
    %get3A_0 = arith.constant 0 : index
    %get3A_1 = memref.load %arg1[%get3A, %get3A_0] : memref<24x2xi32, #tpu.memory_space<smem>>
    %c0_i32 = arith.constant 0 : i32
    %c0_i32_2 = arith.constant 0 : i32
    %c0_i32_3 = arith.constant 0 : i32
    return %get3A_1, %c0_i32, %c0_i32_2 : i32, i32, i32
  }
  func.func @transform_2(%arg0: i32, %arg1: memref<24x2xi32, #tpu.memory_space<smem>>) -> (i32, i32, i32) {
    %get3A = arith.index_cast %arg0 : i32 to index
    %get3A_0 = arith.constant 0 : index
    %get3A_1 = memref.load %arg1[%get3A, %get3A_0] : memref<24x2xi32, #tpu.memory_space<smem>>
    %c0_i32 = arith.constant 0 : i32
    %c0_i32_2 = arith.constant 0 : i32
    %c0_i32_3 = arith.constant 0 : i32
    return %get3A_1, %c0_i32, %c0_i32_2 : i32, i32, i32
  }
  func.func @transform_3(%arg0: i32, %arg1: memref<24x2xi32, #tpu.memory_space<smem>>) -> (i32, i32) {
    %get3A = arith.index_cast %arg0 : i32 to index
    %get3A_0 = arith.constant 1 : index
    %get3A_1 = memref.load %arg1[%get3A, %get3A_0] : memref<24x2xi32, #tpu.memory_space<smem>>
    %c0_i32 = arith.constant 0 : i32
    %c0_i32_2 = arith.constant 0 : i32
    return %get3A_1, %c0_i32 : i32, i32
  }
}

</mosaic_0001>

<sc_bundles>
// kernel: kernel.10.cloned.1.call-start
scs
__scs_entry_jumppad:
0x0: {  	(pc) =	sbr.rel $0x88, $3  }
0x1: {  	(tag) =	ssettag $0x0;
	lr =	simm.s32 $0x1  }
0x2: {  	[smem:$0x3F9D] =	sst lr;
	_ =	strace $0xD0000000  }
0x3: {  	_ = 	snop  }
0x4: {  	_ = 	snop  }
0x5: {  	_ = 	snop  }
0x6: {  	_ = 	snop  }
0x7: {  	_ = 	snop  }
__scs_overlays_trampoline_lowered:
0x8: {  	[smem:$0x3FAC] =	sst s0  }
0x9: {  	[smem:$0x3FAD] =	sst s1  }
0xa: {  	[smem:$0x3FAE] =	sst s2  }
0xb: {  	[smem:$0x3FAF] =	sst s3  }
0xc: {  	[smem:$0x3FB0] =	sst s4  }
0xd: {  	[smem:$0x3FB1] =	sst s5  }
0xe: {  	[smem:$0x3FB2] =	sst s6  }
0xf: {  	[smem:$0x3FB3] =	sst s7  }
0x10: {  	[smem:$0x3FB4] =	sst s8  }
0x11: {  	[smem:$0x3FB5] =	sst s9;
	s0 =	simm.s32 @!p0 $0x0  }
0x12: {  	s1 =	sld [smem:$0x3F9B];
	s0 =	simm.s32 @p0 $0x1  }
0x13: {  	[smem:$0x3FB6] =	sst s0;
	s0 =	simm.s32 @!p1 $0x0  }
0x14: {  	s2 =	sld [smem:$0x3F9A];
	s0 =	simm.s32 @p1 $0x1  }
0x15: {  	[smem:$0x3FB7] =	sst s0;
	s0 =	simm.s32 @!p2 $0x0  }
0x16: {  	s3 =	sld [smem:$0x3FDB];
	s0 =	simm.s32 @p2 $0x1  }
0x17: {  	s4 =	simm.s32 $0x1BF5;
	[smem:$0x3FB9] =	sst s0  }
0x18: {  	s0 =	sld [smem:$0x3F9C];
	_ =	swait.ge [sflag:s4], $0x0  }
0x19: {  	s7 =	sld [smem:$0x3F9D]  }
0x1a: {  	s8 =	sadd.s32 $0xFFFFE003, lr  }
0x1b: {  	s9 =	sadd.s32 $0xFFFFFEF7, lr;
	s5 =	simm.s32 $0xFFFFFFFF;
	p2 =	slt.u32 s8, $0xFFFFF086  }
0x1c: {  	p1 =	slt.u32 s9, $0xF7A;
	s5 =	simm.s32 @!p2 $0x0  }
0x1d: {  	s5 =	simm.s32 @p1 $0x1;
	p0 =	seq.s32 s7, s2  }
0x1e: {  	s7 =	smul.u32 @!p0 $0xF7A, s2;
	p2 =	seq.s32 @!p0 s5, $0x0  }
0x1f: {  	s9 =	smul.u32 $0xF7A, s1;
	s8 =	simm.s32 @!p0 $0x1BF5;
	p2 =	por !p2, p0  }
0x20: {  	[sflag:s8] =	ssyncset.s32 @!p0 $0xFFFFF086;
	s6 =	sadd.s32 @!p0 s3, s7;
	s7 =	simm.s32 @!p0 $0x108  }
0x21: {  	s3 =	sadd.s32 s3, s9;
	s6 =	sadd.s32 @!p0 $0x88, s6;
	s7 =	simm.s32 @p2 $0x1082  }
0x22: {  	[simem:s7], [sflag:s8] =	dma.local @!p0 [hbm:s6], $0xF7A  }
0x23: {  	s9 =	sor.u32 $0xD0000000, s2;
	s6 =	simm.s32 $0x108;
	_ =	swait.ge @!p0 [sflag:s8], $0x0  }
0x24: {  	s3 =	sadd.s32 $0x88, s3;
	s6 =	simm.s32 @!p1 $0x1082;
	[sflag:s4] =	ssyncset.s32 $0xFFFFF086  }
0x25: {  	[simem:s6], [sflag:s4] =	dma.local [hbm:s3], $0xF7A  }
0x26: {  	[smem:$0x3F9D] =	sst s1;
	(tag) =	ssettag s2;
	_ =	strace s9  }
0x27: {  	s1 =	sld [smem:$0x3FAD]  }
0x28: {  	s2 =	sld [smem:$0x3FAE]  }
0x29: {  	s4 =	sld [smem:$0x3FB0]  }
0x2a: {  	p0 =	seq.s32 s5, $0x0;
	s5 =	sld [smem:$0x3FB1]  }
0x2b: {  	s6 =	sld [smem:$0x3FB2]  }
0x2c: {  	s7 =	sld [smem:$0x3FB3]  }
0x2d: {  	s3 =	simm.s32 $0x108;
	s8 =	sld [smem:$0x3FB4]  }
0x2e: {  	s3 =	simm.s32 @!p0 $0x1082;
	s9 =	sld [smem:$0x3FB5]  }
0x2f: {  	lr =	sadd.s32 s0, s3;
	s0 =	sld [smem:$0x3FAC]  }
0x30: {  	s3 =	sld [smem:$0x3FAF]  }
0x31: {  	[smem:$0x3FB8] =	sst s10  }
0x32: {  	s10 =	sld [smem:$0x3FB6];
	_ =	sdelay $0x3  }
0x33: {  	p0 =	seq.s32 s10, $0x1;
	s10 =	sld [smem:$0x3FB8];
	_ =	sdelay $0x3  }
0x34: {  	[smem:$0x3FB8] =	sst s10  }
0x35: {  	s10 =	sld [smem:$0x3FB7];
	_ =	sdelay $0x3  }
0x36: {  	p1 =	seq.s32 s10, $0x1;
	s10 =	sld [smem:$0x3FB8];
	_ =	sdelay $0x3  }
0x37: {  	[smem:$0x3FB8] =	sst s10  }
0x38: {  	s10 =	sld [smem:$0x3FB9]  }
0x39: {  	_ = 	snop;
	(pc) =	sbr.ind lr, $3  }
0x3a: {  	_ = 	snop  }
0x3b: {  	_ = 	snop  }
0x3c: {  	p2 =	seq.s32 s10, $0x1;
	s10 =	sld [smem:$0x3FB8]  }
0x3d: {  	_ =	shalt  }
0x3e: {  	_ =	shalt  }
0x3f: {  	_ =	shalt  }
0x40: {  	_ =	shalt  }
0x41: {  	_ =	shalt  }
0x42: {  	_ =	shalt  }
0x43: {  	_ =	shalt  }
0x44: {  	_ =	shalt  }
0x45: {  	_ =	shalt  }
0x46: {  	_ =	shalt  }
0x47: {  	_ =	shalt  }
0x48: {  	_ =	shalt  }
0x49: {  	_ =	shalt  }
0x4a: {  	_ =	shalt  }
0x4b: {  	_ =	shalt  }
0x4c: {  	_ =	shalt  }
0x4d: {  	_ =	shalt  }
0x4e: {  	_ =	shalt  }
0x4f: {  	_ =	shalt  }
0x50: {  	_ =	shalt  }
0x51: {  	_ =	shalt  }
0x52: {  	_ =	shalt  }
0x53: {  	_ =	shalt  }
0x54: {  	_ =	shalt  }
0x55: {  	_ =	shalt  }
0x56: {  	_ =	shalt  }
0x57: {  	_ =	shalt  }
0x58: {  	_ =	shalt  }
0x59: {  	_ =	shalt  }
0x5a: {  	_ =	shalt  }
0x5b: {  	_ =	shalt  }
0x5c: {  	_ =	shalt  }
0x5d: {  	_ =	shalt  }
0x5e: {  	_ =	shalt  }
0x5f: {  	_ =	shalt  }
0x60: {  	_ =	shalt  }
0x61: {  	_ =	shalt  }
0x62: {  	_ =	shalt  }
0x63: {  	_ =	shalt  }
0x64: {  	_ =	shalt  }
0x65: {  	_ =	shalt  }
0x66: {  	_ =	shalt  }
0x67: {  	_ =	shalt  }
0x68: {  	_ =	shalt  }
0x69: {  	_ =	shalt  }
0x6a: {  	_ =	shalt  }
0x6b: {  	_ =	shalt  }
0x6c: {  	_ =	shalt  }
0x6d: {  	_ =	shalt  }
0x6e: {  	_ =	shalt  }
0x6f: {  	_ =	shalt  }
0x70: {  	_ =	shalt  }
0x71: {  	_ =	shalt  }
0x72: {  	_ =	shalt  }
0x73: {  	_ =	shalt  }
0x74: {  	_ =	shalt  }
0x75: {  	_ =	shalt  }
0x76: {  	_ =	shalt  }
0x77: {  	_ =	shalt  }
0x78: {  	_ =	shalt  }
0x79: {  	_ =	shalt  }
0x7a: {  	_ =	shalt  }
0x7b: {  	_ =	shalt  }
0x7c: {  	_ =	shalt  }
0x7d: {  	_ =	shalt  }
0x7e: {  	_ =	shalt  }
0x7f: {  	_ =	shalt  }
0x80: {  	_ =	shalt  }
0x81: {  	_ =	shalt  }
0x82: {  	_ =	shalt  }
0x83: {  	_ =	shalt  }
0x84: {  	_ =	shalt  }
0x85: {  	_ =	shalt  }
0x86: {  	_ =	shalt  }
0x87: {  	_ =	shalt  }
.Lfunc_end0:
.L_simem_size_0:
called_computation.1_lowered:
.L_overlay_start_0:
0x88: {  	s2 =	sld [smem:$0x3FD9]  }
0x89: {  	s3 =	sld [smem:$0x3FFE];
	_ =	sdelay $0x1  }
0x8a: {  	s1 =	srdreg.scid  }
0x8b: {  	s0 =	sand.u32 $0x1, s1  }
0x8c: {  	s17 =	sshll.u32 s0, $0xA;
	s2 =	sadd.s32 s3, s2  }
0x8d: {  	s2 =	sadd.s32 s2, s17  }
0x8e: {  	[smem:$0x3FC4] =	sst s2  }
0x8f: {  	_ = 	snop  }
0x90: {  	s2 =	sld [smem:$0x3FD0];
	(tm) =	ssettm $0x1  }
0x91: {  	s18 =	sld [smem:$0x3FFB];
	_ =	sdelay $0x3  }
0x92: {  	_ =	strace s18  }
0x93: {  	s3 =	sld [smem:$0x3FFC];
	_ =	sdelay $0x3  }
0x94: {  	_ =	strace s3  }
0x95: {  	s3 =	sld [smem:$0x3FFD];
	_ =	sdelay $0x3  }
0x96: {  	_ =	strace s3  }
0x97: {  	_ =	strace $0x8FFFFFFF  }
0x98: {  	s19 =	sld [smem:$0x3FDB];
	_ =	sdelay $0x1  }
0x99: {  	s4 =	simm.s32 $_scs_section_size  }
0x9a: {  	s5 =	simm.s32 $_size__tile_overlayer_lowered;
	s6 =	simm.s32 $_tile_overlayer_lowered  }
0x9b: {  	s22 =	simm.s32 $0x1BFF;
	s21 =	sshll.u32 s6, $0x1;
	s3 =	sadd.s32 s4, s19  }
0x9c: {  	s7 =	simm.s32 $0x0;
	s20 =	sshll.u32 s5, $0x1;
	s5 =	sadd.s32 s21, s3  }
0x9d: {  	[timem:s7], [sflag:s22] =	dma.local [hbm:s5], s20  }
0x9e: {  	_ =	swait.ge [sflag:s22], s20  }
0x9f: {  	s4 =	ssub.s32 $0x0, s20;
	[sflag:s22] =	ssyncset.done $0x0  }
0xa0: {  	[sflag:s22] =	ssyncadd.s32 s4;
	_ =	sdelay $0x1  }
0xa1: {  	s23 =	simm.s32 $0x1B8B  }
0xa2: {  	_ =	swait.ge [sflag:s23], $0x1  }
0xa3: {  	[sflag:s23] =	ssyncset.done $0x0  }
0xa4: {  	s25 =	simm.s32 $0x1B8E;
	s24 =	sld [smem:$0x3FFE];
	[sflag:s23] =	ssyncadd.s32 $0xFFFFFFFF  }
0xa5: {  	s26 =	simm.s32 $execute0_lowered;
	[smem:$0x3FD2] =	sst s25  }
0xa6: {  	s5 =	sshll.u32 s26, $0x1;
	_ =	strace $0x80000049;
	[dreg:$0x1] =	wrdreg $0xFFFFFFFF  }
0xa7: {  	s28 =	simm.s32 $_size_execute0_lowered;
	s3 =	sadd.s32 s3, s5;
	[dreg:$0x0] =	wrdreg $0x0  }
0xa8: {  	s5 =	sshll.u32 s28, $0x1;
	[dreg:$0x2] =	wrdreg s3  }
0xa9: {  	[dreg:$0x3] =	wrdreg s5  }
0xaa: {  	[dreg:$0x4] =	wrdreg $0xC0  }
0xab: {  	_ =	task [dreg:s7], $0x5FFFF  }
0xac: {  	[dreg:$0x1] =	wrdreg $0xFFFFFFFF  }
0xad: {  	[dreg:$0x0] =	wrdreg $0x60  }
0xae: {  	[dreg:$0x2] =	wrdreg s24  }
0xaf: {  	[dreg:$0x3] =	wrdreg s2  }
0xb0: {  	[dreg:$0x4] =	wrdreg $0x9  }
0xb1: {  	_ =	task.clear_ibuf [dreg:s7], $0x5FFFF;
	_ =	strace $0x90000049  }
0xb2: {  	s29 =	simm.s32 $0x9;
	_ =	strace $0x8000004B  }
0xb3: {  	_ =	swait.ge [sflag:s29], $0x1  }
0xb4: {  	[sflag:s29] =	ssyncadd.s32 $0xFFFFFFFF  }
0xb5: {  	_ =	strace $0x9000004B  }
0xb6: {  	_ =	sfence  }
0xb7: {  	s30 =	sld [smem:$0x0];
	_ =	sdelay $0x2  }
0xb8: {  	s31 =	sshll.u32 s1, $0xD;
	s1 =	sshrl.u32 s1, $0x2  }
0xb9: {  	s3 =	sand.u32 $0x4000, s31;
	s1 =	sadd.s32 s1, s30  }
0xba: {  	s0 =	sor.u32 s3, s0;
	s1 =	sshll.u32 s1, $0x11  }
0xbb: {  	s0 =	sor.u32 s1, s0  }
0xbc: {  	s0 =	sadd.s32 $0x8F2B, s0  }
0xbd: {  	[sflag:s0] =	ssyncadd.remote.s32 $0x1  }
0xbe: {  	_ =	sfence.sel $0xFFFF  }
0xbf: {  	[dreg:$0x0] =	wrdreg $0xFFFFFFFF;
	(pc) =	sbr.abs _section_cstart, $3  }
0xc0: {  	[dreg:$0x1] =	wrdreg $0xFFFFFFFF  }
0xc1: {  	_ =	task.clear_ibuf [dreg:s7], $0x2FFFF;
	_ =	strace $0x9FFFFFFF  }
0xc2: {  	(tm) =	ssettm $0x7FFFFFFF  }
0xc3: {  	_ =	shalt  }
tec
execute0_lowered:
.L_overlay_start_1:
0x0: {  	(tag) =	ssettag $0x1  }
0x1: {  	s0 =	rddreg [dreg:$0x0]  }
0x2: {  	s2 =	rddreg [dreg:$0x1];
	s1 =	simm.s32 $0x0  }
0x3: {  	s4 =	srdreg.scid;
	s6 =	stileid.u32;
	s28 =	simm.s32 $0x18180  }
0x4: {  	s29 =	simm.s32 $0xC000;
	s13 =	simm.s32 $0x1;
	s30 =	simm.s32 $0x3  }
0x5: {  	s14 =	simm.s32 $0x2;
	s31 =	simm.s32 $0x4;
	s15 =	simm.s32 $0x0  }
0x6: {  	[smem:$0x7FF] =	sst s1;
	s3 =	sadd.s32 $0x121C00, s0;
	s4 =	sand.u32 $0x1, s4  }
0x7: {  	s6 =	sshll.u32 s6, $0x6;
	s8 =	sadd.s32 $0x1400, s0;
	s5 =	ssub.s32 $0x2, s4  }
0x8: {  	s9 =	sadd.s32 $0x121800, s0;
	s4 =	sshll.u32 s4, $0x5;
	s7 =	sshrl.u32 s5, $0x1  }
0x9: {  	_ =	strace $0x8000004A;
	s4 =	sor.u32 s4, s6;
	s5 =	ssub.s32 s5, s7  }
0xa: {  	s6 =	sadd.s32 s8, s4;
	s17 =	sadd.s32 s9, s4;
	s10 =	sor.u32 $0x8, s4  }
0xb: {  	s7 =	sadd.s32 $0x121E00, s0;
	s19 =	smul.u32 $0x300, s4;
	s20 =	sor.u32 $0x10, s4  }
0xc: {  	s21 =	sor.u32 $0x18, s4;
	s4 =	simm.s32 $0x11000;
	[dreg:$0x3] =	wrdreg s6  }
0xd: {  	[dreg:$0x4] =	wrdreg s17;
	s6 =	sadd.s32 $0x121D00, s0;
	s18 =	sadd.s32 s8, s10  }
0xe: {  	s11 =	sadd.s32 s9, s10;
	s10 =	smul.u32 $0x300, s10;
	[dreg:$0x5] =	wrdreg s18  }
0xf: {  	s22 =	smul.u32 $0x300, s20;
	s12 =	sadd.s32 s8, s20;
	[dreg:$0x6] =	wrdreg s11  }
0x10: {  	s23 =	smul.u32 $0x300, s21;
	s8 =	sadd.s32 s8, s21;
	[dreg:$0x8] =	wrdreg s12  }
0x11: {  	s26 =	smax.u32 s5, $0x1;
	s5 =	simm.s32 $0x12000;
	[dreg:$0xb] =	wrdreg s8  }
0x12: {  	s0 =	sadd.s32 s2, s19;
	s11 =	sadd.s32 s9, s20;
	[dreg:$0xf] =	wrdreg s26  }
0x13: {  	s20 =	simm.s32 $0x5;
	s18 =	simm.s32 $0x11800;
	s8 =	simm.s32 $0x12800  }
0x14: {  	s19 =	simm.s32 $0x13000;
	s26 =	simm.s32 $0x17000;
	[dreg:$0x7] =	wrdreg s0  }
0x15: {  	s12 =	simm.s32 $0x17800;
	[dreg:$0x9] =	wrdreg s11;
	s10 =	sadd.s32 s2, s10  }
0x16: {  	s0 =	sadd.s32 s9, s21;
	s24 =	sadd.s32 s2, s22;
	[dreg:$0xa] =	wrdreg s10  }
0x17: {  	s25 =	sadd.s32 s2, s23;
	s21 =	simm.s32 $0x18100;
	[dreg:$0xc] =	wrdreg s0  }
0x18: {  	v2 =	vlaneseq.u32;
	s9 =	simm.s32 $0x13800;
	s22 =	simm.s32 $0x14000;
	[dreg:$0xd] =	wrdreg s24  }
0x19: {  	vm0 =	vmmov $0xffff;
	v1 =	vshrl.u32 v2, $0x3;
	s23 =	simm.s32 $0x15000;
	s11 =	simm.s32 $0x16800;
	[dreg:$0xe] =	wrdreg s25  }
0x1a: {  	v0 =	vand.u32 $0x7, v2;
	v2 =	vor.u32 $0x8, v2;
	v1 =	vmul.u32 $0x8, v1;
	s10 =	simm.s32 $0x14800;
	s24 =	simm.s32 $0x15800;
	s25 =	simm.s32 $0x16000  }
.LBB2_1:
0x1b: {  	s0 =	rddreg [dreg:$0x3];
	s2 =	simm.s32 $0x18000  }
0x1c: {  	[tilespmem:s2], [sflag:$0x5] =	stream.linear.gather [hbm4b:s0+s1], $0x40, $0x38;
	[tilespmem:$0x18200] =	vst v63  }
0x1d: {  	_ =	swait.ge [sflag:s20], $0x40  }
0x1e: {  	[sflag:s20] =	ssyncset.done $0x0  }
0x1f: {  	s2 =	rddreg [dreg:$0x4];
	[sflag:s20] =	ssyncadd.s32 $0xFFFFFFC0  }
0x20: {  	[tilespmem:s21], [sflag:$0x5] =	stream.linear.gather [hbm4b:s2+s1], $0x40, $0x38;
	[tilespmem:$0x18200] =	vst v63  }
0x21: {  	_ =	swait.ge [sflag:s20], $0x40  }
0x22: {  	[sflag:s20] =	ssyncset.done $0x0  }
0x23: {  	[sflag:s20] =	ssyncadd.s32 $0xFFFFFFC0  }
0x24: {  	v3 =	vld [tilespmem:$0x18000];
	_ =	sdelay $0x4  }
0x25: {  	v4 =	vshrl.u32 v3, $0x3  }
0x26: {  	v4 =	vmul.u32 $0x30, v4  }
0x27: {  	v3 =	vand.u32 $0x7, v3  }
0x28: {  	v3 =	vor.u32 v3, v4  }
0x29: {  	v4 =	vperm.xlane v3, v0;
	_ =	sdelay $0x1  }
0x2a: {  	v4 =	vadd.s32 v1, v4;
	_ =	sdelay $0x3  }
0x2b: {  	v3 =	vperm.xlane v3, v2  }
0x2c: {  	[tilespmem:s1], [sflag:$0x1] =	stream.indirect_vreg.gather [hbm4b:s3+s1], $0x80, v4, vm0, $0xb8;
	[tilespmem:$0x18200] =	vst v63  }
0x2d: {  	s16 =	simm.s32 $0x800;
	v3 =	vadd.s32 v1, v3  }
0x2e: {  	[tilespmem:s16], [sflag:$0x1] =	stream.indirect_vreg.gather [hbm4b:s6+s1], $0x80, v4, vm0, $0xb8;
	[tilespmem:$0x18200] =	vst v63  }
0x2f: {  	s17 =	simm.s32 $0x1000  }
0x30: {  	[tilespmem:s17], [sflag:$0x1] =	stream.indirect_vreg.gather [hbm4b:s7+s1], $0x80, v4, vm0, $0xb8;
	[tilespmem:$0x18200] =	vst v63  }
0x31: {  	s2 =	simm.s32 $0x1800  }
0x32: {  	[tilespmem:s2], [sflag:$0x1] =	stream.indirect_vreg.gather [hbm4b:s3+s1], $0x80, v3, vm0, $0xb8;
	[tilespmem:$0x18200] =	vst v63  }
0x33: {  	s16 =	simm.s32 $0x2000  }
0x34: {  	[tilespmem:s16], [sflag:$0x1] =	stream.indirect_vreg.gather [hbm4b:s6+s1], $0x80, v3, vm0, $0xb8;
	[tilespmem:$0x18200] =	vst v63  }
0x35: {  	s17 =	simm.s32 $0x2800  }
0x36: {  	[tilespmem:s17], [sflag:$0x1] =	stream.indirect_vreg.gather [hbm4b:s7+s1], $0x80, v3, vm0, $0xb8;
	[tilespmem:$0x18200] =	vst v63  }
0x37: {  	v3 =	vld [tilespmem:$0x18010];
	_ =	sdelay $0x4  }
0x38: {  	v57 =	vshrl.u32 v3, $0x3  }
0x39: {  	v4 =	vmul.u32 $0x30, v57  }
0x3a: {  	v3 =	vand.u32 $0x7, v3  }
0x3b: {  	v3 =	vor.u32 v3, v4  }
0x3c: {  	v4 =	vperm.xlane v3, v0;
	_ =	sdelay $0x1  }
0x3d: {  	v4 =	vadd.s32 v1, v4;
	_ =	sdelay $0x3  }
0x3e: {  	s2 =	simm.s32 $0x3000;
	v3 =	vperm.xlane v3, v2  }
0x3f: {  	[tilespmem:s2], [sflag:$0x1] =	stream.indirect_vreg.gather [hbm4b:s3+s1], $0x80, v4, vm0, $0xb8;
	[tilespmem:$0x18200] =	vst v63  }
0x40: {  	s16 =	simm.s32 $0x3800;
	v3 =	vadd.s32 v1, v3  }
0x41: {  	[tilespmem:s16], [sflag:$0x1] =	stream.indirect_vreg.gather [hbm4b:s6+s1], $0x80, v4, vm0, $0xb8;
	[tilespmem:$0x18200] =	vst v63  }
0x42: {  	s17 =	simm.s32 $0x4000  }
0x43: {  	[tilespmem:s17], [sflag:$0x1] =	stream.indirect_vreg.gather [hbm4b:s7+s1], $0x80, v4, vm0, $0xb8;
	[tilespmem:$0x18200] =	vst v63  }
0x44: {  	s2 =	simm.s32 $0x4800  }
0x45: {  	[tilespmem:s2], [sflag:$0x1] =	stream.indirect_vreg.gather [hbm4b:s3+s1], $0x80, v3, vm0, $0xb8;
	[tilespmem:$0x18200] =	vst v63  }
0x46: {  	s16 =	simm.s32 $0x5000  }
0x47: {  	[tilespmem:s16], [sflag:$0x1] =	stream.indirect_vreg.gather [hbm4b:s6+s1], $0x80, v3, vm0, $0xb8;
	[tilespmem:$0x18200] =	vst v63  }
0x48: {  	s17 =	simm.s32 $0x5800  }
0x49: {  	[tilespmem:s17], [sflag:$0x1] =	stream.indirect_vreg.gather [hbm4b:s7+s1], $0x80, v3, vm0, $0xb8;
	[tilespmem:$0x18200] =	vst v63  }
0x4a: {  	v3 =	vld [tilespmem:$0x18020];
	_ =	sdelay $0x4  }
0x4b: {  	v58 =	vshrl.u32 v3, $0x3  }
0x4c: {  	v4 =	vmul.u32 $0x30, v58  }
0x4d: {  	v3 =	vand.u32 $0x7, v3  }
0x4e: {  	v3 =	vor.u32 v3, v4  }
0x4f: {  	v4 =	vperm.xlane v3, v0;
	_ =	sdelay $0x1  }
0x50: {  	v4 =	vadd.s32 v1, v4;
	_ =	sdelay $0x3  }
0x51: {  	s2 =	simm.s32 $0x6000;
	v3 =	vperm.xlane v3, v2  }
0x52: {  	[tilespmem:s2], [sflag:$0x1] =	stream.indirect_vreg.gather [hbm4b:s3+s1], $0x80, v4, vm0, $0xb8;
	[tilespmem:$0x18200] =	vst v63  }
0x53: {  	s16 =	simm.s32 $0x6800;
	v3 =	vadd.s32 v1, v3  }
0x54: {  	[tilespmem:s16], [sflag:$0x1] =	stream.indirect_vreg.gather [hbm4b:s6+s1], $0x80, v4, vm0, $0xb8;
	[tilespmem:$0x18200] =	vst v63  }
0x55: {  	s17 =	simm.s32 $0x7000  }
0x56: {  	[tilespmem:s17], [sflag:$0x1] =	stream.indirect_vreg.gather [hbm4b:s7+s1], $0x80, v4, vm0, $0xb8;
	[tilespmem:$0x18200] =	vst v63  }
0x57: {  	s2 =	simm.s32 $0x7800  }
0x58: {  	[tilespmem:s2], [sflag:$0x1] =	stream.indirect_vreg.gather [hbm4b:s3+s1], $0x80, v3, vm0, $0xb8;
	[tilespmem:$0x18200] =	vst v63  }
0x59: {  	s16 =	simm.s32 $0x8000  }
0x5a: {  	[tilespmem:s16], [sflag:$0x1] =	stream.indirect_vreg.gather [hbm4b:s6+s1], $0x80, v3, vm0, $0xb8;
	[tilespmem:$0x18200] =	vst v63  }
0x5b: {  	s17 =	simm.s32 $0x8800  }
0x5c: {  	[tilespmem:s17], [sflag:$0x1] =	stream.indirect_vreg.gather [hbm4b:s7+s1], $0x80, v3, vm0, $0xb8;
	[tilespmem:$0x18200] =	vst v63  }
0x5d: {  	v3 =	vld [tilespmem:$0x18030];
	_ =	sdelay $0x4  }
0x5e: {  	v59 =	vshrl.u32 v3, $0x3  }
0x5f: {  	v4 =	vmul.u32 $0x30, v59  }
0x60: {  	v3 =	vand.u32 $0x7, v3  }
0x61: {  	v3 =	vor.u32 v3, v4  }
0x62: {  	v4 =	vperm.xlane v3, v0;
	_ =	sdelay $0x1  }
0x63: {  	v4 =	vadd.s32 v1, v4;
	_ =	sdelay $0x3  }
0x64: {  	s2 =	simm.s32 $0x9000;
	v3 =	vperm.xlane v3, v2  }
0x65: {  	[tilespmem:s2], [sflag:$0x1] =	stream.indirect_vreg.gather [hbm4b:s3+s1], $0x80, v4, vm0, $0xb8;
	[tilespmem:$0x18200] =	vst v63  }
0x66: {  	s16 =	simm.s32 $0x9800;
	v3 =	vadd.s32 v1, v3  }
0x67: {  	[tilespmem:s16], [sflag:$0x1] =	stream.indirect_vreg.gather [hbm4b:s6+s1], $0x80, v4, vm0, $0xb8;
	[tilespmem:$0x18200] =	vst v63  }
0x68: {  	s17 =	simm.s32 $0xA000  }
0x69: {  	[tilespmem:s17], [sflag:$0x1] =	stream.indirect_vreg.gather [hbm4b:s7+s1], $0x80, v4, vm0, $0xb8;
	[tilespmem:$0x18200] =	vst v63  }
0x6a: {  	s2 =	simm.s32 $0xA800  }
0x6b: {  	[tilespmem:s2], [sflag:$0x1] =	stream.indirect_vreg.gather [hbm4b:s3+s1], $0x80, v3, vm0, $0xb8;
	[tilespmem:$0x18200] =	vst v63  }
0x6c: {  	s16 =	simm.s32 $0xB000  }
0x6d: {  	[tilespmem:s16], [sflag:$0x1] =	stream.indirect_vreg.gather [hbm4b:s6+s1], $0x80, v3, vm0, $0xb8;
	[tilespmem:$0x18200] =	vst v63  }
0x6e: {  	s17 =	simm.s32 $0xB800  }
0x6f: {  	[tilespmem:s17], [sflag:$0x1] =	stream.indirect_vreg.gather [hbm4b:s7+s1], $0x80, v3, vm0, $0xb8;
	[tilespmem:$0x18200] =	vst v63  }
0x70: {  	s2 =	rddreg [dreg:$0x5];
	s16 =	simm.s32 $0x18080  }
0x71: {  	[tilespmem:s16], [sflag:$0x5] =	stream.linear.gather [hbm4b:s2+s1], $0x40, $0x38;
	[tilespmem:$0x18200] =	vst v63  }
0x72: {  	_ =	swait.ge [sflag:s20], $0x40  }
0x73: {  	[sflag:s20] =	ssyncset.done $0x0  }
0x74: {  	s17 =	rddreg [dreg:$0x6];
	[sflag:s20] =	ssyncadd.s32 $0xFFFFFFC0  }
0x75: {  	[tilespmem:s28], [sflag:$0x5] =	stream.linear.gather [hbm4b:s17+s1], $0x40, $0x38;
	[tilespmem:$0x18200] =	vst v63  }
0x76: {  	_ =	swait.ge [sflag:s20], $0x40  }
0x77: {  	[sflag:s20] =	ssyncset.done $0x0  }
0x78: {  	[sflag:s20] =	ssyncadd.s32 $0xFFFFFFC0  }
0x79: {  	v3 =	vld [tilespmem:$0x18080];
	_ =	sdelay $0x4  }
0x7a: {  	v60 =	vshrl.u32 v3, $0x3  }
0x7b: {  	v4 =	vmul.u32 $0x30, v60  }
0x7c: {  	v3 =	vand.u32 $0x7, v3  }
0x7d: {  	v3 =	vor.u32 v3, v4  }
0x7e: {  	v4 =	vperm.xlane v3, v0;
	_ =	sdelay $0x1  }
0x7f: {  	v4 =	vadd.s32 v1, v4;
	_ =	sdelay $0x3  }
0x80: {  	v3 =	vperm.xlane v3, v2  }
0x81: {  	[tilespmem:s29], [sflag:$0x2] =	stream.indirect_vreg.gather [hbm4b:s3+s1], $0x80, v4, vm0, $0xb8;
	[tilespmem:$0x18200] =	vst v63  }
0x82: {  	s2 =	simm.s32 $0xC800;
	v3 =	vadd.s32 v1, v3  }
0x83: {  	[tilespmem:s2], [sflag:$0x2] =	stream.indirect_vreg.gather [hbm4b:s6+s1], $0x80, v4, vm0, $0xb8;
	[tilespmem:$0x18200] =	vst v63  }
0x84: {  	s16 =	simm.s32 $0xD000  }
0x85: {  	[tilespmem:s16], [sflag:$0x2] =	stream.indirect_vreg.gather [hbm4b:s7+s1], $0x80, v4, vm0, $0xb8;
	[tilespmem:$0x18200] =	vst v63  }
0x86: {  	s17 =	simm.s32 $0xD800  }
0x87: {  	[tilespmem:s17], [sflag:$0x2] =	stream.indirect_vreg.gather [hbm4b:s3+s1], $0x80, v3, vm0, $0xb8;
	[tilespmem:$0x18200] =	vst v63  }
0x88: {  	s2 =	simm.s32 $0xE000  }
0x89: {  	[tilespmem:s2], [sflag:$0x2] =	stream.indirect_vreg.gather [hbm4b:s6+s1], $0x80, v3, vm0, $0xb8;
	[tilespmem:$0x18200] =	vst v63  }
0x8a: {  	s16 =	simm.s32 $0xE800  }
0x8b: {  	[tilespmem:s16], [sflag:$0x2] =	stream.indirect_vreg.gather [hbm4b:s7+s1], $0x80, v3, vm0, $0xb8;
	[tilespmem:$0x18200] =	vst v63  }
0x8c: {  	v3 =	vld [tilespmem:$0x18090];
	_ =	sdelay $0x4  }
0x8d: {  	v61 =	vshrl.u32 v3, $0x3  }
0x8e: {  	v4 =	vmul.u32 $0x30, v61  }
0x8f: {  	v3 =	vand.u32 $0x7, v3  }
0x90: {  	v3 =	vor.u32 v3, v4  }
0x91: {  	v4 =	vperm.xlane v3, v0;
	_ =	sdelay $0x1  }
0x92: {  	v4 =	vadd.s32 v1, v4;
	_ =	sdelay $0x3  }
0x93: {  	s17 =	simm.s32 $0xF000;
	v3 =	vperm.xlane v3, v2  }
0x94: {  	[tilespmem:s17], [sflag:$0x2] =	stream.indirect_vreg.gather [hbm4b:s3+s1], $0x80, v4, vm0, $0xb8;
	[tilespmem:$0x18200] =	vst v63  }
0x95: {  	s2 =	simm.s32 $0xF800;
	v3 =	vadd.s32 v1, v3  }
0x96: {  	[tilespmem:s2], [sflag:$0x2] =	stream.indirect_vreg.gather [hbm4b:s6+s1], $0x80, v4, vm0, $0xb8;
	[tilespmem:$0x18200] =	vst v63  }
0x97: {  	s16 =	simm.s32 $0x10000  }
0x98: {  	[tilespmem:s16], [sflag:$0x2] =	stream.indirect_vreg.gather [hbm4b:s7+s1], $0x80, v4, vm0, $0xb8;
	[tilespmem:$0x18200] =	vst v63  }
0x99: {  	s17 =	simm.s32 $0x10800  }
0x9a: {  	[tilespmem:s17], [sflag:$0x2] =	stream.indirect_vreg.gather [hbm4b:s3+s1], $0x80, v3, vm0, $0xb8;
	[tilespmem:$0x18200] =	vst v63  }
0x9b: {  	_ = 	snop  }
0x9c: {  	[tilespmem:s4], [sflag:$0x2] =	stream.indirect_vreg.gather [hbm4b:s6+s1], $0x80, v3, vm0, $0xb8;
	[tilespmem:$0x18200] =	vst v63  }
0x9d: {  	_ = 	snop  }
0x9e: {  	[tilespmem:s18], [sflag:$0x2] =	stream.indirect_vreg.gather [hbm4b:s7+s1], $0x80, v3, vm0, $0xb8;
	[tilespmem:$0x18200] =	vst v63  }
0x9f: {  	v3 =	vld [tilespmem:$0x180A0];
	_ =	sdelay $0x4  }
0xa0: {  	v62 =	vshrl.u32 v3, $0x3  }
0xa1: {  	v4 =	vmul.u32 $0x30, v62  }
0xa2: {  	v3 =	vand.u32 $0x7, v3  }
0xa3: {  	v3 =	vor.u32 v3, v4  }
0xa4: {  	v4 =	vperm.xlane v3, v0;
	_ =	sdelay $0x1  }
0xa5: {  	v4 =	vadd.s32 v1, v4;
	_ =	sdelay $0x3  }
0xa6: {  	v3 =	vperm.xlane v3, v2  }
0xa7: {  	[tilespmem:s5], [sflag:$0x2] =	stream.indirect_vreg.gather [hbm4b:s3+s1], $0x80, v4, vm0, $0xb8;
	[tilespmem:$0x18200] =	vst v63  }
0xa8: {  	v3 =	vadd.s32 v1, v3  }
0xa9: {  	[tilespmem:s8], [sflag:$0x2] =	stream.indirect_vreg.gather [hbm4b:s6+s1], $0x80, v4, vm0, $0xb8;
	[tilespmem:$0x18200] =	vst v63  }
0xaa: {  	_ = 	snop  }
0xab: {  	[tilespmem:s19], [sflag:$0x2] =	stream.indirect_vreg.gather [hbm4b:s7+s1], $0x80, v4, vm0, $0xb8;
	[tilespmem:$0x18200] =	vst v63  }
0xac: {  	_ = 	snop  }
0xad: {  	[tilespmem:s9], [sflag:$0x2] =	stream.indirect_vreg.gather [hbm4b:s3+s1], $0x80, v3, vm0, $0xb8;
	[tilespmem:$0x18200] =	vst v63  }
0xae: {  	_ = 	snop  }
0xaf: {  	[tilespmem:s22], [sflag:$0x2] =	stream.indirect_vreg.gather [hbm4b:s6+s1], $0x80, v3, vm0, $0xb8;
	[tilespmem:$0x18200] =	vst v63  }
0xb0: {  	_ = 	snop  }
0xb1: {  	[tilespmem:s10], [sflag:$0x2] =	stream.indirect_vreg.gather [hbm4b:s7+s1], $0x80, v3, vm0, $0xb8;
	[tilespmem:$0x18200] =	vst v63  }
0xb2: {  	v3 =	vld [tilespmem:$0x180B0];
	_ =	sdelay $0x4  }
0xb3: {  	v63 =	vshrl.u32 v3, $0x3  }
0xb4: {  	v4 =	vmul.u32 $0x30, v63  }
0xb5: {  	v3 =	vand.u32 $0x7, v3  }
0xb6: {  	v3 =	vor.u32 v3, v4  }
0xb7: {  	v4 =	vperm.xlane v3, v0;
	_ =	sdelay $0x1  }
0xb8: {  	v4 =	vadd.s32 v1, v4;
	_ =	sdelay $0x3  }
0xb9: {  	v3 =	vperm.xlane v3, v2  }
0xba: {  	[tilespmem:s23], [sflag:$0x2] =	stream.indirect_vreg.gather [hbm4b:s3+s1], $0x80, v4, vm0, $0xb8;
	[tilespmem:$0x18200] =	vst v63  }
0xbb: {  	v3 =	vadd.s32 v1, v3  }
0xbc: {  	[tilespmem:s24], [sflag:$0x2] =	stream.indirect_vreg.gather [hbm4b:s6+s1], $0x80, v4, vm0, $0xb8;
	[tilespmem:$0x18200] =	vst v63  }
0xbd: {  	_ = 	snop  }
0xbe: {  	[tilespmem:s25], [sflag:$0x2] =	stream.indirect_vreg.gather [hbm4b:s7+s1], $0x80, v4, vm0, $0xb8;
	[tilespmem:$0x18200] =	vst v63  }
0xbf: {  	_ = 	snop  }
0xc0: {  	[tilespmem:s11], [sflag:$0x2] =	stream.indirect_vreg.gather [hbm4b:s3+s1], $0x80, v3, vm0, $0xb8;
	[tilespmem:$0x18200] =	vst v63  }
0xc1: {  	_ = 	snop  }
0xc2: {  	[tilespmem:s26], [sflag:$0x2] =	stream.indirect_vreg.gather [hbm4b:s6+s1], $0x80, v3, vm0, $0xb8;
	[tilespmem:$0x18200] =	vst v63  }
0xc3: {  	_ = 	snop  }
0xc4: {  	[tilespmem:s12], [sflag:$0x2] =	stream.indirect_vreg.gather [hbm4b:s7+s1], $0x80, v3, vm0, $0xb8;
	[tilespmem:$0x18200] =	vst v63  }
0xc5: {  	_ =	swait.ge [sflag:s13], $0xC000  }
0xc6: {  	[sflag:s13] =	ssyncset.done $0x0  }
0xc7: {  	s0 =	simm.s32 $0x0;
	s16 =	simm.s32 $0x0;
	[sflag:s13] =	ssyncadd.s32 $0xFFFF4000  }
.LBB2_2:
0xc8: {  	v3 =	vmov s16  }
0xc9: {  	s2 =	sshrl.u32 s16, $0x3  }
0xca: {  	s2 =	smul.u32 $0x6000, s2;
	_ =	sdelay $0x1  }
0xcb: {  	s17 =	sand.u32 $0x380, s0;
	s2 =	sshra.s32 s2, $0x2  }
0xcc: {  	s2 =	sor.u32 s17, s2;
	v3 =	vld.idx.msk [tilespmem:v3+s21+$0x0], $0xffff  }
0xcd: {  	v4 =	vld [tilespmem:s2+$0x0]  }
0xce: {  	v5 =	vld [tilespmem:s2+$0x10]  }
0xcf: {  	v6 =	vld [tilespmem:s2+$0x20]  }
0xd0: {  	v7 =	vld [tilespmem:s2+$0x30]  }
0xd1: {  	v8 =	vld [tilespmem:s2+$0x40]  }
0xd2: {  	v9 =	vld [tilespmem:s2+$0x50];
	v4 =	vmul.f32 v4, v3  }
0xd3: {  	v10 =	vld [tilespmem:s2+$0x60];
	v5 =	vmul.f32 v5, v3  }
0xd4: {  	v31 =	vld [tilespmem:s2+$0x70];
	v30 =	vmul.f32 v6, v3;
	[tilespmem:s2+$0x0] =	vst v4  }
0xd5: {  	v33 =	vld [tilespmem:s2+$0x400];
	v32 =	vmul.f32 v7, v3;
	[tilespmem:s2+$0x10] =	vst v5  }
0xd6: {  	v35 =	vld [tilespmem:s2+$0x410];
	v34 =	vmul.f32 v8, v3;
	[tilespmem:s2+$0x20] =	vst v30  }
0xd7: {  	v37 =	vld [tilespmem:s2+$0x420];
	v36 =	vmul.f32 v9, v3;
	[tilespmem:s2+$0x30] =	vst v32  }
0xd8: {  	v39 =	vld [tilespmem:s2+$0x430];
	v38 =	vmul.f32 v10, v3;
	[tilespmem:s2+$0x40] =	vst v34  }
0xd9: {  	v41 =	vld [tilespmem:s2+$0x440];
	v40 =	vmul.f32 v31, v3;
	[tilespmem:s2+$0x50] =	vst v36  }
0xda: {  	v43 =	vld [tilespmem:s2+$0x450];
	v42 =	vmul.f32 v33, v3;
	[tilespmem:s2+$0x60] =	vst v38  }
0xdb: {  	v45 =	vld [tilespmem:s2+$0x460];
	v44 =	vmul.f32 v35, v3;
	[tilespmem:s2+$0x70] =	vst v40  }
0xdc: {  	v47 =	vld [tilespmem:s2+$0x470];
	v46 =	vmul.f32 v37, v3;
	[tilespmem:s2+$0x400] =	vst v42  }
0xdd: {  	v49 =	vld [tilespmem:s2+$0x800];
	v48 =	vmul.f32 v39, v3;
	[tilespmem:s2+$0x410] =	vst v44  }
0xde: {  	v51 =	vld [tilespmem:s2+$0x810];
	v50 =	vmul.f32 v41, v3;
	[tilespmem:s2+$0x420] =	vst v46  }
0xdf: {  	v53 =	vld [tilespmem:s2+$0x820];
	v52 =	vmul.f32 v43, v3;
	[tilespmem:s2+$0x430] =	vst v48  }
0xe0: {  	v55 =	vld [tilespmem:s2+$0x830];
	v54 =	vmul.f32 v45, v3;
	[tilespmem:s2+$0x440] =	vst v50  }
0xe1: {  	v57 =	vld [tilespmem:s2+$0x840];
	v56 =	vmul.f32 v47, v3;
	[tilespmem:s2+$0x450] =	vst v52  }
0xe2: {  	v59 =	vld [tilespmem:s2+$0x850];
	v58 =	vmul.f32 v49, v3;
	[tilespmem:s2+$0x460] =	vst v54  }
0xe3: {  	v61 =	vld [tilespmem:s2+$0x860];
	v60 =	vmul.f32 v51, v3;
	[tilespmem:s2+$0x470] =	vst v56  }
0xe4: {  	v63 =	vld [tilespmem:s2+$0x870];
	v62 =	vmul.f32 v53, v3;
	[tilespmem:s2+$0x800] =	vst v58  }
0xe5: {  	v13 =	vld [tilespmem:s2+$0xC00];
	v12 =	vmul.f32 v55, v3;
	[tilespmem:s2+$0x810] =	vst v60  }
0xe6: {  	v15 =	vld [tilespmem:s2+$0xC10];
	v14 =	vmul.f32 v57, v3;
	[tilespmem:s2+$0x820] =	vst v62  }
0xe7: {  	v17 =	vld [tilespmem:s2+$0xC20];
	v16 =	vmul.f32 v59, v3;
	[tilespmem:s2+$0x830] =	vst v12  }
0xe8: {  	v19 =	vld [tilespmem:s2+$0xC30];
	v18 =	vmul.f32 v61, v3;
	[tilespmem:s2+$0x840] =	vst v14  }
0xe9: {  	v21 =	vld [tilespmem:s2+$0xC40];
	v20 =	vmul.f32 v63, v3;
	[tilespmem:s2+$0x850] =	vst v16  }
0xea: {  	v23 =	vld [tilespmem:s2+$0xC50];
	v22 =	vmul.f32 v13, v3;
	[tilespmem:s2+$0x860] =	vst v18  }
0xeb: {  	v25 =	vld [tilespmem:s2+$0xC60];
	v24 =	vmul.f32 v15, v3;
	[tilespmem:s2+$0x870] =	vst v20  }
0xec: {  	v27 =	vld [tilespmem:s2+$0xC70];
	v26 =	vmul.f32 v17, v3;
	[tilespmem:s2+$0xC00] =	vst v22  }
0xed: {  	v29 =	vld [tilespmem:s2+$0x1000];
	v28 =	vmul.f32 v19, v3;
	[tilespmem:s2+$0xC10] =	vst v24  }
0xee: {  	v31 =	vld [tilespmem:s2+$0x1010];
	[tilespmem:s2+$0xC20] =	vst v26;
	v30 =	vmul.f32 v21, v3  }
0xef: {  	v33 =	vld [tilespmem:s2+$0x1020];
	[tilespmem:s2+$0xC30] =	vst v28;
	v32 =	vmul.f32 v23, v3  }
0xf0: {  	v35 =	vld [tilespmem:s2+$0x1030];
	v34 =	vmul.f32 v25, v3;
	[tilespmem:s2+$0xC40] =	vst v30  }
0xf1: {  	v37 =	vld [tilespmem:s2+$0x1040];
	v36 =	vmul.f32 v27, v3;
	[tilespmem:s2+$0xC50] =	vst v32  }
0xf2: {  	v39 =	vld [tilespmem:s2+$0x1050];
	v38 =	vmul.f32 v29, v3;
	[tilespmem:s2+$0xC60] =	vst v34  }
0xf3: {  	v41 =	vld [tilespmem:s2+$0x1060];
	[tilespmem:s2+$0xC70] =	vst v36;
	v40 =	vmul.f32 v31, v3  }
0xf4: {  	v43 =	vld [tilespmem:s2+$0x1070];
	[tilespmem:s2+$0x1000] =	vst v38;
	v42 =	vmul.f32 v33, v3  }
0xf5: {  	v45 =	vld [tilespmem:s2+$0x1400];
	v44 =	vmul.f32 v35, v3;
	[tilespmem:s2+$0x1010] =	vst v40  }
0xf6: {  	v47 =	vld [tilespmem:s2+$0x1410];
	v46 =	vmul.f32 v37, v3;
	[tilespmem:s2+$0x1020] =	vst v42  }
0xf7: {  	v49 =	vld [tilespmem:s2+$0x1420];
	v48 =	vmul.f32 v39, v3;
	[tilespmem:s2+$0x1030] =	vst v44  }
0xf8: {  	v51 =	vld [tilespmem:s2+$0x1430];
	v50 =	vmul.f32 v41, v3;
	[tilespmem:s2+$0x1040] =	vst v46  }
0xf9: {  	v53 =	vld [tilespmem:s2+$0x1440];
	v52 =	vmul.f32 v43, v3;
	[tilespmem:s2+$0x1050] =	vst v48  }
0xfa: {  	v55 =	vld [tilespmem:s2+$0x1450];
	v54 =	vmul.f32 v45, v3;
	[tilespmem:s2+$0x1060] =	vst v50  }
0xfb: {  	v57 =	vld [tilespmem:s2+$0x1460];
	v56 =	vmul.f32 v47, v3;
	[tilespmem:s2+$0x1070] =	vst v52  }
0xfc: {  	v59 =	vld [tilespmem:s2+$0x1470];
	v58 =	vmul.f32 v49, v3;
	[tilespmem:s2+$0x1400] =	vst v54  }
0xfd: {  	v60 =	vmul.f32 v51, v3;
	[tilespmem:s2+$0x1410] =	vst v56  }
0xfe: {  	p0 =	sne.s32 s16, $0x3F;
	v61 =	vmul.f32 v53, v3;
	[tilespmem:s2+$0x1420] =	vst v58  }
.Ltmp0:
0xff: {  	v62 =	vmul.f32 v55, v3;
	[tilespmem:s2+$0x1430] =	vst v60;
	(pc) =	sbr.rel @p0 .LBB2_2-.Ltmp0, $4  }
0x100: {  	v63 =	vmul.f32 v57, v3;
	[tilespmem:s2+$0x1440] =	vst v61  }
0x101: {  	v3 =	vmul.f32 v59, v3;
	[tilespmem:s2+$0x1450] =	vst v62  }
0x102: {  	[tilespmem:s2+$0x1460] =	vst v63  }
0x103: {  	s0 =	sadd.s32 $0x80, s0;
	s16 =	sadd.s32 $0x1, s16;
	[tilespmem:s2+$0x1470] =	vst v3  }
0x104: {  	s0 =	simm.s32 $0x0;
	s2 =	rddreg [dreg:$0x7]  }
0x105: {  	[hbm4b:s2+s0] =	stream.linear.scatter [tilespmem:s0], [sflag:$0x3], $0xC000, $0x38;
	[tilespmem:$0x18200] =	vst v63  }
0x106: {  	_ =	swait.ge [sflag:s30], $0xC000  }
0x107: {  	[sflag:s30] =	ssyncset.done $0x0  }
0x108: {  	s16 =	simm.s32 $0x18000;
	s17 =	rddreg [dreg:$0x8];
	[sflag:s30] =	ssyncadd.s32 $0xFFFF4000  }
0x109: {  	[tilespmem:s16], [sflag:$0x5] =	stream.linear.gather [hbm4b:s17+s0], $0x40, $0x38;
	[tilespmem:$0x18200] =	vst v63  }
0x10a: {  	_ =	swait.ge [sflag:s20], $0x40  }
0x10b: {  	[sflag:s20] =	ssyncset.done $0x0  }
0x10c: {  	s16 =	rddreg [dreg:$0x9];
	[sflag:s20] =	ssyncadd.s32 $0xFFFFFFC0  }
0x10d: {  	[tilespmem:s21], [sflag:$0x5] =	stream.linear.gather [hbm4b:s16+s0], $0x40, $0x38;
	[tilespmem:$0x18200] =	vst v63  }
0x10e: {  	_ =	swait.ge [sflag:s20], $0x40  }
0x10f: {  	[sflag:s20] =	ssyncset.done $0x0  }
0x110: {  	[sflag:s20] =	ssyncadd.s32 $0xFFFFFFC0  }
0x111: {  	v3 =	vld [tilespmem:$0x18000];
	_ =	sdelay $0x4  }
0x112: {  	v4 =	vshrl.u32 v3, $0x3  }
0x113: {  	v4 =	vmul.u32 $0x30, v4  }
0x114: {  	v3 =	vand.u32 $0x7, v3  }
0x115: {  	v3 =	vor.u32 v3, v4  }
0x116: {  	v4 =	vperm.xlane v3, v0;
	_ =	sdelay $0x1  }
0x117: {  	v4 =	vadd.s32 v1, v4;
	_ =	sdelay $0x3  }
0x118: {  	v3 =	vperm.xlane v3, v2  }
0x119: {  	[tilespmem:s0], [sflag:$0x1] =	stream.indirect_vreg.gather [hbm4b:s3+s0], $0x80, v4, vm0, $0xb8;
	[tilespmem:$0x18200] =	vst v63  }
0x11a: {  	s17 =	simm.s32 $0x800;
	v3 =	vadd.s32 v1, v3  }
0x11b: {  	[tilespmem:s17], [sflag:$0x1] =	stream.indirect_vreg.gather [hbm4b:s6+s0], $0x80, v4, vm0, $0xb8;
	[tilespmem:$0x18200] =	vst v63  }
0x11c: {  	s16 =	simm.s32 $0x1000  }
0x11d: {  	[tilespmem:s16], [sflag:$0x1] =	stream.indirect_vreg.gather [hbm4b:s7+s0], $0x80, v4, vm0, $0xb8;
	[tilespmem:$0x18200] =	vst v63  }
0x11e: {  	s17 =	simm.s32 $0x1800  }
0x11f: {  	[tilespmem:s17], [sflag:$0x1] =	stream.indirect_vreg.gather [hbm4b:s3+s0], $0x80, v3, vm0, $0xb8;
	[tilespmem:$0x18200] =	vst v63  }
0x120: {  	s16 =	simm.s32 $0x2000  }
0x121: {  	[tilespmem:s16], [sflag:$0x1] =	stream.indirect_vreg.gather [hbm4b:s6+s0], $0x80, v3, vm0, $0xb8;
	[tilespmem:$0x18200] =	vst v63  }
0x122: {  	s17 =	simm.s32 $0x2800  }
0x123: {  	[tilespmem:s17], [sflag:$0x1] =	stream.indirect_vreg.gather [hbm4b:s7+s0], $0x80, v3, vm0, $0xb8;
	[tilespmem:$0x18200] =	vst v63  }
0x124: {  	v3 =	vld [tilespmem:$0x18010];
	_ =	sdelay $0x4  }
0x125: {  	v61 =	vshrl.u32 v3, $0x3  }
0x126: {  	v4 =	vmul.u32 $0x30, v61  }
0x127: {  	v3 =	vand.u32 $0x7, v3  }
0x128: {  	v3 =	vor.u32 v3, v4  }
0x129: {  	v4 =	vperm.xlane v3, v0;
	_ =	sdelay $0x1  }
0x12a: {  	v4 =	vadd.s32 v1, v4;
	_ =	sdelay $0x3  }
0x12b: {  	s16 =	simm.s32 $0x3000;
	v3 =	vperm.xlane v3, v2  }
0x12c: {  	[tilespmem:s16], [sflag:$0x1] =	stream.indirect_vreg.gather [hbm4b:s3+s0], $0x80, v4, vm0, $0xb8;
	[tilespmem:$0x18200] =	vst v63  }
0x12d: {  	s17 =	simm.s32 $0x3800;
	v3 =	vadd.s32 v1, v3  }
0x12e: {  	[tilespmem:s17], [sflag:$0x1] =	stream.indirect_vreg.gather [hbm4b:s6+s0], $0x80, v4, vm0, $0xb8;
	[tilespmem:$0x18200] =	vst v63  }
0x12f: {  	s16 =	simm.s32 $0x4000  }
0x130: {  	[tilespmem:s16], [sflag:$0x1] =	stream.indirect_vreg.gather [hbm4b:s7+s0], $0x80, v4, vm0, $0xb8;
	[tilespmem:$0x18200] =	vst v63  }
0x131: {  	s17 =	simm.s32 $0x4800  }
0x132: {  	[tilespmem:s17], [sflag:$0x1] =	stream.indirect_vreg.gather [hbm4b:s3+s0], $0x80, v3, vm0, $0xb8;
	[tilespmem:$0x18200] =	vst v63  }
0x133: {  	s16 =	simm.s32 $0x5000  }
0x134: {  	[tilespmem:s16], [sflag:$0x1] =	stream.indirect_vreg.gather [hbm4b:s6+s0], $0x80, v3, vm0, $0xb8;
	[tilespmem:$0x18200] =	vst v63  }
0x135: {  	s17 =	simm.s32 $0x5800  }
0x136: {  	[tilespmem:s17], [sflag:$0x1] =	stream.indirect_vreg.gather [hbm4b:s7+s0], $0x80, v3, vm0, $0xb8;
	[tilespmem:$0x18200] =	vst v63  }
0x137: {  	v3 =	vld [tilespmem:$0x18020];
	_ =	sdelay $0x4  }
0x138: {  	v62 =	vshrl.u32 v3, $0x3  }
0x139: {  	v4 =	vmul.u32 $0x30, v62  }
0x13a: {  	v3 =	vand.u32 $0x7, v3  }
0x13b: {  	v3 =	vor.u32 v3, v4  }
0x13c: {  	v4 =	vperm.xlane v3, v0;
	_ =	sdelay $0x1  }
0x13d: {  	v4 =	vadd.s32 v1, v4;
	_ =	sdelay $0x3  }
0x13e: {  	s16 =	simm.s32 $0x6000;
	v3 =	vperm.xlane v3, v2  }
0x13f: {  	[tilespmem:s16], [sflag:$0x1] =	stream.indirect_vreg.gather [hbm4b:s3+s0], $0x80, v4, vm0, $0xb8;
	[tilespmem:$0x18200] =	vst v63  }
0x140: {  	s17 =	simm.s32 $0x6800;
	v3 =	vadd.s32 v1, v3  }
0x141: {  	[tilespmem:s17], [sflag:$0x1] =	stream.indirect_vreg.gather [hbm4b:s6+s0], $0x80, v4, vm0, $0xb8;
	[tilespmem:$0x18200] =	vst v63  }
0x142: {  	s16 =	simm.s32 $0x7000  }
0x143: {  	[tilespmem:s16], [sflag:$0x1] =	stream.indirect_vreg.gather [hbm4b:s7+s0], $0x80, v4, vm0, $0xb8;
	[tilespmem:$0x18200] =	vst v63  }
0x144: {  	s17 =	simm.s32 $0x7800  }
0x145: {  	[tilespmem:s17], [sflag:$0x1] =	stream.indirect_vreg.gather [hbm4b:s3+s0], $0x80, v3, vm0, $0xb8;
	[tilespmem:$0x18200] =	vst v63  }
0x146: {  	s16 =	simm.s32 $0x8000  }
0x147: {  	[tilespmem:s16], [sflag:$0x1] =	stream.indirect_vreg.gather [hbm4b:s6+s0], $0x80, v3, vm0, $0xb8;
	[tilespmem:$0x18200] =	vst v63  }
0x148: {  	s17 =	simm.s32 $0x8800  }
0x149: {  	[tilespmem:s17], [sflag:$0x1] =	stream.indirect_vreg.gather [hbm4b:s7+s0], $0x80, v3, vm0, $0xb8;
	[tilespmem:$0x18200] =	vst v63  }
0x14a: {  	v3 =	vld [tilespmem:$0x18030];
	_ =	sdelay $0x4  }
0x14b: {  	v63 =	vshrl.u32 v3, $0x3  }
0x14c: {  	v4 =	vmul.u32 $0x30, v63  }
0x14d: {  	v3 =	vand.u32 $0x7, v3  }
0x14e: {  	v3 =	vor.u32 v3, v4  }
0x14f: {  	v4 =	vperm.xlane v3, v0;
	_ =	sdelay $0x1  }
0x150: {  	v4 =	vadd.s32 v1, v4;
	_ =	sdelay $0x3  }
0x151: {  	s16 =	simm.s32 $0x9000;
	v3 =	vperm.xlane v3, v2  }
0x152: {  	[tilespmem:s16], [sflag:$0x1] =	stream.indirect_vreg.gather [hbm4b:s3+s0], $0x80, v4, vm0, $0xb8;
	[tilespmem:$0x18200] =	vst v63  }
0x153: {  	s17 =	simm.s32 $0x9800;
	v3 =	vadd.s32 v1, v3  }
0x154: {  	[tilespmem:s17], [sflag:$0x1] =	stream.indirect_vreg.gather [hbm4b:s6+s0], $0x80, v4, vm0, $0xb8;
	[tilespmem:$0x18200] =	vst v63  }
0x155: {  	s16 =	simm.s32 $0xA000  }
0x156: {  	[tilespmem:s16], [sflag:$0x1] =	stream.indirect_vreg.gather [hbm4b:s7+s0], $0x80, v4, vm0, $0xb8;
	[tilespmem:$0x18200] =	vst v63  }
0x157: {  	s17 =	simm.s32 $0xA800  }
0x158: {  	[tilespmem:s17], [sflag:$0x1] =	stream.indirect_vreg.gather [hbm4b:s3+s0], $0x80, v3, vm0, $0xb8;
	[tilespmem:$0x18200] =	vst v63  }
0x159: {  	s16 =	simm.s32 $0xB000  }
0x15a: {  	[tilespmem:s16], [sflag:$0x1] =	stream.indirect_vreg.gather [hbm4b:s6+s0], $0x80, v3, vm0, $0xb8;
	[tilespmem:$0x18200] =	vst v63  }
0x15b: {  	s17 =	simm.s32 $0xB800  }
0x15c: {  	[tilespmem:s17], [sflag:$0x1] =	stream.indirect_vreg.gather [hbm4b:s7+s0], $0x80, v3, vm0, $0xb8;
	[tilespmem:$0x18200] =	vst v63  }
0x15d: {  	_ =	swait.ge [sflag:s14], $0xC000  }
0x15e: {  	[sflag:s14] =	ssyncset.done $0x0  }
0x15f: {  	s16 =	simm.s32 $0x0;
	[sflag:s14] =	ssyncadd.s32 $0xFFFF4000  }
.LBB2_4:
0x160: {  	v3 =	vmov s16  }
0x161: {  	s2 =	sshrl.u32 s16, $0x3  }
0x162: {  	s2 =	smul.u32 $0x6000, s2;
	_ =	sdelay $0x1  }
0x163: {  	s17 =	sand.u32 $0x380, s0;
	s2 =	sshra.s32 s2, $0x2  }
0x164: {  	s2 =	sor.u32 s17, s2;
	v3 =	vld.idx.msk [tilespmem:v3+s28+$0x0], $0xffff  }
0x165: {  	v4 =	vld [tilespmem:s2+$0xC000]  }
0x166: {  	v5 =	vld [tilespmem:s2+$0xC010]  }
0x167: {  	v6 =	vld [tilespmem:s2+$0xC020]  }
0x168: {  	v7 =	vld [tilespmem:s2+$0xC030]  }
0x169: {  	v8 =	vld [tilespmem:s2+$0xC040]  }
0x16a: {  	v9 =	vld [tilespmem:s2+$0xC050];
	v4 =	vmul.f32 v4, v3  }
0x16b: {  	v10 =	vld [tilespmem:s2+$0xC060];
	v5 =	vmul.f32 v5, v3  }
0x16c: {  	v31 =	vld [tilespmem:s2+$0xC070];
	v30 =	vmul.f32 v6, v3;
	[tilespmem:s2+$0xC000] =	vst v4  }
0x16d: {  	v33 =	vld [tilespmem:s2+$0xC400];
	v32 =	vmul.f32 v7, v3;
	[tilespmem:s2+$0xC010] =	vst v5  }
0x16e: {  	v35 =	vld [tilespmem:s2+$0xC410];
	v34 =	vmul.f32 v8, v3;
	[tilespmem:s2+$0xC020] =	vst v30  }
0x16f: {  	v37 =	vld [tilespmem:s2+$0xC420];
	v36 =	vmul.f32 v9, v3;
	[tilespmem:s2+$0xC030] =	vst v32  }
0x170: {  	v39 =	vld [tilespmem:s2+$0xC430];
	v38 =	vmul.f32 v10, v3;
	[tilespmem:s2+$0xC040] =	vst v34  }
0x171: {  	v41 =	vld [tilespmem:s2+$0xC440];
	v40 =	vmul.f32 v31, v3;
	[tilespmem:s2+$0xC050] =	vst v36  }
0x172: {  	v43 =	vld [tilespmem:s2+$0xC450];
	v42 =	vmul.f32 v33, v3;
	[tilespmem:s2+$0xC060] =	vst v38  }
0x173: {  	v45 =	vld [tilespmem:s2+$0xC460];
	v44 =	vmul.f32 v35, v3;
	[tilespmem:s2+$0xC070] =	vst v40  }
0x174: {  	v47 =	vld [tilespmem:s2+$0xC470];
	v46 =	vmul.f32 v37, v3;
	[tilespmem:s2+$0xC400] =	vst v42  }
0x175: {  	v49 =	vld [tilespmem:s2+$0xC800];
	v48 =	vmul.f32 v39, v3;
	[tilespmem:s2+$0xC410] =	vst v44  }
0x176: {  	v51 =	vld [tilespmem:s2+$0xC810];
	v50 =	vmul.f32 v41, v3;
	[tilespmem:s2+$0xC420] =	vst v46  }
0x177: {  	v53 =	vld [tilespmem:s2+$0xC820];
	v52 =	vmul.f32 v43, v3;
	[tilespmem:s2+$0xC430] =	vst v48  }
0x178: {  	v55 =	vld [tilespmem:s2+$0xC830];
	v54 =	vmul.f32 v45, v3;
	[tilespmem:s2+$0xC440] =	vst v50  }
0x179: {  	v57 =	vld [tilespmem:s2+$0xC840];
	v56 =	vmul.f32 v47, v3;
	[tilespmem:s2+$0xC450] =	vst v52  }
0x17a: {  	v59 =	vld [tilespmem:s2+$0xC850];
	v58 =	vmul.f32 v49, v3;
	[tilespmem:s2+$0xC460] =	vst v54  }
0x17b: {  	v61 =	vld [tilespmem:s2+$0xC860];
	v60 =	vmul.f32 v51, v3;
	[tilespmem:s2+$0xC470] =	vst v56  }
0x17c: {  	v63 =	vld [tilespmem:s2+$0xC870];
	v62 =	vmul.f32 v53, v3;
	[tilespmem:s2+$0xC800] =	vst v58  }
0x17d: {  	v13 =	vld [tilespmem:s2+$0xCC00];
	v12 =	vmul.f32 v55, v3;
	[tilespmem:s2+$0xC810] =	vst v60  }
0x17e: {  	v15 =	vld [tilespmem:s2+$0xCC10];
	v14 =	vmul.f32 v57, v3;
	[tilespmem:s2+$0xC820] =	vst v62  }
0x17f: {  	v17 =	vld [tilespmem:s2+$0xCC20];
	v16 =	vmul.f32 v59, v3;
	[tilespmem:s2+$0xC830] =	vst v12  }
0x180: {  	v19 =	vld [tilespmem:s2+$0xCC30];
	v18 =	vmul.f32 v61, v3;
	[tilespmem:s2+$0xC840] =	vst v14  }
0x181: {  	v21 =	vld [tilespmem:s2+$0xCC40];
	v20 =	vmul.f32 v63, v3;
	[tilespmem:s2+$0xC850] =	vst v16  }
0x182: {  	v23 =	vld [tilespmem:s2+$0xCC50];
	v22 =	vmul.f32 v13, v3;
	[tilespmem:s2+$0xC860] =	vst v18  }
0x183: {  	v25 =	vld [tilespmem:s2+$0xCC60];
	v24 =	vmul.f32 v15, v3;
	[tilespmem:s2+$0xC870] =	vst v20  }
0x184: {  	v27 =	vld [tilespmem:s2+$0xCC70];
	v26 =	vmul.f32 v17, v3;
	[tilespmem:s2+$0xCC00] =	vst v22  }
0x185: {  	v29 =	vld [tilespmem:s2+$0xD000];
	v28 =	vmul.f32 v19, v3;
	[tilespmem:s2+$0xCC10] =	vst v24  }
0x186: {  	v31 =	vld [tilespmem:s2+$0xD010];
	[tilespmem:s2+$0xCC20] =	vst v26;
	v30 =	vmul.f32 v21, v3  }
0x187: {  	v33 =	vld [tilespmem:s2+$0xD020];
	[tilespmem:s2+$0xCC30] =	vst v28;
	v32 =	vmul.f32 v23, v3  }
0x188: {  	v35 =	vld [tilespmem:s2+$0xD030];
	v34 =	vmul.f32 v25, v3;
	[tilespmem:s2+$0xCC40] =	vst v30  }
0x189: {  	v37 =	vld [tilespmem:s2+$0xD040];
	v36 =	vmul.f32 v27, v3;
	[tilespmem:s2+$0xCC50] =	vst v32  }
0x18a: {  	v39 =	vld [tilespmem:s2+$0xD050];
	v38 =	vmul.f32 v29, v3;
	[tilespmem:s2+$0xCC60] =	vst v34  }
0x18b: {  	v41 =	vld [tilespmem:s2+$0xD060];
	[tilespmem:s2+$0xCC70] =	vst v36;
	v40 =	vmul.f32 v31, v3  }
0x18c: {  	v43 =	vld [tilespmem:s2+$0xD070];
	[tilespmem:s2+$0xD000] =	vst v38;
	v42 =	vmul.f32 v33, v3  }
0x18d: {  	v45 =	vld [tilespmem:s2+$0xD400];
	v44 =	vmul.f32 v35, v3;
	[tilespmem:s2+$0xD010] =	vst v40  }
0x18e: {  	v47 =	vld [tilespmem:s2+$0xD410];
	v46 =	vmul.f32 v37, v3;
	[tilespmem:s2+$0xD020] =	vst v42  }
0x18f: {  	v49 =	vld [tilespmem:s2+$0xD420];
	v48 =	vmul.f32 v39, v3;
	[tilespmem:s2+$0xD030] =	vst v44  }
0x190: {  	v51 =	vld [tilespmem:s2+$0xD430];
	v50 =	vmul.f32 v41, v3;
	[tilespmem:s2+$0xD040] =	vst v46  }
0x191: {  	v53 =	vld [tilespmem:s2+$0xD440];
	v52 =	vmul.f32 v43, v3;
	[tilespmem:s2+$0xD050] =	vst v48  }
0x192: {  	v55 =	vld [tilespmem:s2+$0xD450];
	v54 =	vmul.f32 v45, v3;
	[tilespmem:s2+$0xD060] =	vst v50  }
0x193: {  	v57 =	vld [tilespmem:s2+$0xD460];
	v56 =	vmul.f32 v47, v3;
	[tilespmem:s2+$0xD070] =	vst v52  }
0x194: {  	v59 =	vld [tilespmem:s2+$0xD470];
	v58 =	vmul.f32 v49, v3;
	[tilespmem:s2+$0xD400] =	vst v54  }
0x195: {  	v60 =	vmul.f32 v51, v3;
	[tilespmem:s2+$0xD410] =	vst v56  }
0x196: {  	p0 =	sne.s32 s16, $0x3F;
	v61 =	vmul.f32 v53, v3;
	[tilespmem:s2+$0xD420] =	vst v58  }
.Ltmp1:
0x197: {  	v62 =	vmul.f32 v55, v3;
	[tilespmem:s2+$0xD430] =	vst v60;
	(pc) =	sbr.rel @p0 .LBB2_4-.Ltmp1, $4  }
0x198: {  	v63 =	vmul.f32 v57, v3;
	[tilespmem:s2+$0xD440] =	vst v61  }
0x199: {  	v3 =	vmul.f32 v59, v3;
	[tilespmem:s2+$0xD450] =	vst v62  }
0x19a: {  	[tilespmem:s2+$0xD460] =	vst v63  }
0x19b: {  	s0 =	sadd.s32 $0x80, s0;
	s16 =	sadd.s32 $0x1, s16;
	[tilespmem:s2+$0xD470] =	vst v3  }
0x19c: {  	s0 =	simm.s32 $0x0;
	s2 =	rddreg [dreg:$0xa]  }
0x19d: {  	[hbm4b:s2+s0] =	stream.linear.scatter [tilespmem:s29], [sflag:$0x4], $0xC000, $0x38;
	[tilespmem:$0x18200] =	vst v63  }
0x19e: {  	_ =	swait.ge [sflag:s31], $0xC000  }
0x19f: {  	[sflag:s31] =	ssyncset.done $0x0  }
0x1a0: {  	s16 =	simm.s32 $0x18080;
	s17 =	rddreg [dreg:$0xb];
	[sflag:s31] =	ssyncadd.s32 $0xFFFF4000  }
0x1a1: {  	[tilespmem:s16], [sflag:$0x5] =	stream.linear.gather [hbm4b:s17+s0], $0x40, $0x38;
	[tilespmem:$0x18200] =	vst v63  }
0x1a2: {  	_ =	swait.ge [sflag:s20], $0x40  }
0x1a3: {  	[sflag:s20] =	ssyncset.done $0x0  }
0x1a4: {  	s16 =	rddreg [dreg:$0xc];
	[sflag:s20] =	ssyncadd.s32 $0xFFFFFFC0  }
0x1a5: {  	[tilespmem:s28], [sflag:$0x5] =	stream.linear.gather [hbm4b:s16+s0], $0x40, $0x38;
	[tilespmem:$0x18200] =	vst v63  }
0x1a6: {  	_ =	swait.ge [sflag:s20], $0x40  }
0x1a7: {  	[sflag:s20] =	ssyncset.done $0x0  }
0x1a8: {  	[sflag:s20] =	ssyncadd.s32 $0xFFFFFFC0  }
0x1a9: {  	v3 =	vld [tilespmem:$0x18080];
	_ =	sdelay $0x4  }
0x1aa: {  	v4 =	vshrl.u32 v3, $0x3  }
0x1ab: {  	v4 =	vmul.u32 $0x30, v4  }
0x1ac: {  	v3 =	vand.u32 $0x7, v3  }
0x1ad: {  	v3 =	vor.u32 v3, v4  }
0x1ae: {  	v4 =	vperm.xlane v3, v0;
	_ =	sdelay $0x1  }
0x1af: {  	v4 =	vadd.s32 v1, v4;
	_ =	sdelay $0x3  }
0x1b0: {  	v3 =	vperm.xlane v3, v2  }
0x1b1: {  	[tilespmem:s29], [sflag:$0x2] =	stream.indirect_vreg.gather [hbm4b:s3+s0], $0x80, v4, vm0, $0xb8;
	[tilespmem:$0x18200] =	vst v63  }
0x1b2: {  	s17 =	simm.s32 $0xC800;
	v3 =	vadd.s32 v1, v3  }
0x1b3: {  	[tilespmem:s17], [sflag:$0x2] =	stream.indirect_vreg.gather [hbm4b:s6+s0], $0x80, v4, vm0, $0xb8;
	[tilespmem:$0x18200] =	vst v63  }
0x1b4: {  	s16 =	simm.s32 $0xD000  }
0x1b5: {  	[tilespmem:s16], [sflag:$0x2] =	stream.indirect_vreg.gather [hbm4b:s7+s0], $0x80, v4, vm0, $0xb8;
	[tilespmem:$0x18200] =	vst v63  }
0x1b6: {  	s17 =	simm.s32 $0xD800  }
0x1b7: {  	[tilespmem:s17], [sflag:$0x2] =	stream.indirect_vreg.gather [hbm4b:s3+s0], $0x80, v3, vm0, $0xb8;
	[tilespmem:$0x18200] =	vst v63  }
0x1b8: {  	s16 =	simm.s32 $0xE000  }
0x1b9: {  	[tilespmem:s16], [sflag:$0x2] =	stream.indirect_vreg.gather [hbm4b:s6+s0], $0x80, v3, vm0, $0xb8;
	[tilespmem:$0x18200] =	vst v63  }
0x1ba: {  	s17 =	simm.s32 $0xE800  }
0x1bb: {  	[tilespmem:s17], [sflag:$0x2] =	stream.indirect_vreg.gather [hbm4b:s7+s0], $0x80, v3, vm0, $0xb8;
	[tilespmem:$0x18200] =	vst v63  }
0x1bc: {  	v3 =	vld [tilespmem:$0x18090];
	_ =	sdelay $0x4  }
0x1bd: {  	v61 =	vshrl.u32 v3, $0x3  }
0x1be: {  	v4 =	vmul.u32 $0x30, v61  }
0x1bf: {  	v3 =	vand.u32 $0x7, v3  }
0x1c0: {  	v3 =	vor.u32 v3, v4  }
0x1c1: {  	v4 =	vperm.xlane v3, v0;
	_ =	sdelay $0x1  }
0x1c2: {  	v4 =	vadd.s32 v1, v4;
	_ =	sdelay $0x3  }
0x1c3: {  	s16 =	simm.s32 $0xF000;
	v3 =	vperm.xlane v3, v2  }
0x1c4: {  	[tilespmem:s16], [sflag:$0x2] =	stream.indirect_vreg.gather [hbm4b:s3+s0], $0x80, v4, vm0, $0xb8;
	[tilespmem:$0x18200] =	vst v63  }
0x1c5: {  	s17 =	simm.s32 $0xF800;
	v3 =	vadd.s32 v1, v3  }
0x1c6: {  	[tilespmem:s17], [sflag:$0x2] =	stream.indirect_vreg.gather [hbm4b:s6+s0], $0x80, v4, vm0, $0xb8;
	[tilespmem:$0x18200] =	vst v63  }
0x1c7: {  	s16 =	simm.s32 $0x10000  }
0x1c8: {  	[tilespmem:s16], [sflag:$0x2] =	stream.indirect_vreg.gather [hbm4b:s7+s0], $0x80, v4, vm0, $0xb8;
	[tilespmem:$0x18200] =	vst v63  }
0x1c9: {  	s17 =	simm.s32 $0x10800  }
0x1ca: {  	[tilespmem:s17], [sflag:$0x2] =	stream.indirect_vreg.gather [hbm4b:s3+s0], $0x80, v3, vm0, $0xb8;
	[tilespmem:$0x18200] =	vst v63  }
0x1cb: {  	_ = 	snop  }
0x1cc: {  	[tilespmem:s4], [sflag:$0x2] =	stream.indirect_vreg.gather [hbm4b:s6+s0], $0x80, v3, vm0, $0xb8;
	[tilespmem:$0x18200] =	vst v63  }
0x1cd: {  	_ = 	snop  }
0x1ce: {  	[tilespmem:s18], [sflag:$0x2] =	stream.indirect_vreg.gather [hbm4b:s7+s0], $0x80, v3, vm0, $0xb8;
	[tilespmem:$0x18200] =	vst v63  }
0x1cf: {  	v3 =	vld [tilespmem:$0x180A0];
	_ =	sdelay $0x4  }
0x1d0: {  	v62 =	vshrl.u32 v3, $0x3  }
0x1d1: {  	v4 =	vmul.u32 $0x30, v62  }
0x1d2: {  	v3 =	vand.u32 $0x7, v3  }
0x1d3: {  	v3 =	vor.u32 v3, v4  }
0x1d4: {  	v4 =	vperm.xlane v3, v0;
	_ =	sdelay $0x1  }
0x1d5: {  	v4 =	vadd.s32 v1, v4;
	_ =	sdelay $0x3  }
0x1d6: {  	v3 =	vperm.xlane v3, v2  }
0x1d7: {  	[tilespmem:s5], [sflag:$0x2] =	stream.indirect_vreg.gather [hbm4b:s3+s0], $0x80, v4, vm0, $0xb8;
	[tilespmem:$0x18200] =	vst v63  }
0x1d8: {  	v3 =	vadd.s32 v1, v3  }
0x1d9: {  	[tilespmem:s8], [sflag:$0x2] =	stream.indirect_vreg.gather [hbm4b:s6+s0], $0x80, v4, vm0, $0xb8;
	[tilespmem:$0x18200] =	vst v63  }
0x1da: {  	_ = 	snop  }
0x1db: {  	[tilespmem:s19], [sflag:$0x2] =	stream.indirect_vreg.gather [hbm4b:s7+s0], $0x80, v4, vm0, $0xb8;
	[tilespmem:$0x18200] =	vst v63  }
0x1dc: {  	_ = 	snop  }
0x1dd: {  	[tilespmem:s9], [sflag:$0x2] =	stream.indirect_vreg.gather [hbm4b:s3+s0], $0x80, v3, vm0, $0xb8;
	[tilespmem:$0x18200] =	vst v63  }
0x1de: {  	_ = 	snop  }
0x1df: {  	[tilespmem:s22], [sflag:$0x2] =	stream.indirect_vreg.gather [hbm4b:s6+s0], $0x80, v3, vm0, $0xb8;
	[tilespmem:$0x18200] =	vst v63  }
0x1e0: {  	_ = 	snop  }
0x1e1: {  	[tilespmem:s10], [sflag:$0x2] =	stream.indirect_vreg.gather [hbm4b:s7+s0], $0x80, v3, vm0, $0xb8;
	[tilespmem:$0x18200] =	vst v63  }
0x1e2: {  	v3 =	vld [tilespmem:$0x180B0];
	_ =	sdelay $0x4  }
0x1e3: {  	v63 =	vshrl.u32 v3, $0x3  }
0x1e4: {  	v4 =	vmul.u32 $0x30, v63  }
0x1e5: {  	v3 =	vand.u32 $0x7, v3  }
0x1e6: {  	v3 =	vor.u32 v3, v4  }
0x1e7: {  	v4 =	vperm.xlane v3, v0;
	_ =	sdelay $0x1  }
0x1e8: {  	v4 =	vadd.s32 v1, v4;
	_ =	sdelay $0x3  }
0x1e9: {  	v3 =	vperm.xlane v3, v2  }
0x1ea: {  	[tilespmem:s23], [sflag:$0x2] =	stream.indirect_vreg.gather [hbm4b:s3+s0], $0x80, v4, vm0, $0xb8;
	[tilespmem:$0x18200] =	vst v63  }
0x1eb: {  	v3 =	vadd.s32 v1, v3  }
0x1ec: {  	[tilespmem:s24], [sflag:$0x2] =	stream.indirect_vreg.gather [hbm4b:s6+s0], $0x80, v4, vm0, $0xb8;
	[tilespmem:$0x18200] =	vst v63  }
0x1ed: {  	_ = 	snop  }
0x1ee: {  	[tilespmem:s25], [sflag:$0x2] =	stream.indirect_vreg.gather [hbm4b:s7+s0], $0x80, v4, vm0, $0xb8;
	[tilespmem:$0x18200] =	vst v63  }
0x1ef: {  	_ = 	snop  }
0x1f0: {  	[tilespmem:s11], [sflag:$0x2] =	stream.indirect_vreg.gather [hbm4b:s3+s0], $0x80, v3, vm0, $0xb8;
	[tilespmem:$0x18200] =	vst v63  }
0x1f1: {  	_ = 	snop  }
0x1f2: {  	[tilespmem:s26], [sflag:$0x2] =	stream.indirect_vreg.gather [hbm4b:s6+s0], $0x80, v3, vm0, $0xb8;
	[tilespmem:$0x18200] =	vst v63  }
0x1f3: {  	_ = 	snop  }
0x1f4: {  	[tilespmem:s12], [sflag:$0x2] =	stream.indirect_vreg.gather [hbm4b:s7+s0], $0x80, v3, vm0, $0xb8;
	[tilespmem:$0x18200] =	vst v63  }
0x1f5: {  	_ =	swait.ge [sflag:s13], $0xC000  }
0x1f6: {  	[sflag:s13] =	ssyncset.done $0x0  }
0x1f7: {  	s16 =	simm.s32 $0x0;
	[sflag:s13] =	ssyncadd.s32 $0xFFFF4000  }
.LBB2_6:
0x1f8: {  	v3 =	vmov s16  }
0x1f9: {  	s2 =	sshrl.u32 s16, $0x3  }
0x1fa: {  	s2 =	smul.u32 $0x6000, s2;
	_ =	sdelay $0x1  }
0x1fb: {  	s17 =	sand.u32 $0x380, s0;
	s2 =	sshra.s32 s2, $0x2  }
0x1fc: {  	s2 =	sor.u32 s17, s2;
	v3 =	vld.idx.msk [tilespmem:v3+s21+$0x0], $0xffff  }
0x1fd: {  	v4 =	vld [tilespmem:s2+$0x0]  }
0x1fe: {  	v5 =	vld [tilespmem:s2+$0x10]  }
0x1ff: {  	v6 =	vld [tilespmem:s2+$0x20]  }
0x200: {  	v7 =	vld [tilespmem:s2+$0x30]  }
0x201: {  	v8 =	vld [tilespmem:s2+$0x40]  }
0x202: {  	v9 =	vld [tilespmem:s2+$0x50];
	v4 =	vmul.f32 v4, v3  }
0x203: {  	v10 =	vld [tilespmem:s2+$0x60];
	v5 =	vmul.f32 v5, v3  }
0x204: {  	v31 =	vld [tilespmem:s2+$0x70];
	v30 =	vmul.f32 v6, v3;
	[tilespmem:s2+$0x0] =	vst v4  }
0x205: {  	v33 =	vld [tilespmem:s2+$0x400];
	v32 =	vmul.f32 v7, v3;
	[tilespmem:s2+$0x10] =	vst v5  }
0x206: {  	v35 =	vld [tilespmem:s2+$0x410];
	v34 =	vmul.f32 v8, v3;
	[tilespmem:s2+$0x20] =	vst v30  }
0x207: {  	v37 =	vld [tilespmem:s2+$0x420];
	v36 =	vmul.f32 v9, v3;
	[tilespmem:s2+$0x30] =	vst v32  }
0x208: {  	v39 =	vld [tilespmem:s2+$0x430];
	v38 =	vmul.f32 v10, v3;
	[tilespmem:s2+$0x40] =	vst v34  }
0x209: {  	v41 =	vld [tilespmem:s2+$0x440];
	v40 =	vmul.f32 v31, v3;
	[tilespmem:s2+$0x50] =	vst v36  }
0x20a: {  	v43 =	vld [tilespmem:s2+$0x450];
	v42 =	vmul.f32 v33, v3;
	[tilespmem:s2+$0x60] =	vst v38  }
0x20b: {  	v45 =	vld [tilespmem:s2+$0x460];
	v44 =	vmul.f32 v35, v3;
	[tilespmem:s2+$0x70] =	vst v40  }
0x20c: {  	v47 =	vld [tilespmem:s2+$0x470];
	v46 =	vmul.f32 v37, v3;
	[tilespmem:s2+$0x400] =	vst v42  }
0x20d: {  	v49 =	vld [tilespmem:s2+$0x800];
	v48 =	vmul.f32 v39, v3;
	[tilespmem:s2+$0x410] =	vst v44  }
0x20e: {  	v51 =	vld [tilespmem:s2+$0x810];
	v50 =	vmul.f32 v41, v3;
	[tilespmem:s2+$0x420] =	vst v46  }
0x20f: {  	v53 =	vld [tilespmem:s2+$0x820];
	v52 =	vmul.f32 v43, v3;
	[tilespmem:s2+$0x430] =	vst v48  }
0x210: {  	v55 =	vld [tilespmem:s2+$0x830];
	v54 =	vmul.f32 v45, v3;
	[tilespmem:s2+$0x440] =	vst v50  }
0x211: {  	v57 =	vld [tilespmem:s2+$0x840];
	v56 =	vmul.f32 v47, v3;
	[tilespmem:s2+$0x450] =	vst v52  }
0x212: {  	v59 =	vld [tilespmem:s2+$0x850];
	v58 =	vmul.f32 v49, v3;
	[tilespmem:s2+$0x460] =	vst v54  }
0x213: {  	v61 =	vld [tilespmem:s2+$0x860];
	v60 =	vmul.f32 v51, v3;
	[tilespmem:s2+$0x470] =	vst v56  }
0x214: {  	v63 =	vld [tilespmem:s2+$0x870];
	v62 =	vmul.f32 v53, v3;
	[tilespmem:s2+$0x800] =	vst v58  }
0x215: {  	v13 =	vld [tilespmem:s2+$0xC00];
	v12 =	vmul.f32 v55, v3;
	[tilespmem:s2+$0x810] =	vst v60  }
0x216: {  	v15 =	vld [tilespmem:s2+$0xC10];
	v14 =	vmul.f32 v57, v3;
	[tilespmem:s2+$0x820] =	vst v62  }
0x217: {  	v17 =	vld [tilespmem:s2+$0xC20];
	v16 =	vmul.f32 v59, v3;
	[tilespmem:s2+$0x830] =	vst v12  }
0x218: {  	v19 =	vld [tilespmem:s2+$0xC30];
	v18 =	vmul.f32 v61, v3;
	[tilespmem:s2+$0x840] =	vst v14  }
0x219: {  	v21 =	vld [tilespmem:s2+$0xC40];
	v20 =	vmul.f32 v63, v3;
	[tilespmem:s2+$0x850] =	vst v16  }
0x21a: {  	v23 =	vld [tilespmem:s2+$0xC50];
	v22 =	vmul.f32 v13, v3;
	[tilespmem:s2+$0x860] =	vst v18  }
0x21b: {  	v25 =	vld [tilespmem:s2+$0xC60];
	v24 =	vmul.f32 v15, v3;
	[tilespmem:s2+$0x870] =	vst v20  }
0x21c: {  	v27 =	vld [tilespmem:s2+$0xC70];
	v26 =	vmul.f32 v17, v3;
	[tilespmem:s2+$0xC00] =	vst v22  }
0x21d: {  	v29 =	vld [tilespmem:s2+$0x1000];
	v28 =	vmul.f32 v19, v3;
	[tilespmem:s2+$0xC10] =	vst v24  }
0x21e: {  	v31 =	vld [tilespmem:s2+$0x1010];
	[tilespmem:s2+$0xC20] =	vst v26;
	v30 =	vmul.f32 v21, v3  }
0x21f: {  	v33 =	vld [tilespmem:s2+$0x1020];
	[tilespmem:s2+$0xC30] =	vst v28;
	v32 =	vmul.f32 v23, v3  }
0x220: {  	v35 =	vld [tilespmem:s2+$0x1030];
	v34 =	vmul.f32 v25, v3;
	[tilespmem:s2+$0xC40] =	vst v30  }
0x221: {  	v37 =	vld [tilespmem:s2+$0x1040];
	v36 =	vmul.f32 v27, v3;
	[tilespmem:s2+$0xC50] =	vst v32  }
0x222: {  	v39 =	vld [tilespmem:s2+$0x1050];
	v38 =	vmul.f32 v29, v3;
	[tilespmem:s2+$0xC60] =	vst v34  }
0x223: {  	v41 =	vld [tilespmem:s2+$0x1060];
	[tilespmem:s2+$0xC70] =	vst v36;
	v40 =	vmul.f32 v31, v3  }
0x224: {  	v43 =	vld [tilespmem:s2+$0x1070];
	[tilespmem:s2+$0x1000] =	vst v38;
	v42 =	vmul.f32 v33, v3  }
0x225: {  	v45 =	vld [tilespmem:s2+$0x1400];
	v44 =	vmul.f32 v35, v3;
	[tilespmem:s2+$0x1010] =	vst v40  }
0x226: {  	v47 =	vld [tilespmem:s2+$0x1410];
	v46 =	vmul.f32 v37, v3;
	[tilespmem:s2+$0x1020] =	vst v42  }
0x227: {  	v49 =	vld [tilespmem:s2+$0x1420];
	v48 =	vmul.f32 v39, v3;
	[tilespmem:s2+$0x1030] =	vst v44  }
0x228: {  	v51 =	vld [tilespmem:s2+$0x1430];
	v50 =	vmul.f32 v41, v3;
	[tilespmem:s2+$0x1040] =	vst v46  }
0x229: {  	v53 =	vld [tilespmem:s2+$0x1440];
	v52 =	vmul.f32 v43, v3;
	[tilespmem:s2+$0x1050] =	vst v48  }
0x22a: {  	v55 =	vld [tilespmem:s2+$0x1450];
	v54 =	vmul.f32 v45, v3;
	[tilespmem:s2+$0x1060] =	vst v50  }
0x22b: {  	v57 =	vld [tilespmem:s2+$0x1460];
	v56 =	vmul.f32 v47, v3;
	[tilespmem:s2+$0x1070] =	vst v52  }
0x22c: {  	v59 =	vld [tilespmem:s2+$0x1470];
	v58 =	vmul.f32 v49, v3;
	[tilespmem:s2+$0x1400] =	vst v54  }
0x22d: {  	v60 =	vmul.f32 v51, v3;
	[tilespmem:s2+$0x1410] =	vst v56  }
0x22e: {  	p0 =	sne.s32 s16, $0x3F;
	v61 =	vmul.f32 v53, v3;
	[tilespmem:s2+$0x1420] =	vst v58  }
.Ltmp2:
0x22f: {  	v62 =	vmul.f32 v55, v3;
	[tilespmem:s2+$0x1430] =	vst v60;
	(pc) =	sbr.rel @p0 .LBB2_6-.Ltmp2, $4  }
0x230: {  	v63 =	vmul.f32 v57, v3;
	[tilespmem:s2+$0x1440] =	vst v61  }
0x231: {  	v3 =	vmul.f32 v59, v3;
	[tilespmem:s2+$0x1450] =	vst v62  }
0x232: {  	[tilespmem:s2+$0x1460] =	vst v63  }
0x233: {  	s0 =	sadd.s32 $0x80, s0;
	s16 =	sadd.s32 $0x1, s16;
	[tilespmem:s2+$0x1470] =	vst v3  }
0x234: {  	s0 =	simm.s32 $0x0;
	s2 =	rddreg [dreg:$0xd]  }
0x235: {  	[hbm4b:s2+s0] =	stream.linear.scatter [tilespmem:s0], [sflag:$0x3], $0xC000, $0x38;
	[tilespmem:$0x18200] =	vst v63  }
0x236: {  	_ =	swait.ge [sflag:s14], $0xC000  }
0x237: {  	[sflag:s14] =	ssyncset.done $0x0  }
0x238: {  	s16 =	simm.s32 $0x0;
	[sflag:s14] =	ssyncadd.s32 $0xFFFF4000  }
.LBB2_8:
0x239: {  	v3 =	vmov s16  }
0x23a: {  	s2 =	sshrl.u32 s16, $0x3  }
0x23b: {  	s2 =	smul.u32 $0x6000, s2;
	_ =	sdelay $0x1  }
0x23c: {  	s17 =	sand.u32 $0x380, s0;
	s2 =	sshra.s32 s2, $0x2  }
0x23d: {  	s2 =	sor.u32 s17, s2;
	v3 =	vld.idx.msk [tilespmem:v3+s28+$0x0], $0xffff  }
0x23e: {  	v4 =	vld [tilespmem:s2+$0xC000]  }
0x23f: {  	v5 =	vld [tilespmem:s2+$0xC010]  }
0x240: {  	v6 =	vld [tilespmem:s2+$0xC020]  }
0x241: {  	v7 =	vld [tilespmem:s2+$0xC030]  }
0x242: {  	v8 =	vld [tilespmem:s2+$0xC040]  }
0x243: {  	v9 =	vld [tilespmem:s2+$0xC050];
	v4 =	vmul.f32 v4, v3  }
0x244: {  	v10 =	vld [tilespmem:s2+$0xC060];
	v5 =	vmul.f32 v5, v3  }
0x245: {  	v31 =	vld [tilespmem:s2+$0xC070];
	v30 =	vmul.f32 v6, v3;
	[tilespmem:s2+$0xC000] =	vst v4  }
0x246: {  	v33 =	vld [tilespmem:s2+$0xC400];
	v32 =	vmul.f32 v7, v3;
	[tilespmem:s2+$0xC010] =	vst v5  }
0x247: {  	v35 =	vld [tilespmem:s2+$0xC410];
	v34 =	vmul.f32 v8, v3;
	[tilespmem:s2+$0xC020] =	vst v30  }
0x248: {  	v37 =	vld [tilespmem:s2+$0xC420];
	v36 =	vmul.f32 v9, v3;
	[tilespmem:s2+$0xC030] =	vst v32  }
0x249: {  	v39 =	vld [tilespmem:s2+$0xC430];
	v38 =	vmul.f32 v10, v3;
	[tilespmem:s2+$0xC040] =	vst v34  }
0x24a: {  	v41 =	vld [tilespmem:s2+$0xC440];
	v40 =	vmul.f32 v31, v3;
	[tilespmem:s2+$0xC050] =	vst v36  }
0x24b: {  	v43 =	vld [tilespmem:s2+$0xC450];
	v42 =	vmul.f32 v33, v3;
	[tilespmem:s2+$0xC060] =	vst v38  }
0x24c: {  	v45 =	vld [tilespmem:s2+$0xC460];
	v44 =	vmul.f32 v35, v3;
	[tilespmem:s2+$0xC070] =	vst v40  }
0x24d: {  	v47 =	vld [tilespmem:s2+$0xC470];
	v46 =	vmul.f32 v37, v3;
	[tilespmem:s2+$0xC400] =	vst v42  }
0x24e: {  	v49 =	vld [tilespmem:s2+$0xC800];
	v48 =	vmul.f32 v39, v3;
	[tilespmem:s2+$0xC410] =	vst v44  }
0x24f: {  	v51 =	vld [tilespmem:s2+$0xC810];
	v50 =	vmul.f32 v41, v3;
	[tilespmem:s2+$0xC420] =	vst v46  }
0x250: {  	v53 =	vld [tilespmem:s2+$0xC820];
	v52 =	vmul.f32 v43, v3;
	[tilespmem:s2+$0xC430] =	vst v48  }
0x251: {  	v55 =	vld [tilespmem:s2+$0xC830];
	v54 =	vmul.f32 v45, v3;
	[tilespmem:s2+$0xC440] =	vst v50  }
0x252: {  	v57 =	vld [tilespmem:s2+$0xC840];
	v56 =	vmul.f32 v47, v3;
	[tilespmem:s2+$0xC450] =	vst v52  }
0x253: {  	v59 =	vld [tilespmem:s2+$0xC850];
	v58 =	vmul.f32 v49, v3;
	[tilespmem:s2+$0xC460] =	vst v54  }
0x254: {  	v61 =	vld [tilespmem:s2+$0xC860];
	v60 =	vmul.f32 v51, v3;
	[tilespmem:s2+$0xC470] =	vst v56  }
0x255: {  	v63 =	vld [tilespmem:s2+$0xC870];
	v62 =	vmul.f32 v53, v3;
	[tilespmem:s2+$0xC800] =	vst v58  }
0x256: {  	v13 =	vld [tilespmem:s2+$0xCC00];
	v12 =	vmul.f32 v55, v3;
	[tilespmem:s2+$0xC810] =	vst v60  }
0x257: {  	v15 =	vld [tilespmem:s2+$0xCC10];
	v14 =	vmul.f32 v57, v3;
	[tilespmem:s2+$0xC820] =	vst v62  }
0x258: {  	v17 =	vld [tilespmem:s2+$0xCC20];
	v16 =	vmul.f32 v59, v3;
	[tilespmem:s2+$0xC830] =	vst v12  }
0x259: {  	v19 =	vld [tilespmem:s2+$0xCC30];
	v18 =	vmul.f32 v61, v3;
	[tilespmem:s2+$0xC840] =	vst v14  }
0x25a: {  	v21 =	vld [tilespmem:s2+$0xCC40];
	v20 =	vmul.f32 v63, v3;
	[tilespmem:s2+$0xC850] =	vst v16  }
0x25b: {  	v23 =	vld [tilespmem:s2+$0xCC50];
	v22 =	vmul.f32 v13, v3;
	[tilespmem:s2+$0xC860] =	vst v18  }
0x25c: {  	v25 =	vld [tilespmem:s2+$0xCC60];
	v24 =	vmul.f32 v15, v3;
	[tilespmem:s2+$0xC870] =	vst v20  }
0x25d: {  	v27 =	vld [tilespmem:s2+$0xCC70];
	v26 =	vmul.f32 v17, v3;
	[tilespmem:s2+$0xCC00] =	vst v22  }
0x25e: {  	v29 =	vld [tilespmem:s2+$0xD000];
	v28 =	vmul.f32 v19, v3;
	[tilespmem:s2+$0xCC10] =	vst v24  }
0x25f: {  	v31 =	vld [tilespmem:s2+$0xD010];
	[tilespmem:s2+$0xCC20] =	vst v26;
	v30 =	vmul.f32 v21, v3  }
0x260: {  	v33 =	vld [tilespmem:s2+$0xD020];
	[tilespmem:s2+$0xCC30] =	vst v28;
	v32 =	vmul.f32 v23, v3  }
0x261: {  	v35 =	vld [tilespmem:s2+$0xD030];
	v34 =	vmul.f32 v25, v3;
	[tilespmem:s2+$0xCC40] =	vst v30  }
0x262: {  	v37 =	vld [tilespmem:s2+$0xD040];
	v36 =	vmul.f32 v27, v3;
	[tilespmem:s2+$0xCC50] =	vst v32  }
0x263: {  	v39 =	vld [tilespmem:s2+$0xD050];
	v38 =	vmul.f32 v29, v3;
	[tilespmem:s2+$0xCC60] =	vst v34  }
0x264: {  	v41 =	vld [tilespmem:s2+$0xD060];
	[tilespmem:s2+$0xCC70] =	vst v36;
	v40 =	vmul.f32 v31, v3  }
0x265: {  	v43 =	vld [tilespmem:s2+$0xD070];
	[tilespmem:s2+$0xD000] =	vst v38;
	v42 =	vmul.f32 v33, v3  }
0x266: {  	v45 =	vld [tilespmem:s2+$0xD400];
	v44 =	vmul.f32 v35, v3;
	[tilespmem:s2+$0xD010] =	vst v40  }
0x267: {  	v47 =	vld [tilespmem:s2+$0xD410];
	v46 =	vmul.f32 v37, v3;
	[tilespmem:s2+$0xD020] =	vst v42  }
0x268: {  	v49 =	vld [tilespmem:s2+$0xD420];
	v48 =	vmul.f32 v39, v3;
	[tilespmem:s2+$0xD030] =	vst v44  }
0x269: {  	v51 =	vld [tilespmem:s2+$0xD430];
	v50 =	vmul.f32 v41, v3;
	[tilespmem:s2+$0xD040] =	vst v46  }
0x26a: {  	v53 =	vld [tilespmem:s2+$0xD440];
	v52 =	vmul.f32 v43, v3;
	[tilespmem:s2+$0xD050] =	vst v48  }
0x26b: {  	v55 =	vld [tilespmem:s2+$0xD450];
	v54 =	vmul.f32 v45, v3;
	[tilespmem:s2+$0xD060] =	vst v50  }
0x26c: {  	v57 =	vld [tilespmem:s2+$0xD460];
	v56 =	vmul.f32 v47, v3;
	[tilespmem:s2+$0xD070] =	vst v52  }
0x26d: {  	v59 =	vld [tilespmem:s2+$0xD470];
	v58 =	vmul.f32 v49, v3;
	[tilespmem:s2+$0xD400] =	vst v54  }
0x26e: {  	v60 =	vmul.f32 v51, v3;
	[tilespmem:s2+$0xD410] =	vst v56  }
0x26f: {  	p0 =	sne.s32 s16, $0x3F;
	v61 =	vmul.f32 v53, v3;
	[tilespmem:s2+$0xD420] =	vst v58  }
.Ltmp3:
0x270: {  	v62 =	vmul.f32 v55, v3;
	[tilespmem:s2+$0xD430] =	vst v60;
	(pc) =	sbr.rel @p0 .LBB2_8-.Ltmp3, $4  }
0x271: {  	v63 =	vmul.f32 v57, v3;
	[tilespmem:s2+$0xD440] =	vst v61  }
0x272: {  	v3 =	vmul.f32 v59, v3;
	[tilespmem:s2+$0xD450] =	vst v62  }
0x273: {  	[tilespmem:s2+$0xD460] =	vst v63  }
0x274: {  	s0 =	sadd.s32 $0x80, s0;
	s16 =	sadd.s32 $0x1, s16;
	[tilespmem:s2+$0xD470] =	vst v3  }
0x275: {  	s0 =	rddreg [dreg:$0xe]  }
0x276: {  	[hbm4b:s0+s1] =	stream.linear.scatter [tilespmem:s29], [sflag:$0x4], $0xC000, $0x38;
	[tilespmem:$0x18200] =	vst v63  }
0x277: {  	_ =	swait.ge [sflag:s30], $0xC000  }
0x278: {  	[sflag:s30] =	ssyncset.done $0x0  }
0x279: {  	[sflag:s30] =	ssyncadd.s32 $0xFFFF4000  }
0x27a: {  	_ =	swait.ge [sflag:s31], $0xC000  }
0x27b: {  	s15 =	sadd.s32 $0x1, s15;
	s17 =	rddreg [dreg:$0xf]  }
0x27c: {  	p0 =	sne.s32 s15, s17  }
.Ltmp4:
0x27d: {  	_ = 	snop;
	(pc) =	sbr.rel @p0 .LBB2_1-.Ltmp4, $3  }
0x27e: {  	_ =	sdelay $0x1  }
0x27f: {  	[sflag:s31] =	ssyncset.done $0x0  }
0x280: {  	[sflag:s31] =	ssyncadd.s32 $0xFFFF4000  }
0x281: {  	_ =	sfence.sel $0x180000  }
0x282: {  	[bflag:$0x0] =	sbarrier.arrive $0xFFFF  }
0x283: {  	_ =	strace $0x9000004A  }
0x284: {  	s0 =	stileid.u32;
	[bflag:$0x2] =	sbarrier.arrive $0xFFFF  }
0x285: {  	p0 =	sne.s32 s0, $0x0;
	s0 =	rddreg [dreg:$0x2]  }
0x286: {  	s0 =	sadd.s32 @!p0 $0x100000, s0  }
0x287: {  	[sflag:s0] =	ssyncadd.tile.s32 @!p0 $0x1;
	_ =	shalt  }
.Lfunc_end2:
_tile_overlayer_lowered:
.L_overlay_start_2:
0x288: {  	(tag) =	ssettag $0x2  }
0x289: {  	s0 =	rddreg [dreg:$0x0];
	s2 =	stileid.u32  }
0x28a: {  	s1 =	rddreg [dreg:$0x1];
	p0 =	sne.s32 s2, $0x0  }
0x28b: {  	s3 =	rddreg [dreg:$0x2];
	[bflag:$0x3] =	sbarrier.arrive $0xFFFF;
	s2 =	simm.s32 @!p0 $0x1C05  }
0x28c: {  	[timem:s3], [sflag:s2] =	dma.local @!p0 [hbm:s0], s1  }
0x28d: {  	s0 =	simm.s32 @!p0 $0x5  }
0x28e: {  	_ =	swait.ge @!p0 [sflag:s0], s1  }
0x28f: {  	s1 =	ssub.s32 @!p0 $0x0, s1;
	[sflag:s0] =	ssyncset.done @!p0 $0x0  }
0x290: {  	[sflag:s0] =	ssyncadd.s32 @!p0 s1  }
0x291: {  	[bflag:$0x3] =	sbarrier.arrive $0xFFFF  }
0x292: {  	_ =	shalt  }

// kernel: kernel.7.cloned.1.call-start
scs
__scs_entry_jumppad:
0x0: {  	(pc) =	sbr.rel $0x88, $3  }
0x1: {  	(tag) =	ssettag $0x0;
	lr =	simm.s32 $0x1  }
0x2: {  	[smem:$0x3F9D] =	sst lr;
	_ =	strace $0xD0000000  }
0x3: {  	_ = 	snop  }
0x4: {  	_ = 	snop  }
0x5: {  	_ = 	snop  }
0x6: {  	_ = 	snop  }
0x7: {  	_ = 	snop  }
__scs_overlays_trampoline_lowered:
0x8: {  	[smem:$0x3FAC] =	sst s0  }
0x9: {  	[smem:$0x3FAD] =	sst s1  }
0xa: {  	[smem:$0x3FAE] =	sst s2  }
0xb: {  	[smem:$0x3FAF] =	sst s3  }
0xc: {  	[smem:$0x3FB0] =	sst s4  }
0xd: {  	[smem:$0x3FB1] =	sst s5  }
0xe: {  	[smem:$0x3FB2] =	sst s6  }
0xf: {  	[smem:$0x3FB3] =	sst s7  }
0x10: {  	[smem:$0x3FB4] =	sst s8  }
0x11: {  	[smem:$0x3FB5] =	sst s9;
	s0 =	simm.s32 @!p0 $0x0  }
0x12: {  	s1 =	sld [smem:$0x3F9B];
	s0 =	simm.s32 @p0 $0x1  }
0x13: {  	[smem:$0x3FB6] =	sst s0;
	s0 =	simm.s32 @!p1 $0x0  }
0x14: {  	s2 =	sld [smem:$0x3F9A];
	s0 =	simm.s32 @p1 $0x1  }
0x15: {  	[smem:$0x3FB7] =	sst s0;
	s0 =	simm.s32 @!p2 $0x0  }
0x16: {  	s3 =	sld [smem:$0x3FDB];
	s0 =	simm.s32 @p2 $0x1  }
0x17: {  	s4 =	simm.s32 $0x1BF5;
	[smem:$0x3FB9] =	sst s0  }
0x18: {  	s0 =	sld [smem:$0x3F9C];
	_ =	swait.ge [sflag:s4], $0x0  }
0x19: {  	s7 =	sld [smem:$0x3F9D]  }
0x1a: {  	s8 =	sadd.s32 $0xFFFFE003, lr  }
0x1b: {  	s9 =	sadd.s32 $0xFFFFFEF7, lr;
	s5 =	simm.s32 $0xFFFFFFFF;
	p2 =	slt.u32 s8, $0xFFFFF086  }
0x1c: {  	p1 =	slt.u32 s9, $0xF7A;
	s5 =	simm.s32 @!p2 $0x0  }
0x1d: {  	s5 =	simm.s32 @p1 $0x1;
	p0 =	seq.s32 s7, s2  }
0x1e: {  	s7 =	smul.u32 @!p0 $0xF7A, s2;
	p2 =	seq.s32 @!p0 s5, $0x0  }
0x1f: {  	s9 =	smul.u32 $0xF7A, s1;
	s8 =	simm.s32 @!p0 $0x1BF5;
	p2 =	por !p2, p0  }
0x20: {  	[sflag:s8] =	ssyncset.s32 @!p0 $0xFFFFF086;
	s6 =	sadd.s32 @!p0 s3, s7;
	s7 =	simm.s32 @!p0 $0x108  }
0x21: {  	s3 =	sadd.s32 s3, s9;
	s6 =	sadd.s32 @!p0 $0x88, s6;
	s7 =	simm.s32 @p2 $0x1082  }
0x22: {  	[simem:s7], [sflag:s8] =	dma.local @!p0 [hbm:s6], $0xF7A  }
0x23: {  	s9 =	sor.u32 $0xD0000000, s2;
	s6 =	simm.s32 $0x108;
	_ =	swait.ge @!p0 [sflag:s8], $0x0  }
0x24: {  	s3 =	sadd.s32 $0x88, s3;
	s6 =	simm.s32 @!p1 $0x1082;
	[sflag:s4] =	ssyncset.s32 $0xFFFFF086  }
0x25: {  	[simem:s6], [sflag:s4] =	dma.local [hbm:s3], $0xF7A  }
0x26: {  	[smem:$0x3F9D] =	sst s1;
	(tag) =	ssettag s2;
	_ =	strace s9  }
0x27: {  	s1 =	sld [smem:$0x3FAD]  }
0x28: {  	s2 =	sld [smem:$0x3FAE]  }
0x29: {  	s4 =	sld [smem:$0x3FB0]  }
0x2a: {  	p0 =	seq.s32 s5, $0x0;
	s5 =	sld [smem:$0x3FB1]  }
0x2b: {  	s6 =	sld [smem:$0x3FB2]  }
0x2c: {  	s7 =	sld [smem:$0x3FB3]  }
0x2d: {  	s3 =	simm.s32 $0x108;
	s8 =	sld [smem:$0x3FB4]  }
0x2e: {  	s3 =	simm.s32 @!p0 $0x1082;
	s9 =	sld [smem:$0x3FB5]  }
0x2f: {  	lr =	sadd.s32 s0, s3;
	s0 =	sld [smem:$0x3FAC]  }
0x30: {  	s3 =	sld [smem:$0x3FAF]  }
0x31: {  	[smem:$0x3FB8] =	sst s10  }
0x32: {  	s10 =	sld [smem:$0x3FB6];
	_ =	sdelay $0x3  }
0x33: {  	p0 =	seq.s32 s10, $0x1;
	s10 =	sld [smem:$0x3FB8];
	_ =	sdelay $0x3  }
0x34: {  	[smem:$0x3FB8] =	sst s10  }
0x35: {  	s10 =	sld [smem:$0x3FB7];
	_ =	sdelay $0x3  }
0x36: {  	p1 =	seq.s32 s10, $0x1;
	s10 =	sld [smem:$0x3FB8];
	_ =	sdelay $0x3  }
0x37: {  	[smem:$0x3FB8] =	sst s10  }
0x38: {  	s10 =	sld [smem:$0x3FB9]  }
0x39: {  	_ = 	snop;
	(pc) =	sbr.ind lr, $3  }
0x3a: {  	_ = 	snop  }
0x3b: {  	_ = 	snop  }
0x3c: {  	p2 =	seq.s32 s10, $0x1;
	s10 =	sld [smem:$0x3FB8]  }
0x3d: {  	_ =	shalt  }
0x3e: {  	_ =	shalt  }
0x3f: {  	_ =	shalt  }
0x40: {  	_ =	shalt  }
0x41: {  	_ =	shalt  }
0x42: {  	_ =	shalt  }
0x43: {  	_ =	shalt  }
0x44: {  	_ =	shalt  }
0x45: {  	_ =	shalt  }
0x46: {  	_ =	shalt  }
0x47: {  	_ =	shalt  }
0x48: {  	_ =	shalt  }
0x49: {  	_ =	shalt  }
0x4a: {  	_ =	shalt  }
0x4b: {  	_ =	shalt  }
0x4c: {  	_ =	shalt  }
0x4d: {  	_ =	shalt  }
0x4e: {  	_ =	shalt  }
0x4f: {  	_ =	shalt  }
0x50: {  	_ =	shalt  }
0x51: {  	_ =	shalt  }
0x52: {  	_ =	shalt  }
0x53: {  	_ =	shalt  }
0x54: {  	_ =	shalt  }
0x55: {  	_ =	shalt  }
0x56: {  	_ =	shalt  }
0x57: {  	_ =	shalt  }
0x58: {  	_ =	shalt  }
0x59: {  	_ =	shalt  }
0x5a: {  	_ =	shalt  }
0x5b: {  	_ =	shalt  }
0x5c: {  	_ =	shalt  }
0x5d: {  	_ =	shalt  }
0x5e: {  	_ =	shalt  }
0x5f: {  	_ =	shalt  }
0x60: {  	_ =	shalt  }
0x61: {  	_ =	shalt  }
0x62: {  	_ =	shalt  }
0x63: {  	_ =	shalt  }
0x64: {  	_ =	shalt  }
0x65: {  	_ =	shalt  }
0x66: {  	_ =	shalt  }
0x67: {  	_ =	shalt  }
0x68: {  	_ =	shalt  }
0x69: {  	_ =	shalt  }
0x6a: {  	_ =	shalt  }
0x6b: {  	_ =	shalt  }
0x6c: {  	_ =	shalt  }
0x6d: {  	_ =	shalt  }
0x6e: {  	_ =	shalt  }
0x6f: {  	_ =	shalt  }
0x70: {  	_ =	shalt  }
0x71: {  	_ =	shalt  }
0x72: {  	_ =	shalt  }
0x73: {  	_ =	shalt  }
0x74: {  	_ =	shalt  }
0x75: {  	_ =	shalt  }
0x76: {  	_ =	shalt  }
0x77: {  	_ =	shalt  }
0x78: {  	_ =	shalt  }
0x79: {  	_ =	shalt  }
0x7a: {  	_ =	shalt  }
0x7b: {  	_ =	shalt  }
0x7c: {  	_ =	shalt  }
0x7d: {  	_ =	shalt  }
0x7e: {  	_ =	shalt  }
0x7f: {  	_ =	shalt  }
0x80: {  	_ =	shalt  }
0x81: {  	_ =	shalt  }
0x82: {  	_ =	shalt  }
0x83: {  	_ =	shalt  }
0x84: {  	_ =	shalt  }
0x85: {  	_ =	shalt  }
0x86: {  	_ =	shalt  }
0x87: {  	_ =	shalt  }
.Lfunc_end0:
.L_simem_size_0:
called_computation_lowered:
.L_overlay_start_0:
0x88: {  	s2 =	sld [smem:$0x3FD9]  }
0x89: {  	s3 =	sld [smem:$0x3FFE];
	_ =	sdelay $0x1  }
0x8a: {  	s1 =	srdreg.scid  }
0x8b: {  	s0 =	sand.u32 $0x1, s1  }
0x8c: {  	s17 =	sshll.u32 s0, $0xA;
	s2 =	sadd.s32 s3, s2  }
0x8d: {  	s2 =	sadd.s32 s2, s17  }
0x8e: {  	[smem:$0x3FC4] =	sst s2  }
0x8f: {  	_ = 	snop  }
0x90: {  	s2 =	sld [smem:$0x3FC9];
	(tm) =	ssettm $0x1  }
0x91: {  	s18 =	sld [smem:$0x3FFB];
	_ =	sdelay $0x3  }
0x92: {  	_ =	strace s18  }
0x93: {  	s3 =	sld [smem:$0x3FFC];
	_ =	sdelay $0x3  }
0x94: {  	_ =	strace s3  }
0x95: {  	s3 =	sld [smem:$0x3FFD];
	_ =	sdelay $0x3  }
0x96: {  	_ =	strace s3  }
0x97: {  	_ =	strace $0x8FFFFFFF  }
0x98: {  	s19 =	sld [smem:$0x3FDB];
	_ =	sdelay $0x1  }
0x99: {  	s4 =	simm.s32 $_scs_section_size  }
0x9a: {  	s5 =	simm.s32 $_size__tile_overlayer_lowered;
	s6 =	simm.s32 $_tile_overlayer_lowered  }
0x9b: {  	s22 =	simm.s32 $0x1BFF;
	s21 =	sshll.u32 s6, $0x1;
	s3 =	sadd.s32 s4, s19  }
0x9c: {  	s7 =	simm.s32 $0x0;
	s20 =	sshll.u32 s5, $0x1;
	s5 =	sadd.s32 s21, s3  }
0x9d: {  	[timem:s7], [sflag:s22] =	dma.local [hbm:s5], s20  }
0x9e: {  	_ =	swait.ge [sflag:s22], s20  }
0x9f: {  	s4 =	ssub.s32 $0x0, s20;
	[sflag:s22] =	ssyncset.done $0x0  }
0xa0: {  	[sflag:s22] =	ssyncadd.s32 s4;
	_ =	sdelay $0x1  }
0xa1: {  	s23 =	simm.s32 $0x1B8B  }
0xa2: {  	_ =	swait.ge [sflag:s23], $0x1  }
0xa3: {  	[sflag:s23] =	ssyncset.done $0x0  }
0xa4: {  	s25 =	simm.s32 $0x1B8E;
	s24 =	sld [smem:$0x3FFE];
	[sflag:s23] =	ssyncadd.s32 $0xFFFFFFFF  }
0xa5: {  	s26 =	simm.s32 $execute0_lowered;
	[smem:$0x3FD2] =	sst s25  }
0xa6: {  	s5 =	sshll.u32 s26, $0x1;
	_ =	strace $0x80000046;
	[dreg:$0x1] =	wrdreg $0xFFFFFFFF  }
0xa7: {  	s28 =	simm.s32 $_size_execute0_lowered;
	s3 =	sadd.s32 s3, s5;
	[dreg:$0x0] =	wrdreg $0x0  }
0xa8: {  	s5 =	sshll.u32 s28, $0x1;
	[dreg:$0x2] =	wrdreg s3  }
0xa9: {  	[dreg:$0x3] =	wrdreg s5  }
0xaa: {  	[dreg:$0x4] =	wrdreg $0xC0  }
0xab: {  	_ =	task [dreg:s7], $0x5FFFF  }
0xac: {  	[dreg:$0x1] =	wrdreg $0xFFFFFFFF  }
0xad: {  	[dreg:$0x0] =	wrdreg $0x60  }
0xae: {  	[dreg:$0x2] =	wrdreg s2  }
0xaf: {  	[dreg:$0x3] =	wrdreg s24  }
0xb0: {  	[dreg:$0x4] =	wrdreg $0x9  }
0xb1: {  	_ =	task.clear_ibuf [dreg:s7], $0x5FFFF;
	_ =	strace $0x90000046  }
0xb2: {  	s29 =	simm.s32 $0x9;
	_ =	strace $0x80000048  }
0xb3: {  	_ =	swait.ge [sflag:s29], $0x1  }
0xb4: {  	[sflag:s29] =	ssyncadd.s32 $0xFFFFFFFF  }
0xb5: {  	_ =	strace $0x90000048  }
0xb6: {  	_ =	sfence  }
0xb7: {  	s30 =	sld [smem:$0x0];
	_ =	sdelay $0x2  }
0xb8: {  	s31 =	sshll.u32 s1, $0xD;
	s1 =	sshrl.u32 s1, $0x2  }
0xb9: {  	s3 =	sand.u32 $0x4000, s31;
	s1 =	sadd.s32 s1, s30  }
0xba: {  	s0 =	sor.u32 s3, s0;
	s1 =	sshll.u32 s1, $0x11  }
0xbb: {  	s0 =	sor.u32 s1, s0  }
0xbc: {  	s0 =	sadd.s32 $0x8F2B, s0  }
0xbd: {  	[sflag:s0] =	ssyncadd.remote.s32 $0x1  }
0xbe: {  	_ =	sfence.sel $0xFFFF  }
0xbf: {  	[dreg:$0x0] =	wrdreg $0xFFFFFFFF;
	(pc) =	sbr.abs _section_cstart, $3  }
0xc0: {  	[dreg:$0x1] =	wrdreg $0xFFFFFFFF  }
0xc1: {  	_ =	task.clear_ibuf [dreg:s7], $0x2FFFF;
	_ =	strace $0x9FFFFFFF  }
0xc2: {  	(tm) =	ssettm $0x7FFFFFFF  }
0xc3: {  	_ =	shalt  }
tec
execute0_lowered:
.L_overlay_start_1:
0x0: {  	(tag) =	ssettag $0x1  }
0x1: {  	s0 =	rddreg [dreg:$0x0]  }
0x2: {  	s1 =	rddreg [dreg:$0x1]  }
0x3: {  	s2 =	simm.s32 $0x0;
	s3 =	srdreg.scid;
	s4 =	stileid.u32  }
0x4: {  	s11 =	simm.s32 $0x18000;
	s12 =	simm.s32 $0x800;
	s13 =	simm.s32 $0x1000  }
0x5: {  	s14 =	simm.s32 $0x1800;
	s28 =	simm.s32 $0x8000;
	s29 =	simm.s32 $0x8800  }
0x6: {  	s30 =	simm.s32 $0x9000;
	s31 =	simm.s32 $0x9800;
	[smem:$0x7FF] =	sst s2  }
0x7: {  	s3 =	sand.u32 $0x1, s3;
	s4 =	sshll.u32 s4, $0x6;
	s6 =	sadd.s32 $0x1400, s1  }
0x8: {  	_ =	strace $0x80000047;
	s5 =	sshll.u32 s3, $0x5;
	s7 =	ssub.s32 $0x2, s3  }
0x9: {  	s3 =	sadd.s32 $0x1800, s1;
	s4 =	sor.u32 s5, s4;
	s15 =	sshrl.u32 s7, $0x1  }
0xa: {  	s5 =	sadd.s32 $0x1A00, s1;
	s8 =	smul.u32 $0x300, s4;
	s7 =	ssub.s32 s7, s15  }
0xb: {  	s16 =	sadd.s32 s6, s4;
	s9 =	sor.u32 $0x8, s4;
	s20 =	sor.u32 $0x10, s4  }
0xc: {  	s24 =	sor.u32 $0x18, s4;
	s4 =	sadd.s32 $0x1900, s1;
	s1 =	simm.s32 $0x1  }
0xd: {  	s15 =	simm.s32 $0x2000;
	[dreg:$0x3] =	wrdreg s16;
	s18 =	smul.u32 $0x300, s9  }
0xe: {  	s19 =	sadd.s32 s6, s9;
	s22 =	smul.u32 $0x300, s20;
	s23 =	sadd.s32 s6, s20  }
0xf: {  	s26 =	smul.u32 $0x300, s24;
	s6 =	sadd.s32 s6, s24;
	s9 =	simm.s32 $0x2  }
0x10: {  	s16 =	simm.s32 $0x2800;
	s20 =	simm.s32 $0x4800;
	[dreg:$0x5] =	wrdreg s19  }
0x11: {  	s24 =	simm.s32 $0x6800;
	s17 =	sadd.s32 s0, s8;
	[dreg:$0x7] =	wrdreg s23  }
0x12: {  	[dreg:$0x9] =	wrdreg s6;
	s6 =	smax.u32 s7, $0x1;
	s8 =	simm.s32 $0x3  }
0x13: {  	s19 =	simm.s32 $0x4000;
	s23 =	simm.s32 $0x6000;
	[dreg:$0x4] =	wrdreg s17  }
0x14: {  	s21 =	sadd.s32 s0, s18;
	s25 =	sadd.s32 s0, s22;
	s0 =	sadd.s32 s0, s26  }
0x15: {  	v2 =	vlaneseq.u32;
	s17 =	simm.s32 $0x3000;
	s18 =	simm.s32 $0x3800;
	[dreg:$0x6] =	wrdreg s21  }
0x16: {  	vm0 =	vmmov $0xffff;
	v1 =	vshrl.u32 v2, $0x3;
	s22 =	simm.s32 $0x5800;
	s26 =	simm.s32 $0x7800;
	[dreg:$0x8] =	wrdreg s25  }
0x17: {  	v0 =	vand.u32 $0x7, v2;
	v2 =	vor.u32 $0x8, v2;
	v1 =	vmul.u32 $0x8, v1;
	[dreg:$0xa] =	wrdreg s0;
	s21 =	simm.s32 $0x5000;
	s25 =	simm.s32 $0x7000  }
.LBB2_1:
0x18: {  	s10 =	rddreg [dreg:$0x3]  }
0x19: {  	[tilespmem:s11], [sflag:$0x3] =	stream.linear.gather [hbm4b:s10+s2], $0x40, $0x38;
	[tilespmem:$0x18100] =	vst v63  }
0x1a: {  	_ =	swait.ge [sflag:s8], $0x40  }
0x1b: {  	[sflag:s8] =	ssyncset.done $0x0  }
0x1c: {  	s0 =	rddreg [dreg:$0x4];
	[sflag:s8] =	ssyncadd.s32 $0xFFFFFFC0  }
0x1d: {  	[tilespmem:s2], [sflag:$0x3] =	stream.linear.gather [hbm4b:s0+s2], $0xC000, $0x38;
	[tilespmem:$0x18100] =	vst v63  }
0x1e: {  	_ =	swait.ge [sflag:s8], $0xC000  }
0x1f: {  	[sflag:s8] =	ssyncset.done $0x0  }
0x20: {  	[sflag:s8] =	ssyncadd.s32 $0xFFFF4000  }
0x21: {  	v3 =	vld [tilespmem:$0x18000];
	_ =	sdelay $0x4  }
0x22: {  	v4 =	vshrl.u32 v3, $0x3  }
0x23: {  	v4 =	vmul.u32 $0x30, v4  }
0x24: {  	v3 =	vand.u32 $0x7, v3  }
0x25: {  	v3 =	vor.u32 v3, v4  }
0x26: {  	v4 =	vperm.xlane v3, v0;
	_ =	sdelay $0x1  }
0x27: {  	v4 =	vadd.s32 v1, v4;
	_ =	sdelay $0x3  }
0x28: {  	v3 =	vperm.xlane v3, v2  }
0x29: {  	[hbm4b:s3+s2] =	stream.indirect_vreg.scatter [tilespmem:s2], [sflag:$0x1], $0x80, v4, vm0, $0xb8;
	[tilespmem:$0x18100] =	vst v63  }
0x2a: {  	v3 =	vadd.s32 v1, v3  }
0x2b: {  	[hbm4b:s4+s2] =	stream.indirect_vreg.scatter [tilespmem:s12], [sflag:$0x1], $0x80, v4, vm0, $0xb8;
	[tilespmem:$0x18100] =	vst v63  }
0x2c: {  	_ = 	snop  }
0x2d: {  	[hbm4b:s5+s2] =	stream.indirect_vreg.scatter [tilespmem:s13], [sflag:$0x1], $0x80, v4, vm0, $0xb8;
	[tilespmem:$0x18100] =	vst v63  }
0x2e: {  	_ = 	snop  }
0x2f: {  	[hbm4b:s3+s2] =	stream.indirect_vreg.scatter [tilespmem:s14], [sflag:$0x1], $0x80, v3, vm0, $0xb8;
	[tilespmem:$0x18100] =	vst v63  }
0x30: {  	_ = 	snop  }
0x31: {  	[hbm4b:s4+s2] =	stream.indirect_vreg.scatter [tilespmem:s15], [sflag:$0x1], $0x80, v3, vm0, $0xb8;
	[tilespmem:$0x18100] =	vst v63  }
0x32: {  	_ = 	snop  }
0x33: {  	[hbm4b:s5+s2] =	stream.indirect_vreg.scatter [tilespmem:s16], [sflag:$0x1], $0x80, v3, vm0, $0xb8;
	[tilespmem:$0x18100] =	vst v63  }
0x34: {  	v3 =	vld [tilespmem:$0x18010];
	_ =	sdelay $0x4  }
0x35: {  	v49 =	vshrl.u32 v3, $0x3  }
0x36: {  	v4 =	vmul.u32 $0x30, v49  }
0x37: {  	v3 =	vand.u32 $0x7, v3  }
0x38: {  	v3 =	vor.u32 v3, v4  }
0x39: {  	v4 =	vperm.xlane v3, v0;
	_ =	sdelay $0x1  }
0x3a: {  	v4 =	vadd.s32 v1, v4;
	_ =	sdelay $0x3  }
0x3b: {  	v3 =	vperm.xlane v3, v2  }
0x3c: {  	[hbm4b:s3+s2] =	stream.indirect_vreg.scatter [tilespmem:s17], [sflag:$0x1], $0x80, v4, vm0, $0xb8;
	[tilespmem:$0x18100] =	vst v63  }
0x3d: {  	v3 =	vadd.s32 v1, v3  }
0x3e: {  	[hbm4b:s4+s2] =	stream.indirect_vreg.scatter [tilespmem:s18], [sflag:$0x1], $0x80, v4, vm0, $0xb8;
	[tilespmem:$0x18100] =	vst v63  }
0x3f: {  	_ = 	snop  }
0x40: {  	[hbm4b:s5+s2] =	stream.indirect_vreg.scatter [tilespmem:s19], [sflag:$0x1], $0x80, v4, vm0, $0xb8;
	[tilespmem:$0x18100] =	vst v63  }
0x41: {  	_ = 	snop  }
0x42: {  	[hbm4b:s3+s2] =	stream.indirect_vreg.scatter [tilespmem:s20], [sflag:$0x1], $0x80, v3, vm0, $0xb8;
	[tilespmem:$0x18100] =	vst v63  }
0x43: {  	_ = 	snop  }
0x44: {  	[hbm4b:s4+s2] =	stream.indirect_vreg.scatter [tilespmem:s21], [sflag:$0x1], $0x80, v3, vm0, $0xb8;
	[tilespmem:$0x18100] =	vst v63  }
0x45: {  	_ = 	snop  }
0x46: {  	[hbm4b:s5+s2] =	stream.indirect_vreg.scatter [tilespmem:s22], [sflag:$0x1], $0x80, v3, vm0, $0xb8;
	[tilespmem:$0x18100] =	vst v63  }
0x47: {  	v3 =	vld [tilespmem:$0x18020];
	_ =	sdelay $0x4  }
0x48: {  	v50 =	vshrl.u32 v3, $0x3  }
0x49: {  	v4 =	vmul.u32 $0x30, v50  }
0x4a: {  	v3 =	vand.u32 $0x7, v3  }
0x4b: {  	v3 =	vor.u32 v3, v4  }
0x4c: {  	v4 =	vperm.xlane v3, v0;
	_ =	sdelay $0x1  }
0x4d: {  	v4 =	vadd.s32 v1, v4;
	_ =	sdelay $0x3  }
0x4e: {  	v3 =	vperm.xlane v3, v2  }
0x4f: {  	[hbm4b:s3+s2] =	stream.indirect_vreg.scatter [tilespmem:s23], [sflag:$0x1], $0x80, v4, vm0, $0xb8;
	[tilespmem:$0x18100] =	vst v63  }
0x50: {  	v3 =	vadd.s32 v1, v3  }
0x51: {  	[hbm4b:s4+s2] =	stream.indirect_vreg.scatter [tilespmem:s24], [sflag:$0x1], $0x80, v4, vm0, $0xb8;
	[tilespmem:$0x18100] =	vst v63  }
0x52: {  	_ = 	snop  }
0x53: {  	[hbm4b:s5+s2] =	stream.indirect_vreg.scatter [tilespmem:s25], [sflag:$0x1], $0x80, v4, vm0, $0xb8;
	[tilespmem:$0x18100] =	vst v63  }
0x54: {  	_ = 	snop  }
0x55: {  	[hbm4b:s3+s2] =	stream.indirect_vreg.scatter [tilespmem:s26], [sflag:$0x1], $0x80, v3, vm0, $0xb8;
	[tilespmem:$0x18100] =	vst v63  }
0x56: {  	_ = 	snop  }
0x57: {  	[hbm4b:s4+s2] =	stream.indirect_vreg.scatter [tilespmem:s28], [sflag:$0x1], $0x80, v3, vm0, $0xb8;
	[tilespmem:$0x18100] =	vst v63  }
0x58: {  	_ = 	snop  }
0x59: {  	[hbm4b:s5+s2] =	stream.indirect_vreg.scatter [tilespmem:s29], [sflag:$0x1], $0x80, v3, vm0, $0xb8;
	[tilespmem:$0x18100] =	vst v63  }
0x5a: {  	v3 =	vld [tilespmem:$0x18030];
	_ =	sdelay $0x4  }
0x5b: {  	v51 =	vshrl.u32 v3, $0x3  }
0x5c: {  	v4 =	vmul.u32 $0x30, v51  }
0x5d: {  	v3 =	vand.u32 $0x7, v3  }
0x5e: {  	v3 =	vor.u32 v3, v4  }
0x5f: {  	v4 =	vperm.xlane v3, v0;
	_ =	sdelay $0x1  }
0x60: {  	v4 =	vadd.s32 v1, v4;
	_ =	sdelay $0x3  }
0x61: {  	v3 =	vperm.xlane v3, v2  }
0x62: {  	[hbm4b:s3+s2] =	stream.indirect_vreg.scatter [tilespmem:s30], [sflag:$0x1], $0x80, v4, vm0, $0xb8;
	[tilespmem:$0x18100] =	vst v63  }
0x63: {  	v3 =	vadd.s32 v1, v3  }
0x64: {  	[hbm4b:s4+s2] =	stream.indirect_vreg.scatter [tilespmem:s31], [sflag:$0x1], $0x80, v4, vm0, $0xb8;
	[tilespmem:$0x18100] =	vst v63  }
0x65: {  	s0 =	simm.s32 $0xA000  }
0x66: {  	[hbm4b:s5+s2] =	stream.indirect_vreg.scatter [tilespmem:s0], [sflag:$0x1], $0x80, v4, vm0, $0xb8;
	[tilespmem:$0x18100] =	vst v63  }
0x67: {  	s7 =	simm.s32 $0xA800  }
0x68: {  	[hbm4b:s3+s2] =	stream.indirect_vreg.scatter [tilespmem:s7], [sflag:$0x1], $0x80, v3, vm0, $0xb8;
	[tilespmem:$0x18100] =	vst v63  }
0x69: {  	s10 =	simm.s32 $0xB000  }
0x6a: {  	[hbm4b:s4+s2] =	stream.indirect_vreg.scatter [tilespmem:s10], [sflag:$0x1], $0x80, v3, vm0, $0xb8;
	[tilespmem:$0x18100] =	vst v63  }
0x6b: {  	s7 =	simm.s32 $0xB800  }
0x6c: {  	[hbm4b:s5+s2] =	stream.indirect_vreg.scatter [tilespmem:s7], [sflag:$0x1], $0x80, v3, vm0, $0xb8;
	[tilespmem:$0x18100] =	vst v63  }
0x6d: {  	s0 =	simm.s32 $0x18080;
	s10 =	rddreg [dreg:$0x5]  }
0x6e: {  	[tilespmem:s0], [sflag:$0x3] =	stream.linear.gather [hbm4b:s10+s2], $0x40, $0x38;
	[tilespmem:$0x18100] =	vst v63  }
0x6f: {  	_ =	swait.ge [sflag:s8], $0x40  }
0x70: {  	[sflag:s8] =	ssyncset.done $0x0  }
0x71: {  	s0 =	simm.s32 $0xC000;
	s10 =	rddreg [dreg:$0x6];
	[sflag:s8] =	ssyncadd.s32 $0xFFFFFFC0  }
0x72: {  	[tilespmem:s0], [sflag:$0x3] =	stream.linear.gather [hbm4b:s10+s2], $0xC000, $0x38;
	[tilespmem:$0x18100] =	vst v63  }
0x73: {  	_ =	swait.ge [sflag:s8], $0xC000  }
0x74: {  	[sflag:s8] =	ssyncset.done $0x0  }
0x75: {  	[sflag:s8] =	ssyncadd.s32 $0xFFFF4000  }
0x76: {  	v3 =	vld [tilespmem:$0x18080];
	_ =	sdelay $0x4  }
0x77: {  	v52 =	vshrl.u32 v3, $0x3  }
0x78: {  	v4 =	vmul.u32 $0x30, v52  }
0x79: {  	v3 =	vand.u32 $0x7, v3  }
0x7a: {  	v3 =	vor.u32 v3, v4  }
0x7b: {  	v4 =	vperm.xlane v3, v0;
	_ =	sdelay $0x1  }
0x7c: {  	v4 =	vadd.s32 v1, v4;
	_ =	sdelay $0x3  }
0x7d: {  	v3 =	vperm.xlane v3, v2  }
0x7e: {  	[hbm4b:s3+s2] =	stream.indirect_vreg.scatter [tilespmem:s0], [sflag:$0x2], $0x80, v4, vm0, $0xb8;
	[tilespmem:$0x18100] =	vst v63  }
0x7f: {  	s10 =	simm.s32 $0xC800;
	v3 =	vadd.s32 v1, v3  }
0x80: {  	[hbm4b:s4+s2] =	stream.indirect_vreg.scatter [tilespmem:s10], [sflag:$0x2], $0x80, v4, vm0, $0xb8;
	[tilespmem:$0x18100] =	vst v63  }
0x81: {  	s10 =	simm.s32 $0xD000  }
0x82: {  	[hbm4b:s5+s2] =	stream.indirect_vreg.scatter [tilespmem:s10], [sflag:$0x2], $0x80, v4, vm0, $0xb8;
	[tilespmem:$0x18100] =	vst v63  }
0x83: {  	s10 =	simm.s32 $0xD800  }
0x84: {  	[hbm4b:s3+s2] =	stream.indirect_vreg.scatter [tilespmem:s10], [sflag:$0x2], $0x80, v3, vm0, $0xb8;
	[tilespmem:$0x18100] =	vst v63  }
0x85: {  	s10 =	simm.s32 $0xE000  }
0x86: {  	[hbm4b:s4+s2] =	stream.indirect_vreg.scatter [tilespmem:s10], [sflag:$0x2], $0x80, v3, vm0, $0xb8;
	[tilespmem:$0x18100] =	vst v63  }
0x87: {  	s10 =	simm.s32 $0xE800  }
0x88: {  	[hbm4b:s5+s2] =	stream.indirect_vreg.scatter [tilespmem:s10], [sflag:$0x2], $0x80, v3, vm0, $0xb8;
	[tilespmem:$0x18100] =	vst v63  }
0x89: {  	v3 =	vld [tilespmem:$0x18090];
	_ =	sdelay $0x4  }
0x8a: {  	v53 =	vshrl.u32 v3, $0x3  }
0x8b: {  	v4 =	vmul.u32 $0x30, v53  }
0x8c: {  	v3 =	vand.u32 $0x7, v3  }
0x8d: {  	v3 =	vor.u32 v3, v4  }
0x8e: {  	v4 =	vperm.xlane v3, v0;
	_ =	sdelay $0x1  }
0x8f: {  	v4 =	vadd.s32 v1, v4;
	_ =	sdelay $0x3  }
0x90: {  	s10 =	simm.s32 $0xF000;
	v3 =	vperm.xlane v3, v2  }
0x91: {  	[hbm4b:s3+s2] =	stream.indirect_vreg.scatter [tilespmem:s10], [sflag:$0x2], $0x80, v4, vm0, $0xb8;
	[tilespmem:$0x18100] =	vst v63  }
0x92: {  	v3 =	vadd.s32 v1, v3;
	s10 =	simm.s32 $0xF800  }
0x93: {  	[hbm4b:s4+s2] =	stream.indirect_vreg.scatter [tilespmem:s10], [sflag:$0x2], $0x80, v4, vm0, $0xb8;
	[tilespmem:$0x18100] =	vst v63  }
0x94: {  	s10 =	simm.s32 $0x10000  }
0x95: {  	[hbm4b:s5+s2] =	stream.indirect_vreg.scatter [tilespmem:s10], [sflag:$0x2], $0x80, v4, vm0, $0xb8;
	[tilespmem:$0x18100] =	vst v63  }
0x96: {  	s10 =	simm.s32 $0x10800  }
0x97: {  	[hbm4b:s3+s2] =	stream.indirect_vreg.scatter [tilespmem:s10], [sflag:$0x2], $0x80, v3, vm0, $0xb8;
	[tilespmem:$0x18100] =	vst v63  }
0x98: {  	s10 =	simm.s32 $0x11000  }
0x99: {  	[hbm4b:s4+s2] =	stream.indirect_vreg.scatter [tilespmem:s10], [sflag:$0x2], $0x80, v3, vm0, $0xb8;
	[tilespmem:$0x18100] =	vst v63  }
0x9a: {  	s10 =	simm.s32 $0x11800  }
0x9b: {  	[hbm4b:s5+s2] =	stream.indirect_vreg.scatter [tilespmem:s10], [sflag:$0x2], $0x80, v3, vm0, $0xb8;
	[tilespmem:$0x18100] =	vst v63  }
0x9c: {  	v3 =	vld [tilespmem:$0x180A0];
	_ =	sdelay $0x4  }
0x9d: {  	v54 =	vshrl.u32 v3, $0x3  }
0x9e: {  	v4 =	vmul.u32 $0x30, v54  }
0x9f: {  	v3 =	vand.u32 $0x7, v3  }
0xa0: {  	v3 =	vor.u32 v3, v4  }
0xa1: {  	v4 =	vperm.xlane v3, v0;
	_ =	sdelay $0x1  }
0xa2: {  	v4 =	vadd.s32 v1, v4;
	_ =	sdelay $0x3  }
0xa3: {  	s10 =	simm.s32 $0x12000;
	v3 =	vperm.xlane v3, v2  }
0xa4: {  	[hbm4b:s3+s2] =	stream.indirect_vreg.scatter [tilespmem:s10], [sflag:$0x2], $0x80, v4, vm0, $0xb8;
	[tilespmem:$0x18100] =	vst v63  }
0xa5: {  	v3 =	vadd.s32 v1, v3;
	s10 =	simm.s32 $0x12800  }
0xa6: {  	[hbm4b:s4+s2] =	stream.indirect_vreg.scatter [tilespmem:s10], [sflag:$0x2], $0x80, v4, vm0, $0xb8;
	[tilespmem:$0x18100] =	vst v63  }
0xa7: {  	s10 =	simm.s32 $0x13000  }
0xa8: {  	[hbm4b:s5+s2] =	stream.indirect_vreg.scatter [tilespmem:s10], [sflag:$0x2], $0x80, v4, vm0, $0xb8;
	[tilespmem:$0x18100] =	vst v63  }
0xa9: {  	s10 =	simm.s32 $0x13800  }
0xaa: {  	[hbm4b:s3+s2] =	stream.indirect_vreg.scatter [tilespmem:s10], [sflag:$0x2], $0x80, v3, vm0, $0xb8;
	[tilespmem:$0x18100] =	vst v63  }
0xab: {  	s10 =	simm.s32 $0x14000  }
0xac: {  	[hbm4b:s4+s2] =	stream.indirect_vreg.scatter [tilespmem:s10], [sflag:$0x2], $0x80, v3, vm0, $0xb8;
	[tilespmem:$0x18100] =	vst v63  }
0xad: {  	s10 =	simm.s32 $0x14800  }
0xae: {  	[hbm4b:s5+s2] =	stream.indirect_vreg.scatter [tilespmem:s10], [sflag:$0x2], $0x80, v3, vm0, $0xb8;
	[tilespmem:$0x18100] =	vst v63  }
0xaf: {  	v3 =	vld [tilespmem:$0x180B0];
	_ =	sdelay $0x4  }
0xb0: {  	v55 =	vshrl.u32 v3, $0x3  }
0xb1: {  	v4 =	vmul.u32 $0x30, v55  }
0xb2: {  	v3 =	vand.u32 $0x7, v3  }
0xb3: {  	v3 =	vor.u32 v3, v4  }
0xb4: {  	v4 =	vperm.xlane v3, v0;
	_ =	sdelay $0x1  }
0xb5: {  	v4 =	vadd.s32 v1, v4;
	_ =	sdelay $0x3  }
0xb6: {  	s10 =	simm.s32 $0x15000;
	v3 =	vperm.xlane v3, v2  }
0xb7: {  	[hbm4b:s3+s2] =	stream.indirect_vreg.scatter [tilespmem:s10], [sflag:$0x2], $0x80, v4, vm0, $0xb8;
	[tilespmem:$0x18100] =	vst v63  }
0xb8: {  	v3 =	vadd.s32 v1, v3;
	s10 =	simm.s32 $0x15800  }
0xb9: {  	[hbm4b:s4+s2] =	stream.indirect_vreg.scatter [tilespmem:s10], [sflag:$0x2], $0x80, v4, vm0, $0xb8;
	[tilespmem:$0x18100] =	vst v63  }
0xba: {  	s10 =	simm.s32 $0x16000  }
0xbb: {  	[hbm4b:s5+s2] =	stream.indirect_vreg.scatter [tilespmem:s10], [sflag:$0x2], $0x80, v4, vm0, $0xb8;
	[tilespmem:$0x18100] =	vst v63  }
0xbc: {  	s10 =	simm.s32 $0x16800  }
0xbd: {  	[hbm4b:s3+s2] =	stream.indirect_vreg.scatter [tilespmem:s10], [sflag:$0x2], $0x80, v3, vm0, $0xb8;
	[tilespmem:$0x18100] =	vst v63  }
0xbe: {  	s10 =	simm.s32 $0x17000  }
0xbf: {  	[hbm4b:s4+s2] =	stream.indirect_vreg.scatter [tilespmem:s10], [sflag:$0x2], $0x80, v3, vm0, $0xb8;
	[tilespmem:$0x18100] =	vst v63  }
0xc0: {  	s10 =	simm.s32 $0x17800  }
0xc1: {  	[hbm4b:s5+s2] =	stream.indirect_vreg.scatter [tilespmem:s10], [sflag:$0x2], $0x80, v3, vm0, $0xb8;
	[tilespmem:$0x18100] =	vst v63  }
0xc2: {  	_ =	swait.ge [sflag:s1], $0xC000  }
0xc3: {  	[sflag:s1] =	ssyncset.done $0x0  }
0xc4: {  	s10 =	rddreg [dreg:$0x7];
	[sflag:s1] =	ssyncadd.s32 $0xFFFF4000  }
0xc5: {  	[tilespmem:s11], [sflag:$0x3] =	stream.linear.gather [hbm4b:s10+s2], $0x40, $0x38;
	[tilespmem:$0x18100] =	vst v63  }
0xc6: {  	_ =	swait.ge [sflag:s8], $0x40  }
0xc7: {  	[sflag:s8] =	ssyncset.done $0x0  }
0xc8: {  	s10 =	rddreg [dreg:$0x8];
	[sflag:s8] =	ssyncadd.s32 $0xFFFFFFC0  }
0xc9: {  	[tilespmem:s2], [sflag:$0x3] =	stream.linear.gather [hbm4b:s10+s2], $0xC000, $0x38;
	[tilespmem:$0x18100] =	vst v63  }
0xca: {  	_ =	swait.ge [sflag:s8], $0xC000  }
0xcb: {  	[sflag:s8] =	ssyncset.done $0x0  }
0xcc: {  	[sflag:s8] =	ssyncadd.s32 $0xFFFF4000  }
0xcd: {  	v3 =	vld [tilespmem:$0x18000];
	_ =	sdelay $0x4  }
0xce: {  	v56 =	vshrl.u32 v3, $0x3  }
0xcf: {  	v4 =	vmul.u32 $0x30, v56  }
0xd0: {  	v3 =	vand.u32 $0x7, v3  }
0xd1: {  	v3 =	vor.u32 v3, v4  }
0xd2: {  	v4 =	vperm.xlane v3, v0;
	_ =	sdelay $0x1  }
0xd3: {  	v4 =	vadd.s32 v1, v4;
	_ =	sdelay $0x3  }
0xd4: {  	v3 =	vperm.xlane v3, v2  }
0xd5: {  	[hbm4b:s3+s2] =	stream.indirect_vreg.scatter [tilespmem:s2], [sflag:$0x1], $0x80, v4, vm0, $0xb8;
	[tilespmem:$0x18100] =	vst v63  }
0xd6: {  	v3 =	vadd.s32 v1, v3  }
0xd7: {  	[hbm4b:s4+s2] =	stream.indirect_vreg.scatter [tilespmem:s12], [sflag:$0x1], $0x80, v4, vm0, $0xb8;
	[tilespmem:$0x18100] =	vst v63  }
0xd8: {  	_ = 	snop  }
0xd9: {  	[hbm4b:s5+s2] =	stream.indirect_vreg.scatter [tilespmem:s13], [sflag:$0x1], $0x80, v4, vm0, $0xb8;
	[tilespmem:$0x18100] =	vst v63  }
0xda: {  	_ = 	snop  }
0xdb: {  	[hbm4b:s3+s2] =	stream.indirect_vreg.scatter [tilespmem:s14], [sflag:$0x1], $0x80, v3, vm0, $0xb8;
	[tilespmem:$0x18100] =	vst v63  }
0xdc: {  	_ = 	snop  }
0xdd: {  	[hbm4b:s4+s2] =	stream.indirect_vreg.scatter [tilespmem:s15], [sflag:$0x1], $0x80, v3, vm0, $0xb8;
	[tilespmem:$0x18100] =	vst v63  }
0xde: {  	_ = 	snop  }
0xdf: {  	[hbm4b:s5+s2] =	stream.indirect_vreg.scatter [tilespmem:s16], [sflag:$0x1], $0x80, v3, vm0, $0xb8;
	[tilespmem:$0x18100] =	vst v63  }
0xe0: {  	v3 =	vld [tilespmem:$0x18010];
	_ =	sdelay $0x4  }
0xe1: {  	v57 =	vshrl.u32 v3, $0x3  }
0xe2: {  	v4 =	vmul.u32 $0x30, v57  }
0xe3: {  	v3 =	vand.u32 $0x7, v3  }
0xe4: {  	v3 =	vor.u32 v3, v4  }
0xe5: {  	v4 =	vperm.xlane v3, v0;
	_ =	sdelay $0x1  }
0xe6: {  	v4 =	vadd.s32 v1, v4;
	_ =	sdelay $0x3  }
0xe7: {  	v3 =	vperm.xlane v3, v2  }
0xe8: {  	[hbm4b:s3+s2] =	stream.indirect_vreg.scatter [tilespmem:s17], [sflag:$0x1], $0x80, v4, vm0, $0xb8;
	[tilespmem:$0x18100] =	vst v63  }
0xe9: {  	v3 =	vadd.s32 v1, v3  }
0xea: {  	[hbm4b:s4+s2] =	stream.indirect_vreg.scatter [tilespmem:s18], [sflag:$0x1], $0x80, v4, vm0, $0xb8;
	[tilespmem:$0x18100] =	vst v63  }
0xeb: {  	_ = 	snop  }
0xec: {  	[hbm4b:s5+s2] =	stream.indirect_vreg.scatter [tilespmem:s19], [sflag:$0x1], $0x80, v4, vm0, $0xb8;
	[tilespmem:$0x18100] =	vst v63  }
0xed: {  	_ = 	snop  }
0xee: {  	[hbm4b:s3+s2] =	stream.indirect_vreg.scatter [tilespmem:s20], [sflag:$0x1], $0x80, v3, vm0, $0xb8;
	[tilespmem:$0x18100] =	vst v63  }
0xef: {  	_ = 	snop  }
0xf0: {  	[hbm4b:s4+s2] =	stream.indirect_vreg.scatter [tilespmem:s21], [sflag:$0x1], $0x80, v3, vm0, $0xb8;
	[tilespmem:$0x18100] =	vst v63  }
0xf1: {  	_ = 	snop  }
0xf2: {  	[hbm4b:s5+s2] =	stream.indirect_vreg.scatter [tilespmem:s22], [sflag:$0x1], $0x80, v3, vm0, $0xb8;
	[tilespmem:$0x18100] =	vst v63  }
0xf3: {  	v3 =	vld [tilespmem:$0x18020];
	_ =	sdelay $0x4  }
0xf4: {  	v58 =	vshrl.u32 v3, $0x3  }
0xf5: {  	v4 =	vmul.u32 $0x30, v58  }
0xf6: {  	v3 =	vand.u32 $0x7, v3  }
0xf7: {  	v3 =	vor.u32 v3, v4  }
0xf8: {  	v4 =	vperm.xlane v3, v0;
	_ =	sdelay $0x1  }
0xf9: {  	v4 =	vadd.s32 v1, v4;
	_ =	sdelay $0x3  }
0xfa: {  	v3 =	vperm.xlane v3, v2  }
0xfb: {  	[hbm4b:s3+s2] =	stream.indirect_vreg.scatter [tilespmem:s23], [sflag:$0x1], $0x80, v4, vm0, $0xb8;
	[tilespmem:$0x18100] =	vst v63  }
0xfc: {  	v3 =	vadd.s32 v1, v3  }
0xfd: {  	[hbm4b:s4+s2] =	stream.indirect_vreg.scatter [tilespmem:s24], [sflag:$0x1], $0x80, v4, vm0, $0xb8;
	[tilespmem:$0x18100] =	vst v63  }
0xfe: {  	_ = 	snop  }
0xff: {  	[hbm4b:s5+s2] =	stream.indirect_vreg.scatter [tilespmem:s25], [sflag:$0x1], $0x80, v4, vm0, $0xb8;
	[tilespmem:$0x18100] =	vst v63  }
0x100: {  	_ = 	snop  }
0x101: {  	[hbm4b:s3+s2] =	stream.indirect_vreg.scatter [tilespmem:s26], [sflag:$0x1], $0x80, v3, vm0, $0xb8;
	[tilespmem:$0x18100] =	vst v63  }
0x102: {  	_ = 	snop  }
0x103: {  	[hbm4b:s4+s2] =	stream.indirect_vreg.scatter [tilespmem:s28], [sflag:$0x1], $0x80, v3, vm0, $0xb8;
	[tilespmem:$0x18100] =	vst v63  }
0x104: {  	_ = 	snop  }
0x105: {  	[hbm4b:s5+s2] =	stream.indirect_vreg.scatter [tilespmem:s29], [sflag:$0x1], $0x80, v3, vm0, $0xb8;
	[tilespmem:$0x18100] =	vst v63  }
0x106: {  	v3 =	vld [tilespmem:$0x18030];
	_ =	sdelay $0x4  }
0x107: {  	v59 =	vshrl.u32 v3, $0x3  }
0x108: {  	v4 =	vmul.u32 $0x30, v59  }
0x109: {  	v3 =	vand.u32 $0x7, v3  }
0x10a: {  	v3 =	vor.u32 v3, v4  }
0x10b: {  	v4 =	vperm.xlane v3, v0;
	_ =	sdelay $0x1  }
0x10c: {  	v4 =	vadd.s32 v1, v4;
	_ =	sdelay $0x3  }
0x10d: {  	v3 =	vperm.xlane v3, v2  }
0x10e: {  	[hbm4b:s3+s2] =	stream.indirect_vreg.scatter [tilespmem:s30], [sflag:$0x1], $0x80, v4, vm0, $0xb8;
	[tilespmem:$0x18100] =	vst v63  }
0x10f: {  	v3 =	vadd.s32 v1, v3  }
0x110: {  	[hbm4b:s4+s2] =	stream.indirect_vreg.scatter [tilespmem:s31], [sflag:$0x1], $0x80, v4, vm0, $0xb8;
	[tilespmem:$0x18100] =	vst v63  }
0x111: {  	s10 =	simm.s32 $0xA000  }
0x112: {  	[hbm4b:s5+s2] =	stream.indirect_vreg.scatter [tilespmem:s10], [sflag:$0x1], $0x80, v4, vm0, $0xb8;
	[tilespmem:$0x18100] =	vst v63  }
0x113: {  	s10 =	simm.s32 $0xA800  }
0x114: {  	[hbm4b:s3+s2] =	stream.indirect_vreg.scatter [tilespmem:s10], [sflag:$0x1], $0x80, v3, vm0, $0xb8;
	[tilespmem:$0x18100] =	vst v63  }
0x115: {  	s10 =	simm.s32 $0xB000  }
0x116: {  	[hbm4b:s4+s2] =	stream.indirect_vreg.scatter [tilespmem:s10], [sflag:$0x1], $0x80, v3, vm0, $0xb8;
	[tilespmem:$0x18100] =	vst v63  }
0x117: {  	_ = 	snop  }
0x118: {  	[hbm4b:s5+s2] =	stream.indirect_vreg.scatter [tilespmem:s7], [sflag:$0x1], $0x80, v3, vm0, $0xb8;
	[tilespmem:$0x18100] =	vst v63  }
0x119: {  	_ =	swait.ge [sflag:s9], $0xC000  }
0x11a: {  	[sflag:s9] =	ssyncset.done $0x0  }
0x11b: {  	s7 =	simm.s32 $0x18080;
	s10 =	rddreg [dreg:$0x9];
	[sflag:s9] =	ssyncadd.s32 $0xFFFF4000  }
0x11c: {  	[tilespmem:s7], [sflag:$0x3] =	stream.linear.gather [hbm4b:s10+s2], $0x40, $0x38;
	[tilespmem:$0x18100] =	vst v63  }
0x11d: {  	_ =	swait.ge [sflag:s8], $0x40  }
0x11e: {  	[sflag:s8] =	ssyncset.done $0x0  }
0x11f: {  	s7 =	rddreg [dreg:$0xa];
	[sflag:s8] =	ssyncadd.s32 $0xFFFFFFC0  }
0x120: {  	[tilespmem:s0], [sflag:$0x3] =	stream.linear.gather [hbm4b:s7+s2], $0xC000, $0x38;
	[tilespmem:$0x18100] =	vst v63  }
0x121: {  	_ =	swait.ge [sflag:s8], $0xC000  }
0x122: {  	[sflag:s8] =	ssyncset.done $0x0  }
0x123: {  	[sflag:s8] =	ssyncadd.s32 $0xFFFF4000  }
0x124: {  	v3 =	vld [tilespmem:$0x18080];
	_ =	sdelay $0x4  }
0x125: {  	v60 =	vshrl.u32 v3, $0x3  }
0x126: {  	v4 =	vmul.u32 $0x30, v60  }
0x127: {  	v3 =	vand.u32 $0x7, v3  }
0x128: {  	v3 =	vor.u32 v3, v4  }
0x129: {  	v4 =	vperm.xlane v3, v0;
	_ =	sdelay $0x1  }
0x12a: {  	v4 =	vadd.s32 v1, v4;
	_ =	sdelay $0x3  }
0x12b: {  	v3 =	vperm.xlane v3, v2  }
0x12c: {  	[hbm4b:s3+s2] =	stream.indirect_vreg.scatter [tilespmem:s0], [sflag:$0x2], $0x80, v4, vm0, $0xb8;
	[tilespmem:$0x18100] =	vst v63  }
0x12d: {  	s10 =	simm.s32 $0xC800;
	v3 =	vadd.s32 v1, v3  }
0x12e: {  	[hbm4b:s4+s2] =	stream.indirect_vreg.scatter [tilespmem:s10], [sflag:$0x2], $0x80, v4, vm0, $0xb8;
	[tilespmem:$0x18100] =	vst v63  }
0x12f: {  	s7 =	simm.s32 $0xD000  }
0x130: {  	[hbm4b:s5+s2] =	stream.indirect_vreg.scatter [tilespmem:s7], [sflag:$0x2], $0x80, v4, vm0, $0xb8;
	[tilespmem:$0x18100] =	vst v63  }
0x131: {  	s10 =	simm.s32 $0xD800  }
0x132: {  	[hbm4b:s3+s2] =	stream.indirect_vreg.scatter [tilespmem:s10], [sflag:$0x2], $0x80, v3, vm0, $0xb8;
	[tilespmem:$0x18100] =	vst v63  }
0x133: {  	s7 =	simm.s32 $0xE000  }
0x134: {  	[hbm4b:s4+s2] =	stream.indirect_vreg.scatter [tilespmem:s7], [sflag:$0x2], $0x80, v3, vm0, $0xb8;
	[tilespmem:$0x18100] =	vst v63  }
0x135: {  	s10 =	simm.s32 $0xE800  }
0x136: {  	[hbm4b:s5+s2] =	stream.indirect_vreg.scatter [tilespmem:s10], [sflag:$0x2], $0x80, v3, vm0, $0xb8;
	[tilespmem:$0x18100] =	vst v63  }
0x137: {  	v3 =	vld [tilespmem:$0x18090];
	_ =	sdelay $0x4  }
0x138: {  	v61 =	vshrl.u32 v3, $0x3  }
0x139: {  	v4 =	vmul.u32 $0x30, v61  }
0x13a: {  	v3 =	vand.u32 $0x7, v3  }
0x13b: {  	v3 =	vor.u32 v3, v4  }
0x13c: {  	v4 =	vperm.xlane v3, v0;
	_ =	sdelay $0x1  }
0x13d: {  	v4 =	vadd.s32 v1, v4;
	_ =	sdelay $0x3  }
0x13e: {  	s7 =	simm.s32 $0xF000;
	v3 =	vperm.xlane v3, v2  }
0x13f: {  	[hbm4b:s3+s2] =	stream.indirect_vreg.scatter [tilespmem:s7], [sflag:$0x2], $0x80, v4, vm0, $0xb8;
	[tilespmem:$0x18100] =	vst v63  }
0x140: {  	s10 =	simm.s32 $0xF800;
	v3 =	vadd.s32 v1, v3  }
0x141: {  	[hbm4b:s4+s2] =	stream.indirect_vreg.scatter [tilespmem:s10], [sflag:$0x2], $0x80, v4, vm0, $0xb8;
	[tilespmem:$0x18100] =	vst v63  }
0x142: {  	s7 =	simm.s32 $0x10000  }
0x143: {  	[hbm4b:s5+s2] =	stream.indirect_vreg.scatter [tilespmem:s7], [sflag:$0x2], $0x80, v4, vm0, $0xb8;
	[tilespmem:$0x18100] =	vst v63  }
0x144: {  	s10 =	simm.s32 $0x10800  }
0x145: {  	[hbm4b:s3+s2] =	stream.indirect_vreg.scatter [tilespmem:s10], [sflag:$0x2], $0x80, v3, vm0, $0xb8;
	[tilespmem:$0x18100] =	vst v63  }
0x146: {  	s7 =	simm.s32 $0x11000  }
0x147: {  	[hbm4b:s4+s2] =	stream.indirect_vreg.scatter [tilespmem:s7], [sflag:$0x2], $0x80, v3, vm0, $0xb8;
	[tilespmem:$0x18100] =	vst v63  }
0x148: {  	s10 =	simm.s32 $0x11800  }
0x149: {  	[hbm4b:s5+s2] =	stream.indirect_vreg.scatter [tilespmem:s10], [sflag:$0x2], $0x80, v3, vm0, $0xb8;
	[tilespmem:$0x18100] =	vst v63  }
0x14a: {  	v3 =	vld [tilespmem:$0x180A0];
	_ =	sdelay $0x4  }
0x14b: {  	v62 =	vshrl.u32 v3, $0x3  }
0x14c: {  	v4 =	vmul.u32 $0x30, v62  }
0x14d: {  	v3 =	vand.u32 $0x7, v3  }
0x14e: {  	v3 =	vor.u32 v3, v4  }
0x14f: {  	v4 =	vperm.xlane v3, v0;
	_ =	sdelay $0x1  }
0x150: {  	v4 =	vadd.s32 v1, v4;
	_ =	sdelay $0x3  }
0x151: {  	s7 =	simm.s32 $0x12000;
	v3 =	vperm.xlane v3, v2  }
0x152: {  	[hbm4b:s3+s2] =	stream.indirect_vreg.scatter [tilespmem:s7], [sflag:$0x2], $0x80, v4, vm0, $0xb8;
	[tilespmem:$0x18100] =	vst v63  }
0x153: {  	s10 =	simm.s32 $0x12800;
	v3 =	vadd.s32 v1, v3  }
0x154: {  	[hbm4b:s4+s2] =	stream.indirect_vreg.scatter [tilespmem:s10], [sflag:$0x2], $0x80, v4, vm0, $0xb8;
	[tilespmem:$0x18100] =	vst v63  }
0x155: {  	s7 =	simm.s32 $0x13000  }
0x156: {  	[hbm4b:s5+s2] =	stream.indirect_vreg.scatter [tilespmem:s7], [sflag:$0x2], $0x80, v4, vm0, $0xb8;
	[tilespmem:$0x18100] =	vst v63  }
0x157: {  	s10 =	simm.s32 $0x13800  }
0x158: {  	[hbm4b:s3+s2] =	stream.indirect_vreg.scatter [tilespmem:s10], [sflag:$0x2], $0x80, v3, vm0, $0xb8;
	[tilespmem:$0x18100] =	vst v63  }
0x159: {  	s7 =	simm.s32 $0x14000  }
0x15a: {  	[hbm4b:s4+s2] =	stream.indirect_vreg.scatter [tilespmem:s7], [sflag:$0x2], $0x80, v3, vm0, $0xb8;
	[tilespmem:$0x18100] =	vst v63  }
0x15b: {  	s10 =	simm.s32 $0x14800  }
0x15c: {  	[hbm4b:s5+s2] =	stream.indirect_vreg.scatter [tilespmem:s10], [sflag:$0x2], $0x80, v3, vm0, $0xb8;
	[tilespmem:$0x18100] =	vst v63  }
0x15d: {  	v3 =	vld [tilespmem:$0x180B0];
	_ =	sdelay $0x4  }
0x15e: {  	v63 =	vshrl.u32 v3, $0x3  }
0x15f: {  	v4 =	vmul.u32 $0x30, v63  }
0x160: {  	v3 =	vand.u32 $0x7, v3  }
0x161: {  	v3 =	vor.u32 v3, v4  }
0x162: {  	v4 =	vperm.xlane v3, v0;
	_ =	sdelay $0x1  }
0x163: {  	v4 =	vadd.s32 v1, v4;
	_ =	sdelay $0x3  }
0x164: {  	s7 =	simm.s32 $0x15000;
	v3 =	vperm.xlane v3, v2  }
0x165: {  	[hbm4b:s3+s2] =	stream.indirect_vreg.scatter [tilespmem:s7], [sflag:$0x2], $0x80, v4, vm0, $0xb8;
	[tilespmem:$0x18100] =	vst v63  }
0x166: {  	s10 =	simm.s32 $0x15800;
	v3 =	vadd.s32 v1, v3  }
0x167: {  	[hbm4b:s4+s2] =	stream.indirect_vreg.scatter [tilespmem:s10], [sflag:$0x2], $0x80, v4, vm0, $0xb8;
	[tilespmem:$0x18100] =	vst v63  }
0x168: {  	s7 =	simm.s32 $0x16000  }
0x169: {  	[hbm4b:s5+s2] =	stream.indirect_vreg.scatter [tilespmem:s7], [sflag:$0x2], $0x80, v4, vm0, $0xb8;
	[tilespmem:$0x18100] =	vst v63  }
0x16a: {  	s10 =	simm.s32 $0x16800  }
0x16b: {  	[hbm4b:s3+s2] =	stream.indirect_vreg.scatter [tilespmem:s10], [sflag:$0x2], $0x80, v3, vm0, $0xb8;
	[tilespmem:$0x18100] =	vst v63  }
0x16c: {  	s7 =	simm.s32 $0x17000  }
0x16d: {  	[hbm4b:s4+s2] =	stream.indirect_vreg.scatter [tilespmem:s7], [sflag:$0x2], $0x80, v3, vm0, $0xb8;
	[tilespmem:$0x18100] =	vst v63  }
0x16e: {  	s10 =	simm.s32 $0x17800  }
0x16f: {  	[hbm4b:s5+s2] =	stream.indirect_vreg.scatter [tilespmem:s10], [sflag:$0x2], $0x80, v3, vm0, $0xb8;
	[tilespmem:$0x18100] =	vst v63  }
0x170: {  	p0 =	sne.s32 s6, $0x1;
	_ =	swait.ge [sflag:s1], $0xC000  }
.Ltmp0:
0x171: {  	[sflag:s1] =	ssyncset.done $0x0;
	(pc) =	sbr.rel @p0 .LBB2_1-.Ltmp0, $4  }
0x172: {  	[sflag:s1] =	ssyncadd.s32 $0xFFFF4000  }
0x173: {  	_ =	swait.ge [sflag:s9], $0xC000  }
0x174: {  	[sflag:s9] =	ssyncset.done $0x0  }
0x175: {  	s6 =	sadd.s32 $0xFFFFFFFF, s6;
	[sflag:s9] =	ssyncadd.s32 $0xFFFF4000  }
0x176: {  	_ =	sfence.sel $0x180000  }
0x177: {  	[bflag:$0x0] =	sbarrier.arrive $0xFFFF  }
0x178: {  	_ =	strace $0x90000047  }
0x179: {  	s0 =	stileid.u32;
	[bflag:$0x2] =	sbarrier.arrive $0xFFFF  }
0x17a: {  	p0 =	sne.s32 s0, $0x0;
	s0 =	rddreg [dreg:$0x2]  }
0x17b: {  	s0 =	sadd.s32 @!p0 $0x100000, s0  }
0x17c: {  	[sflag:s0] =	ssyncadd.tile.s32 @!p0 $0x1;
	_ =	shalt  }
.Lfunc_end2:
_tile_overlayer_lowered:
.L_overlay_start_2:
0x17d: {  	(tag) =	ssettag $0x2  }
0x17e: {  	s0 =	rddreg [dreg:$0x0];
	s2 =	stileid.u32  }
0x17f: {  	s1 =	rddreg [dreg:$0x1];
	p0 =	sne.s32 s2, $0x0  }
0x180: {  	s3 =	rddreg [dreg:$0x2];
	[bflag:$0x3] =	sbarrier.arrive $0xFFFF;
	s2 =	simm.s32 @!p0 $0x1C03  }
0x181: {  	[timem:s3], [sflag:s2] =	dma.local @!p0 [hbm:s0], s1  }
0x182: {  	s0 =	simm.s32 @!p0 $0x3  }
0x183: {  	_ =	swait.ge @!p0 [sflag:s0], s1  }
0x184: {  	s1 =	ssub.s32 @!p0 $0x0, s1;
	[sflag:s0] =	ssyncset.done @!p0 $0x0  }
0x185: {  	[sflag:s0] =	ssyncadd.s32 @!p0 s1  }
0x186: {  	[bflag:$0x3] =	sbarrier.arrive $0xFFFF  }
0x187: {  	_ =	shalt  }

</sc_bundles>
